<compile_context>
chip_gen: v7x
topology: tpu7x:2x2x1
jax: 0.10.2.dev20260603
libtpu: 0.0.44.dev20260713+nightly
codegen_flags: <defaults>
</compile_context>

<pallas_src>
import jax
import jax.numpy as jnp
from jax import lax
from jax.experimental import pallas as pl
from jax.experimental.pallas import tpu as pltpu
from jax.experimental.pallas import tpu_sc as plsc

N = 10000
E = 160000
F_IN = 256
HID = 64
HEADS = 8
NCLS = 16

RB = 1000
NT = 16
NP = 10240
NPT = NP // NT
ZR = 128
E2 = 163840

CH1 = 128
EPT1 = E2 // NT
NCH1 = EPT1 // CH1
NG1 = NCH1 // 2

CH2 = 40
EPT2 = E // (2 * NT)
NCH2 = EPT2 // CH2


def _lane_take(v, idx16):
    dnums = lax.GatherDimensionNumbers(
        offset_dims=(), collapsed_slice_dims=(0,), start_index_map=(0,))
    return lax.gather(v, idx16[:, None], dnums, (1,),
                      mode=lax.GatherScatterMode.PROMISE_IN_BOUNDS)


def _mm1_body(x_ref, w1_ref, a1s_ref, a1d_ref, h_ref, als_ref, ald_ref):
    h = jnp.dot(x_ref[...], w1_ref[...], preferred_element_type=jnp.float32)
    h_ref[...] = h
    als_ref[...] = jnp.dot(h, a1s_ref[...], preferred_element_type=jnp.float32)
    ald_ref[...] = jnp.dot(h, a1d_ref[...], preferred_element_type=jnp.float32)


def _stage_a(x, W1, A1s, A1d):
    return pl.pallas_call(
        _mm1_body,
        grid=(N // RB,),
        in_specs=[
            pl.BlockSpec((RB, F_IN), lambda r: (r, 0)),
            pl.BlockSpec((F_IN, HEADS * HID), lambda r: (0, 0)),
            pl.BlockSpec((HEADS * HID, HEADS), lambda r: (0, 0)),
            pl.BlockSpec((HEADS * HID, HEADS), lambda r: (0, 0)),
        ],
        out_specs=[
            pl.BlockSpec((RB, HEADS * HID), lambda r: (r, 0)),
            pl.BlockSpec((RB, HEADS), lambda r: (r, 0)),
            pl.BlockSpec((RB, HEADS), lambda r: (r, 0)),
        ],
        out_shape=[
            jax.ShapeDtypeStruct((N, HEADS * HID), jnp.float32),
            jax.ShapeDtypeStruct((N, HEADS), jnp.float32),
            jax.ShapeDtypeStruct((N, HEADS), jnp.float32),
        ],
    )(x, W1, A1s, A1d)


def _sc1_body(src_hbm, dst_hbm, alS_hbm, alD_hbm, hf_hbm, z64_hbm, z16_hbm,
              acc_out, den_out, ex_hbm,
              src_v, dst_v,
              sA, sB, dA, dB, exA, exB, ixA, ixB, hA, hB, mA, mB,
              acc0, den_acc,
              smSA, smSB, smDA, smDB, smNA, smNB, smHA, smHB, smCA, smCB,
              smWA, smWB):
    c = lax.axis_index("c")
    s = lax.axis_index("s")

    BUFS = ((sA, dA, exA, ixA, smSA, smDA, smNA, smWA, hA, mA, smHA, smCA),
            (sB, dB, exB, ixB, smSB, smDB, smNB, smWB, hB, mB, smHB, smCB))

    def zero_acc():
        pltpu.sync_copy(z64_hbm, acc0.at[pl.ds(s * NPT, NPT)])

    zero_acc()
    pltpu.sync_copy(z16_hbm, den_acc.at[pl.ds(s * NPT, NPT)])

    pltpu.sync_copy(src_hbm.at[s], src_v)
    pltpu.sync_copy(dst_hbm.at[s], dst_v)
    plsc.subcore_barrier()

    for p in range(4):
        hh = 4 * c + p
        hh_splat = jnp.full((16,), hh, jnp.int32)

        exbase = c * E2 + s * EPT1

        def issue(j, b):
            sv, dv, exm, ix, smS, smD, smN, smW, hv, mv, smH, smC = BUFS[b]
            if p == 0:
                pltpu.async_copy(alS_hbm.at[src_v.at[j]], sv, smS)
                pltpu.async_copy(alD_hbm.at[dst_v.at[j]], dv, smD)
            else:
                pltpu.async_copy(
                    ex_hbm.at[pl.ds(exbase + j * CH1, CH1)], exm, smS)

            @pl.loop(0, CH1 // 16)
            def _(k):
                ix[pl.ds(k * 16, 16)] = src_v[j, pl.ds(k * 16, 16)] * 8 + hh

            pltpu.async_copy(hf_hbm.at[ix], hv, smH)

        def process(g, j, b):
            sv, dv, exm, ix, smS, smD, smN, smW, hv, mv, smH, smC = BUFS[b]
            if p == 0:
                pltpu.make_async_copy(
                    alS_hbm.at[pl.ds(0, CH1)], sv, smS).wait()
                pltpu.make_async_copy(
                    alD_hbm.at[pl.ds(0, CH1)], dv, smD).wait()

                @pl.when(g > 0)
                def _():
                    pltpu.make_async_copy(
                        alS_hbm.at[pl.ds(0, CH1)], exm, smN).wait()
                    pltpu.make_async_copy(
                        alS_hbm.at[pl.ds(0, CH1)], exm, smW).wait()
            else:
                pltpu.make_async_copy(
                    alS_hbm.at[pl.ds(0, CH1)], exm, smS).wait()

            @pl.when(g > 0)
            def _():
                pltpu.make_async_copy(
                    hf_hbm.at[pl.ds(0, CH1)], mv, smC).wait()

            didx = dst_v.at[j]
            if p == 0:
                @pl.loop(0, CH1)
                def _(e):
                    a = sv[e, pl.ds(0, 16)] + dv[e, pl.ds(0, 16)]
                    exm[e, pl.ds(0, 16)] = jnp.exp(jnp.maximum(a, 0.2 * a))

                pltpu.async_copy(exm, den_acc.at[didx], smN, add=True)
                pltpu.async_copy(
                    exm, ex_hbm.at[pl.ds(exbase + j * CH1, CH1)], smW)

            pltpu.make_async_copy(hf_hbm.at[pl.ds(0, CH1)], hv, smH).wait()

            @pl.loop(0, CH1)
            def _(e):
                exb = _lane_take(exm[e, pl.ds(0, 16)], hh_splat)
                for q in range(HID // 16):
                    mv[e, pl.ds(q * 16, 16)] = hv[e, pl.ds(q * 16, 16)] * exb

            pltpu.async_copy(mv, acc0.at[didx], smC, add=True)

            @pl.when(g < NG1 - 1)
            def _():
                issue(j + 2, b)

        issue(0, 0)
        issue(1, 1)

        @pl.loop(0, NG1)
        def _(g):
            process(g, 2 * g, 0)
            process(g, 2 * g + 1, 1)

        for b in range(2):
            pltpu.make_async_copy(
                hf_hbm.at[pl.ds(0, CH1)], BUFS[b][9], BUFS[b][11]).wait()
        if p == 0:
            for b in range(2):
                pltpu.make_async_copy(
                    alS_hbm.at[pl.ds(0, CH1)], BUFS[b][2], BUFS[b][6]).wait()
                pltpu.make_async_copy(
                    alS_hbm.at[pl.ds(0, CH1)], BUFS[b][2], BUFS[b][7]).wait()

        plsc.subcore_barrier()
        off = s * NPT
        pltpu.sync_copy(acc0.at[pl.ds(off, NPT)],
                        acc_out.at[pl.ds(hh * NP + off, NPT)])
        if p == 0:
            @pl.when(c == 0)
            def _():
                pltpu.sync_copy(den_acc.at[pl.ds(off, NPT)],
                                den_out.at[pl.ds(off, NPT)])
        if p < 3:
            zero_acc()
            plsc.subcore_barrier()


def _stage_b(src2d, dst2d, alS, alD, h_flat):
    mesh = plsc.VectorSubcoreMesh(core_axis_name="c", subcore_axis_name="s")
    kern = pl.kernel(
        _sc1_body,
        mesh=mesh,
        compiler_params=pltpu.CompilerParams(use_tc_tiling_on_sc=False),
        out_type=[
            jax.ShapeDtypeStruct((HEADS * NP, HID), jnp.float32),
            jax.ShapeDtypeStruct((NP, 16), jnp.float32),
            jax.ShapeDtypeStruct((2 * E2, 16), jnp.float32),
        ],
        scratch_types=[
            pltpu.VMEM((NCH1, CH1), jnp.int32),
            pltpu.VMEM((NCH1, CH1), jnp.int32),
            pltpu.VMEM((CH1, 16), jnp.float32),
            pltpu.VMEM((CH1, 16), jnp.float32),
            pltpu.VMEM((CH1, 16), jnp.float32),
            pltpu.VMEM((CH1, 16), jnp.float32),
            pltpu.VMEM((CH1, 16), jnp.float32),
            pltpu.VMEM((CH1, 16), jnp.float32),
            pltpu.VMEM((CH1,), jnp.int32),
            pltpu.VMEM((CH1,), jnp.int32),
            pltpu.VMEM((CH1, HID), jnp.float32),
            pltpu.VMEM((CH1, HID), jnp.float32),
            pltpu.VMEM((CH1, HID), jnp.float32),
            pltpu.VMEM((CH1, HID), jnp.float32),
            pltpu.VMEM_SHARED((NP, HID), jnp.float32),
            pltpu.VMEM_SHARED((NP, 16), jnp.float32),
        ] + [pltpu.SemaphoreType.DMA] * 12,
    )
    return kern(src2d, dst2d, alS, alD, h_flat,
                jnp.zeros((NPT, HID), jnp.float32),
                jnp.zeros((NPT, 16), jnp.float32))


def _mm2_body(acc_ref, den_ref, w2_ref, b1_ref, a2s_ref, a2d_ref, t2_ref):
    h2t = jnp.zeros((RB, NCLS), jnp.float32)
    den = den_ref[...]
    for h in range(HEADS):
        v = acc_ref[h] / (den[:, h][:, None] + 1e-16) + b1_ref[h][None, :]
        v = jnp.where(v > 0, v, jnp.exp(jnp.minimum(v, 0.0)) - 1.0)
        h2t = h2t + jnp.dot(v, w2_ref[h], preferred_element_type=jnp.float32)
    als2 = jnp.sum(h2t * a2s_ref[...], axis=1)
    ald2 = jnp.sum(h2t * a2d_ref[...], axis=1)
    pad = jnp.zeros((RB, 14), jnp.float32)
    t2_ref[...] = jnp.concatenate(
        [h2t, als2[:, None], ald2[:, None], pad], axis=1)


def _stage_c(acc1, den1, W2, b1, a2_src, a2_dst):
    w2r = W2.reshape(HEADS, HID, NCLS)
    b1r = b1.reshape(HEADS, HID)
    return pl.pallas_call(
        _mm2_body,
        grid=(N // RB,),
        in_specs=[
            pl.BlockSpec((HEADS, RB, HID), lambda r: (0, r, 0)),
            pl.BlockSpec((RB, 16), lambda r: (r, 0)),
            pl.BlockSpec((HEADS, HID, NCLS), lambda r: (0, 0, 0)),
            pl.BlockSpec((HEADS, HID), lambda r: (0, 0)),
            pl.BlockSpec((1, NCLS), lambda r: (0, 0)),
            pl.BlockSpec((1, NCLS), lambda r: (0, 0)),
        ],
        out_specs=pl.BlockSpec((RB, 32), lambda r: (r, 0)),
        out_shape=jax.ShapeDtypeStruct((N, 32), jnp.float32),
    )(acc1, den1, w2r, b1r, a2_src, a2_dst)


def _sc2_body(src_hbm, dst_hbm, t2_hbm, z32_hbm, acc_out,
              src_v, dst_v, s_rows, d_rows, m_rows, acc2):
    c = lax.axis_index("c")
    s = lax.axis_index("s")
    w = s * 2 + c
    lane = lax.iota(jnp.int32, 16)
    den_mask = lane == 0

    pltpu.sync_copy(z32_hbm, acc2.at[pl.ds(s * NPT, NPT)])

    pltpu.sync_copy(src_hbm.at[w], src_v)
    pltpu.sync_copy(dst_hbm.at[w], dst_v)
    plsc.subcore_barrier()

    @pl.loop(0, NCH2)
    def _(j):
        sidx = src_v.at[j]
        didx = dst_v.at[j]
        pltpu.sync_copy(t2_hbm.at[sidx], s_rows)
        pltpu.sync_copy(t2_hbm.at[didx], d_rows)

        lane0 = jnp.zeros((16,), jnp.int32)
        lane1 = jnp.ones((16,), jnp.int32)

        @pl.loop(0, CH2)
        def _(e):
            av = (_lane_take(s_rows[e, pl.ds(16, 16)], lane0)
                  + _lane_take(d_rows[e, pl.ds(16, 16)], lane1))
            av = jnp.where(av >= 0, av, 0.2 * av)
            exv = jnp.exp(av)
            m_rows[e, pl.ds(0, 16)] = exv * s_rows[e, pl.ds(0, 16)]
            m_rows[e, pl.ds(16, 16)] = jnp.where(den_mask, exv, 0.0)

        pltpu.sync_copy(m_rows, acc2.at[didx], add=True)

    plsc.subcore_barrier()
    off = s * NPT
    pltpu.sync_copy(acc2.at[pl.ds(off, NPT)],
                    acc_out.at[pl.ds(c * NP + off, NPT)])


def _stage_d(src2d, dst2d, t2):
    mesh = plsc.VectorSubcoreMesh(core_axis_name="c", subcore_axis_name="s")
    kern = pl.kernel(
        _sc2_body,
        mesh=mesh,
        compiler_params=pltpu.CompilerParams(use_tc_tiling_on_sc=False),
        out_type=jax.ShapeDtypeStruct((2 * NP, 32), jnp.float32),
        scratch_types=[
            pltpu.VMEM((NCH2, CH2), jnp.int32),
            pltpu.VMEM((NCH2, CH2), jnp.int32),
            pltpu.VMEM((CH2, 32), jnp.float32),
            pltpu.VMEM((CH2, 32), jnp.float32),
            pltpu.VMEM((CH2, 32), jnp.float32),
            pltpu.VMEM_SHARED((NP, 32), jnp.float32),
        ],
    )
    return kern(src2d, dst2d, t2, jnp.zeros((NPT, 32), jnp.float32))


def _fin_body(p_ref, b2_ref, o_ref):
    agg = p_ref[0, :, 0:NCLS] + p_ref[1, :, 0:NCLS]
    den = p_ref[0, :, NCLS] + p_ref[1, :, NCLS]
    h2 = agg / (den[:, None] + 1e-16) + b2_ref[...][None, :]
    m = jnp.max(h2, axis=1, keepdims=True)
    sh = h2 - m
    o_ref[...] = sh - jnp.log(jnp.sum(jnp.exp(sh), axis=1, keepdims=True))


def _stage_e(parts, b2):
    return pl.pallas_call(
        _fin_body,
        grid=(N // RB,),
        in_specs=[
            pl.BlockSpec((2, RB, 32), lambda r: (0, r, 0)),
            pl.BlockSpec((NCLS,), lambda r: (0,)),
        ],
        out_specs=pl.BlockSpec((RB, NCLS), lambda r: (r, 0)),
        out_shape=jax.ShapeDtypeStruct((N, NCLS), jnp.float32),
    )(parts, b2)


def kernel(x, edge_index, W1, a1_src, a1_dst, b1, W2, a2_src, a2_dst, b2):
    eye = jnp.eye(HEADS, dtype=jnp.float32)
    A1s = (eye[:, None, :] * a1_src[:, :, None]).reshape(HEADS * HID, HEADS)
    A1d = (eye[:, None, :] * a1_dst[:, :, None]).reshape(HEADS * HID, HEADS)

    h_all, als, ald = _stage_a(x, W1, A1s, A1d)
    alS = jnp.concatenate([als, ald], axis=1)
    alD = jnp.concatenate([ald, als], axis=1)
    h_flat = h_all.reshape(N * HEADS, HID)

    npad = E2 - E
    src_p = jnp.concatenate([edge_index[0], jnp.zeros((npad,), jnp.int32)])
    dst_p = jnp.concatenate(
        [edge_index[1], jnp.full((npad,), NP - 1, jnp.int32)])

    src1 = src_p.reshape(NT, NCH1, CH1)
    dst1 = dst_p.reshape(NT, NCH1, CH1)
    acc1, den1, _excache = _stage_b(src1, dst1, alS, alD, h_flat)
    acc1 = acc1.reshape(HEADS, NP, HID)

    t2 = _stage_c(acc1, den1, W2, b1, a2_src, a2_dst)

    src2 = edge_index[0].reshape(2 * NT, NCH2, CH2)
    dst2 = edge_index[1].reshape(2 * NT, NCH2, CH2)
    parts = _stage_d(src2, dst2, t2).reshape(2, NP, 32)[:, :N]

    return _stage_e(parts, b2)

# --- scband reference (transcript-rebuilt; emitter-appended) ---
"""Pipeline reference for scband-gat-75299366633515 (READ-ONLY COPY).

The authoritative reference and input builder live on the scoring server;
editing this copy changes nothing except your own understanding.
"""

import jax, jax.numpy as jnp
import numpy as np

N = 10000
E = 160000
F_IN = 256
HID = 64
HEADS = 8
NCLS = 16


def setup_inputs(seed: int = 0) -> dict:
    key = jax.random.key(seed)
    ks = jax.random.split(key, 10)
    x = jax.random.normal(ks[0], (N, F_IN), dtype=jnp.float32)
    edge_index = jax.random.randint(ks[1], (2, E), 0, N, dtype=jnp.int32)
    W1 = jax.random.normal(ks[2], (F_IN, HEADS * HID), dtype=jnp.float32) * 0.05
    a1_src = jax.random.normal(ks[3], (HEADS, HID), dtype=jnp.float32) * 0.05
    a1_dst = jax.random.normal(ks[4], (HEADS, HID), dtype=jnp.float32) * 0.05
    b1 = jnp.zeros((HEADS * HID,), dtype=jnp.float32)
    W2 = jax.random.normal(ks[5], (HEADS * HID, NCLS), dtype=jnp.float32) * 0.05
    a2_src = jax.random.normal(ks[6], (1, NCLS), dtype=jnp.float32) * 0.05
    a2_dst = jax.random.normal(ks[7], (1, NCLS), dtype=jnp.float32) * 0.05
    b2 = jnp.zeros((NCLS,), dtype=jnp.float32)
    return {"x": x, "edge_index": edge_index, "W1": W1, "a1_src": a1_src,
            "a1_dst": a1_dst, "b1": b1, "W2": W2, "a2_src": a2_src,
            "a2_dst": a2_dst, "b2": b2}


def _gat_layer(x, edge_index, W, a_s, a_d, b, heads, out_ch, concat):
    n = x.shape[0]
    src = edge_index[0]
    dst = edge_index[1]
    h = (x @ W).reshape(n, heads, out_ch)
    alpha_src = jnp.sum(h * a_s[None, :, :], axis=-1)  # [N, H]
    alpha_dst = jnp.sum(h * a_d[None, :, :], axis=-1)  # [N, H]
    alpha = alpha_src[src] + alpha_dst[dst]            # [E, H]
    alpha = jax.nn.leaky_relu(alpha, negative_slope=0.2)
    # softmax over incoming edges of each dst node (segment softmax)
    amax = jax.ops.segment_max(alpha, dst, num_segments=n)
    amax = jnp.where(jnp.isfinite(amax), amax, 0.0)
    ex = jnp.exp(alpha - amax[dst])
    den = jax.ops.segment_sum(ex, dst, num_segments=n)
    att = ex / (den[dst] + 1e-16)
    msg = h[src] * att[:, :, None]                     # [E, H, C]
    out = jax.ops.segment_sum(msg, dst, num_segments=n)  # [N, H, C]
    if concat:
        out = out.reshape(n, heads * out_ch)
    else:
        out = out.mean(axis=1)
    return out + b


def reference(x, edge_index, W1, a1_src, a1_dst, b1, W2, a2_src, a2_dst, b2):
    # eval mode: F.dropout / attention dropout are identity
    h1 = _gat_layer(x, edge_index, W1, a1_src, a1_dst, b1, HEADS, HID, True)
    h1 = jax.nn.elu(h1)
    h2 = _gat_layer(h1, edge_index, W2, a2_src, a2_dst, b2, 1, NCLS, False)
    return jax.nn.log_softmax(h2, axis=1)

if __name__ == "__main__":
    import jax
    _d = setup_inputs()
    print(jax.jit(kernel)(*tuple(_d.values())))

</pallas_src>

<mosaic_0001>
#map = affine_map<(d0, d1) -> (0, 0, 0)>
#map1 = affine_map<(d0, d1) -> (0, 0)>
module attributes {stable_mosaic.version = 14 : i64} {
  func.func @_sc1_body(%arg0: i32, %arg1: i32, %arg2: memref<16x80x128xi32, #tpu.memory_space<hbm>>, %arg3: memref<16x80x128xi32, #tpu.memory_space<hbm>>, %arg4: memref<10000x16xf32, #tpu.memory_space<hbm>>, %arg5: memref<10000x16xf32, #tpu.memory_space<hbm>>, %arg6: memref<80000x64xf32, #tpu.memory_space<hbm>>, %arg7: memref<640x64xf32, #tpu.memory_space<hbm>>, %arg8: memref<640x16xf32, #tpu.memory_space<hbm>>, %arg9: memref<81920x64xf32, #tpu.memory_space<hbm>>, %arg10: memref<10240x16xf32, #tpu.memory_space<hbm>>, %arg11: memref<327680x16xf32, #tpu.memory_space<hbm>>, %arg12: memref<80x128xi32, #tpu.memory_space<vmem>>, %arg13: memref<80x128xi32, #tpu.memory_space<vmem>>, %arg14: memref<128x16xf32, #tpu.memory_space<vmem>>, %arg15: memref<128x16xf32, #tpu.memory_space<vmem>>, %arg16: memref<128x16xf32, #tpu.memory_space<vmem>>, %arg17: memref<128x16xf32, #tpu.memory_space<vmem>>, %arg18: memref<128x16xf32, #tpu.memory_space<vmem>>, %arg19: memref<128x16xf32, #tpu.memory_space<vmem>>, %arg20: memref<128xi32, #tpu.memory_space<vmem>>, %arg21: memref<128xi32, #tpu.memory_space<vmem>>, %arg22: memref<128x64xf32, #tpu.memory_space<vmem>>, %arg23: memref<128x64xf32, #tpu.memory_space<vmem>>, %arg24: memref<128x64xf32, #tpu.memory_space<vmem>>, %arg25: memref<128x64xf32, #tpu.memory_space<vmem>>, %arg26: memref<10240x64xf32, #tpu.memory_space<vmem_shared>>, %arg27: memref<10240x16xf32, #tpu.memory_space<vmem_shared>>, %arg28: memref<!tpu.dma_semaphore, #tpu.memory_space<semaphore_mem>>, %arg29: memref<!tpu.dma_semaphore, #tpu.memory_space<semaphore_mem>>, %arg30: memref<!tpu.dma_semaphore, #tpu.memory_space<semaphore_mem>>, %arg31: memref<!tpu.dma_semaphore, #tpu.memory_space<semaphore_mem>>, %arg32: memref<!tpu.dma_semaphore, #tpu.memory_space<semaphore_mem>>, %arg33: memref<!tpu.dma_semaphore, #tpu.memory_space<semaphore_mem>>, %arg34: memref<!tpu.dma_semaphore, #tpu.memory_space<semaphore_mem>>, %arg35: memref<!tpu.dma_semaphore, #tpu.memory_space<semaphore_mem>>, %arg36: memref<!tpu.dma_semaphore, #tpu.memory_space<semaphore_mem>>, %arg37: memref<!tpu.dma_semaphore, #tpu.memory_space<semaphore_mem>>, %arg38: memref<!tpu.dma_semaphore, #tpu.memory_space<semaphore_mem>>, %arg39: memref<!tpu.dma_semaphore, #tpu.memory_space<semaphore_mem>>) attributes {dimension_semantics = [#tpu.dimension_semantics<core_parallel>, #tpu.dimension_semantics<subcore_parallel>], iteration_bounds = array<i64: 2, 16>, scalar_prefetch = 0 : i64, scratch_operands = 28 : i64, tpu.core_type = #tpu.core_type<sc_vector_subcore>, window_params = [{transform_indices = #map}, {transform_indices = #map}, {transform_indices = #map1}, {transform_indices = #map1}, {transform_indices = #map1}, {transform_indices = #map1}, {transform_indices = #map1}, {transform_indices = #map1}, {transform_indices = #map1}, {transform_indices = #map1}]} {
    %mul3A = arith.constant 640 : i32
    %mul3A_0 = arith.muli %arg1, %mul3A : i32
    "tpu.region"() ({
      %run_scoped3A = tpu.sem_alloc : memref<!tpu.dma_semaphore, #tpu.memory_space<semaphore_mem>>
      %dma_start3A_293 = arith.constant 0 : i32
      %dma_start3A_294 = tpu.memref_slice %arg26[%mul3A_0, %dma_start3A_293] : memref<10240x64xf32, #tpu.memory_space<vmem_shared>> -> memref<640x64xf32, #tpu.memory_space<vmem_shared>>
      tpu.enqueue_dma source(%arg7 : memref<640x64xf32, #tpu.memory_space<hbm>>) target(%dma_start3A_294 : memref<640x64xf32, #tpu.memory_space<vmem_shared>>) target_semaphore(%run_scoped3A : memref<!tpu.dma_semaphore, #tpu.memory_space<semaphore_mem>>)
      %dma_wait3A_295 = arith.constant 0 : i32
      %dma_wait3A_296 = tpu.memref_slice %arg26[%mul3A_0, %dma_wait3A_295] : memref<10240x64xf32, #tpu.memory_space<vmem_shared>> -> memref<640x64xf32, #tpu.memory_space<vmem_shared>>
      tpu.wait_dma2 semaphore(%run_scoped3A : memref<!tpu.dma_semaphore, #tpu.memory_space<semaphore_mem>>) src(%arg7 : memref<640x64xf32, #tpu.memory_space<hbm>>) dst(%dma_wait3A_296 : memref<640x64xf32, #tpu.memory_space<vmem_shared>>)
      tpu.yield
    }) : () -> ()
    %mul3A_1 = arith.constant 640 : i32
    %mul3A_2 = arith.muli %arg1, %mul3A_1 : i32
    "tpu.region"() ({
      %run_scoped3A = tpu.sem_alloc : memref<!tpu.dma_semaphore, #tpu.memory_space<semaphore_mem>>
      %dma_start3A_293 = arith.constant 0 : i32
      %dma_start3A_294 = tpu.memref_slice %arg27[%mul3A_2, %dma_start3A_293] : memref<10240x16xf32, #tpu.memory_space<vmem_shared>> -> memref<640x16xf32, #tpu.memory_space<vmem_shared>>
      tpu.enqueue_dma source(%arg8 : memref<640x16xf32, #tpu.memory_space<hbm>>) target(%dma_start3A_294 : memref<640x16xf32, #tpu.memory_space<vmem_shared>>) target_semaphore(%run_scoped3A : memref<!tpu.dma_semaphore, #tpu.memory_space<semaphore_mem>>)
      %dma_wait3A_295 = arith.constant 0 : i32
      %dma_wait3A_296 = tpu.memref_slice %arg27[%mul3A_2, %dma_wait3A_295] : memref<10240x16xf32, #tpu.memory_space<vmem_shared>> -> memref<640x16xf32, #tpu.memory_space<vmem_shared>>
      tpu.wait_dma2 semaphore(%run_scoped3A : memref<!tpu.dma_semaphore, #tpu.memory_space<semaphore_mem>>) src(%arg8 : memref<640x16xf32, #tpu.memory_space<hbm>>) dst(%dma_wait3A_296 : memref<640x16xf32, #tpu.memory_space<vmem_shared>>)
      tpu.yield
    }) : () -> ()
    "tpu.region"() ({
      %run_scoped3A = tpu.sem_alloc : memref<!tpu.dma_semaphore, #tpu.memory_space<semaphore_mem>>
      %dma_start3A_293 = arith.constant 0 : i32
      %dma_start3A_294 = arith.constant 0 : i32
      %dma_start3A_295 = tpu.memref_slice %arg2[%arg1, %dma_start3A_293, %dma_start3A_294] : memref<16x80x128xi32, #tpu.memory_space<hbm>> -> memref<1x80x128xi32, #tpu.memory_space<hbm>>
      %dma_start3A_296 = tpu.memref_squeeze %dma_start3A_295 : memref<1x80x128xi32, #tpu.memory_space<hbm>> -> memref<80x128xi32, #tpu.memory_space<hbm>>
      %dma_start3A_297 = arith.constant 0 : i32
      %dma_start3A_298 = arith.constant 0 : i32
      %dma_start3A_299 = tpu.memref_slice %arg2[%arg1, %dma_start3A_297, %dma_start3A_298] : memref<16x80x128xi32, #tpu.memory_space<hbm>> -> memref<1x80x128xi32, #tpu.memory_space<hbm>>
      %dma_start3A_300 = tpu.memref_squeeze %dma_start3A_299 : memref<1x80x128xi32, #tpu.memory_space<hbm>> -> memref<80x128xi32, #tpu.memory_space<hbm>>
      tpu.enqueue_dma source(%dma_start3A_300 : memref<80x128xi32, #tpu.memory_space<hbm>>) target(%arg12 : memref<80x128xi32, #tpu.memory_space<vmem>>) target_semaphore(%run_scoped3A : memref<!tpu.dma_semaphore, #tpu.memory_space<semaphore_mem>>)
      %dma_wait3A_301 = arith.constant 0 : i32
      %dma_wait3A_302 = arith.constant 0 : i32
      %dma_wait3A_303 = tpu.memref_slice %arg2[%arg1, %dma_wait3A_301, %dma_wait3A_302] : memref<16x80x128xi32, #tpu.memory_space<hbm>> -> memref<1x80x128xi32, #tpu.memory_space<hbm>>
      %dma_wait3A_304 = tpu.memref_squeeze %dma_wait3A_303 : memref<1x80x128xi32, #tpu.memory_space<hbm>> -> memref<80x128xi32, #tpu.memory_space<hbm>>
      %dma_wait3A_305 = arith.constant 0 : i32
      %dma_wait3A_306 = arith.constant 0 : i32
      %dma_wait3A_307 = tpu.memref_slice %arg2[%arg1, %dma_wait3A_305, %dma_wait3A_306] : memref<16x80x128xi32, #tpu.memory_space<hbm>> -> memref<1x80x128xi32, #tpu.memory_space<hbm>>
      %dma_wait3A_308 = tpu.memref_squeeze %dma_wait3A_307 : memref<1x80x128xi32, #tpu.memory_space<hbm>> -> memref<80x128xi32, #tpu.memory_space<hbm>>
      tpu.wait_dma2 semaphore(%run_scoped3A : memref<!tpu.dma_semaphore, #tpu.memory_space<semaphore_mem>>) src(%dma_wait3A_308 : memref<80x128xi32, #tpu.memory_space<hbm>>) dst(%arg12 : memref<80x128xi32, #tpu.memory_space<vmem>>)
      tpu.yield
    }) : () -> ()
    "tpu.region"() ({
      %run_scoped3A = tpu.sem_alloc : memref<!tpu.dma_semaphore, #tpu.memory_space<semaphore_mem>>
      %dma_start3A_293 = arith.constant 0 : i32
      %dma_start3A_294 = arith.constant 0 : i32
      %dma_start3A_295 = tpu.memref_slice %arg3[%arg1, %dma_start3A_293, %dma_start3A_294] : memref<16x80x128xi32, #tpu.memory_space<hbm>> -> memref<1x80x128xi32, #tpu.memory_space<hbm>>
      %dma_start3A_296 = tpu.memref_squeeze %dma_start3A_295 : memref<1x80x128xi32, #tpu.memory_space<hbm>> -> memref<80x128xi32, #tpu.memory_space<hbm>>
      %dma_start3A_297 = arith.constant 0 : i32
      %dma_start3A_298 = arith.constant 0 : i32
      %dma_start3A_299 = tpu.memref_slice %arg3[%arg1, %dma_start3A_297, %dma_start3A_298] : memref<16x80x128xi32, #tpu.memory_space<hbm>> -> memref<1x80x128xi32, #tpu.memory_space<hbm>>
      %dma_start3A_300 = tpu.memref_squeeze %dma_start3A_299 : memref<1x80x128xi32, #tpu.memory_space<hbm>> -> memref<80x128xi32, #tpu.memory_space<hbm>>
      tpu.enqueue_dma source(%dma_start3A_300 : memref<80x128xi32, #tpu.memory_space<hbm>>) target(%arg13 : memref<80x128xi32, #tpu.memory_space<vmem>>) target_semaphore(%run_scoped3A : memref<!tpu.dma_semaphore, #tpu.memory_space<semaphore_mem>>)
      %dma_wait3A_301 = arith.constant 0 : i32
      %dma_wait3A_302 = arith.constant 0 : i32
      %dma_wait3A_303 = tpu.memref_slice %arg3[%arg1, %dma_wait3A_301, %dma_wait3A_302] : memref<16x80x128xi32, #tpu.memory_space<hbm>> -> memref<1x80x128xi32, #tpu.memory_space<hbm>>
      %dma_wait3A_304 = tpu.memref_squeeze %dma_wait3A_303 : memref<1x80x128xi32, #tpu.memory_space<hbm>> -> memref<80x128xi32, #tpu.memory_space<hbm>>
      %dma_wait3A_305 = arith.constant 0 : i32
      %dma_wait3A_306 = arith.constant 0 : i32
      %dma_wait3A_307 = tpu.memref_slice %arg3[%arg1, %dma_wait3A_305, %dma_wait3A_306] : memref<16x80x128xi32, #tpu.memory_space<hbm>> -> memref<1x80x128xi32, #tpu.memory_space<hbm>>
      %dma_wait3A_308 = tpu.memref_squeeze %dma_wait3A_307 : memref<1x80x128xi32, #tpu.memory_space<hbm>> -> memref<80x128xi32, #tpu.memory_space<hbm>>
      tpu.wait_dma2 semaphore(%run_scoped3A : memref<!tpu.dma_semaphore, #tpu.memory_space<semaphore_mem>>) src(%dma_wait3A_308 : memref<80x128xi32, #tpu.memory_space<hbm>>) dst(%arg13 : memref<80x128xi32, #tpu.memory_space<vmem>>)
      tpu.yield
    }) : () -> ()
    %barrier3A = arith.constant 0 : index
    tpu.barrier barrier_id(%barrier3A)
    %mul3A_3 = arith.constant 4 : i32
    %mul3A_4 = arith.muli %mul3A_3, %arg0 : i32
    %add3A = arith.constant 0 : i32
    %add3A_5 = arith.addi %mul3A_4, %add3A : i32
    %broadcast_in_dim3A = vector.broadcast %add3A_5 : i32 to vector<16xi32>
    %mul3A_6 = arith.constant 163840 : i32
    %mul3A_7 = arith.muli %arg0, %mul3A_6 : i32
    %mul3A_8 = arith.constant 10240 : i32
    %mul3A_9 = arith.muli %arg1, %mul3A_8 : i32
    %add3A_10 = arith.addi %mul3A_7, %mul3A_9 : i32
    %dma_start3A = arith.constant 0 : i32
    %dma_start3A_11 = arith.constant 0 : i32
    %dma_start3A_12 = tpu.memref_slice %arg12[%dma_start3A, %dma_start3A_11] : memref<80x128xi32, #tpu.memory_space<vmem>> -> memref<1x128xi32, #tpu.memory_space<vmem>>
    %dma_start3A_13 = tpu.memref_squeeze %dma_start3A_12 : memref<1x128xi32, #tpu.memory_space<vmem>> -> memref<128xi32, #tpu.memory_space<vmem>>
    %dma_start3A_14 = arith.constant 0 : i32
    %dma_start3A_15 = arith.constant 0 : i32
    %dma_start3A_16 = tpu.memref_slice %arg4[%dma_start3A_14, %dma_start3A_15] : memref<10000x16xf32, #tpu.memory_space<hbm>> -> memref<10000x16xf32, #tpu.memory_space<hbm>>
    tpu.enqueue_indirect_dma source(%dma_start3A_16 : memref<10000x16xf32, #tpu.memory_space<hbm>>) target(%arg14 : memref<128x16xf32, #tpu.memory_space<vmem>>) offsets(%dma_start3A_13 : memref<128xi32, #tpu.memory_space<vmem>>) semaphore(%arg28 : memref<!tpu.dma_semaphore, #tpu.memory_space<semaphore_mem>>)
    %dma_start3A_17 = arith.constant 0 : i32
    %dma_start3A_18 = arith.constant 0 : i32
    %dma_start3A_19 = tpu.memref_slice %arg13[%dma_start3A_17, %dma_start3A_18] : memref<80x128xi32, #tpu.memory_space<vmem>> -> memref<1x128xi32, #tpu.memory_space<vmem>>
    %dma_start3A_20 = tpu.memref_squeeze %dma_start3A_19 : memref<1x128xi32, #tpu.memory_space<vmem>> -> memref<128xi32, #tpu.memory_space<vmem>>
    %dma_start3A_21 = arith.constant 0 : i32
    %dma_start3A_22 = arith.constant 0 : i32
    %dma_start3A_23 = tpu.memref_slice %arg5[%dma_start3A_21, %dma_start3A_22] : memref<10000x16xf32, #tpu.memory_space<hbm>> -> memref<10000x16xf32, #tpu.memory_space<hbm>>
    tpu.enqueue_indirect_dma source(%dma_start3A_23 : memref<10000x16xf32, #tpu.memory_space<hbm>>) target(%arg16 : memref<128x16xf32, #tpu.memory_space<vmem>>) offsets(%dma_start3A_20 : memref<128xi32, #tpu.memory_space<vmem>>) semaphore(%arg30 : memref<!tpu.dma_semaphore, #tpu.memory_space<semaphore_mem>>)
    %scan3A = arith.constant 0 : i32
    %scan3A_24 = arith.constant 8 : i32
    %scan3A_25 = arith.addi %scan3A, %scan3A_24 : i32
    %scan3A_26 = arith.constant 1 : i32
    scf.for %scan3A_293 = %scan3A to %scan3A_25 step %scan3A_26  : i32 {
      %mul3A_294 = arith.constant 1 : i32
      %mul3A_295 = arith.muli %scan3A_293, %mul3A_294 : i32
      %add3A_296 = arith.constant 0 : i32
      %add3A_297 = arith.addi %add3A_296, %mul3A_295 : i32
      %mul3A_298 = arith.constant 16 : i32
      %mul3A_299 = arith.muli %add3A_297, %mul3A_298 : i32
      %get3A = arith.constant 0 : i32
      %get3A_300 = arith.index_cast %get3A : i32 to index
      %get3A_301 = arith.index_cast %mul3A_299 : i32 to index
      %get3A_302 = tpu.vector_load %arg12[%get3A_300, %get3A_301] {strides = array<i32>} : memref<80x128xi32, #tpu.memory_space<vmem>>, vector<1x16xi32>,
      %get3A_303 = vector.shape_cast %get3A_302 : vector<1x16xi32> to vector<16xi32>
      %mul3A_304 = arith.constant 8 : i32
      %mul3A_305 = vector.broadcast %mul3A_304 : i32 to vector<16xi32>
      %mul3A_306 = arith.muli %get3A_303, %mul3A_305 : vector<16xi32>
      %add3A_307 = vector.broadcast %add3A_5 : i32 to vector<16xi32>
      %add3A_308 = arith.addi %mul3A_306, %add3A_307 : vector<16xi32>
      %mul3A_309 = arith.constant 16 : i32
      %mul3A_310 = arith.muli %add3A_297, %mul3A_309 : i32
      %swap3A = arith.index_cast %mul3A_310 : i32 to index
      %swap3A_311 = tpu.vector_load %arg20[%swap3A] {strides = array<i32>} : memref<128xi32, #tpu.memory_space<vmem>>, vector<16xi32>,
      %swap3A_312 = vector.shape_cast %swap3A_311 : vector<16xi32> to vector<16xi32>
      %swap3A_313 = vector.shape_cast %add3A_308 : vector<16xi32> to vector<16xi32>
      tpu.vector_store %arg20[%swap3A], %swap3A_313 {strides = array<i32>} : memref<128xi32, #tpu.memory_space<vmem>>, vector<16xi32>,
    }
    %scan3A_27 = arith.constant 8 : i32
    %dma_start3A_28 = arith.constant 0 : i32
    %dma_start3A_29 = arith.constant 0 : i32
    %dma_start3A_30 = tpu.memref_slice %arg6[%dma_start3A_28, %dma_start3A_29] : memref<80000x64xf32, #tpu.memory_space<hbm>> -> memref<80000x64xf32, #tpu.memory_space<hbm>>
    tpu.enqueue_indirect_dma source(%dma_start3A_30 : memref<80000x64xf32, #tpu.memory_space<hbm>>) target(%arg22 : memref<128x64xf32, #tpu.memory_space<vmem>>) offsets(%arg20 : memref<128xi32, #tpu.memory_space<vmem>>) semaphore(%arg34 : memref<!tpu.dma_semaphore, #tpu.memory_space<semaphore_mem>>)
    %dma_start3A_31 = arith.constant 1 : i32
    %dma_start3A_32 = arith.constant 0 : i32
    %dma_start3A_33 = tpu.memref_slice %arg12[%dma_start3A_31, %dma_start3A_32] : memref<80x128xi32, #tpu.memory_space<vmem>> -> memref<1x128xi32, #tpu.memory_space<vmem>>
    %dma_start3A_34 = tpu.memref_squeeze %dma_start3A_33 : memref<1x128xi32, #tpu.memory_space<vmem>> -> memref<128xi32, #tpu.memory_space<vmem>>
    %dma_start3A_35 = arith.constant 0 : i32
    %dma_start3A_36 = arith.constant 0 : i32
    %dma_start3A_37 = tpu.memref_slice %arg4[%dma_start3A_35, %dma_start3A_36] : memref<10000x16xf32, #tpu.memory_space<hbm>> -> memref<10000x16xf32, #tpu.memory_space<hbm>>
    tpu.enqueue_indirect_dma source(%dma_start3A_37 : memref<10000x16xf32, #tpu.memory_space<hbm>>) target(%arg15 : memref<128x16xf32, #tpu.memory_space<vmem>>) offsets(%dma_start3A_34 : memref<128xi32, #tpu.memory_space<vmem>>) semaphore(%arg29 : memref<!tpu.dma_semaphore, #tpu.memory_space<semaphore_mem>>)
    %dma_start3A_38 = arith.constant 1 : i32
    %dma_start3A_39 = arith.constant 0 : i32
    %dma_start3A_40 = tpu.memref_slice %arg13[%dma_start3A_38, %dma_start3A_39] : memref<80x128xi32, #tpu.memory_space<vmem>> -> memref<1x128xi32, #tpu.memory_space<vmem>>
    %dma_start3A_41 = tpu.memref_squeeze %dma_start3A_40 : memref<1x128xi32, #tpu.memory_space<vmem>> -> memref<128xi32, #tpu.memory_space<vmem>>
    %dma_start3A_42 = arith.constant 0 : i32
    %dma_start3A_43 = arith.constant 0 : i32
    %dma_start3A_44 = tpu.memref_slice %arg5[%dma_start3A_42, %dma_start3A_43] : memref<10000x16xf32, #tpu.memory_space<hbm>> -> memref<10000x16xf32, #tpu.memory_space<hbm>>
    tpu.enqueue_indirect_dma source(%dma_start3A_44 : memref<10000x16xf32, #tpu.memory_space<hbm>>) target(%arg17 : memref<128x16xf32, #tpu.memory_space<vmem>>) offsets(%dma_start3A_41 : memref<128xi32, #tpu.memory_space<vmem>>) semaphore(%arg31 : memref<!tpu.dma_semaphore, #tpu.memory_space<semaphore_mem>>)
    %scan3A_45 = arith.constant 0 : i32
    %scan3A_46 = arith.constant 8 : i32
    %scan3A_47 = arith.addi %scan3A_45, %scan3A_46 : i32
    %scan3A_48 = arith.constant 1 : i32
    scf.for %scan3A_293 = %scan3A_45 to %scan3A_47 step %scan3A_48  : i32 {
      %mul3A_294 = arith.constant 1 : i32
      %mul3A_295 = arith.muli %scan3A_293, %mul3A_294 : i32
      %add3A_296 = arith.constant 0 : i32
      %add3A_297 = arith.addi %add3A_296, %mul3A_295 : i32
      %mul3A_298 = arith.constant 16 : i32
      %mul3A_299 = arith.muli %add3A_297, %mul3A_298 : i32
      %get3A = arith.constant 1 : i32
      %get3A_300 = arith.index_cast %get3A : i32 to index
      %get3A_301 = arith.index_cast %mul3A_299 : i32 to index
      %get3A_302 = tpu.vector_load %arg12[%get3A_300, %get3A_301] {strides = array<i32>} : memref<80x128xi32, #tpu.memory_space<vmem>>, vector<1x16xi32>,
      %get3A_303 = vector.shape_cast %get3A_302 : vector<1x16xi32> to vector<16xi32>
      %mul3A_304 = arith.constant 8 : i32
      %mul3A_305 = vector.broadcast %mul3A_304 : i32 to vector<16xi32>
      %mul3A_306 = arith.muli %get3A_303, %mul3A_305 : vector<16xi32>
      %add3A_307 = vector.broadcast %add3A_5 : i32 to vector<16xi32>
      %add3A_308 = arith.addi %mul3A_306, %add3A_307 : vector<16xi32>
      %mul3A_309 = arith.constant 16 : i32
      %mul3A_310 = arith.muli %add3A_297, %mul3A_309 : i32
      %swap3A = arith.index_cast %mul3A_310 : i32 to index
      %swap3A_311 = tpu.vector_load %arg21[%swap3A] {strides = array<i32>} : memref<128xi32, #tpu.memory_space<vmem>>, vector<16xi32>,
      %swap3A_312 = vector.shape_cast %swap3A_311 : vector<16xi32> to vector<16xi32>
      %swap3A_313 = vector.shape_cast %add3A_308 : vector<16xi32> to vector<16xi32>
      tpu.vector_store %arg21[%swap3A], %swap3A_313 {strides = array<i32>} : memref<128xi32, #tpu.memory_space<vmem>>, vector<16xi32>,
    }
    %scan3A_49 = arith.constant 8 : i32
    %dma_start3A_50 = arith.constant 0 : i32
    %dma_start3A_51 = arith.constant 0 : i32
    %dma_start3A_52 = tpu.memref_slice %arg6[%dma_start3A_50, %dma_start3A_51] : memref<80000x64xf32, #tpu.memory_space<hbm>> -> memref<80000x64xf32, #tpu.memory_space<hbm>>
    tpu.enqueue_indirect_dma source(%dma_start3A_52 : memref<80000x64xf32, #tpu.memory_space<hbm>>) target(%arg23 : memref<128x64xf32, #tpu.memory_space<vmem>>) offsets(%arg21 : memref<128xi32, #tpu.memory_space<vmem>>) semaphore(%arg35 : memref<!tpu.dma_semaphore, #tpu.memory_space<semaphore_mem>>)
    %scan3A_53 = arith.constant 0 : i32
    %scan3A_54 = arith.constant 40 : i32
    %scan3A_55 = arith.addi %scan3A_53, %scan3A_54 : i32
    %scan3A_56 = arith.constant 1 : i32
    scf.for %scan3A_293 = %scan3A_53 to %scan3A_55 step %scan3A_56  : i32 {
      %mul3A_294 = arith.constant 1 : i32
      %mul3A_295 = arith.muli %scan3A_293, %mul3A_294 : i32
      %add3A_296 = arith.constant 0 : i32
      %add3A_297 = arith.addi %add3A_296, %mul3A_295 : i32
      %mul3A_298 = arith.constant 2 : i32
      %mul3A_299 = arith.muli %mul3A_298, %add3A_297 : i32
      %dma_wait3A_300 = arith.constant 0 : i32
      %dma_wait3A_301 = arith.constant 0 : i32
      %dma_wait3A_302 = tpu.memref_slice %arg4[%dma_wait3A_300, %dma_wait3A_301] : memref<10000x16xf32, #tpu.memory_space<hbm>> -> memref<128x16xf32, #tpu.memory_space<hbm>>
      %dma_wait3A_303 = arith.constant 0 : i32
      %dma_wait3A_304 = arith.constant 0 : i32
      %dma_wait3A_305 = tpu.memref_slice %arg4[%dma_wait3A_303, %dma_wait3A_304] : memref<10000x16xf32, #tpu.memory_space<hbm>> -> memref<128x16xf32, #tpu.memory_space<hbm>>
      tpu.wait_dma2 semaphore(%arg28 : memref<!tpu.dma_semaphore, #tpu.memory_space<semaphore_mem>>) src(%dma_wait3A_305 : memref<128x16xf32, #tpu.memory_space<hbm>>) dst(%arg14 : memref<128x16xf32, #tpu.memory_space<vmem>>)
      %dma_wait3A_306 = arith.constant 0 : i32
      %dma_wait3A_307 = arith.constant 0 : i32
      %dma_wait3A_308 = tpu.memref_slice %arg5[%dma_wait3A_306, %dma_wait3A_307] : memref<10000x16xf32, #tpu.memory_space<hbm>> -> memref<128x16xf32, #tpu.memory_space<hbm>>
      %dma_wait3A_309 = arith.constant 0 : i32
      %dma_wait3A_310 = arith.constant 0 : i32
      %dma_wait3A_311 = tpu.memref_slice %arg5[%dma_wait3A_309, %dma_wait3A_310] : memref<10000x16xf32, #tpu.memory_space<hbm>> -> memref<128x16xf32, #tpu.memory_space<hbm>>
      tpu.wait_dma2 semaphore(%arg30 : memref<!tpu.dma_semaphore, #tpu.memory_space<semaphore_mem>>) src(%dma_wait3A_311 : memref<128x16xf32, #tpu.memory_space<hbm>>) dst(%arg16 : memref<128x16xf32, #tpu.memory_space<vmem>>)
      %gt3A = arith.constant 0 : i32
      %gt3A_312 = arith.cmpi sgt, %add3A_297, %gt3A : i32
      %convert_element_type3A_313 = arith.extui %gt3A_312 : i1 to i32
      %cond3A_314 = arith.constant 0 : i32
      %cond3A_315 = arith.cmpi ne, %convert_element_type3A_313, %cond3A_314 : i32
      scf.if %cond3A_315 {
        %dma_wait3A_426 = arith.constant 0 : i32
        %dma_wait3A_427 = arith.constant 0 : i32
        %dma_wait3A_428 = tpu.memref_slice %arg4[%dma_wait3A_426, %dma_wait3A_427] : memref<10000x16xf32, #tpu.memory_space<hbm>> -> memref<128x16xf32, #tpu.memory_space<hbm>>
        %dma_wait3A_429 = arith.constant 0 : i32
        %dma_wait3A_430 = arith.constant 0 : i32
        %dma_wait3A_431 = tpu.memref_slice %arg4[%dma_wait3A_429, %dma_wait3A_430] : memref<10000x16xf32, #tpu.memory_space<hbm>> -> memref<128x16xf32, #tpu.memory_space<hbm>>
        tpu.wait_dma2 semaphore(%arg32 : memref<!tpu.dma_semaphore, #tpu.memory_space<semaphore_mem>>) src(%dma_wait3A_431 : memref<128x16xf32, #tpu.memory_space<hbm>>) dst(%arg18 : memref<128x16xf32, #tpu.memory_space<vmem>>)
        %dma_wait3A_432 = arith.constant 0 : i32
        %dma_wait3A_433 = arith.constant 0 : i32
        %dma_wait3A_434 = tpu.memref_slice %arg4[%dma_wait3A_432, %dma_wait3A_433] : memref<10000x16xf32, #tpu.memory_space<hbm>> -> memref<128x16xf32, #tpu.memory_space<hbm>>
        %dma_wait3A_435 = arith.constant 0 : i32
        %dma_wait3A_436 = arith.constant 0 : i32
        %dma_wait3A_437 = tpu.memref_slice %arg4[%dma_wait3A_435, %dma_wait3A_436] : memref<10000x16xf32, #tpu.memory_space<hbm>> -> memref<128x16xf32, #tpu.memory_space<hbm>>
        tpu.wait_dma2 semaphore(%arg38 : memref<!tpu.dma_semaphore, #tpu.memory_space<semaphore_mem>>) src(%dma_wait3A_437 : memref<128x16xf32, #tpu.memory_space<hbm>>) dst(%arg18 : memref<128x16xf32, #tpu.memory_space<vmem>>)
      } else {
      }
      %gt3A_316 = arith.constant 0 : i32
      %gt3A_317 = arith.cmpi sgt, %add3A_297, %gt3A_316 : i32
      %convert_element_type3A_318 = arith.extui %gt3A_317 : i1 to i32
      %cond3A_319 = arith.constant 0 : i32
      %cond3A_320 = arith.cmpi ne, %convert_element_type3A_318, %cond3A_319 : i32
      scf.if %cond3A_320 {
        %dma_wait3A_426 = arith.constant 0 : i32
        %dma_wait3A_427 = arith.constant 0 : i32
        %dma_wait3A_428 = tpu.memref_slice %arg6[%dma_wait3A_426, %dma_wait3A_427] : memref<80000x64xf32, #tpu.memory_space<hbm>> -> memref<128x64xf32, #tpu.memory_space<hbm>>
        %dma_wait3A_429 = arith.constant 0 : i32
        %dma_wait3A_430 = arith.constant 0 : i32
        %dma_wait3A_431 = tpu.memref_slice %arg6[%dma_wait3A_429, %dma_wait3A_430] : memref<80000x64xf32, #tpu.memory_space<hbm>> -> memref<128x64xf32, #tpu.memory_space<hbm>>
        tpu.wait_dma2 semaphore(%arg36 : memref<!tpu.dma_semaphore, #tpu.memory_space<semaphore_mem>>) src(%dma_wait3A_431 : memref<128x64xf32, #tpu.memory_space<hbm>>) dst(%arg24 : memref<128x64xf32, #tpu.memory_space<vmem>>)
      } else {
      }
      %scan3A_321 = arith.constant 0 : i32
      %scan3A_322 = arith.constant 128 : i32
      %scan3A_323 = arith.addi %scan3A_321, %scan3A_322 : i32
      %scan3A_324 = arith.constant 1 : i32
      scf.for %scan3A_426 = %scan3A_321 to %scan3A_323 step %scan3A_324  : i32 {
        %mul3A_427 = arith.constant 1 : i32
        %mul3A_428 = arith.muli %scan3A_426, %mul3A_427 : i32
        %add3A_429 = arith.constant 0 : i32
        %add3A_430 = arith.addi %add3A_429, %mul3A_428 : i32
        %get3A = arith.index_cast %add3A_430 : i32 to index
        %get3A_431 = arith.constant 0 : index
        %get3A_432 = tpu.vector_load %arg14[%get3A, %get3A_431] {strides = array<i32>} : memref<128x16xf32, #tpu.memory_space<vmem>>, vector<1x16xf32>,
        %get3A_433 = vector.shape_cast %get3A_432 : vector<1x16xf32> to vector<16xf32>
        %get3A_434 = arith.index_cast %add3A_430 : i32 to index
        %get3A_435 = arith.constant 0 : index
        %get3A_436 = tpu.vector_load %arg16[%get3A_434, %get3A_435] {strides = array<i32>} : memref<128x16xf32, #tpu.memory_space<vmem>>, vector<1x16xf32>,
        %get3A_437 = vector.shape_cast %get3A_436 : vector<1x16xf32> to vector<16xf32>
        %add3A_438 = arith.addf %get3A_433, %get3A_437 : vector<16xf32>
        %mul3A_439 = arith.constant 2.000000e-01 : f32
        %mul3A_440 = vector.broadcast %mul3A_439 : f32 to vector<16xf32>
        %mul3A_441 = arith.mulf %mul3A_440, %add3A_438 : vector<16xf32>
        %max3A = arith.maximumf %add3A_438, %mul3A_441 : vector<16xf32>
        %exp3A = math.exp %max3A : vector<16xf32>
        %swap3A = arith.index_cast %add3A_430 : i32 to index
        %swap3A_442 = arith.constant 0 : index
        %swap3A_443 = tpu.vector_load %arg18[%swap3A, %swap3A_442] {strides = array<i32>} : memref<128x16xf32, #tpu.memory_space<vmem>>, vector<1x16xf32>,
        %swap3A_444 = vector.shape_cast %swap3A_443 : vector<1x16xf32> to vector<16xf32>
        %swap3A_445 = vector.shape_cast %exp3A : vector<16xf32> to vector<1x16xf32>
        tpu.vector_store %arg18[%swap3A, %swap3A_442], %swap3A_445 {strides = array<i32>} : memref<128x16xf32, #tpu.memory_space<vmem>>, vector<1x16xf32>,
      }
      %scan3A_325 = arith.constant 128 : i32
      %dma_start3A_326 = arith.constant 0 : i32
      %dma_start3A_327 = tpu.memref_slice %arg13[%mul3A_299, %dma_start3A_326] : memref<80x128xi32, #tpu.memory_space<vmem>> -> memref<1x128xi32, #tpu.memory_space<vmem>>
      %dma_start3A_328 = tpu.memref_squeeze %dma_start3A_327 : memref<1x128xi32, #tpu.memory_space<vmem>> -> memref<128xi32, #tpu.memory_space<vmem>>
      %dma_start3A_329 = arith.constant 0 : i32
      %dma_start3A_330 = arith.constant 0 : i32
      %dma_start3A_331 = tpu.memref_slice %arg27[%dma_start3A_329, %dma_start3A_330] : memref<10240x16xf32, #tpu.memory_space<vmem_shared>> -> memref<10240x16xf32, #tpu.memory_space<vmem_shared>>
      tpu.enqueue_indirect_dma source(%arg18 : memref<128x16xf32, #tpu.memory_space<vmem>>) target(%dma_start3A_331 : memref<10240x16xf32, #tpu.memory_space<vmem_shared>>) offsets(%dma_start3A_328 : memref<128xi32, #tpu.memory_space<vmem>>) semaphore(%arg32 : memref<!tpu.dma_semaphore, #tpu.memory_space<semaphore_mem>>) {add = true}
      %mul3A_332 = arith.constant 128 : i32
      %mul3A_333 = arith.muli %mul3A_299, %mul3A_332 : i32
      %add3A_334 = arith.addi %add3A_10, %mul3A_333 : i32
      %dma_start3A_335 = arith.constant 0 : i32
      %dma_start3A_336 = tpu.memref_slice %arg11[%add3A_334, %dma_start3A_335] : memref<327680x16xf32, #tpu.memory_space<hbm>> -> memref<128x16xf32, #tpu.memory_space<hbm>>
      %dma_start3A_337 = arith.constant 0 : i32
      %dma_start3A_338 = tpu.memref_slice %arg11[%add3A_334, %dma_start3A_337] : memref<327680x16xf32, #tpu.memory_space<hbm>> -> memref<128x16xf32, #tpu.memory_space<hbm>>
      tpu.enqueue_dma source(%arg18 : memref<128x16xf32, #tpu.memory_space<vmem>>) target(%dma_start3A_338 : memref<128x16xf32, #tpu.memory_space<hbm>>) target_semaphore(%arg38 : memref<!tpu.dma_semaphore, #tpu.memory_space<semaphore_mem>>)
      %dma_wait3A_339 = arith.constant 0 : i32
      %dma_wait3A_340 = arith.constant 0 : i32
      %dma_wait3A_341 = tpu.memref_slice %arg6[%dma_wait3A_339, %dma_wait3A_340] : memref<80000x64xf32, #tpu.memory_space<hbm>> -> memref<128x64xf32, #tpu.memory_space<hbm>>
      %dma_wait3A_342 = arith.constant 0 : i32
      %dma_wait3A_343 = arith.constant 0 : i32
      %dma_wait3A_344 = tpu.memref_slice %arg6[%dma_wait3A_342, %dma_wait3A_343] : memref<80000x64xf32, #tpu.memory_space<hbm>> -> memref<128x64xf32, #tpu.memory_space<hbm>>
      tpu.wait_dma2 semaphore(%arg34 : memref<!tpu.dma_semaphore, #tpu.memory_space<semaphore_mem>>) src(%dma_wait3A_344 : memref<128x64xf32, #tpu.memory_space<hbm>>) dst(%arg22 : memref<128x64xf32, #tpu.memory_space<vmem>>)
      %scan3A_345 = arith.constant 0 : i32
      %scan3A_346 = arith.constant 128 : i32
      %scan3A_347 = arith.addi %scan3A_345, %scan3A_346 : i32
      %scan3A_348 = arith.constant 1 : i32
      scf.for %scan3A_426 = %scan3A_345 to %scan3A_347 step %scan3A_348  : i32 {
        %mul3A_427 = arith.constant 1 : i32
        %mul3A_428 = arith.muli %scan3A_426, %mul3A_427 : i32
        %add3A_429 = arith.constant 0 : i32
        %add3A_430 = arith.addi %add3A_429, %mul3A_428 : i32
        %get3A = arith.index_cast %add3A_430 : i32 to index
        %get3A_431 = arith.constant 0 : index
        %get3A_432 = tpu.vector_load %arg18[%get3A, %get3A_431] {strides = array<i32>} : memref<128x16xf32, #tpu.memory_space<vmem>>, vector<1x16xf32>,
        %get3A_433 = vector.shape_cast %get3A_432 : vector<1x16xf32> to vector<16xf32>
        %broadcast_in_dim3A_434 = vector.shape_cast %broadcast_in_dim3A : vector<16xi32> to vector<16x1xi32>
        %gather3A = vector.shape_cast %broadcast_in_dim3A_434 : vector<16x1xi32> to vector<16xi32>
        %gather3A_435 = tpu.dynamic_gather %get3A_433[%gather3A] in [0] : vector<16xf32>, vector<16xi32> -> vector<16xf32>
        %get3A_436 = arith.index_cast %add3A_430 : i32 to index
        %get3A_437 = arith.constant 0 : index
        %get3A_438 = tpu.vector_load %arg22[%get3A_436, %get3A_437] {strides = array<i32>} : memref<128x64xf32, #tpu.memory_space<vmem>>, vector<1x16xf32>,
        %get3A_439 = vector.shape_cast %get3A_438 : vector<1x16xf32> to vector<16xf32>
        %mul3A_440 = arith.mulf %get3A_439, %gather3A_435 : vector<16xf32>
        %swap3A = arith.index_cast %add3A_430 : i32 to index
        %swap3A_441 = arith.constant 0 : index
        %swap3A_442 = tpu.vector_load %arg24[%swap3A, %swap3A_441] {strides = array<i32>} : memref<128x64xf32, #tpu.memory_space<vmem>>, vector<1x16xf32>,
        %swap3A_443 = vector.shape_cast %swap3A_442 : vector<1x16xf32> to vector<16xf32>
        %swap3A_444 = vector.shape_cast %mul3A_440 : vector<16xf32> to vector<1x16xf32>
        tpu.vector_store %arg24[%swap3A, %swap3A_441], %swap3A_444 {strides = array<i32>} : memref<128x64xf32, #tpu.memory_space<vmem>>, vector<1x16xf32>,
        %get3A_445 = arith.index_cast %add3A_430 : i32 to index
        %get3A_446 = arith.constant 16 : index
        %get3A_447 = tpu.vector_load %arg22[%get3A_445, %get3A_446] {strides = array<i32>} : memref<128x64xf32, #tpu.memory_space<vmem>>, vector<1x16xf32>,
        %get3A_448 = vector.shape_cast %get3A_447 : vector<1x16xf32> to vector<16xf32>
        %mul3A_449 = arith.mulf %get3A_448, %gather3A_435 : vector<16xf32>
        %swap3A_450 = arith.index_cast %add3A_430 : i32 to index
        %swap3A_451 = arith.constant 16 : index
        %swap3A_452 = tpu.vector_load %arg24[%swap3A_450, %swap3A_451] {strides = array<i32>} : memref<128x64xf32, #tpu.memory_space<vmem>>, vector<1x16xf32>,
        %swap3A_453 = vector.shape_cast %swap3A_452 : vector<1x16xf32> to vector<16xf32>
        %swap3A_454 = vector.shape_cast %mul3A_449 : vector<16xf32> to vector<1x16xf32>
        tpu.vector_store %arg24[%swap3A_450, %swap3A_451], %swap3A_454 {strides = array<i32>} : memref<128x64xf32, #tpu.memory_space<vmem>>, vector<1x16xf32>,
        %get3A_455 = arith.index_cast %add3A_430 : i32 to index
        %get3A_456 = arith.constant 32 : index
        %get3A_457 = tpu.vector_load %arg22[%get3A_455, %get3A_456] {strides = array<i32>} : memref<128x64xf32, #tpu.memory_space<vmem>>, vector<1x16xf32>,
        %get3A_458 = vector.shape_cast %get3A_457 : vector<1x16xf32> to vector<16xf32>
        %mul3A_459 = arith.mulf %get3A_458, %gather3A_435 : vector<16xf32>
        %swap3A_460 = arith.index_cast %add3A_430 : i32 to index
        %swap3A_461 = arith.constant 32 : index
        %swap3A_462 = tpu.vector_load %arg24[%swap3A_460, %swap3A_461] {strides = array<i32>} : memref<128x64xf32, #tpu.memory_space<vmem>>, vector<1x16xf32>,
        %swap3A_463 = vector.shape_cast %swap3A_462 : vector<1x16xf32> to vector<16xf32>
        %swap3A_464 = vector.shape_cast %mul3A_459 : vector<16xf32> to vector<1x16xf32>
        tpu.vector_store %arg24[%swap3A_460, %swap3A_461], %swap3A_464 {strides = array<i32>} : memref<128x64xf32, #tpu.memory_space<vmem>>, vector<1x16xf32>,
        %get3A_465 = arith.index_cast %add3A_430 : i32 to index
        %get3A_466 = arith.constant 48 : index
        %get3A_467 = tpu.vector_load %arg22[%get3A_465, %get3A_466] {strides = array<i32>} : memref<128x64xf32, #tpu.memory_space<vmem>>, vector<1x16xf32>,
        %get3A_468 = vector.shape_cast %get3A_467 : vector<1x16xf32> to vector<16xf32>
        %mul3A_469 = arith.mulf %get3A_468, %gather3A_435 : vector<16xf32>
        %swap3A_470 = arith.index_cast %add3A_430 : i32 to index
        %swap3A_471 = arith.constant 48 : index
        %swap3A_472 = tpu.vector_load %arg24[%swap3A_470, %swap3A_471] {strides = array<i32>} : memref<128x64xf32, #tpu.memory_space<vmem>>, vector<1x16xf32>,
        %swap3A_473 = vector.shape_cast %swap3A_472 : vector<1x16xf32> to vector<16xf32>
        %swap3A_474 = vector.shape_cast %mul3A_469 : vector<16xf32> to vector<1x16xf32>
        tpu.vector_store %arg24[%swap3A_470, %swap3A_471], %swap3A_474 {strides = array<i32>} : memref<128x64xf32, #tpu.memory_space<vmem>>, vector<1x16xf32>,
      }
      %scan3A_349 = arith.constant 128 : i32
      %dma_start3A_350 = arith.constant 0 : i32
      %dma_start3A_351 = tpu.memref_slice %arg13[%mul3A_299, %dma_start3A_350] : memref<80x128xi32, #tpu.memory_space<vmem>> -> memref<1x128xi32, #tpu.memory_space<vmem>>
      %dma_start3A_352 = tpu.memref_squeeze %dma_start3A_351 : memref<1x128xi32, #tpu.memory_space<vmem>> -> memref<128xi32, #tpu.memory_space<vmem>>
      %dma_start3A_353 = arith.constant 0 : i32
      %dma_start3A_354 = arith.constant 0 : i32
      %dma_start3A_355 = tpu.memref_slice %arg26[%dma_start3A_353, %dma_start3A_354] : memref<10240x64xf32, #tpu.memory_space<vmem_shared>> -> memref<10240x64xf32, #tpu.memory_space<vmem_shared>>
      tpu.enqueue_indirect_dma source(%arg24 : memref<128x64xf32, #tpu.memory_space<vmem>>) target(%dma_start3A_355 : memref<10240x64xf32, #tpu.memory_space<vmem_shared>>) offsets(%dma_start3A_352 : memref<128xi32, #tpu.memory_space<vmem>>) semaphore(%arg36 : memref<!tpu.dma_semaphore, #tpu.memory_space<semaphore_mem>>) {add = true}
      %lt3A = arith.constant 39 : i32
      %lt3A_356 = arith.cmpi slt, %add3A_297, %lt3A : i32
      %convert_element_type3A_357 = arith.extui %lt3A_356 : i1 to i32
      %cond3A_358 = arith.constant 0 : i32
      %cond3A_359 = arith.cmpi ne, %convert_element_type3A_357, %cond3A_358 : i32
      scf.if %cond3A_359 {
        %add3A_426 = arith.constant 2 : i32
        %add3A_427 = arith.addi %mul3A_299, %add3A_426 : i32
        %dma_start3A_428 = arith.constant 0 : i32
        %dma_start3A_429 = tpu.memref_slice %arg12[%add3A_427, %dma_start3A_428] : memref<80x128xi32, #tpu.memory_space<vmem>> -> memref<1x128xi32, #tpu.memory_space<vmem>>
        %dma_start3A_430 = tpu.memref_squeeze %dma_start3A_429 : memref<1x128xi32, #tpu.memory_space<vmem>> -> memref<128xi32, #tpu.memory_space<vmem>>
        %dma_start3A_431 = arith.constant 0 : i32
        %dma_start3A_432 = arith.constant 0 : i32
        %dma_start3A_433 = tpu.memref_slice %arg4[%dma_start3A_431, %dma_start3A_432] : memref<10000x16xf32, #tpu.memory_space<hbm>> -> memref<10000x16xf32, #tpu.memory_space<hbm>>
        tpu.enqueue_indirect_dma source(%dma_start3A_433 : memref<10000x16xf32, #tpu.memory_space<hbm>>) target(%arg14 : memref<128x16xf32, #tpu.memory_space<vmem>>) offsets(%dma_start3A_430 : memref<128xi32, #tpu.memory_space<vmem>>) semaphore(%arg28 : memref<!tpu.dma_semaphore, #tpu.memory_space<semaphore_mem>>)
        %dma_start3A_434 = arith.constant 0 : i32
        %dma_start3A_435 = tpu.memref_slice %arg13[%add3A_427, %dma_start3A_434] : memref<80x128xi32, #tpu.memory_space<vmem>> -> memref<1x128xi32, #tpu.memory_space<vmem>>
        %dma_start3A_436 = tpu.memref_squeeze %dma_start3A_435 : memref<1x128xi32, #tpu.memory_space<vmem>> -> memref<128xi32, #tpu.memory_space<vmem>>
        %dma_start3A_437 = arith.constant 0 : i32
        %dma_start3A_438 = arith.constant 0 : i32
        %dma_start3A_439 = tpu.memref_slice %arg5[%dma_start3A_437, %dma_start3A_438] : memref<10000x16xf32, #tpu.memory_space<hbm>> -> memref<10000x16xf32, #tpu.memory_space<hbm>>
        tpu.enqueue_indirect_dma source(%dma_start3A_439 : memref<10000x16xf32, #tpu.memory_space<hbm>>) target(%arg16 : memref<128x16xf32, #tpu.memory_space<vmem>>) offsets(%dma_start3A_436 : memref<128xi32, #tpu.memory_space<vmem>>) semaphore(%arg30 : memref<!tpu.dma_semaphore, #tpu.memory_space<semaphore_mem>>)
        %scan3A_440 = arith.constant 0 : i32
        %scan3A_441 = arith.constant 8 : i32
        %scan3A_442 = arith.addi %scan3A_440, %scan3A_441 : i32
        %scan3A_443 = arith.constant 1 : i32
        scf.for %scan3A_448 = %scan3A_440 to %scan3A_442 step %scan3A_443  : i32 {
          %mul3A_449 = arith.constant 1 : i32
          %mul3A_450 = arith.muli %scan3A_448, %mul3A_449 : i32
          %add3A_451 = arith.constant 0 : i32
          %add3A_452 = arith.addi %add3A_451, %mul3A_450 : i32
          %mul3A_453 = arith.constant 16 : i32
          %mul3A_454 = arith.muli %add3A_452, %mul3A_453 : i32
          %get3A = arith.index_cast %add3A_427 : i32 to index
          %get3A_455 = arith.index_cast %mul3A_454 : i32 to index
          %get3A_456 = tpu.vector_load %arg12[%get3A, %get3A_455] {strides = array<i32>} : memref<80x128xi32, #tpu.memory_space<vmem>>, vector<1x16xi32>,
          %get3A_457 = vector.shape_cast %get3A_456 : vector<1x16xi32> to vector<16xi32>
          %mul3A_458 = arith.constant 8 : i32
          %mul3A_459 = vector.broadcast %mul3A_458 : i32 to vector<16xi32>
          %mul3A_460 = arith.muli %get3A_457, %mul3A_459 : vector<16xi32>
          %add3A_461 = vector.broadcast %add3A_5 : i32 to vector<16xi32>
          %add3A_462 = arith.addi %mul3A_460, %add3A_461 : vector<16xi32>
          %mul3A_463 = arith.constant 16 : i32
          %mul3A_464 = arith.muli %add3A_452, %mul3A_463 : i32
          %swap3A = arith.index_cast %mul3A_464 : i32 to index
          %swap3A_465 = tpu.vector_load %arg20[%swap3A] {strides = array<i32>} : memref<128xi32, #tpu.memory_space<vmem>>, vector<16xi32>,
          %swap3A_466 = vector.shape_cast %swap3A_465 : vector<16xi32> to vector<16xi32>
          %swap3A_467 = vector.shape_cast %add3A_462 : vector<16xi32> to vector<16xi32>
          tpu.vector_store %arg20[%swap3A], %swap3A_467 {strides = array<i32>} : memref<128xi32, #tpu.memory_space<vmem>>, vector<16xi32>,
        }
        %scan3A_444 = arith.constant 8 : i32
        %dma_start3A_445 = arith.constant 0 : i32
        %dma_start3A_446 = arith.constant 0 : i32
        %dma_start3A_447 = tpu.memref_slice %arg6[%dma_start3A_445, %dma_start3A_446] : memref<80000x64xf32, #tpu.memory_space<hbm>> -> memref<80000x64xf32, #tpu.memory_space<hbm>>
        tpu.enqueue_indirect_dma source(%dma_start3A_447 : memref<80000x64xf32, #tpu.memory_space<hbm>>) target(%arg22 : memref<128x64xf32, #tpu.memory_space<vmem>>) offsets(%arg20 : memref<128xi32, #tpu.memory_space<vmem>>) semaphore(%arg34 : memref<!tpu.dma_semaphore, #tpu.memory_space<semaphore_mem>>)
      } else {
      }
      %mul3A_360 = arith.constant 2 : i32
      %mul3A_361 = arith.muli %mul3A_360, %add3A_297 : i32
      %add3A_362 = arith.constant 1 : i32
      %add3A_363 = arith.addi %mul3A_361, %add3A_362 : i32
      %dma_wait3A_364 = arith.constant 0 : i32
      %dma_wait3A_365 = arith.constant 0 : i32
      %dma_wait3A_366 = tpu.memref_slice %arg4[%dma_wait3A_364, %dma_wait3A_365] : memref<10000x16xf32, #tpu.memory_space<hbm>> -> memref<128x16xf32, #tpu.memory_space<hbm>>
      %dma_wait3A_367 = arith.constant 0 : i32
      %dma_wait3A_368 = arith.constant 0 : i32
      %dma_wait3A_369 = tpu.memref_slice %arg4[%dma_wait3A_367, %dma_wait3A_368] : memref<10000x16xf32, #tpu.memory_space<hbm>> -> memref<128x16xf32, #tpu.memory_space<hbm>>
      tpu.wait_dma2 semaphore(%arg29 : memref<!tpu.dma_semaphore, #tpu.memory_space<semaphore_mem>>) src(%dma_wait3A_369 : memref<128x16xf32, #tpu.memory_space<hbm>>) dst(%arg15 : memref<128x16xf32, #tpu.memory_space<vmem>>)
      %dma_wait3A_370 = arith.constant 0 : i32
      %dma_wait3A_371 = arith.constant 0 : i32
      %dma_wait3A_372 = tpu.memref_slice %arg5[%dma_wait3A_370, %dma_wait3A_371] : memref<10000x16xf32, #tpu.memory_space<hbm>> -> memref<128x16xf32, #tpu.memory_space<hbm>>
      %dma_wait3A_373 = arith.constant 0 : i32
      %dma_wait3A_374 = arith.constant 0 : i32
      %dma_wait3A_375 = tpu.memref_slice %arg5[%dma_wait3A_373, %dma_wait3A_374] : memref<10000x16xf32, #tpu.memory_space<hbm>> -> memref<128x16xf32, #tpu.memory_space<hbm>>
      tpu.wait_dma2 semaphore(%arg31 : memref<!tpu.dma_semaphore, #tpu.memory_space<semaphore_mem>>) src(%dma_wait3A_375 : memref<128x16xf32, #tpu.memory_space<hbm>>) dst(%arg17 : memref<128x16xf32, #tpu.memory_space<vmem>>)
      %gt3A_376 = arith.constant 0 : i32
      %gt3A_377 = arith.cmpi sgt, %add3A_297, %gt3A_376 : i32
      %convert_element_type3A_378 = arith.extui %gt3A_377 : i1 to i32
      %cond3A_379 = arith.constant 0 : i32
      %cond3A_380 = arith.cmpi ne, %convert_element_type3A_378, %cond3A_379 : i32
      scf.if %cond3A_380 {
        %dma_wait3A_426 = arith.constant 0 : i32
        %dma_wait3A_427 = arith.constant 0 : i32
        %dma_wait3A_428 = tpu.memref_slice %arg4[%dma_wait3A_426, %dma_wait3A_427] : memref<10000x16xf32, #tpu.memory_space<hbm>> -> memref<128x16xf32, #tpu.memory_space<hbm>>
        %dma_wait3A_429 = arith.constant 0 : i32
        %dma_wait3A_430 = arith.constant 0 : i32
        %dma_wait3A_431 = tpu.memref_slice %arg4[%dma_wait3A_429, %dma_wait3A_430] : memref<10000x16xf32, #tpu.memory_space<hbm>> -> memref<128x16xf32, #tpu.memory_space<hbm>>
        tpu.wait_dma2 semaphore(%arg33 : memref<!tpu.dma_semaphore, #tpu.memory_space<semaphore_mem>>) src(%dma_wait3A_431 : memref<128x16xf32, #tpu.memory_space<hbm>>) dst(%arg19 : memref<128x16xf32, #tpu.memory_space<vmem>>)
        %dma_wait3A_432 = arith.constant 0 : i32
        %dma_wait3A_433 = arith.constant 0 : i32
        %dma_wait3A_434 = tpu.memref_slice %arg4[%dma_wait3A_432, %dma_wait3A_433] : memref<10000x16xf32, #tpu.memory_space<hbm>> -> memref<128x16xf32, #tpu.memory_space<hbm>>
        %dma_wait3A_435 = arith.constant 0 : i32
        %dma_wait3A_436 = arith.constant 0 : i32
        %dma_wait3A_437 = tpu.memref_slice %arg4[%dma_wait3A_435, %dma_wait3A_436] : memref<10000x16xf32, #tpu.memory_space<hbm>> -> memref<128x16xf32, #tpu.memory_space<hbm>>
        tpu.wait_dma2 semaphore(%arg39 : memref<!tpu.dma_semaphore, #tpu.memory_space<semaphore_mem>>) src(%dma_wait3A_437 : memref<128x16xf32, #tpu.memory_space<hbm>>) dst(%arg19 : memref<128x16xf32, #tpu.memory_space<vmem>>)
      } else {
      }
      %gt3A_381 = arith.constant 0 : i32
      %gt3A_382 = arith.cmpi sgt, %add3A_297, %gt3A_381 : i32
      %convert_element_type3A_383 = arith.extui %gt3A_382 : i1 to i32
      %cond3A_384 = arith.constant 0 : i32
      %cond3A_385 = arith.cmpi ne, %convert_element_type3A_383, %cond3A_384 : i32
      scf.if %cond3A_385 {
        %dma_wait3A_426 = arith.constant 0 : i32
        %dma_wait3A_427 = arith.constant 0 : i32
        %dma_wait3A_428 = tpu.memref_slice %arg6[%dma_wait3A_426, %dma_wait3A_427] : memref<80000x64xf32, #tpu.memory_space<hbm>> -> memref<128x64xf32, #tpu.memory_space<hbm>>
        %dma_wait3A_429 = arith.constant 0 : i32
        %dma_wait3A_430 = arith.constant 0 : i32
        %dma_wait3A_431 = tpu.memref_slice %arg6[%dma_wait3A_429, %dma_wait3A_430] : memref<80000x64xf32, #tpu.memory_space<hbm>> -> memref<128x64xf32, #tpu.memory_space<hbm>>
        tpu.wait_dma2 semaphore(%arg37 : memref<!tpu.dma_semaphore, #tpu.memory_space<semaphore_mem>>) src(%dma_wait3A_431 : memref<128x64xf32, #tpu.memory_space<hbm>>) dst(%arg25 : memref<128x64xf32, #tpu.memory_space<vmem>>)
      } else {
      }
      %scan3A_386 = arith.constant 0 : i32
      %scan3A_387 = arith.constant 128 : i32
      %scan3A_388 = arith.addi %scan3A_386, %scan3A_387 : i32
      %scan3A_389 = arith.constant 1 : i32
      scf.for %scan3A_426 = %scan3A_386 to %scan3A_388 step %scan3A_389  : i32 {
        %mul3A_427 = arith.constant 1 : i32
        %mul3A_428 = arith.muli %scan3A_426, %mul3A_427 : i32
        %add3A_429 = arith.constant 0 : i32
        %add3A_430 = arith.addi %add3A_429, %mul3A_428 : i32
        %get3A = arith.index_cast %add3A_430 : i32 to index
        %get3A_431 = arith.constant 0 : index
        %get3A_432 = tpu.vector_load %arg15[%get3A, %get3A_431] {strides = array<i32>} : memref<128x16xf32, #tpu.memory_space<vmem>>, vector<1x16xf32>,
        %get3A_433 = vector.shape_cast %get3A_432 : vector<1x16xf32> to vector<16xf32>
        %get3A_434 = arith.index_cast %add3A_430 : i32 to index
        %get3A_435 = arith.constant 0 : index
        %get3A_436 = tpu.vector_load %arg17[%get3A_434, %get3A_435] {strides = array<i32>} : memref<128x16xf32, #tpu.memory_space<vmem>>, vector<1x16xf32>,
        %get3A_437 = vector.shape_cast %get3A_436 : vector<1x16xf32> to vector<16xf32>
        %add3A_438 = arith.addf %get3A_433, %get3A_437 : vector<16xf32>
        %mul3A_439 = arith.constant 2.000000e-01 : f32
        %mul3A_440 = vector.broadcast %mul3A_439 : f32 to vector<16xf32>
        %mul3A_441 = arith.mulf %mul3A_440, %add3A_438 : vector<16xf32>
        %max3A = arith.maximumf %add3A_438, %mul3A_441 : vector<16xf32>
        %exp3A = math.exp %max3A : vector<16xf32>
        %swap3A = arith.index_cast %add3A_430 : i32 to index
        %swap3A_442 = arith.constant 0 : index
        %swap3A_443 = tpu.vector_load %arg19[%swap3A, %swap3A_442] {strides = array<i32>} : memref<128x16xf32, #tpu.memory_space<vmem>>, vector<1x16xf32>,
        %swap3A_444 = vector.shape_cast %swap3A_443 : vector<1x16xf32> to vector<16xf32>
        %swap3A_445 = vector.shape_cast %exp3A : vector<16xf32> to vector<1x16xf32>
        tpu.vector_store %arg19[%swap3A, %swap3A_442], %swap3A_445 {strides = array<i32>} : memref<128x16xf32, #tpu.memory_space<vmem>>, vector<1x16xf32>,
      }
      %scan3A_390 = arith.constant 128 : i32
      %dma_start3A_391 = arith.constant 0 : i32
      %dma_start3A_392 = tpu.memref_slice %arg13[%add3A_363, %dma_start3A_391] : memref<80x128xi32, #tpu.memory_space<vmem>> -> memref<1x128xi32, #tpu.memory_space<vmem>>
      %dma_start3A_393 = tpu.memref_squeeze %dma_start3A_392 : memref<1x128xi32, #tpu.memory_space<vmem>> -> memref<128xi32, #tpu.memory_space<vmem>>
      %dma_start3A_394 = arith.constant 0 : i32
      %dma_start3A_395 = arith.constant 0 : i32
      %dma_start3A_396 = tpu.memref_slice %arg27[%dma_start3A_394, %dma_start3A_395] : memref<10240x16xf32, #tpu.memory_space<vmem_shared>> -> memref<10240x16xf32, #tpu.memory_space<vmem_shared>>
      tpu.enqueue_indirect_dma source(%arg19 : memref<128x16xf32, #tpu.memory_space<vmem>>) target(%dma_start3A_396 : memref<10240x16xf32, #tpu.memory_space<vmem_shared>>) offsets(%dma_start3A_393 : memref<128xi32, #tpu.memory_space<vmem>>) semaphore(%arg33 : memref<!tpu.dma_semaphore, #tpu.memory_space<semaphore_mem>>) {add = true}
      %mul3A_397 = arith.constant 128 : i32
      %mul3A_398 = arith.muli %add3A_363, %mul3A_397 : i32
      %add3A_399 = arith.addi %add3A_10, %mul3A_398 : i32
      %dma_start3A_400 = arith.constant 0 : i32
      %dma_start3A_401 = tpu.memref_slice %arg11[%add3A_399, %dma_start3A_400] : memref<327680x16xf32, #tpu.memory_space<hbm>> -> memref<128x16xf32, #tpu.memory_space<hbm>>
      %dma_start3A_402 = arith.constant 0 : i32
      %dma_start3A_403 = tpu.memref_slice %arg11[%add3A_399, %dma_start3A_402] : memref<327680x16xf32, #tpu.memory_space<hbm>> -> memref<128x16xf32, #tpu.memory_space<hbm>>
      tpu.enqueue_dma source(%arg19 : memref<128x16xf32, #tpu.memory_space<vmem>>) target(%dma_start3A_403 : memref<128x16xf32, #tpu.memory_space<hbm>>) target_semaphore(%arg39 : memref<!tpu.dma_semaphore, #tpu.memory_space<semaphore_mem>>)
      %dma_wait3A_404 = arith.constant 0 : i32
      %dma_wait3A_405 = arith.constant 0 : i32
      %dma_wait3A_406 = tpu.memref_slice %arg6[%dma_wait3A_404, %dma_wait3A_405] : memref<80000x64xf32, #tpu.memory_space<hbm>> -> memref<128x64xf32, #tpu.memory_space<hbm>>
      %dma_wait3A_407 = arith.constant 0 : i32
      %dma_wait3A_408 = arith.constant 0 : i32
      %dma_wait3A_409 = tpu.memref_slice %arg6[%dma_wait3A_407, %dma_wait3A_408] : memref<80000x64xf32, #tpu.memory_space<hbm>> -> memref<128x64xf32, #tpu.memory_space<hbm>>
      tpu.wait_dma2 semaphore(%arg35 : memref<!tpu.dma_semaphore, #tpu.memory_space<semaphore_mem>>) src(%dma_wait3A_409 : memref<128x64xf32, #tpu.memory_space<hbm>>) dst(%arg23 : memref<128x64xf32, #tpu.memory_space<vmem>>)
      %scan3A_410 = arith.constant 0 : i32
      %scan3A_411 = arith.constant 128 : i32
      %scan3A_412 = arith.addi %scan3A_410, %scan3A_411 : i32
      %scan3A_413 = arith.constant 1 : i32
      scf.for %scan3A_426 = %scan3A_410 to %scan3A_412 step %scan3A_413  : i32 {
        %mul3A_427 = arith.constant 1 : i32
        %mul3A_428 = arith.muli %scan3A_426, %mul3A_427 : i32
        %add3A_429 = arith.constant 0 : i32
        %add3A_430 = arith.addi %add3A_429, %mul3A_428 : i32
        %get3A = arith.index_cast %add3A_430 : i32 to index
        %get3A_431 = arith.constant 0 : index
        %get3A_432 = tpu.vector_load %arg19[%get3A, %get3A_431] {strides = array<i32>} : memref<128x16xf32, #tpu.memory_space<vmem>>, vector<1x16xf32>,
        %get3A_433 = vector.shape_cast %get3A_432 : vector<1x16xf32> to vector<16xf32>
        %broadcast_in_dim3A_434 = vector.shape_cast %broadcast_in_dim3A : vector<16xi32> to vector<16x1xi32>
        %gather3A = vector.shape_cast %broadcast_in_dim3A_434 : vector<16x1xi32> to vector<16xi32>
        %gather3A_435 = tpu.dynamic_gather %get3A_433[%gather3A] in [0] : vector<16xf32>, vector<16xi32> -> vector<16xf32>
        %get3A_436 = arith.index_cast %add3A_430 : i32 to index
        %get3A_437 = arith.constant 0 : index
        %get3A_438 = tpu.vector_load %arg23[%get3A_436, %get3A_437] {strides = array<i32>} : memref<128x64xf32, #tpu.memory_space<vmem>>, vector<1x16xf32>,
        %get3A_439 = vector.shape_cast %get3A_438 : vector<1x16xf32> to vector<16xf32>
        %mul3A_440 = arith.mulf %get3A_439, %gather3A_435 : vector<16xf32>
        %swap3A = arith.index_cast %add3A_430 : i32 to index
        %swap3A_441 = arith.constant 0 : index
        %swap3A_442 = tpu.vector_load %arg25[%swap3A, %swap3A_441] {strides = array<i32>} : memref<128x64xf32, #tpu.memory_space<vmem>>, vector<1x16xf32>,
        %swap3A_443 = vector.shape_cast %swap3A_442 : vector<1x16xf32> to vector<16xf32>
        %swap3A_444 = vector.shape_cast %mul3A_440 : vector<16xf32> to vector<1x16xf32>
        tpu.vector_store %arg25[%swap3A, %swap3A_441], %swap3A_444 {strides = array<i32>} : memref<128x64xf32, #tpu.memory_space<vmem>>, vector<1x16xf32>,
        %get3A_445 = arith.index_cast %add3A_430 : i32 to index
        %get3A_446 = arith.constant 16 : index
        %get3A_447 = tpu.vector_load %arg23[%get3A_445, %get3A_446] {strides = array<i32>} : memref<128x64xf32, #tpu.memory_space<vmem>>, vector<1x16xf32>,
        %get3A_448 = vector.shape_cast %get3A_447 : vector<1x16xf32> to vector<16xf32>
        %mul3A_449 = arith.mulf %get3A_448, %gather3A_435 : vector<16xf32>
        %swap3A_450 = arith.index_cast %add3A_430 : i32 to index
        %swap3A_451 = arith.constant 16 : index
        %swap3A_452 = tpu.vector_load %arg25[%swap3A_450, %swap3A_451] {strides = array<i32>} : memref<128x64xf32, #tpu.memory_space<vmem>>, vector<1x16xf32>,
        %swap3A_453 = vector.shape_cast %swap3A_452 : vector<1x16xf32> to vector<16xf32>
        %swap3A_454 = vector.shape_cast %mul3A_449 : vector<16xf32> to vector<1x16xf32>
        tpu.vector_store %arg25[%swap3A_450, %swap3A_451], %swap3A_454 {strides = array<i32>} : memref<128x64xf32, #tpu.memory_space<vmem>>, vector<1x16xf32>,
        %get3A_455 = arith.index_cast %add3A_430 : i32 to index
        %get3A_456 = arith.constant 32 : index
        %get3A_457 = tpu.vector_load %arg23[%get3A_455, %get3A_456] {strides = array<i32>} : memref<128x64xf32, #tpu.memory_space<vmem>>, vector<1x16xf32>,
        %get3A_458 = vector.shape_cast %get3A_457 : vector<1x16xf32> to vector<16xf32>
        %mul3A_459 = arith.mulf %get3A_458, %gather3A_435 : vector<16xf32>
        %swap3A_460 = arith.index_cast %add3A_430 : i32 to index
        %swap3A_461 = arith.constant 32 : index
        %swap3A_462 = tpu.vector_load %arg25[%swap3A_460, %swap3A_461] {strides = array<i32>} : memref<128x64xf32, #tpu.memory_space<vmem>>, vector<1x16xf32>,
        %swap3A_463 = vector.shape_cast %swap3A_462 : vector<1x16xf32> to vector<16xf32>
        %swap3A_464 = vector.shape_cast %mul3A_459 : vector<16xf32> to vector<1x16xf32>
        tpu.vector_store %arg25[%swap3A_460, %swap3A_461], %swap3A_464 {strides = array<i32>} : memref<128x64xf32, #tpu.memory_space<vmem>>, vector<1x16xf32>,
        %get3A_465 = arith.index_cast %add3A_430 : i32 to index
        %get3A_466 = arith.constant 48 : index
        %get3A_467 = tpu.vector_load %arg23[%get3A_465, %get3A_466] {strides = array<i32>} : memref<128x64xf32, #tpu.memory_space<vmem>>, vector<1x16xf32>,
        %get3A_468 = vector.shape_cast %get3A_467 : vector<1x16xf32> to vector<16xf32>
        %mul3A_469 = arith.mulf %get3A_468, %gather3A_435 : vector<16xf32>
        %swap3A_470 = arith.index_cast %add3A_430 : i32 to index
        %swap3A_471 = arith.constant 48 : index
        %swap3A_472 = tpu.vector_load %arg25[%swap3A_470, %swap3A_471] {strides = array<i32>} : memref<128x64xf32, #tpu.memory_space<vmem>>, vector<1x16xf32>,
        %swap3A_473 = vector.shape_cast %swap3A_472 : vector<1x16xf32> to vector<16xf32>
        %swap3A_474 = vector.shape_cast %mul3A_469 : vector<16xf32> to vector<1x16xf32>
        tpu.vector_store %arg25[%swap3A_470, %swap3A_471], %swap3A_474 {strides = array<i32>} : memref<128x64xf32, #tpu.memory_space<vmem>>, vector<1x16xf32>,
      }
      %scan3A_414 = arith.constant 128 : i32
      %dma_start3A_415 = arith.constant 0 : i32
      %dma_start3A_416 = tpu.memref_slice %arg13[%add3A_363, %dma_start3A_415] : memref<80x128xi32, #tpu.memory_space<vmem>> -> memref<1x128xi32, #tpu.memory_space<vmem>>
      %dma_start3A_417 = tpu.memref_squeeze %dma_start3A_416 : memref<1x128xi32, #tpu.memory_space<vmem>> -> memref<128xi32, #tpu.memory_space<vmem>>
      %dma_start3A_418 = arith.constant 0 : i32
      %dma_start3A_419 = arith.constant 0 : i32
      %dma_start3A_420 = tpu.memref_slice %arg26[%dma_start3A_418, %dma_start3A_419] : memref<10240x64xf32, #tpu.memory_space<vmem_shared>> -> memref<10240x64xf32, #tpu.memory_space<vmem_shared>>
      tpu.enqueue_indirect_dma source(%arg25 : memref<128x64xf32, #tpu.memory_space<vmem>>) target(%dma_start3A_420 : memref<10240x64xf32, #tpu.memory_space<vmem_shared>>) offsets(%dma_start3A_417 : memref<128xi32, #tpu.memory_space<vmem>>) semaphore(%arg37 : memref<!tpu.dma_semaphore, #tpu.memory_space<semaphore_mem>>) {add = true}
      %lt3A_421 = arith.constant 39 : i32
      %lt3A_422 = arith.cmpi slt, %add3A_297, %lt3A_421 : i32
      %convert_element_type3A_423 = arith.extui %lt3A_422 : i1 to i32
      %cond3A_424 = arith.constant 0 : i32
      %cond3A_425 = arith.cmpi ne, %convert_element_type3A_423, %cond3A_424 : i32
      scf.if %cond3A_425 {
        %add3A_426 = arith.constant 2 : i32
        %add3A_427 = arith.addi %add3A_363, %add3A_426 : i32
        %dma_start3A_428 = arith.constant 0 : i32
        %dma_start3A_429 = tpu.memref_slice %arg12[%add3A_427, %dma_start3A_428] : memref<80x128xi32, #tpu.memory_space<vmem>> -> memref<1x128xi32, #tpu.memory_space<vmem>>
        %dma_start3A_430 = tpu.memref_squeeze %dma_start3A_429 : memref<1x128xi32, #tpu.memory_space<vmem>> -> memref<128xi32, #tpu.memory_space<vmem>>
        %dma_start3A_431 = arith.constant 0 : i32
        %dma_start3A_432 = arith.constant 0 : i32
        %dma_start3A_433 = tpu.memref_slice %arg4[%dma_start3A_431, %dma_start3A_432] : memref<10000x16xf32, #tpu.memory_space<hbm>> -> memref<10000x16xf32, #tpu.memory_space<hbm>>
        tpu.enqueue_indirect_dma source(%dma_start3A_433 : memref<10000x16xf32, #tpu.memory_space<hbm>>) target(%arg15 : memref<128x16xf32, #tpu.memory_space<vmem>>) offsets(%dma_start3A_430 : memref<128xi32, #tpu.memory_space<vmem>>) semaphore(%arg29 : memref<!tpu.dma_semaphore, #tpu.memory_space<semaphore_mem>>)
        %dma_start3A_434 = arith.constant 0 : i32
        %dma_start3A_435 = tpu.memref_slice %arg13[%add3A_427, %dma_start3A_434] : memref<80x128xi32, #tpu.memory_space<vmem>> -> memref<1x128xi32, #tpu.memory_space<vmem>>
        %dma_start3A_436 = tpu.memref_squeeze %dma_start3A_435 : memref<1x128xi32, #tpu.memory_space<vmem>> -> memref<128xi32, #tpu.memory_space<vmem>>
        %dma_start3A_437 = arith.constant 0 : i32
        %dma_start3A_438 = arith.constant 0 : i32
        %dma_start3A_439 = tpu.memref_slice %arg5[%dma_start3A_437, %dma_start3A_438] : memref<10000x16xf32, #tpu.memory_space<hbm>> -> memref<10000x16xf32, #tpu.memory_space<hbm>>
        tpu.enqueue_indirect_dma source(%dma_start3A_439 : memref<10000x16xf32, #tpu.memory_space<hbm>>) target(%arg17 : memref<128x16xf32, #tpu.memory_space<vmem>>) offsets(%dma_start3A_436 : memref<128xi32, #tpu.memory_space<vmem>>) semaphore(%arg31 : memref<!tpu.dma_semaphore, #tpu.memory_space<semaphore_mem>>)
        %scan3A_440 = arith.constant 0 : i32
        %scan3A_441 = arith.constant 8 : i32
        %scan3A_442 = arith.addi %scan3A_440, %scan3A_441 : i32
        %scan3A_443 = arith.constant 1 : i32
        scf.for %scan3A_448 = %scan3A_440 to %scan3A_442 step %scan3A_443  : i32 {
          %mul3A_449 = arith.constant 1 : i32
          %mul3A_450 = arith.muli %scan3A_448, %mul3A_449 : i32
          %add3A_451 = arith.constant 0 : i32
          %add3A_452 = arith.addi %add3A_451, %mul3A_450 : i32
          %mul3A_453 = arith.constant 16 : i32
          %mul3A_454 = arith.muli %add3A_452, %mul3A_453 : i32
          %get3A = arith.index_cast %add3A_427 : i32 to index
          %get3A_455 = arith.index_cast %mul3A_454 : i32 to index
          %get3A_456 = tpu.vector_load %arg12[%get3A, %get3A_455] {strides = array<i32>} : memref<80x128xi32, #tpu.memory_space<vmem>>, vector<1x16xi32>,
          %get3A_457 = vector.shape_cast %get3A_456 : vector<1x16xi32> to vector<16xi32>
          %mul3A_458 = arith.constant 8 : i32
          %mul3A_459 = vector.broadcast %mul3A_458 : i32 to vector<16xi32>
          %mul3A_460 = arith.muli %get3A_457, %mul3A_459 : vector<16xi32>
          %add3A_461 = vector.broadcast %add3A_5 : i32 to vector<16xi32>
          %add3A_462 = arith.addi %mul3A_460, %add3A_461 : vector<16xi32>
          %mul3A_463 = arith.constant 16 : i32
          %mul3A_464 = arith.muli %add3A_452, %mul3A_463 : i32
          %swap3A = arith.index_cast %mul3A_464 : i32 to index
          %swap3A_465 = tpu.vector_load %arg21[%swap3A] {strides = array<i32>} : memref<128xi32, #tpu.memory_space<vmem>>, vector<16xi32>,
          %swap3A_466 = vector.shape_cast %swap3A_465 : vector<16xi32> to vector<16xi32>
          %swap3A_467 = vector.shape_cast %add3A_462 : vector<16xi32> to vector<16xi32>
          tpu.vector_store %arg21[%swap3A], %swap3A_467 {strides = array<i32>} : memref<128xi32, #tpu.memory_space<vmem>>, vector<16xi32>,
        }
        %scan3A_444 = arith.constant 8 : i32
        %dma_start3A_445 = arith.constant 0 : i32
        %dma_start3A_446 = arith.constant 0 : i32
        %dma_start3A_447 = tpu.memref_slice %arg6[%dma_start3A_445, %dma_start3A_446] : memref<80000x64xf32, #tpu.memory_space<hbm>> -> memref<80000x64xf32, #tpu.memory_space<hbm>>
        tpu.enqueue_indirect_dma source(%dma_start3A_447 : memref<80000x64xf32, #tpu.memory_space<hbm>>) target(%arg23 : memref<128x64xf32, #tpu.memory_space<vmem>>) offsets(%arg21 : memref<128xi32, #tpu.memory_space<vmem>>) semaphore(%arg35 : memref<!tpu.dma_semaphore, #tpu.memory_space<semaphore_mem>>)
      } else {
      }
    }
    %scan3A_57 = arith.constant 40 : i32
    %dma_wait3A = arith.constant 0 : i32
    %dma_wait3A_58 = arith.constant 0 : i32
    %dma_wait3A_59 = tpu.memref_slice %arg6[%dma_wait3A, %dma_wait3A_58] : memref<80000x64xf32, #tpu.memory_space<hbm>> -> memref<128x64xf32, #tpu.memory_space<hbm>>
    %dma_wait3A_60 = arith.constant 0 : i32
    %dma_wait3A_61 = arith.constant 0 : i32
    %dma_wait3A_62 = tpu.memref_slice %arg6[%dma_wait3A_60, %dma_wait3A_61] : memref<80000x64xf32, #tpu.memory_space<hbm>> -> memref<128x64xf32, #tpu.memory_space<hbm>>
    tpu.wait_dma2 semaphore(%arg36 : memref<!tpu.dma_semaphore, #tpu.memory_space<semaphore_mem>>) src(%dma_wait3A_62 : memref<128x64xf32, #tpu.memory_space<hbm>>) dst(%arg24 : memref<128x64xf32, #tpu.memory_space<vmem>>)
    %dma_wait3A_63 = arith.constant 0 : i32
    %dma_wait3A_64 = arith.constant 0 : i32
    %dma_wait3A_65 = tpu.memref_slice %arg6[%dma_wait3A_63, %dma_wait3A_64] : memref<80000x64xf32, #tpu.memory_space<hbm>> -> memref<128x64xf32, #tpu.memory_space<hbm>>
    %dma_wait3A_66 = arith.constant 0 : i32
    %dma_wait3A_67 = arith.constant 0 : i32
    %dma_wait3A_68 = tpu.memref_slice %arg6[%dma_wait3A_66, %dma_wait3A_67] : memref<80000x64xf32, #tpu.memory_space<hbm>> -> memref<128x64xf32, #tpu.memory_space<hbm>>
    tpu.wait_dma2 semaphore(%arg37 : memref<!tpu.dma_semaphore, #tpu.memory_space<semaphore_mem>>) src(%dma_wait3A_68 : memref<128x64xf32, #tpu.memory_space<hbm>>) dst(%arg25 : memref<128x64xf32, #tpu.memory_space<vmem>>)
    %dma_wait3A_69 = arith.constant 0 : i32
    %dma_wait3A_70 = arith.constant 0 : i32
    %dma_wait3A_71 = tpu.memref_slice %arg4[%dma_wait3A_69, %dma_wait3A_70] : memref<10000x16xf32, #tpu.memory_space<hbm>> -> memref<128x16xf32, #tpu.memory_space<hbm>>
    %dma_wait3A_72 = arith.constant 0 : i32
    %dma_wait3A_73 = arith.constant 0 : i32
    %dma_wait3A_74 = tpu.memref_slice %arg4[%dma_wait3A_72, %dma_wait3A_73] : memref<10000x16xf32, #tpu.memory_space<hbm>> -> memref<128x16xf32, #tpu.memory_space<hbm>>
    tpu.wait_dma2 semaphore(%arg32 : memref<!tpu.dma_semaphore, #tpu.memory_space<semaphore_mem>>) src(%dma_wait3A_74 : memref<128x16xf32, #tpu.memory_space<hbm>>) dst(%arg18 : memref<128x16xf32, #tpu.memory_space<vmem>>)
    %dma_wait3A_75 = arith.constant 0 : i32
    %dma_wait3A_76 = arith.constant 0 : i32
    %dma_wait3A_77 = tpu.memref_slice %arg4[%dma_wait3A_75, %dma_wait3A_76] : memref<10000x16xf32, #tpu.memory_space<hbm>> -> memref<128x16xf32, #tpu.memory_space<hbm>>
    %dma_wait3A_78 = arith.constant 0 : i32
    %dma_wait3A_79 = arith.constant 0 : i32
    %dma_wait3A_80 = tpu.memref_slice %arg4[%dma_wait3A_78, %dma_wait3A_79] : memref<10000x16xf32, #tpu.memory_space<hbm>> -> memref<128x16xf32, #tpu.memory_space<hbm>>
    tpu.wait_dma2 semaphore(%arg38 : memref<!tpu.dma_semaphore, #tpu.memory_space<semaphore_mem>>) src(%dma_wait3A_80 : memref<128x16xf32, #tpu.memory_space<hbm>>) dst(%arg18 : memref<128x16xf32, #tpu.memory_space<vmem>>)
    %dma_wait3A_81 = arith.constant 0 : i32
    %dma_wait3A_82 = arith.constant 0 : i32
    %dma_wait3A_83 = tpu.memref_slice %arg4[%dma_wait3A_81, %dma_wait3A_82] : memref<10000x16xf32, #tpu.memory_space<hbm>> -> memref<128x16xf32, #tpu.memory_space<hbm>>
    %dma_wait3A_84 = arith.constant 0 : i32
    %dma_wait3A_85 = arith.constant 0 : i32
    %dma_wait3A_86 = tpu.memref_slice %arg4[%dma_wait3A_84, %dma_wait3A_85] : memref<10000x16xf32, #tpu.memory_space<hbm>> -> memref<128x16xf32, #tpu.memory_space<hbm>>
    tpu.wait_dma2 semaphore(%arg33 : memref<!tpu.dma_semaphore, #tpu.memory_space<semaphore_mem>>) src(%dma_wait3A_86 : memref<128x16xf32, #tpu.memory_space<hbm>>) dst(%arg19 : memref<128x16xf32, #tpu.memory_space<vmem>>)
    %dma_wait3A_87 = arith.constant 0 : i32
    %dma_wait3A_88 = arith.constant 0 : i32
    %dma_wait3A_89 = tpu.memref_slice %arg4[%dma_wait3A_87, %dma_wait3A_88] : memref<10000x16xf32, #tpu.memory_space<hbm>> -> memref<128x16xf32, #tpu.memory_space<hbm>>
    %dma_wait3A_90 = arith.constant 0 : i32
    %dma_wait3A_91 = arith.constant 0 : i32
    %dma_wait3A_92 = tpu.memref_slice %arg4[%dma_wait3A_90, %dma_wait3A_91] : memref<10000x16xf32, #tpu.memory_space<hbm>> -> memref<128x16xf32, #tpu.memory_space<hbm>>
    tpu.wait_dma2 semaphore(%arg39 : memref<!tpu.dma_semaphore, #tpu.memory_space<semaphore_mem>>) src(%dma_wait3A_92 : memref<128x16xf32, #tpu.memory_space<hbm>>) dst(%arg19 : memref<128x16xf32, #tpu.memory_space<vmem>>)
    %barrier3A_93 = arith.constant 0 : index
    tpu.barrier barrier_id(%barrier3A_93)
    %mul3A_94 = arith.constant 640 : i32
    %mul3A_95 = arith.muli %arg1, %mul3A_94 : i32
    %mul3A_96 = arith.constant 10240 : i32
    %mul3A_97 = arith.muli %add3A_5, %mul3A_96 : i32
    %add3A_98 = arith.addi %mul3A_97, %mul3A_95 : i32
    "tpu.region"() ({
      %run_scoped3A = tpu.sem_alloc : memref<!tpu.dma_semaphore, #tpu.memory_space<semaphore_mem>>
      %dma_start3A_293 = arith.constant 0 : i32
      %dma_start3A_294 = tpu.memref_slice %arg9[%add3A_98, %dma_start3A_293] : memref<81920x64xf32, #tpu.memory_space<hbm>> -> memref<640x64xf32, #tpu.memory_space<hbm>>
      %dma_start3A_295 = arith.constant 0 : i32
      %dma_start3A_296 = tpu.memref_slice %arg26[%mul3A_95, %dma_start3A_295] : memref<10240x64xf32, #tpu.memory_space<vmem_shared>> -> memref<640x64xf32, #tpu.memory_space<vmem_shared>>
      tpu.enqueue_dma source(%dma_start3A_296 : memref<640x64xf32, #tpu.memory_space<vmem_shared>>) target(%dma_start3A_294 : memref<640x64xf32, #tpu.memory_space<hbm>>) target_semaphore(%run_scoped3A : memref<!tpu.dma_semaphore, #tpu.memory_space<semaphore_mem>>)
      %dma_wait3A_297 = arith.constant 0 : i32
      %dma_wait3A_298 = tpu.memref_slice %arg9[%add3A_98, %dma_wait3A_297] : memref<81920x64xf32, #tpu.memory_space<hbm>> -> memref<640x64xf32, #tpu.memory_space<hbm>>
      %dma_wait3A_299 = arith.constant 0 : i32
      %dma_wait3A_300 = tpu.memref_slice %arg26[%mul3A_95, %dma_wait3A_299] : memref<10240x64xf32, #tpu.memory_space<vmem_shared>> -> memref<640x64xf32, #tpu.memory_space<vmem_shared>>
      tpu.wait_dma2 semaphore(%run_scoped3A : memref<!tpu.dma_semaphore, #tpu.memory_space<semaphore_mem>>) src(%dma_wait3A_300 : memref<640x64xf32, #tpu.memory_space<vmem_shared>>) dst(%dma_wait3A_298 : memref<640x64xf32, #tpu.memory_space<hbm>>)
      tpu.yield
    }) : () -> ()
    %eq3A = arith.constant 0 : i32
    %eq3A_99 = arith.cmpi eq, %arg0, %eq3A : i32
    %convert_element_type3A = arith.extui %eq3A_99 : i1 to i32
    %cond3A = arith.constant 0 : i32
    %cond3A_100 = arith.cmpi ne, %convert_element_type3A, %cond3A : i32
    scf.if %cond3A_100 {
      "tpu.region"() ({
        %run_scoped3A = tpu.sem_alloc : memref<!tpu.dma_semaphore, #tpu.memory_space<semaphore_mem>>
        %dma_start3A_293 = arith.constant 0 : i32
        %dma_start3A_294 = tpu.memref_slice %arg10[%mul3A_95, %dma_start3A_293] : memref<10240x16xf32, #tpu.memory_space<hbm>> -> memref<640x16xf32, #tpu.memory_space<hbm>>
        %dma_start3A_295 = arith.constant 0 : i32
        %dma_start3A_296 = tpu.memref_slice %arg27[%mul3A_95, %dma_start3A_295] : memref<10240x16xf32, #tpu.memory_space<vmem_shared>> -> memref<640x16xf32, #tpu.memory_space<vmem_shared>>
        tpu.enqueue_dma source(%dma_start3A_296 : memref<640x16xf32, #tpu.memory_space<vmem_shared>>) target(%dma_start3A_294 : memref<640x16xf32, #tpu.memory_space<hbm>>) target_semaphore(%run_scoped3A : memref<!tpu.dma_semaphore, #tpu.memory_space<semaphore_mem>>)
        %dma_wait3A_297 = arith.constant 0 : i32
        %dma_wait3A_298 = tpu.memref_slice %arg10[%mul3A_95, %dma_wait3A_297] : memref<10240x16xf32, #tpu.memory_space<hbm>> -> memref<640x16xf32, #tpu.memory_space<hbm>>
        %dma_wait3A_299 = arith.constant 0 : i32
        %dma_wait3A_300 = tpu.memref_slice %arg27[%mul3A_95, %dma_wait3A_299] : memref<10240x16xf32, #tpu.memory_space<vmem_shared>> -> memref<640x16xf32, #tpu.memory_space<vmem_shared>>
        tpu.wait_dma2 semaphore(%run_scoped3A : memref<!tpu.dma_semaphore, #tpu.memory_space<semaphore_mem>>) src(%dma_wait3A_300 : memref<640x16xf32, #tpu.memory_space<vmem_shared>>) dst(%dma_wait3A_298 : memref<640x16xf32, #tpu.memory_space<hbm>>)
        tpu.yield
      }) : () -> ()
    } else {
    }
    %mul3A_101 = arith.constant 640 : i32
    %mul3A_102 = arith.muli %arg1, %mul3A_101 : i32
    "tpu.region"() ({
      %run_scoped3A = tpu.sem_alloc : memref<!tpu.dma_semaphore, #tpu.memory_space<semaphore_mem>>
      %dma_start3A_293 = arith.constant 0 : i32
      %dma_start3A_294 = tpu.memref_slice %arg26[%mul3A_102, %dma_start3A_293] : memref<10240x64xf32, #tpu.memory_space<vmem_shared>> -> memref<640x64xf32, #tpu.memory_space<vmem_shared>>
      tpu.enqueue_dma source(%arg7 : memref<640x64xf32, #tpu.memory_space<hbm>>) target(%dma_start3A_294 : memref<640x64xf32, #tpu.memory_space<vmem_shared>>) target_semaphore(%run_scoped3A : memref<!tpu.dma_semaphore, #tpu.memory_space<semaphore_mem>>)
      %dma_wait3A_295 = arith.constant 0 : i32
      %dma_wait3A_296 = tpu.memref_slice %arg26[%mul3A_102, %dma_wait3A_295] : memref<10240x64xf32, #tpu.memory_space<vmem_shared>> -> memref<640x64xf32, #tpu.memory_space<vmem_shared>>
      tpu.wait_dma2 semaphore(%run_scoped3A : memref<!tpu.dma_semaphore, #tpu.memory_space<semaphore_mem>>) src(%arg7 : memref<640x64xf32, #tpu.memory_space<hbm>>) dst(%dma_wait3A_296 : memref<640x64xf32, #tpu.memory_space<vmem_shared>>)
      tpu.yield
    }) : () -> ()
    %barrier3A_103 = arith.constant 0 : index
    tpu.barrier barrier_id(%barrier3A_103)
    %mul3A_104 = arith.constant 4 : i32
    %mul3A_105 = arith.muli %mul3A_104, %arg0 : i32
    %add3A_106 = arith.constant 1 : i32
    %add3A_107 = arith.addi %mul3A_105, %add3A_106 : i32
    %broadcast_in_dim3A_108 = vector.broadcast %add3A_107 : i32 to vector<16xi32>
    %mul3A_109 = arith.constant 163840 : i32
    %mul3A_110 = arith.muli %arg0, %mul3A_109 : i32
    %mul3A_111 = arith.constant 10240 : i32
    %mul3A_112 = arith.muli %arg1, %mul3A_111 : i32
    %add3A_113 = arith.addi %mul3A_110, %mul3A_112 : i32
    %add3A_114 = arith.constant 0 : i32
    %add3A_115 = arith.addi %add3A_113, %add3A_114 : i32
    %dma_start3A_116 = arith.constant 0 : i32
    %dma_start3A_117 = tpu.memref_slice %arg11[%add3A_115, %dma_start3A_116] : memref<327680x16xf32, #tpu.memory_space<hbm>> -> memref<128x16xf32, #tpu.memory_space<hbm>>
    %dma_start3A_118 = arith.constant 0 : i32
    %dma_start3A_119 = tpu.memref_slice %arg11[%add3A_115, %dma_start3A_118] : memref<327680x16xf32, #tpu.memory_space<hbm>> -> memref<128x16xf32, #tpu.memory_space<hbm>>
    tpu.enqueue_dma source(%dma_start3A_119 : memref<128x16xf32, #tpu.memory_space<hbm>>) target(%arg18 : memref<128x16xf32, #tpu.memory_space<vmem>>) target_semaphore(%arg28 : memref<!tpu.dma_semaphore, #tpu.memory_space<semaphore_mem>>)
    %scan3A_120 = arith.constant 0 : i32
    %scan3A_121 = arith.constant 8 : i32
    %scan3A_122 = arith.addi %scan3A_120, %scan3A_121 : i32
    %scan3A_123 = arith.constant 1 : i32
    scf.for %scan3A_293 = %scan3A_120 to %scan3A_122 step %scan3A_123  : i32 {
      %mul3A_294 = arith.constant 1 : i32
      %mul3A_295 = arith.muli %scan3A_293, %mul3A_294 : i32
      %add3A_296 = arith.constant 0 : i32
      %add3A_297 = arith.addi %add3A_296, %mul3A_295 : i32
      %mul3A_298 = arith.constant 16 : i32
      %mul3A_299 = arith.muli %add3A_297, %mul3A_298 : i32
      %get3A = arith.constant 0 : i32
      %get3A_300 = arith.index_cast %get3A : i32 to index
      %get3A_301 = arith.index_cast %mul3A_299 : i32 to index
      %get3A_302 = tpu.vector_load %arg12[%get3A_300, %get3A_301] {strides = array<i32>} : memref<80x128xi32, #tpu.memory_space<vmem>>, vector<1x16xi32>,
      %get3A_303 = vector.shape_cast %get3A_302 : vector<1x16xi32> to vector<16xi32>
      %mul3A_304 = arith.constant 8 : i32
      %mul3A_305 = vector.broadcast %mul3A_304 : i32 to vector<16xi32>
      %mul3A_306 = arith.muli %get3A_303, %mul3A_305 : vector<16xi32>
      %add3A_307 = vector.broadcast %add3A_107 : i32 to vector<16xi32>
      %add3A_308 = arith.addi %mul3A_306, %add3A_307 : vector<16xi32>
      %mul3A_309 = arith.constant 16 : i32
      %mul3A_310 = arith.muli %add3A_297, %mul3A_309 : i32
      %swap3A = arith.index_cast %mul3A_310 : i32 to index
      %swap3A_311 = tpu.vector_load %arg20[%swap3A] {strides = array<i32>} : memref<128xi32, #tpu.memory_space<vmem>>, vector<16xi32>,
      %swap3A_312 = vector.shape_cast %swap3A_311 : vector<16xi32> to vector<16xi32>
      %swap3A_313 = vector.shape_cast %add3A_308 : vector<16xi32> to vector<16xi32>
      tpu.vector_store %arg20[%swap3A], %swap3A_313 {strides = array<i32>} : memref<128xi32, #tpu.memory_space<vmem>>, vector<16xi32>,
    }
    %scan3A_124 = arith.constant 8 : i32
    %dma_start3A_125 = arith.constant 0 : i32
    %dma_start3A_126 = arith.constant 0 : i32
    %dma_start3A_127 = tpu.memref_slice %arg6[%dma_start3A_125, %dma_start3A_126] : memref<80000x64xf32, #tpu.memory_space<hbm>> -> memref<80000x64xf32, #tpu.memory_space<hbm>>
    tpu.enqueue_indirect_dma source(%dma_start3A_127 : memref<80000x64xf32, #tpu.memory_space<hbm>>) target(%arg22 : memref<128x64xf32, #tpu.memory_space<vmem>>) offsets(%arg20 : memref<128xi32, #tpu.memory_space<vmem>>) semaphore(%arg34 : memref<!tpu.dma_semaphore, #tpu.memory_space<semaphore_mem>>)
    %add3A_128 = arith.constant 128 : i32
    %add3A_129 = arith.addi %add3A_113, %add3A_128 : i32
    %dma_start3A_130 = arith.constant 0 : i32
    %dma_start3A_131 = tpu.memref_slice %arg11[%add3A_129, %dma_start3A_130] : memref<327680x16xf32, #tpu.memory_space<hbm>> -> memref<128x16xf32, #tpu.memory_space<hbm>>
    %dma_start3A_132 = arith.constant 0 : i32
    %dma_start3A_133 = tpu.memref_slice %arg11[%add3A_129, %dma_start3A_132] : memref<327680x16xf32, #tpu.memory_space<hbm>> -> memref<128x16xf32, #tpu.memory_space<hbm>>
    tpu.enqueue_dma source(%dma_start3A_133 : memref<128x16xf32, #tpu.memory_space<hbm>>) target(%arg19 : memref<128x16xf32, #tpu.memory_space<vmem>>) target_semaphore(%arg29 : memref<!tpu.dma_semaphore, #tpu.memory_space<semaphore_mem>>)
    %scan3A_134 = arith.constant 0 : i32
    %scan3A_135 = arith.constant 8 : i32
    %scan3A_136 = arith.addi %scan3A_134, %scan3A_135 : i32
    %scan3A_137 = arith.constant 1 : i32
    scf.for %scan3A_293 = %scan3A_134 to %scan3A_136 step %scan3A_137  : i32 {
      %mul3A_294 = arith.constant 1 : i32
      %mul3A_295 = arith.muli %scan3A_293, %mul3A_294 : i32
      %add3A_296 = arith.constant 0 : i32
      %add3A_297 = arith.addi %add3A_296, %mul3A_295 : i32
      %mul3A_298 = arith.constant 16 : i32
      %mul3A_299 = arith.muli %add3A_297, %mul3A_298 : i32
      %get3A = arith.constant 1 : i32
      %get3A_300 = arith.index_cast %get3A : i32 to index
      %get3A_301 = arith.index_cast %mul3A_299 : i32 to index
      %get3A_302 = tpu.vector_load %arg12[%get3A_300, %get3A_301] {strides = array<i32>} : memref<80x128xi32, #tpu.memory_space<vmem>>, vector<1x16xi32>,
      %get3A_303 = vector.shape_cast %get3A_302 : vector<1x16xi32> to vector<16xi32>
      %mul3A_304 = arith.constant 8 : i32
      %mul3A_305 = vector.broadcast %mul3A_304 : i32 to vector<16xi32>
      %mul3A_306 = arith.muli %get3A_303, %mul3A_305 : vector<16xi32>
      %add3A_307 = vector.broadcast %add3A_107 : i32 to vector<16xi32>
      %add3A_308 = arith.addi %mul3A_306, %add3A_307 : vector<16xi32>
      %mul3A_309 = arith.constant 16 : i32
      %mul3A_310 = arith.muli %add3A_297, %mul3A_309 : i32
      %swap3A = arith.index_cast %mul3A_310 : i32 to index
      %swap3A_311 = tpu.vector_load %arg21[%swap3A] {strides = array<i32>} : memref<128xi32, #tpu.memory_space<vmem>>, vector<16xi32>,
      %swap3A_312 = vector.shape_cast %swap3A_311 : vector<16xi32> to vector<16xi32>
      %swap3A_313 = vector.shape_cast %add3A_308 : vector<16xi32> to vector<16xi32>
      tpu.vector_store %arg21[%swap3A], %swap3A_313 {strides = array<i32>} : memref<128xi32, #tpu.memory_space<vmem>>, vector<16xi32>,
    }
    %scan3A_138 = arith.constant 8 : i32
    %dma_start3A_139 = arith.constant 0 : i32
    %dma_start3A_140 = arith.constant 0 : i32
    %dma_start3A_141 = tpu.memref_slice %arg6[%dma_start3A_139, %dma_start3A_140] : memref<80000x64xf32, #tpu.memory_space<hbm>> -> memref<80000x64xf32, #tpu.memory_space<hbm>>
    tpu.enqueue_indirect_dma source(%dma_start3A_141 : memref<80000x64xf32, #tpu.memory_space<hbm>>) target(%arg23 : memref<128x64xf32, #tpu.memory_space<vmem>>) offsets(%arg21 : memref<128xi32, #tpu.memory_space<vmem>>) semaphore(%arg35 : memref<!tpu.dma_semaphore, #tpu.memory_space<semaphore_mem>>)
    %scan3A_142 = arith.constant 0 : i32
    %scan3A_143 = arith.constant 40 : i32
    %scan3A_144 = arith.addi %scan3A_142, %scan3A_143 : i32
    %scan3A_145 = arith.constant 1 : i32
    scf.for %scan3A_293 = %scan3A_142 to %scan3A_144 step %scan3A_145  : i32 {
      %mul3A_294 = arith.constant 1 : i32
      %mul3A_295 = arith.muli %scan3A_293, %mul3A_294 : i32
      %add3A_296 = arith.constant 0 : i32
      %add3A_297 = arith.addi %add3A_296, %mul3A_295 : i32
      %mul3A_298 = arith.constant 2 : i32
      %mul3A_299 = arith.muli %mul3A_298, %add3A_297 : i32
      %dma_wait3A_300 = arith.constant 0 : i32
      %dma_wait3A_301 = arith.constant 0 : i32
      %dma_wait3A_302 = tpu.memref_slice %arg4[%dma_wait3A_300, %dma_wait3A_301] : memref<10000x16xf32, #tpu.memory_space<hbm>> -> memref<128x16xf32, #tpu.memory_space<hbm>>
      %dma_wait3A_303 = arith.constant 0 : i32
      %dma_wait3A_304 = arith.constant 0 : i32
      %dma_wait3A_305 = tpu.memref_slice %arg4[%dma_wait3A_303, %dma_wait3A_304] : memref<10000x16xf32, #tpu.memory_space<hbm>> -> memref<128x16xf32, #tpu.memory_space<hbm>>
      tpu.wait_dma2 semaphore(%arg28 : memref<!tpu.dma_semaphore, #tpu.memory_space<semaphore_mem>>) src(%dma_wait3A_305 : memref<128x16xf32, #tpu.memory_space<hbm>>) dst(%arg18 : memref<128x16xf32, #tpu.memory_space<vmem>>)
      %gt3A = arith.constant 0 : i32
      %gt3A_306 = arith.cmpi sgt, %add3A_297, %gt3A : i32
      %convert_element_type3A_307 = arith.extui %gt3A_306 : i1 to i32
      %cond3A_308 = arith.constant 0 : i32
      %cond3A_309 = arith.cmpi ne, %convert_element_type3A_307, %cond3A_308 : i32
      scf.if %cond3A_309 {
        %dma_wait3A_368 = arith.constant 0 : i32
        %dma_wait3A_369 = arith.constant 0 : i32
        %dma_wait3A_370 = tpu.memref_slice %arg6[%dma_wait3A_368, %dma_wait3A_369] : memref<80000x64xf32, #tpu.memory_space<hbm>> -> memref<128x64xf32, #tpu.memory_space<hbm>>
        %dma_wait3A_371 = arith.constant 0 : i32
        %dma_wait3A_372 = arith.constant 0 : i32
        %dma_wait3A_373 = tpu.memref_slice %arg6[%dma_wait3A_371, %dma_wait3A_372] : memref<80000x64xf32, #tpu.memory_space<hbm>> -> memref<128x64xf32, #tpu.memory_space<hbm>>
        tpu.wait_dma2 semaphore(%arg36 : memref<!tpu.dma_semaphore, #tpu.memory_space<semaphore_mem>>) src(%dma_wait3A_373 : memref<128x64xf32, #tpu.memory_space<hbm>>) dst(%arg24 : memref<128x64xf32, #tpu.memory_space<vmem>>)
      } else {
      }
      %dma_wait3A_310 = arith.constant 0 : i32
      %dma_wait3A_311 = arith.constant 0 : i32
      %dma_wait3A_312 = tpu.memref_slice %arg6[%dma_wait3A_310, %dma_wait3A_311] : memref<80000x64xf32, #tpu.memory_space<hbm>> -> memref<128x64xf32, #tpu.memory_space<hbm>>
      %dma_wait3A_313 = arith.constant 0 : i32
      %dma_wait3A_314 = arith.constant 0 : i32
      %dma_wait3A_315 = tpu.memref_slice %arg6[%dma_wait3A_313, %dma_wait3A_314] : memref<80000x64xf32, #tpu.memory_space<hbm>> -> memref<128x64xf32, #tpu.memory_space<hbm>>
      tpu.wait_dma2 semaphore(%arg34 : memref<!tpu.dma_semaphore, #tpu.memory_space<semaphore_mem>>) src(%dma_wait3A_315 : memref<128x64xf32, #tpu.memory_space<hbm>>) dst(%arg22 : memref<128x64xf32, #tpu.memory_space<vmem>>)
      %scan3A_316 = arith.constant 0 : i32
      %scan3A_317 = arith.constant 128 : i32
      %scan3A_318 = arith.addi %scan3A_316, %scan3A_317 : i32
      %scan3A_319 = arith.constant 1 : i32
      scf.for %scan3A_368 = %scan3A_316 to %scan3A_318 step %scan3A_319  : i32 {
        %mul3A_369 = arith.constant 1 : i32
        %mul3A_370 = arith.muli %scan3A_368, %mul3A_369 : i32
        %add3A_371 = arith.constant 0 : i32
        %add3A_372 = arith.addi %add3A_371, %mul3A_370 : i32
        %get3A = arith.index_cast %add3A_372 : i32 to index
        %get3A_373 = arith.constant 0 : index
        %get3A_374 = tpu.vector_load %arg18[%get3A, %get3A_373] {strides = array<i32>} : memref<128x16xf32, #tpu.memory_space<vmem>>, vector<1x16xf32>,
        %get3A_375 = vector.shape_cast %get3A_374 : vector<1x16xf32> to vector<16xf32>
        %broadcast_in_dim3A_376 = vector.shape_cast %broadcast_in_dim3A_108 : vector<16xi32> to vector<16x1xi32>
        %gather3A = vector.shape_cast %broadcast_in_dim3A_376 : vector<16x1xi32> to vector<16xi32>
        %gather3A_377 = tpu.dynamic_gather %get3A_375[%gather3A] in [0] : vector<16xf32>, vector<16xi32> -> vector<16xf32>
        %get3A_378 = arith.index_cast %add3A_372 : i32 to index
        %get3A_379 = arith.constant 0 : index
        %get3A_380 = tpu.vector_load %arg22[%get3A_378, %get3A_379] {strides = array<i32>} : memref<128x64xf32, #tpu.memory_space<vmem>>, vector<1x16xf32>,
        %get3A_381 = vector.shape_cast %get3A_380 : vector<1x16xf32> to vector<16xf32>
        %mul3A_382 = arith.mulf %get3A_381, %gather3A_377 : vector<16xf32>
        %swap3A = arith.index_cast %add3A_372 : i32 to index
        %swap3A_383 = arith.constant 0 : index
        %swap3A_384 = tpu.vector_load %arg24[%swap3A, %swap3A_383] {strides = array<i32>} : memref<128x64xf32, #tpu.memory_space<vmem>>, vector<1x16xf32>,
        %swap3A_385 = vector.shape_cast %swap3A_384 : vector<1x16xf32> to vector<16xf32>
        %swap3A_386 = vector.shape_cast %mul3A_382 : vector<16xf32> to vector<1x16xf32>
        tpu.vector_store %arg24[%swap3A, %swap3A_383], %swap3A_386 {strides = array<i32>} : memref<128x64xf32, #tpu.memory_space<vmem>>, vector<1x16xf32>,
        %get3A_387 = arith.index_cast %add3A_372 : i32 to index
        %get3A_388 = arith.constant 16 : index
        %get3A_389 = tpu.vector_load %arg22[%get3A_387, %get3A_388] {strides = array<i32>} : memref<128x64xf32, #tpu.memory_space<vmem>>, vector<1x16xf32>,
        %get3A_390 = vector.shape_cast %get3A_389 : vector<1x16xf32> to vector<16xf32>
        %mul3A_391 = arith.mulf %get3A_390, %gather3A_377 : vector<16xf32>
        %swap3A_392 = arith.index_cast %add3A_372 : i32 to index
        %swap3A_393 = arith.constant 16 : index
        %swap3A_394 = tpu.vector_load %arg24[%swap3A_392, %swap3A_393] {strides = array<i32>} : memref<128x64xf32, #tpu.memory_space<vmem>>, vector<1x16xf32>,
        %swap3A_395 = vector.shape_cast %swap3A_394 : vector<1x16xf32> to vector<16xf32>
        %swap3A_396 = vector.shape_cast %mul3A_391 : vector<16xf32> to vector<1x16xf32>
        tpu.vector_store %arg24[%swap3A_392, %swap3A_393], %swap3A_396 {strides = array<i32>} : memref<128x64xf32, #tpu.memory_space<vmem>>, vector<1x16xf32>,
        %get3A_397 = arith.index_cast %add3A_372 : i32 to index
        %get3A_398 = arith.constant 32 : index
        %get3A_399 = tpu.vector_load %arg22[%get3A_397, %get3A_398] {strides = array<i32>} : memref<128x64xf32, #tpu.memory_space<vmem>>, vector<1x16xf32>,
        %get3A_400 = vector.shape_cast %get3A_399 : vector<1x16xf32> to vector<16xf32>
        %mul3A_401 = arith.mulf %get3A_400, %gather3A_377 : vector<16xf32>
        %swap3A_402 = arith.index_cast %add3A_372 : i32 to index
        %swap3A_403 = arith.constant 32 : index
        %swap3A_404 = tpu.vector_load %arg24[%swap3A_402, %swap3A_403] {strides = array<i32>} : memref<128x64xf32, #tpu.memory_space<vmem>>, vector<1x16xf32>,
        %swap3A_405 = vector.shape_cast %swap3A_404 : vector<1x16xf32> to vector<16xf32>
        %swap3A_406 = vector.shape_cast %mul3A_401 : vector<16xf32> to vector<1x16xf32>
        tpu.vector_store %arg24[%swap3A_402, %swap3A_403], %swap3A_406 {strides = array<i32>} : memref<128x64xf32, #tpu.memory_space<vmem>>, vector<1x16xf32>,
        %get3A_407 = arith.index_cast %add3A_372 : i32 to index
        %get3A_408 = arith.constant 48 : index
        %get3A_409 = tpu.vector_load %arg22[%get3A_407, %get3A_408] {strides = array<i32>} : memref<128x64xf32, #tpu.memory_space<vmem>>, vector<1x16xf32>,
        %get3A_410 = vector.shape_cast %get3A_409 : vector<1x16xf32> to vector<16xf32>
        %mul3A_411 = arith.mulf %get3A_410, %gather3A_377 : vector<16xf32>
        %swap3A_412 = arith.index_cast %add3A_372 : i32 to index
        %swap3A_413 = arith.constant 48 : index
        %swap3A_414 = tpu.vector_load %arg24[%swap3A_412, %swap3A_413] {strides = array<i32>} : memref<128x64xf32, #tpu.memory_space<vmem>>, vector<1x16xf32>,
        %swap3A_415 = vector.shape_cast %swap3A_414 : vector<1x16xf32> to vector<16xf32>
        %swap3A_416 = vector.shape_cast %mul3A_411 : vector<16xf32> to vector<1x16xf32>
        tpu.vector_store %arg24[%swap3A_412, %swap3A_413], %swap3A_416 {strides = array<i32>} : memref<128x64xf32, #tpu.memory_space<vmem>>, vector<1x16xf32>,
      }
      %scan3A_320 = arith.constant 128 : i32
      %dma_start3A_321 = arith.constant 0 : i32
      %dma_start3A_322 = tpu.memref_slice %arg13[%mul3A_299, %dma_start3A_321] : memref<80x128xi32, #tpu.memory_space<vmem>> -> memref<1x128xi32, #tpu.memory_space<vmem>>
      %dma_start3A_323 = tpu.memref_squeeze %dma_start3A_322 : memref<1x128xi32, #tpu.memory_space<vmem>> -> memref<128xi32, #tpu.memory_space<vmem>>
      %dma_start3A_324 = arith.constant 0 : i32
      %dma_start3A_325 = arith.constant 0 : i32
      %dma_start3A_326 = tpu.memref_slice %arg26[%dma_start3A_324, %dma_start3A_325] : memref<10240x64xf32, #tpu.memory_space<vmem_shared>> -> memref<10240x64xf32, #tpu.memory_space<vmem_shared>>
      tpu.enqueue_indirect_dma source(%arg24 : memref<128x64xf32, #tpu.memory_space<vmem>>) target(%dma_start3A_326 : memref<10240x64xf32, #tpu.memory_space<vmem_shared>>) offsets(%dma_start3A_323 : memref<128xi32, #tpu.memory_space<vmem>>) semaphore(%arg36 : memref<!tpu.dma_semaphore, #tpu.memory_space<semaphore_mem>>) {add = true}
      %lt3A = arith.constant 39 : i32
      %lt3A_327 = arith.cmpi slt, %add3A_297, %lt3A : i32
      %convert_element_type3A_328 = arith.extui %lt3A_327 : i1 to i32
      %cond3A_329 = arith.constant 0 : i32
      %cond3A_330 = arith.cmpi ne, %convert_element_type3A_328, %cond3A_329 : i32
      scf.if %cond3A_330 {
        %add3A_368 = arith.constant 2 : i32
        %add3A_369 = arith.addi %mul3A_299, %add3A_368 : i32
        %mul3A_370 = arith.constant 128 : i32
        %mul3A_371 = arith.muli %add3A_369, %mul3A_370 : i32
        %add3A_372 = arith.addi %add3A_113, %mul3A_371 : i32
        %dma_start3A_373 = arith.constant 0 : i32
        %dma_start3A_374 = tpu.memref_slice %arg11[%add3A_372, %dma_start3A_373] : memref<327680x16xf32, #tpu.memory_space<hbm>> -> memref<128x16xf32, #tpu.memory_space<hbm>>
        %dma_start3A_375 = arith.constant 0 : i32
        %dma_start3A_376 = tpu.memref_slice %arg11[%add3A_372, %dma_start3A_375] : memref<327680x16xf32, #tpu.memory_space<hbm>> -> memref<128x16xf32, #tpu.memory_space<hbm>>
        tpu.enqueue_dma source(%dma_start3A_376 : memref<128x16xf32, #tpu.memory_space<hbm>>) target(%arg18 : memref<128x16xf32, #tpu.memory_space<vmem>>) target_semaphore(%arg28 : memref<!tpu.dma_semaphore, #tpu.memory_space<semaphore_mem>>)
        %scan3A_377 = arith.constant 0 : i32
        %scan3A_378 = arith.constant 8 : i32
        %scan3A_379 = arith.addi %scan3A_377, %scan3A_378 : i32
        %scan3A_380 = arith.constant 1 : i32
        scf.for %scan3A_385 = %scan3A_377 to %scan3A_379 step %scan3A_380  : i32 {
          %mul3A_386 = arith.constant 1 : i32
          %mul3A_387 = arith.muli %scan3A_385, %mul3A_386 : i32
          %add3A_388 = arith.constant 0 : i32
          %add3A_389 = arith.addi %add3A_388, %mul3A_387 : i32
          %mul3A_390 = arith.constant 16 : i32
          %mul3A_391 = arith.muli %add3A_389, %mul3A_390 : i32
          %get3A = arith.index_cast %add3A_369 : i32 to index
          %get3A_392 = arith.index_cast %mul3A_391 : i32 to index
          %get3A_393 = tpu.vector_load %arg12[%get3A, %get3A_392] {strides = array<i32>} : memref<80x128xi32, #tpu.memory_space<vmem>>, vector<1x16xi32>,
          %get3A_394 = vector.shape_cast %get3A_393 : vector<1x16xi32> to vector<16xi32>
          %mul3A_395 = arith.constant 8 : i32
          %mul3A_396 = vector.broadcast %mul3A_395 : i32 to vector<16xi32>
          %mul3A_397 = arith.muli %get3A_394, %mul3A_396 : vector<16xi32>
          %add3A_398 = vector.broadcast %add3A_107 : i32 to vector<16xi32>
          %add3A_399 = arith.addi %mul3A_397, %add3A_398 : vector<16xi32>
          %mul3A_400 = arith.constant 16 : i32
          %mul3A_401 = arith.muli %add3A_389, %mul3A_400 : i32
          %swap3A = arith.index_cast %mul3A_401 : i32 to index
          %swap3A_402 = tpu.vector_load %arg20[%swap3A] {strides = array<i32>} : memref<128xi32, #tpu.memory_space<vmem>>, vector<16xi32>,
          %swap3A_403 = vector.shape_cast %swap3A_402 : vector<16xi32> to vector<16xi32>
          %swap3A_404 = vector.shape_cast %add3A_399 : vector<16xi32> to vector<16xi32>
          tpu.vector_store %arg20[%swap3A], %swap3A_404 {strides = array<i32>} : memref<128xi32, #tpu.memory_space<vmem>>, vector<16xi32>,
        }
        %scan3A_381 = arith.constant 8 : i32
        %dma_start3A_382 = arith.constant 0 : i32
        %dma_start3A_383 = arith.constant 0 : i32
        %dma_start3A_384 = tpu.memref_slice %arg6[%dma_start3A_382, %dma_start3A_383] : memref<80000x64xf32, #tpu.memory_space<hbm>> -> memref<80000x64xf32, #tpu.memory_space<hbm>>
        tpu.enqueue_indirect_dma source(%dma_start3A_384 : memref<80000x64xf32, #tpu.memory_space<hbm>>) target(%arg22 : memref<128x64xf32, #tpu.memory_space<vmem>>) offsets(%arg20 : memref<128xi32, #tpu.memory_space<vmem>>) semaphore(%arg34 : memref<!tpu.dma_semaphore, #tpu.memory_space<semaphore_mem>>)
      } else {
      }
      %mul3A_331 = arith.constant 2 : i32
      %mul3A_332 = arith.muli %mul3A_331, %add3A_297 : i32
      %add3A_333 = arith.constant 1 : i32
      %add3A_334 = arith.addi %mul3A_332, %add3A_333 : i32
      %dma_wait3A_335 = arith.constant 0 : i32
      %dma_wait3A_336 = arith.constant 0 : i32
      %dma_wait3A_337 = tpu.memref_slice %arg4[%dma_wait3A_335, %dma_wait3A_336] : memref<10000x16xf32, #tpu.memory_space<hbm>> -> memref<128x16xf32, #tpu.memory_space<hbm>>
      %dma_wait3A_338 = arith.constant 0 : i32
      %dma_wait3A_339 = arith.constant 0 : i32
      %dma_wait3A_340 = tpu.memref_slice %arg4[%dma_wait3A_338, %dma_wait3A_339] : memref<10000x16xf32, #tpu.memory_space<hbm>> -> memref<128x16xf32, #tpu.memory_space<hbm>>
      tpu.wait_dma2 semaphore(%arg29 : memref<!tpu.dma_semaphore, #tpu.memory_space<semaphore_mem>>) src(%dma_wait3A_340 : memref<128x16xf32, #tpu.memory_space<hbm>>) dst(%arg19 : memref<128x16xf32, #tpu.memory_space<vmem>>)
      %gt3A_341 = arith.constant 0 : i32
      %gt3A_342 = arith.cmpi sgt, %add3A_297, %gt3A_341 : i32
      %convert_element_type3A_343 = arith.extui %gt3A_342 : i1 to i32
      %cond3A_344 = arith.constant 0 : i32
      %cond3A_345 = arith.cmpi ne, %convert_element_type3A_343, %cond3A_344 : i32
      scf.if %cond3A_345 {
        %dma_wait3A_368 = arith.constant 0 : i32
        %dma_wait3A_369 = arith.constant 0 : i32
        %dma_wait3A_370 = tpu.memref_slice %arg6[%dma_wait3A_368, %dma_wait3A_369] : memref<80000x64xf32, #tpu.memory_space<hbm>> -> memref<128x64xf32, #tpu.memory_space<hbm>>
        %dma_wait3A_371 = arith.constant 0 : i32
        %dma_wait3A_372 = arith.constant 0 : i32
        %dma_wait3A_373 = tpu.memref_slice %arg6[%dma_wait3A_371, %dma_wait3A_372] : memref<80000x64xf32, #tpu.memory_space<hbm>> -> memref<128x64xf32, #tpu.memory_space<hbm>>
        tpu.wait_dma2 semaphore(%arg37 : memref<!tpu.dma_semaphore, #tpu.memory_space<semaphore_mem>>) src(%dma_wait3A_373 : memref<128x64xf32, #tpu.memory_space<hbm>>) dst(%arg25 : memref<128x64xf32, #tpu.memory_space<vmem>>)
      } else {
      }
      %dma_wait3A_346 = arith.constant 0 : i32
      %dma_wait3A_347 = arith.constant 0 : i32
      %dma_wait3A_348 = tpu.memref_slice %arg6[%dma_wait3A_346, %dma_wait3A_347] : memref<80000x64xf32, #tpu.memory_space<hbm>> -> memref<128x64xf32, #tpu.memory_space<hbm>>
      %dma_wait3A_349 = arith.constant 0 : i32
      %dma_wait3A_350 = arith.constant 0 : i32
      %dma_wait3A_351 = tpu.memref_slice %arg6[%dma_wait3A_349, %dma_wait3A_350] : memref<80000x64xf32, #tpu.memory_space<hbm>> -> memref<128x64xf32, #tpu.memory_space<hbm>>
      tpu.wait_dma2 semaphore(%arg35 : memref<!tpu.dma_semaphore, #tpu.memory_space<semaphore_mem>>) src(%dma_wait3A_351 : memref<128x64xf32, #tpu.memory_space<hbm>>) dst(%arg23 : memref<128x64xf32, #tpu.memory_space<vmem>>)
      %scan3A_352 = arith.constant 0 : i32
      %scan3A_353 = arith.constant 128 : i32
      %scan3A_354 = arith.addi %scan3A_352, %scan3A_353 : i32
      %scan3A_355 = arith.constant 1 : i32
      scf.for %scan3A_368 = %scan3A_352 to %scan3A_354 step %scan3A_355  : i32 {
        %mul3A_369 = arith.constant 1 : i32
        %mul3A_370 = arith.muli %scan3A_368, %mul3A_369 : i32
        %add3A_371 = arith.constant 0 : i32
        %add3A_372 = arith.addi %add3A_371, %mul3A_370 : i32
        %get3A = arith.index_cast %add3A_372 : i32 to index
        %get3A_373 = arith.constant 0 : index
        %get3A_374 = tpu.vector_load %arg19[%get3A, %get3A_373] {strides = array<i32>} : memref<128x16xf32, #tpu.memory_space<vmem>>, vector<1x16xf32>,
        %get3A_375 = vector.shape_cast %get3A_374 : vector<1x16xf32> to vector<16xf32>
        %broadcast_in_dim3A_376 = vector.shape_cast %broadcast_in_dim3A_108 : vector<16xi32> to vector<16x1xi32>
        %gather3A = vector.shape_cast %broadcast_in_dim3A_376 : vector<16x1xi32> to vector<16xi32>
        %gather3A_377 = tpu.dynamic_gather %get3A_375[%gather3A] in [0] : vector<16xf32>, vector<16xi32> -> vector<16xf32>
        %get3A_378 = arith.index_cast %add3A_372 : i32 to index
        %get3A_379 = arith.constant 0 : index
        %get3A_380 = tpu.vector_load %arg23[%get3A_378, %get3A_379] {strides = array<i32>} : memref<128x64xf32, #tpu.memory_space<vmem>>, vector<1x16xf32>,
        %get3A_381 = vector.shape_cast %get3A_380 : vector<1x16xf32> to vector<16xf32>
        %mul3A_382 = arith.mulf %get3A_381, %gather3A_377 : vector<16xf32>
        %swap3A = arith.index_cast %add3A_372 : i32 to index
        %swap3A_383 = arith.constant 0 : index
        %swap3A_384 = tpu.vector_load %arg25[%swap3A, %swap3A_383] {strides = array<i32>} : memref<128x64xf32, #tpu.memory_space<vmem>>, vector<1x16xf32>,
        %swap3A_385 = vector.shape_cast %swap3A_384 : vector<1x16xf32> to vector<16xf32>
        %swap3A_386 = vector.shape_cast %mul3A_382 : vector<16xf32> to vector<1x16xf32>
        tpu.vector_store %arg25[%swap3A, %swap3A_383], %swap3A_386 {strides = array<i32>} : memref<128x64xf32, #tpu.memory_space<vmem>>, vector<1x16xf32>,
        %get3A_387 = arith.index_cast %add3A_372 : i32 to index
        %get3A_388 = arith.constant 16 : index
        %get3A_389 = tpu.vector_load %arg23[%get3A_387, %get3A_388] {strides = array<i32>} : memref<128x64xf32, #tpu.memory_space<vmem>>, vector<1x16xf32>,
        %get3A_390 = vector.shape_cast %get3A_389 : vector<1x16xf32> to vector<16xf32>
        %mul3A_391 = arith.mulf %get3A_390, %gather3A_377 : vector<16xf32>
        %swap3A_392 = arith.index_cast %add3A_372 : i32 to index
        %swap3A_393 = arith.constant 16 : index
        %swap3A_394 = tpu.vector_load %arg25[%swap3A_392, %swap3A_393] {strides = array<i32>} : memref<128x64xf32, #tpu.memory_space<vmem>>, vector<1x16xf32>,
        %swap3A_395 = vector.shape_cast %swap3A_394 : vector<1x16xf32> to vector<16xf32>
        %swap3A_396 = vector.shape_cast %mul3A_391 : vector<16xf32> to vector<1x16xf32>
        tpu.vector_store %arg25[%swap3A_392, %swap3A_393], %swap3A_396 {strides = array<i32>} : memref<128x64xf32, #tpu.memory_space<vmem>>, vector<1x16xf32>,
        %get3A_397 = arith.index_cast %add3A_372 : i32 to index
        %get3A_398 = arith.constant 32 : index
        %get3A_399 = tpu.vector_load %arg23[%get3A_397, %get3A_398] {strides = array<i32>} : memref<128x64xf32, #tpu.memory_space<vmem>>, vector<1x16xf32>,
        %get3A_400 = vector.shape_cast %get3A_399 : vector<1x16xf32> to vector<16xf32>
        %mul3A_401 = arith.mulf %get3A_400, %gather3A_377 : vector<16xf32>
        %swap3A_402 = arith.index_cast %add3A_372 : i32 to index
        %swap3A_403 = arith.constant 32 : index
        %swap3A_404 = tpu.vector_load %arg25[%swap3A_402, %swap3A_403] {strides = array<i32>} : memref<128x64xf32, #tpu.memory_space<vmem>>, vector<1x16xf32>,
        %swap3A_405 = vector.shape_cast %swap3A_404 : vector<1x16xf32> to vector<16xf32>
        %swap3A_406 = vector.shape_cast %mul3A_401 : vector<16xf32> to vector<1x16xf32>
        tpu.vector_store %arg25[%swap3A_402, %swap3A_403], %swap3A_406 {strides = array<i32>} : memref<128x64xf32, #tpu.memory_space<vmem>>, vector<1x16xf32>,
        %get3A_407 = arith.index_cast %add3A_372 : i32 to index
        %get3A_408 = arith.constant 48 : index
        %get3A_409 = tpu.vector_load %arg23[%get3A_407, %get3A_408] {strides = array<i32>} : memref<128x64xf32, #tpu.memory_space<vmem>>, vector<1x16xf32>,
        %get3A_410 = vector.shape_cast %get3A_409 : vector<1x16xf32> to vector<16xf32>
        %mul3A_411 = arith.mulf %get3A_410, %gather3A_377 : vector<16xf32>
        %swap3A_412 = arith.index_cast %add3A_372 : i32 to index
        %swap3A_413 = arith.constant 48 : index
        %swap3A_414 = tpu.vector_load %arg25[%swap3A_412, %swap3A_413] {strides = array<i32>} : memref<128x64xf32, #tpu.memory_space<vmem>>, vector<1x16xf32>,
        %swap3A_415 = vector.shape_cast %swap3A_414 : vector<1x16xf32> to vector<16xf32>
        %swap3A_416 = vector.shape_cast %mul3A_411 : vector<16xf32> to vector<1x16xf32>
        tpu.vector_store %arg25[%swap3A_412, %swap3A_413], %swap3A_416 {strides = array<i32>} : memref<128x64xf32, #tpu.memory_space<vmem>>, vector<1x16xf32>,
      }
      %scan3A_356 = arith.constant 128 : i32
      %dma_start3A_357 = arith.constant 0 : i32
      %dma_start3A_358 = tpu.memref_slice %arg13[%add3A_334, %dma_start3A_357] : memref<80x128xi32, #tpu.memory_space<vmem>> -> memref<1x128xi32, #tpu.memory_space<vmem>>
      %dma_start3A_359 = tpu.memref_squeeze %dma_start3A_358 : memref<1x128xi32, #tpu.memory_space<vmem>> -> memref<128xi32, #tpu.memory_space<vmem>>
      %dma_start3A_360 = arith.constant 0 : i32
      %dma_start3A_361 = arith.constant 0 : i32
      %dma_start3A_362 = tpu.memref_slice %arg26[%dma_start3A_360, %dma_start3A_361] : memref<10240x64xf32, #tpu.memory_space<vmem_shared>> -> memref<10240x64xf32, #tpu.memory_space<vmem_shared>>
      tpu.enqueue_indirect_dma source(%arg25 : memref<128x64xf32, #tpu.memory_space<vmem>>) target(%dma_start3A_362 : memref<10240x64xf32, #tpu.memory_space<vmem_shared>>) offsets(%dma_start3A_359 : memref<128xi32, #tpu.memory_space<vmem>>) semaphore(%arg37 : memref<!tpu.dma_semaphore, #tpu.memory_space<semaphore_mem>>) {add = true}
      %lt3A_363 = arith.constant 39 : i32
      %lt3A_364 = arith.cmpi slt, %add3A_297, %lt3A_363 : i32
      %convert_element_type3A_365 = arith.extui %lt3A_364 : i1 to i32
      %cond3A_366 = arith.constant 0 : i32
      %cond3A_367 = arith.cmpi ne, %convert_element_type3A_365, %cond3A_366 : i32
      scf.if %cond3A_367 {
        %add3A_368 = arith.constant 2 : i32
        %add3A_369 = arith.addi %add3A_334, %add3A_368 : i32
        %mul3A_370 = arith.constant 128 : i32
        %mul3A_371 = arith.muli %add3A_369, %mul3A_370 : i32
        %add3A_372 = arith.addi %add3A_113, %mul3A_371 : i32
        %dma_start3A_373 = arith.constant 0 : i32
        %dma_start3A_374 = tpu.memref_slice %arg11[%add3A_372, %dma_start3A_373] : memref<327680x16xf32, #tpu.memory_space<hbm>> -> memref<128x16xf32, #tpu.memory_space<hbm>>
        %dma_start3A_375 = arith.constant 0 : i32
        %dma_start3A_376 = tpu.memref_slice %arg11[%add3A_372, %dma_start3A_375] : memref<327680x16xf32, #tpu.memory_space<hbm>> -> memref<128x16xf32, #tpu.memory_space<hbm>>
        tpu.enqueue_dma source(%dma_start3A_376 : memref<128x16xf32, #tpu.memory_space<hbm>>) target(%arg19 : memref<128x16xf32, #tpu.memory_space<vmem>>) target_semaphore(%arg29 : memref<!tpu.dma_semaphore, #tpu.memory_space<semaphore_mem>>)
        %scan3A_377 = arith.constant 0 : i32
        %scan3A_378 = arith.constant 8 : i32
        %scan3A_379 = arith.addi %scan3A_377, %scan3A_378 : i32
        %scan3A_380 = arith.constant 1 : i32
        scf.for %scan3A_385 = %scan3A_377 to %scan3A_379 step %scan3A_380  : i32 {
          %mul3A_386 = arith.constant 1 : i32
          %mul3A_387 = arith.muli %scan3A_385, %mul3A_386 : i32
          %add3A_388 = arith.constant 0 : i32
          %add3A_389 = arith.addi %add3A_388, %mul3A_387 : i32
          %mul3A_390 = arith.constant 16 : i32
          %mul3A_391 = arith.muli %add3A_389, %mul3A_390 : i32
          %get3A = arith.index_cast %add3A_369 : i32 to index
          %get3A_392 = arith.index_cast %mul3A_391 : i32 to index
          %get3A_393 = tpu.vector_load %arg12[%get3A, %get3A_392] {strides = array<i32>} : memref<80x128xi32, #tpu.memory_space<vmem>>, vector<1x16xi32>,
          %get3A_394 = vector.shape_cast %get3A_393 : vector<1x16xi32> to vector<16xi32>
          %mul3A_395 = arith.constant 8 : i32
          %mul3A_396 = vector.broadcast %mul3A_395 : i32 to vector<16xi32>
          %mul3A_397 = arith.muli %get3A_394, %mul3A_396 : vector<16xi32>
          %add3A_398 = vector.broadcast %add3A_107 : i32 to vector<16xi32>
          %add3A_399 = arith.addi %mul3A_397, %add3A_398 : vector<16xi32>
          %mul3A_400 = arith.constant 16 : i32
          %mul3A_401 = arith.muli %add3A_389, %mul3A_400 : i32
          %swap3A = arith.index_cast %mul3A_401 : i32 to index
          %swap3A_402 = tpu.vector_load %arg21[%swap3A] {strides = array<i32>} : memref<128xi32, #tpu.memory_space<vmem>>, vector<16xi32>,
          %swap3A_403 = vector.shape_cast %swap3A_402 : vector<16xi32> to vector<16xi32>
          %swap3A_404 = vector.shape_cast %add3A_399 : vector<16xi32> to vector<16xi32>
          tpu.vector_store %arg21[%swap3A], %swap3A_404 {strides = array<i32>} : memref<128xi32, #tpu.memory_space<vmem>>, vector<16xi32>,
        }
        %scan3A_381 = arith.constant 8 : i32
        %dma_start3A_382 = arith.constant 0 : i32
        %dma_start3A_383 = arith.constant 0 : i32
        %dma_start3A_384 = tpu.memref_slice %arg6[%dma_start3A_382, %dma_start3A_383] : memref<80000x64xf32, #tpu.memory_space<hbm>> -> memref<80000x64xf32, #tpu.memory_space<hbm>>
        tpu.enqueue_indirect_dma source(%dma_start3A_384 : memref<80000x64xf32, #tpu.memory_space<hbm>>) target(%arg23 : memref<128x64xf32, #tpu.memory_space<vmem>>) offsets(%arg21 : memref<128xi32, #tpu.memory_space<vmem>>) semaphore(%arg35 : memref<!tpu.dma_semaphore, #tpu.memory_space<semaphore_mem>>)
      } else {
      }
    }
    %scan3A_146 = arith.constant 40 : i32
    %dma_wait3A_147 = arith.constant 0 : i32
    %dma_wait3A_148 = arith.constant 0 : i32
    %dma_wait3A_149 = tpu.memref_slice %arg6[%dma_wait3A_147, %dma_wait3A_148] : memref<80000x64xf32, #tpu.memory_space<hbm>> -> memref<128x64xf32, #tpu.memory_space<hbm>>
    %dma_wait3A_150 = arith.constant 0 : i32
    %dma_wait3A_151 = arith.constant 0 : i32
    %dma_wait3A_152 = tpu.memref_slice %arg6[%dma_wait3A_150, %dma_wait3A_151] : memref<80000x64xf32, #tpu.memory_space<hbm>> -> memref<128x64xf32, #tpu.memory_space<hbm>>
    tpu.wait_dma2 semaphore(%arg36 : memref<!tpu.dma_semaphore, #tpu.memory_space<semaphore_mem>>) src(%dma_wait3A_152 : memref<128x64xf32, #tpu.memory_space<hbm>>) dst(%arg24 : memref<128x64xf32, #tpu.memory_space<vmem>>)
    %dma_wait3A_153 = arith.constant 0 : i32
    %dma_wait3A_154 = arith.constant 0 : i32
    %dma_wait3A_155 = tpu.memref_slice %arg6[%dma_wait3A_153, %dma_wait3A_154] : memref<80000x64xf32, #tpu.memory_space<hbm>> -> memref<128x64xf32, #tpu.memory_space<hbm>>
    %dma_wait3A_156 = arith.constant 0 : i32
    %dma_wait3A_157 = arith.constant 0 : i32
    %dma_wait3A_158 = tpu.memref_slice %arg6[%dma_wait3A_156, %dma_wait3A_157] : memref<80000x64xf32, #tpu.memory_space<hbm>> -> memref<128x64xf32, #tpu.memory_space<hbm>>
    tpu.wait_dma2 semaphore(%arg37 : memref<!tpu.dma_semaphore, #tpu.memory_space<semaphore_mem>>) src(%dma_wait3A_158 : memref<128x64xf32, #tpu.memory_space<hbm>>) dst(%arg25 : memref<128x64xf32, #tpu.memory_space<vmem>>)
    %barrier3A_159 = arith.constant 0 : index
    tpu.barrier barrier_id(%barrier3A_159)
    %mul3A_160 = arith.constant 640 : i32
    %mul3A_161 = arith.muli %arg1, %mul3A_160 : i32
    %mul3A_162 = arith.constant 10240 : i32
    %mul3A_163 = arith.muli %add3A_107, %mul3A_162 : i32
    %add3A_164 = arith.addi %mul3A_163, %mul3A_161 : i32
    "tpu.region"() ({
      %run_scoped3A = tpu.sem_alloc : memref<!tpu.dma_semaphore, #tpu.memory_space<semaphore_mem>>
      %dma_start3A_293 = arith.constant 0 : i32
      %dma_start3A_294 = tpu.memref_slice %arg9[%add3A_164, %dma_start3A_293] : memref<81920x64xf32, #tpu.memory_space<hbm>> -> memref<640x64xf32, #tpu.memory_space<hbm>>
      %dma_start3A_295 = arith.constant 0 : i32
      %dma_start3A_296 = tpu.memref_slice %arg26[%mul3A_161, %dma_start3A_295] : memref<10240x64xf32, #tpu.memory_space<vmem_shared>> -> memref<640x64xf32, #tpu.memory_space<vmem_shared>>
      tpu.enqueue_dma source(%dma_start3A_296 : memref<640x64xf32, #tpu.memory_space<vmem_shared>>) target(%dma_start3A_294 : memref<640x64xf32, #tpu.memory_space<hbm>>) target_semaphore(%run_scoped3A : memref<!tpu.dma_semaphore, #tpu.memory_space<semaphore_mem>>)
      %dma_wait3A_297 = arith.constant 0 : i32
      %dma_wait3A_298 = tpu.memref_slice %arg9[%add3A_164, %dma_wait3A_297] : memref<81920x64xf32, #tpu.memory_space<hbm>> -> memref<640x64xf32, #tpu.memory_space<hbm>>
      %dma_wait3A_299 = arith.constant 0 : i32
      %dma_wait3A_300 = tpu.memref_slice %arg26[%mul3A_161, %dma_wait3A_299] : memref<10240x64xf32, #tpu.memory_space<vmem_shared>> -> memref<640x64xf32, #tpu.memory_space<vmem_shared>>
      tpu.wait_dma2 semaphore(%run_scoped3A : memref<!tpu.dma_semaphore, #tpu.memory_space<semaphore_mem>>) src(%dma_wait3A_300 : memref<640x64xf32, #tpu.memory_space<vmem_shared>>) dst(%dma_wait3A_298 : memref<640x64xf32, #tpu.memory_space<hbm>>)
      tpu.yield
    }) : () -> ()
    %mul3A_165 = arith.constant 640 : i32
    %mul3A_166 = arith.muli %arg1, %mul3A_165 : i32
    "tpu.region"() ({
      %run_scoped3A = tpu.sem_alloc : memref<!tpu.dma_semaphore, #tpu.memory_space<semaphore_mem>>
      %dma_start3A_293 = arith.constant 0 : i32
      %dma_start3A_294 = tpu.memref_slice %arg26[%mul3A_166, %dma_start3A_293] : memref<10240x64xf32, #tpu.memory_space<vmem_shared>> -> memref<640x64xf32, #tpu.memory_space<vmem_shared>>
      tpu.enqueue_dma source(%arg7 : memref<640x64xf32, #tpu.memory_space<hbm>>) target(%dma_start3A_294 : memref<640x64xf32, #tpu.memory_space<vmem_shared>>) target_semaphore(%run_scoped3A : memref<!tpu.dma_semaphore, #tpu.memory_space<semaphore_mem>>)
      %dma_wait3A_295 = arith.constant 0 : i32
      %dma_wait3A_296 = tpu.memref_slice %arg26[%mul3A_166, %dma_wait3A_295] : memref<10240x64xf32, #tpu.memory_space<vmem_shared>> -> memref<640x64xf32, #tpu.memory_space<vmem_shared>>
      tpu.wait_dma2 semaphore(%run_scoped3A : memref<!tpu.dma_semaphore, #tpu.memory_space<semaphore_mem>>) src(%arg7 : memref<640x64xf32, #tpu.memory_space<hbm>>) dst(%dma_wait3A_296 : memref<640x64xf32, #tpu.memory_space<vmem_shared>>)
      tpu.yield
    }) : () -> ()
    %barrier3A_167 = arith.constant 0 : index
    tpu.barrier barrier_id(%barrier3A_167)
    %mul3A_168 = arith.constant 4 : i32
    %mul3A_169 = arith.muli %mul3A_168, %arg0 : i32
    %add3A_170 = arith.constant 2 : i32
    %add3A_171 = arith.addi %mul3A_169, %add3A_170 : i32
    %broadcast_in_dim3A_172 = vector.broadcast %add3A_171 : i32 to vector<16xi32>
    %mul3A_173 = arith.constant 163840 : i32
    %mul3A_174 = arith.muli %arg0, %mul3A_173 : i32
    %mul3A_175 = arith.constant 10240 : i32
    %mul3A_176 = arith.muli %arg1, %mul3A_175 : i32
    %add3A_177 = arith.addi %mul3A_174, %mul3A_176 : i32
    %add3A_178 = arith.constant 0 : i32
    %add3A_179 = arith.addi %add3A_177, %add3A_178 : i32
    %dma_start3A_180 = arith.constant 0 : i32
    %dma_start3A_181 = tpu.memref_slice %arg11[%add3A_179, %dma_start3A_180] : memref<327680x16xf32, #tpu.memory_space<hbm>> -> memref<128x16xf32, #tpu.memory_space<hbm>>
    %dma_start3A_182 = arith.constant 0 : i32
    %dma_start3A_183 = tpu.memref_slice %arg11[%add3A_179, %dma_start3A_182] : memref<327680x16xf32, #tpu.memory_space<hbm>> -> memref<128x16xf32, #tpu.memory_space<hbm>>
    tpu.enqueue_dma source(%dma_start3A_183 : memref<128x16xf32, #tpu.memory_space<hbm>>) target(%arg18 : memref<128x16xf32, #tpu.memory_space<vmem>>) target_semaphore(%arg28 : memref<!tpu.dma_semaphore, #tpu.memory_space<semaphore_mem>>)
    %scan3A_184 = arith.constant 0 : i32
    %scan3A_185 = arith.constant 8 : i32
    %scan3A_186 = arith.addi %scan3A_184, %scan3A_185 : i32
    %scan3A_187 = arith.constant 1 : i32
    scf.for %scan3A_293 = %scan3A_184 to %scan3A_186 step %scan3A_187  : i32 {
      %mul3A_294 = arith.constant 1 : i32
      %mul3A_295 = arith.muli %scan3A_293, %mul3A_294 : i32
      %add3A_296 = arith.constant 0 : i32
      %add3A_297 = arith.addi %add3A_296, %mul3A_295 : i32
      %mul3A_298 = arith.constant 16 : i32
      %mul3A_299 = arith.muli %add3A_297, %mul3A_298 : i32
      %get3A = arith.constant 0 : i32
      %get3A_300 = arith.index_cast %get3A : i32 to index
      %get3A_301 = arith.index_cast %mul3A_299 : i32 to index
      %get3A_302 = tpu.vector_load %arg12[%get3A_300, %get3A_301] {strides = array<i32>} : memref<80x128xi32, #tpu.memory_space<vmem>>, vector<1x16xi32>,
      %get3A_303 = vector.shape_cast %get3A_302 : vector<1x16xi32> to vector<16xi32>
      %mul3A_304 = arith.constant 8 : i32
      %mul3A_305 = vector.broadcast %mul3A_304 : i32 to vector<16xi32>
      %mul3A_306 = arith.muli %get3A_303, %mul3A_305 : vector<16xi32>
      %add3A_307 = vector.broadcast %add3A_171 : i32 to vector<16xi32>
      %add3A_308 = arith.addi %mul3A_306, %add3A_307 : vector<16xi32>
      %mul3A_309 = arith.constant 16 : i32
      %mul3A_310 = arith.muli %add3A_297, %mul3A_309 : i32
      %swap3A = arith.index_cast %mul3A_310 : i32 to index
      %swap3A_311 = tpu.vector_load %arg20[%swap3A] {strides = array<i32>} : memref<128xi32, #tpu.memory_space<vmem>>, vector<16xi32>,
      %swap3A_312 = vector.shape_cast %swap3A_311 : vector<16xi32> to vector<16xi32>
      %swap3A_313 = vector.shape_cast %add3A_308 : vector<16xi32> to vector<16xi32>
      tpu.vector_store %arg20[%swap3A], %swap3A_313 {strides = array<i32>} : memref<128xi32, #tpu.memory_space<vmem>>, vector<16xi32>,
    }
    %scan3A_188 = arith.constant 8 : i32
    %dma_start3A_189 = arith.constant 0 : i32
    %dma_start3A_190 = arith.constant 0 : i32
    %dma_start3A_191 = tpu.memref_slice %arg6[%dma_start3A_189, %dma_start3A_190] : memref<80000x64xf32, #tpu.memory_space<hbm>> -> memref<80000x64xf32, #tpu.memory_space<hbm>>
    tpu.enqueue_indirect_dma source(%dma_start3A_191 : memref<80000x64xf32, #tpu.memory_space<hbm>>) target(%arg22 : memref<128x64xf32, #tpu.memory_space<vmem>>) offsets(%arg20 : memref<128xi32, #tpu.memory_space<vmem>>) semaphore(%arg34 : memref<!tpu.dma_semaphore, #tpu.memory_space<semaphore_mem>>)
    %add3A_192 = arith.constant 128 : i32
    %add3A_193 = arith.addi %add3A_177, %add3A_192 : i32
    %dma_start3A_194 = arith.constant 0 : i32
    %dma_start3A_195 = tpu.memref_slice %arg11[%add3A_193, %dma_start3A_194] : memref<327680x16xf32, #tpu.memory_space<hbm>> -> memref<128x16xf32, #tpu.memory_space<hbm>>
    %dma_start3A_196 = arith.constant 0 : i32
    %dma_start3A_197 = tpu.memref_slice %arg11[%add3A_193, %dma_start3A_196] : memref<327680x16xf32, #tpu.memory_space<hbm>> -> memref<128x16xf32, #tpu.memory_space<hbm>>
    tpu.enqueue_dma source(%dma_start3A_197 : memref<128x16xf32, #tpu.memory_space<hbm>>) target(%arg19 : memref<128x16xf32, #tpu.memory_space<vmem>>) target_semaphore(%arg29 : memref<!tpu.dma_semaphore, #tpu.memory_space<semaphore_mem>>)
    %scan3A_198 = arith.constant 0 : i32
    %scan3A_199 = arith.constant 8 : i32
    %scan3A_200 = arith.addi %scan3A_198, %scan3A_199 : i32
    %scan3A_201 = arith.constant 1 : i32
    scf.for %scan3A_293 = %scan3A_198 to %scan3A_200 step %scan3A_201  : i32 {
      %mul3A_294 = arith.constant 1 : i32
      %mul3A_295 = arith.muli %scan3A_293, %mul3A_294 : i32
      %add3A_296 = arith.constant 0 : i32
      %add3A_297 = arith.addi %add3A_296, %mul3A_295 : i32
      %mul3A_298 = arith.constant 16 : i32
      %mul3A_299 = arith.muli %add3A_297, %mul3A_298 : i32
      %get3A = arith.constant 1 : i32
      %get3A_300 = arith.index_cast %get3A : i32 to index
      %get3A_301 = arith.index_cast %mul3A_299 : i32 to index
      %get3A_302 = tpu.vector_load %arg12[%get3A_300, %get3A_301] {strides = array<i32>} : memref<80x128xi32, #tpu.memory_space<vmem>>, vector<1x16xi32>,
      %get3A_303 = vector.shape_cast %get3A_302 : vector<1x16xi32> to vector<16xi32>
      %mul3A_304 = arith.constant 8 : i32
      %mul3A_305 = vector.broadcast %mul3A_304 : i32 to vector<16xi32>
      %mul3A_306 = arith.muli %get3A_303, %mul3A_305 : vector<16xi32>
      %add3A_307 = vector.broadcast %add3A_171 : i32 to vector<16xi32>
      %add3A_308 = arith.addi %mul3A_306, %add3A_307 : vector<16xi32>
      %mul3A_309 = arith.constant 16 : i32
      %mul3A_310 = arith.muli %add3A_297, %mul3A_309 : i32
      %swap3A = arith.index_cast %mul3A_310 : i32 to index
      %swap3A_311 = tpu.vector_load %arg21[%swap3A] {strides = array<i32>} : memref<128xi32, #tpu.memory_space<vmem>>, vector<16xi32>,
      %swap3A_312 = vector.shape_cast %swap3A_311 : vector<16xi32> to vector<16xi32>
      %swap3A_313 = vector.shape_cast %add3A_308 : vector<16xi32> to vector<16xi32>
      tpu.vector_store %arg21[%swap3A], %swap3A_313 {strides = array<i32>} : memref<128xi32, #tpu.memory_space<vmem>>, vector<16xi32>,
    }
    %scan3A_202 = arith.constant 8 : i32
    %dma_start3A_203 = arith.constant 0 : i32
    %dma_start3A_204 = arith.constant 0 : i32
    %dma_start3A_205 = tpu.memref_slice %arg6[%dma_start3A_203, %dma_start3A_204] : memref<80000x64xf32, #tpu.memory_space<hbm>> -> memref<80000x64xf32, #tpu.memory_space<hbm>>
    tpu.enqueue_indirect_dma source(%dma_start3A_205 : memref<80000x64xf32, #tpu.memory_space<hbm>>) target(%arg23 : memref<128x64xf32, #tpu.memory_space<vmem>>) offsets(%arg21 : memref<128xi32, #tpu.memory_space<vmem>>) semaphore(%arg35 : memref<!tpu.dma_semaphore, #tpu.memory_space<semaphore_mem>>)
    %scan3A_206 = arith.constant 0 : i32
    %scan3A_207 = arith.constant 40 : i32
    %scan3A_208 = arith.addi %scan3A_206, %scan3A_207 : i32
    %scan3A_209 = arith.constant 1 : i32
    scf.for %scan3A_293 = %scan3A_206 to %scan3A_208 step %scan3A_209  : i32 {
      %mul3A_294 = arith.constant 1 : i32
      %mul3A_295 = arith.muli %scan3A_293, %mul3A_294 : i32
      %add3A_296 = arith.constant 0 : i32
      %add3A_297 = arith.addi %add3A_296, %mul3A_295 : i32
      %mul3A_298 = arith.constant 2 : i32
      %mul3A_299 = arith.muli %mul3A_298, %add3A_297 : i32
      %dma_wait3A_300 = arith.constant 0 : i32
      %dma_wait3A_301 = arith.constant 0 : i32
      %dma_wait3A_302 = tpu.memref_slice %arg4[%dma_wait3A_300, %dma_wait3A_301] : memref<10000x16xf32, #tpu.memory_space<hbm>> -> memref<128x16xf32, #tpu.memory_space<hbm>>
      %dma_wait3A_303 = arith.constant 0 : i32
      %dma_wait3A_304 = arith.constant 0 : i32
      %dma_wait3A_305 = tpu.memref_slice %arg4[%dma_wait3A_303, %dma_wait3A_304] : memref<10000x16xf32, #tpu.memory_space<hbm>> -> memref<128x16xf32, #tpu.memory_space<hbm>>
      tpu.wait_dma2 semaphore(%arg28 : memref<!tpu.dma_semaphore, #tpu.memory_space<semaphore_mem>>) src(%dma_wait3A_305 : memref<128x16xf32, #tpu.memory_space<hbm>>) dst(%arg18 : memref<128x16xf32, #tpu.memory_space<vmem>>)
      %gt3A = arith.constant 0 : i32
      %gt3A_306 = arith.cmpi sgt, %add3A_297, %gt3A : i32
      %convert_element_type3A_307 = arith.extui %gt3A_306 : i1 to i32
      %cond3A_308 = arith.constant 0 : i32
      %cond3A_309 = arith.cmpi ne, %convert_element_type3A_307, %cond3A_308 : i32
      scf.if %cond3A_309 {
        %dma_wait3A_368 = arith.constant 0 : i32
        %dma_wait3A_369 = arith.constant 0 : i32
        %dma_wait3A_370 = tpu.memref_slice %arg6[%dma_wait3A_368, %dma_wait3A_369] : memref<80000x64xf32, #tpu.memory_space<hbm>> -> memref<128x64xf32, #tpu.memory_space<hbm>>
        %dma_wait3A_371 = arith.constant 0 : i32
        %dma_wait3A_372 = arith.constant 0 : i32
        %dma_wait3A_373 = tpu.memref_slice %arg6[%dma_wait3A_371, %dma_wait3A_372] : memref<80000x64xf32, #tpu.memory_space<hbm>> -> memref<128x64xf32, #tpu.memory_space<hbm>>
        tpu.wait_dma2 semaphore(%arg36 : memref<!tpu.dma_semaphore, #tpu.memory_space<semaphore_mem>>) src(%dma_wait3A_373 : memref<128x64xf32, #tpu.memory_space<hbm>>) dst(%arg24 : memref<128x64xf32, #tpu.memory_space<vmem>>)
      } else {
      }
      %dma_wait3A_310 = arith.constant 0 : i32
      %dma_wait3A_311 = arith.constant 0 : i32
      %dma_wait3A_312 = tpu.memref_slice %arg6[%dma_wait3A_310, %dma_wait3A_311] : memref<80000x64xf32, #tpu.memory_space<hbm>> -> memref<128x64xf32, #tpu.memory_space<hbm>>
      %dma_wait3A_313 = arith.constant 0 : i32
      %dma_wait3A_314 = arith.constant 0 : i32
      %dma_wait3A_315 = tpu.memref_slice %arg6[%dma_wait3A_313, %dma_wait3A_314] : memref<80000x64xf32, #tpu.memory_space<hbm>> -> memref<128x64xf32, #tpu.memory_space<hbm>>
      tpu.wait_dma2 semaphore(%arg34 : memref<!tpu.dma_semaphore, #tpu.memory_space<semaphore_mem>>) src(%dma_wait3A_315 : memref<128x64xf32, #tpu.memory_space<hbm>>) dst(%arg22 : memref<128x64xf32, #tpu.memory_space<vmem>>)
      %scan3A_316 = arith.constant 0 : i32
      %scan3A_317 = arith.constant 128 : i32
      %scan3A_318 = arith.addi %scan3A_316, %scan3A_317 : i32
      %scan3A_319 = arith.constant 1 : i32
      scf.for %scan3A_368 = %scan3A_316 to %scan3A_318 step %scan3A_319  : i32 {
        %mul3A_369 = arith.constant 1 : i32
        %mul3A_370 = arith.muli %scan3A_368, %mul3A_369 : i32
        %add3A_371 = arith.constant 0 : i32
        %add3A_372 = arith.addi %add3A_371, %mul3A_370 : i32
        %get3A = arith.index_cast %add3A_372 : i32 to index
        %get3A_373 = arith.constant 0 : index
        %get3A_374 = tpu.vector_load %arg18[%get3A, %get3A_373] {strides = array<i32>} : memref<128x16xf32, #tpu.memory_space<vmem>>, vector<1x16xf32>,
        %get3A_375 = vector.shape_cast %get3A_374 : vector<1x16xf32> to vector<16xf32>
        %broadcast_in_dim3A_376 = vector.shape_cast %broadcast_in_dim3A_172 : vector<16xi32> to vector<16x1xi32>
        %gather3A = vector.shape_cast %broadcast_in_dim3A_376 : vector<16x1xi32> to vector<16xi32>
        %gather3A_377 = tpu.dynamic_gather %get3A_375[%gather3A] in [0] : vector<16xf32>, vector<16xi32> -> vector<16xf32>
        %get3A_378 = arith.index_cast %add3A_372 : i32 to index
        %get3A_379 = arith.constant 0 : index
        %get3A_380 = tpu.vector_load %arg22[%get3A_378, %get3A_379] {strides = array<i32>} : memref<128x64xf32, #tpu.memory_space<vmem>>, vector<1x16xf32>,
        %get3A_381 = vector.shape_cast %get3A_380 : vector<1x16xf32> to vector<16xf32>
        %mul3A_382 = arith.mulf %get3A_381, %gather3A_377 : vector<16xf32>
        %swap3A = arith.index_cast %add3A_372 : i32 to index
        %swap3A_383 = arith.constant 0 : index
        %swap3A_384 = tpu.vector_load %arg24[%swap3A, %swap3A_383] {strides = array<i32>} : memref<128x64xf32, #tpu.memory_space<vmem>>, vector<1x16xf32>,
        %swap3A_385 = vector.shape_cast %swap3A_384 : vector<1x16xf32> to vector<16xf32>
        %swap3A_386 = vector.shape_cast %mul3A_382 : vector<16xf32> to vector<1x16xf32>
        tpu.vector_store %arg24[%swap3A, %swap3A_383], %swap3A_386 {strides = array<i32>} : memref<128x64xf32, #tpu.memory_space<vmem>>, vector<1x16xf32>,
        %get3A_387 = arith.index_cast %add3A_372 : i32 to index
        %get3A_388 = arith.constant 16 : index
        %get3A_389 = tpu.vector_load %arg22[%get3A_387, %get3A_388] {strides = array<i32>} : memref<128x64xf32, #tpu.memory_space<vmem>>, vector<1x16xf32>,
        %get3A_390 = vector.shape_cast %get3A_389 : vector<1x16xf32> to vector<16xf32>
        %mul3A_391 = arith.mulf %get3A_390, %gather3A_377 : vector<16xf32>
        %swap3A_392 = arith.index_cast %add3A_372 : i32 to index
        %swap3A_393 = arith.constant 16 : index
        %swap3A_394 = tpu.vector_load %arg24[%swap3A_392, %swap3A_393] {strides = array<i32>} : memref<128x64xf32, #tpu.memory_space<vmem>>, vector<1x16xf32>,
        %swap3A_395 = vector.shape_cast %swap3A_394 : vector<1x16xf32> to vector<16xf32>
        %swap3A_396 = vector.shape_cast %mul3A_391 : vector<16xf32> to vector<1x16xf32>
        tpu.vector_store %arg24[%swap3A_392, %swap3A_393], %swap3A_396 {strides = array<i32>} : memref<128x64xf32, #tpu.memory_space<vmem>>, vector<1x16xf32>,
        %get3A_397 = arith.index_cast %add3A_372 : i32 to index
        %get3A_398 = arith.constant 32 : index
        %get3A_399 = tpu.vector_load %arg22[%get3A_397, %get3A_398] {strides = array<i32>} : memref<128x64xf32, #tpu.memory_space<vmem>>, vector<1x16xf32>,
        %get3A_400 = vector.shape_cast %get3A_399 : vector<1x16xf32> to vector<16xf32>
        %mul3A_401 = arith.mulf %get3A_400, %gather3A_377 : vector<16xf32>
        %swap3A_402 = arith.index_cast %add3A_372 : i32 to index
        %swap3A_403 = arith.constant 32 : index
        %swap3A_404 = tpu.vector_load %arg24[%swap3A_402, %swap3A_403] {strides = array<i32>} : memref<128x64xf32, #tpu.memory_space<vmem>>, vector<1x16xf32>,
        %swap3A_405 = vector.shape_cast %swap3A_404 : vector<1x16xf32> to vector<16xf32>
        %swap3A_406 = vector.shape_cast %mul3A_401 : vector<16xf32> to vector<1x16xf32>
        tpu.vector_store %arg24[%swap3A_402, %swap3A_403], %swap3A_406 {strides = array<i32>} : memref<128x64xf32, #tpu.memory_space<vmem>>, vector<1x16xf32>,
        %get3A_407 = arith.index_cast %add3A_372 : i32 to index
        %get3A_408 = arith.constant 48 : index
        %get3A_409 = tpu.vector_load %arg22[%get3A_407, %get3A_408] {strides = array<i32>} : memref<128x64xf32, #tpu.memory_space<vmem>>, vector<1x16xf32>,
        %get3A_410 = vector.shape_cast %get3A_409 : vector<1x16xf32> to vector<16xf32>
        %mul3A_411 = arith.mulf %get3A_410, %gather3A_377 : vector<16xf32>
        %swap3A_412 = arith.index_cast %add3A_372 : i32 to index
        %swap3A_413 = arith.constant 48 : index
        %swap3A_414 = tpu.vector_load %arg24[%swap3A_412, %swap3A_413] {strides = array<i32>} : memref<128x64xf32, #tpu.memory_space<vmem>>, vector<1x16xf32>,
        %swap3A_415 = vector.shape_cast %swap3A_414 : vector<1x16xf32> to vector<16xf32>
        %swap3A_416 = vector.shape_cast %mul3A_411 : vector<16xf32> to vector<1x16xf32>
        tpu.vector_store %arg24[%swap3A_412, %swap3A_413], %swap3A_416 {strides = array<i32>} : memref<128x64xf32, #tpu.memory_space<vmem>>, vector<1x16xf32>,
      }
      %scan3A_320 = arith.constant 128 : i32
      %dma_start3A_321 = arith.constant 0 : i32
      %dma_start3A_322 = tpu.memref_slice %arg13[%mul3A_299, %dma_start3A_321] : memref<80x128xi32, #tpu.memory_space<vmem>> -> memref<1x128xi32, #tpu.memory_space<vmem>>
      %dma_start3A_323 = tpu.memref_squeeze %dma_start3A_322 : memref<1x128xi32, #tpu.memory_space<vmem>> -> memref<128xi32, #tpu.memory_space<vmem>>
      %dma_start3A_324 = arith.constant 0 : i32
      %dma_start3A_325 = arith.constant 0 : i32
      %dma_start3A_326 = tpu.memref_slice %arg26[%dma_start3A_324, %dma_start3A_325] : memref<10240x64xf32, #tpu.memory_space<vmem_shared>> -> memref<10240x64xf32, #tpu.memory_space<vmem_shared>>
      tpu.enqueue_indirect_dma source(%arg24 : memref<128x64xf32, #tpu.memory_space<vmem>>) target(%dma_start3A_326 : memref<10240x64xf32, #tpu.memory_space<vmem_shared>>) offsets(%dma_start3A_323 : memref<128xi32, #tpu.memory_space<vmem>>) semaphore(%arg36 : memref<!tpu.dma_semaphore, #tpu.memory_space<semaphore_mem>>) {add = true}
      %lt3A = arith.constant 39 : i32
      %lt3A_327 = arith.cmpi slt, %add3A_297, %lt3A : i32
      %convert_element_type3A_328 = arith.extui %lt3A_327 : i1 to i32
      %cond3A_329 = arith.constant 0 : i32
      %cond3A_330 = arith.cmpi ne, %convert_element_type3A_328, %cond3A_329 : i32
      scf.if %cond3A_330 {
        %add3A_368 = arith.constant 2 : i32
        %add3A_369 = arith.addi %mul3A_299, %add3A_368 : i32
        %mul3A_370 = arith.constant 128 : i32
        %mul3A_371 = arith.muli %add3A_369, %mul3A_370 : i32
        %add3A_372 = arith.addi %add3A_177, %mul3A_371 : i32
        %dma_start3A_373 = arith.constant 0 : i32
        %dma_start3A_374 = tpu.memref_slice %arg11[%add3A_372, %dma_start3A_373] : memref<327680x16xf32, #tpu.memory_space<hbm>> -> memref<128x16xf32, #tpu.memory_space<hbm>>
        %dma_start3A_375 = arith.constant 0 : i32
        %dma_start3A_376 = tpu.memref_slice %arg11[%add3A_372, %dma_start3A_375] : memref<327680x16xf32, #tpu.memory_space<hbm>> -> memref<128x16xf32, #tpu.memory_space<hbm>>
        tpu.enqueue_dma source(%dma_start3A_376 : memref<128x16xf32, #tpu.memory_space<hbm>>) target(%arg18 : memref<128x16xf32, #tpu.memory_space<vmem>>) target_semaphore(%arg28 : memref<!tpu.dma_semaphore, #tpu.memory_space<semaphore_mem>>)
        %scan3A_377 = arith.constant 0 : i32
        %scan3A_378 = arith.constant 8 : i32
        %scan3A_379 = arith.addi %scan3A_377, %scan3A_378 : i32
        %scan3A_380 = arith.constant 1 : i32
        scf.for %scan3A_385 = %scan3A_377 to %scan3A_379 step %scan3A_380  : i32 {
          %mul3A_386 = arith.constant 1 : i32
          %mul3A_387 = arith.muli %scan3A_385, %mul3A_386 : i32
          %add3A_388 = arith.constant 0 : i32
          %add3A_389 = arith.addi %add3A_388, %mul3A_387 : i32
          %mul3A_390 = arith.constant 16 : i32
          %mul3A_391 = arith.muli %add3A_389, %mul3A_390 : i32
          %get3A = arith.index_cast %add3A_369 : i32 to index
          %get3A_392 = arith.index_cast %mul3A_391 : i32 to index
          %get3A_393 = tpu.vector_load %arg12[%get3A, %get3A_392] {strides = array<i32>} : memref<80x128xi32, #tpu.memory_space<vmem>>, vector<1x16xi32>,
          %get3A_394 = vector.shape_cast %get3A_393 : vector<1x16xi32> to vector<16xi32>
          %mul3A_395 = arith.constant 8 : i32
          %mul3A_396 = vector.broadcast %mul3A_395 : i32 to vector<16xi32>
          %mul3A_397 = arith.muli %get3A_394, %mul3A_396 : vector<16xi32>
          %add3A_398 = vector.broadcast %add3A_171 : i32 to vector<16xi32>
          %add3A_399 = arith.addi %mul3A_397, %add3A_398 : vector<16xi32>
          %mul3A_400 = arith.constant 16 : i32
          %mul3A_401 = arith.muli %add3A_389, %mul3A_400 : i32
          %swap3A = arith.index_cast %mul3A_401 : i32 to index
          %swap3A_402 = tpu.vector_load %arg20[%swap3A] {strides = array<i32>} : memref<128xi32, #tpu.memory_space<vmem>>, vector<16xi32>,
          %swap3A_403 = vector.shape_cast %swap3A_402 : vector<16xi32> to vector<16xi32>
          %swap3A_404 = vector.shape_cast %add3A_399 : vector<16xi32> to vector<16xi32>
          tpu.vector_store %arg20[%swap3A], %swap3A_404 {strides = array<i32>} : memref<128xi32, #tpu.memory_space<vmem>>, vector<16xi32>,
        }
        %scan3A_381 = arith.constant 8 : i32
        %dma_start3A_382 = arith.constant 0 : i32
        %dma_start3A_383 = arith.constant 0 : i32
        %dma_start3A_384 = tpu.memref_slice %arg6[%dma_start3A_382, %dma_start3A_383] : memref<80000x64xf32, #tpu.memory_space<hbm>> -> memref<80000x64xf32, #tpu.memory_space<hbm>>
        tpu.enqueue_indirect_dma source(%dma_start3A_384 : memref<80000x64xf32, #tpu.memory_space<hbm>>) target(%arg22 : memref<128x64xf32, #tpu.memory_space<vmem>>) offsets(%arg20 : memref<128xi32, #tpu.memory_space<vmem>>) semaphore(%arg34 : memref<!tpu.dma_semaphore, #tpu.memory_space<semaphore_mem>>)
      } else {
      }
      %mul3A_331 = arith.constant 2 : i32
      %mul3A_332 = arith.muli %mul3A_331, %add3A_297 : i32
      %add3A_333 = arith.constant 1 : i32
      %add3A_334 = arith.addi %mul3A_332, %add3A_333 : i32
      %dma_wait3A_335 = arith.constant 0 : i32
      %dma_wait3A_336 = arith.constant 0 : i32
      %dma_wait3A_337 = tpu.memref_slice %arg4[%dma_wait3A_335, %dma_wait3A_336] : memref<10000x16xf32, #tpu.memory_space<hbm>> -> memref<128x16xf32, #tpu.memory_space<hbm>>
      %dma_wait3A_338 = arith.constant 0 : i32
      %dma_wait3A_339 = arith.constant 0 : i32
      %dma_wait3A_340 = tpu.memref_slice %arg4[%dma_wait3A_338, %dma_wait3A_339] : memref<10000x16xf32, #tpu.memory_space<hbm>> -> memref<128x16xf32, #tpu.memory_space<hbm>>
      tpu.wait_dma2 semaphore(%arg29 : memref<!tpu.dma_semaphore, #tpu.memory_space<semaphore_mem>>) src(%dma_wait3A_340 : memref<128x16xf32, #tpu.memory_space<hbm>>) dst(%arg19 : memref<128x16xf32, #tpu.memory_space<vmem>>)
      %gt3A_341 = arith.constant 0 : i32
      %gt3A_342 = arith.cmpi sgt, %add3A_297, %gt3A_341 : i32
      %convert_element_type3A_343 = arith.extui %gt3A_342 : i1 to i32
      %cond3A_344 = arith.constant 0 : i32
      %cond3A_345 = arith.cmpi ne, %convert_element_type3A_343, %cond3A_344 : i32
      scf.if %cond3A_345 {
        %dma_wait3A_368 = arith.constant 0 : i32
        %dma_wait3A_369 = arith.constant 0 : i32
        %dma_wait3A_370 = tpu.memref_slice %arg6[%dma_wait3A_368, %dma_wait3A_369] : memref<80000x64xf32, #tpu.memory_space<hbm>> -> memref<128x64xf32, #tpu.memory_space<hbm>>
        %dma_wait3A_371 = arith.constant 0 : i32
        %dma_wait3A_372 = arith.constant 0 : i32
        %dma_wait3A_373 = tpu.memref_slice %arg6[%dma_wait3A_371, %dma_wait3A_372] : memref<80000x64xf32, #tpu.memory_space<hbm>> -> memref<128x64xf32, #tpu.memory_space<hbm>>
        tpu.wait_dma2 semaphore(%arg37 : memref<!tpu.dma_semaphore, #tpu.memory_space<semaphore_mem>>) src(%dma_wait3A_373 : memref<128x64xf32, #tpu.memory_space<hbm>>) dst(%arg25 : memref<128x64xf32, #tpu.memory_space<vmem>>)
      } else {
      }
      %dma_wait3A_346 = arith.constant 0 : i32
      %dma_wait3A_347 = arith.constant 0 : i32
      %dma_wait3A_348 = tpu.memref_slice %arg6[%dma_wait3A_346, %dma_wait3A_347] : memref<80000x64xf32, #tpu.memory_space<hbm>> -> memref<128x64xf32, #tpu.memory_space<hbm>>
      %dma_wait3A_349 = arith.constant 0 : i32
      %dma_wait3A_350 = arith.constant 0 : i32
      %dma_wait3A_351 = tpu.memref_slice %arg6[%dma_wait3A_349, %dma_wait3A_350] : memref<80000x64xf32, #tpu.memory_space<hbm>> -> memref<128x64xf32, #tpu.memory_space<hbm>>
      tpu.wait_dma2 semaphore(%arg35 : memref<!tpu.dma_semaphore, #tpu.memory_space<semaphore_mem>>) src(%dma_wait3A_351 : memref<128x64xf32, #tpu.memory_space<hbm>>) dst(%arg23 : memref<128x64xf32, #tpu.memory_space<vmem>>)
      %scan3A_352 = arith.constant 0 : i32
      %scan3A_353 = arith.constant 128 : i32
      %scan3A_354 = arith.addi %scan3A_352, %scan3A_353 : i32
      %scan3A_355 = arith.constant 1 : i32
      scf.for %scan3A_368 = %scan3A_352 to %scan3A_354 step %scan3A_355  : i32 {
        %mul3A_369 = arith.constant 1 : i32
        %mul3A_370 = arith.muli %scan3A_368, %mul3A_369 : i32
        %add3A_371 = arith.constant 0 : i32
        %add3A_372 = arith.addi %add3A_371, %mul3A_370 : i32
        %get3A = arith.index_cast %add3A_372 : i32 to index
        %get3A_373 = arith.constant 0 : index
        %get3A_374 = tpu.vector_load %arg19[%get3A, %get3A_373] {strides = array<i32>} : memref<128x16xf32, #tpu.memory_space<vmem>>, vector<1x16xf32>,
        %get3A_375 = vector.shape_cast %get3A_374 : vector<1x16xf32> to vector<16xf32>
        %broadcast_in_dim3A_376 = vector.shape_cast %broadcast_in_dim3A_172 : vector<16xi32> to vector<16x1xi32>
        %gather3A = vector.shape_cast %broadcast_in_dim3A_376 : vector<16x1xi32> to vector<16xi32>
        %gather3A_377 = tpu.dynamic_gather %get3A_375[%gather3A] in [0] : vector<16xf32>, vector<16xi32> -> vector<16xf32>
        %get3A_378 = arith.index_cast %add3A_372 : i32 to index
        %get3A_379 = arith.constant 0 : index
        %get3A_380 = tpu.vector_load %arg23[%get3A_378, %get3A_379] {strides = array<i32>} : memref<128x64xf32, #tpu.memory_space<vmem>>, vector<1x16xf32>,
        %get3A_381 = vector.shape_cast %get3A_380 : vector<1x16xf32> to vector<16xf32>
        %mul3A_382 = arith.mulf %get3A_381, %gather3A_377 : vector<16xf32>
        %swap3A = arith.index_cast %add3A_372 : i32 to index
        %swap3A_383 = arith.constant 0 : index
        %swap3A_384 = tpu.vector_load %arg25[%swap3A, %swap3A_383] {strides = array<i32>} : memref<128x64xf32, #tpu.memory_space<vmem>>, vector<1x16xf32>,
        %swap3A_385 = vector.shape_cast %swap3A_384 : vector<1x16xf32> to vector<16xf32>
        %swap3A_386 = vector.shape_cast %mul3A_382 : vector<16xf32> to vector<1x16xf32>
        tpu.vector_store %arg25[%swap3A, %swap3A_383], %swap3A_386 {strides = array<i32>} : memref<128x64xf32, #tpu.memory_space<vmem>>, vector<1x16xf32>,
        %get3A_387 = arith.index_cast %add3A_372 : i32 to index
        %get3A_388 = arith.constant 16 : index
        %get3A_389 = tpu.vector_load %arg23[%get3A_387, %get3A_388] {strides = array<i32>} : memref<128x64xf32, #tpu.memory_space<vmem>>, vector<1x16xf32>,
        %get3A_390 = vector.shape_cast %get3A_389 : vector<1x16xf32> to vector<16xf32>
        %mul3A_391 = arith.mulf %get3A_390, %gather3A_377 : vector<16xf32>
        %swap3A_392 = arith.index_cast %add3A_372 : i32 to index
        %swap3A_393 = arith.constant 16 : index
        %swap3A_394 = tpu.vector_load %arg25[%swap3A_392, %swap3A_393] {strides = array<i32>} : memref<128x64xf32, #tpu.memory_space<vmem>>, vector<1x16xf32>,
        %swap3A_395 = vector.shape_cast %swap3A_394 : vector<1x16xf32> to vector<16xf32>
        %swap3A_396 = vector.shape_cast %mul3A_391 : vector<16xf32> to vector<1x16xf32>
        tpu.vector_store %arg25[%swap3A_392, %swap3A_393], %swap3A_396 {strides = array<i32>} : memref<128x64xf32, #tpu.memory_space<vmem>>, vector<1x16xf32>,
        %get3A_397 = arith.index_cast %add3A_372 : i32 to index
        %get3A_398 = arith.constant 32 : index
        %get3A_399 = tpu.vector_load %arg23[%get3A_397, %get3A_398] {strides = array<i32>} : memref<128x64xf32, #tpu.memory_space<vmem>>, vector<1x16xf32>,
        %get3A_400 = vector.shape_cast %get3A_399 : vector<1x16xf32> to vector<16xf32>
        %mul3A_401 = arith.mulf %get3A_400, %gather3A_377 : vector<16xf32>
        %swap3A_402 = arith.index_cast %add3A_372 : i32 to index
        %swap3A_403 = arith.constant 32 : index
        %swap3A_404 = tpu.vector_load %arg25[%swap3A_402, %swap3A_403] {strides = array<i32>} : memref<128x64xf32, #tpu.memory_space<vmem>>, vector<1x16xf32>,
        %swap3A_405 = vector.shape_cast %swap3A_404 : vector<1x16xf32> to vector<16xf32>
        %swap3A_406 = vector.shape_cast %mul3A_401 : vector<16xf32> to vector<1x16xf32>
        tpu.vector_store %arg25[%swap3A_402, %swap3A_403], %swap3A_406 {strides = array<i32>} : memref<128x64xf32, #tpu.memory_space<vmem>>, vector<1x16xf32>,
        %get3A_407 = arith.index_cast %add3A_372 : i32 to index
        %get3A_408 = arith.constant 48 : index
        %get3A_409 = tpu.vector_load %arg23[%get3A_407, %get3A_408] {strides = array<i32>} : memref<128x64xf32, #tpu.memory_space<vmem>>, vector<1x16xf32>,
        %get3A_410 = vector.shape_cast %get3A_409 : vector<1x16xf32> to vector<16xf32>
        %mul3A_411 = arith.mulf %get3A_410, %gather3A_377 : vector<16xf32>
        %swap3A_412 = arith.index_cast %add3A_372 : i32 to index
        %swap3A_413 = arith.constant 48 : index
        %swap3A_414 = tpu.vector_load %arg25[%swap3A_412, %swap3A_413] {strides = array<i32>} : memref<128x64xf32, #tpu.memory_space<vmem>>, vector<1x16xf32>,
        %swap3A_415 = vector.shape_cast %swap3A_414 : vector<1x16xf32> to vector<16xf32>
        %swap3A_416 = vector.shape_cast %mul3A_411 : vector<16xf32> to vector<1x16xf32>
        tpu.vector_store %arg25[%swap3A_412, %swap3A_413], %swap3A_416 {strides = array<i32>} : memref<128x64xf32, #tpu.memory_space<vmem>>, vector<1x16xf32>,
      }
      %scan3A_356 = arith.constant 128 : i32
      %dma_start3A_357 = arith.constant 0 : i32
      %dma_start3A_358 = tpu.memref_slice %arg13[%add3A_334, %dma_start3A_357] : memref<80x128xi32, #tpu.memory_space<vmem>> -> memref<1x128xi32, #tpu.memory_space<vmem>>
      %dma_start3A_359 = tpu.memref_squeeze %dma_start3A_358 : memref<1x128xi32, #tpu.memory_space<vmem>> -> memref<128xi32, #tpu.memory_space<vmem>>
      %dma_start3A_360 = arith.constant 0 : i32
      %dma_start3A_361 = arith.constant 0 : i32
      %dma_start3A_362 = tpu.memref_slice %arg26[%dma_start3A_360, %dma_start3A_361] : memref<10240x64xf32, #tpu.memory_space<vmem_shared>> -> memref<10240x64xf32, #tpu.memory_space<vmem_shared>>
      tpu.enqueue_indirect_dma source(%arg25 : memref<128x64xf32, #tpu.memory_space<vmem>>) target(%dma_start3A_362 : memref<10240x64xf32, #tpu.memory_space<vmem_shared>>) offsets(%dma_start3A_359 : memref<128xi32, #tpu.memory_space<vmem>>) semaphore(%arg37 : memref<!tpu.dma_semaphore, #tpu.memory_space<semaphore_mem>>) {add = true}
      %lt3A_363 = arith.constant 39 : i32
      %lt3A_364 = arith.cmpi slt, %add3A_297, %lt3A_363 : i32
      %convert_element_type3A_365 = arith.extui %lt3A_364 : i1 to i32
      %cond3A_366 = arith.constant 0 : i32
      %cond3A_367 = arith.cmpi ne, %convert_element_type3A_365, %cond3A_366 : i32
      scf.if %cond3A_367 {
        %add3A_368 = arith.constant 2 : i32
        %add3A_369 = arith.addi %add3A_334, %add3A_368 : i32
        %mul3A_370 = arith.constant 128 : i32
        %mul3A_371 = arith.muli %add3A_369, %mul3A_370 : i32
        %add3A_372 = arith.addi %add3A_177, %mul3A_371 : i32
        %dma_start3A_373 = arith.constant 0 : i32
        %dma_start3A_374 = tpu.memref_slice %arg11[%add3A_372, %dma_start3A_373] : memref<327680x16xf32, #tpu.memory_space<hbm>> -> memref<128x16xf32, #tpu.memory_space<hbm>>
        %dma_start3A_375 = arith.constant 0 : i32
        %dma_start3A_376 = tpu.memref_slice %arg11[%add3A_372, %dma_start3A_375] : memref<327680x16xf32, #tpu.memory_space<hbm>> -> memref<128x16xf32, #tpu.memory_space<hbm>>
        tpu.enqueue_dma source(%dma_start3A_376 : memref<128x16xf32, #tpu.memory_space<hbm>>) target(%arg19 : memref<128x16xf32, #tpu.memory_space<vmem>>) target_semaphore(%arg29 : memref<!tpu.dma_semaphore, #tpu.memory_space<semaphore_mem>>)
        %scan3A_377 = arith.constant 0 : i32
        %scan3A_378 = arith.constant 8 : i32
        %scan3A_379 = arith.addi %scan3A_377, %scan3A_378 : i32
        %scan3A_380 = arith.constant 1 : i32
        scf.for %scan3A_385 = %scan3A_377 to %scan3A_379 step %scan3A_380  : i32 {
          %mul3A_386 = arith.constant 1 : i32
          %mul3A_387 = arith.muli %scan3A_385, %mul3A_386 : i32
          %add3A_388 = arith.constant 0 : i32
          %add3A_389 = arith.addi %add3A_388, %mul3A_387 : i32
          %mul3A_390 = arith.constant 16 : i32
          %mul3A_391 = arith.muli %add3A_389, %mul3A_390 : i32
          %get3A = arith.index_cast %add3A_369 : i32 to index
          %get3A_392 = arith.index_cast %mul3A_391 : i32 to index
          %get3A_393 = tpu.vector_load %arg12[%get3A, %get3A_392] {strides = array<i32>} : memref<80x128xi32, #tpu.memory_space<vmem>>, vector<1x16xi32>,
          %get3A_394 = vector.shape_cast %get3A_393 : vector<1x16xi32> to vector<16xi32>
          %mul3A_395 = arith.constant 8 : i32
          %mul3A_396 = vector.broadcast %mul3A_395 : i32 to vector<16xi32>
          %mul3A_397 = arith.muli %get3A_394, %mul3A_396 : vector<16xi32>
          %add3A_398 = vector.broadcast %add3A_171 : i32 to vector<16xi32>
          %add3A_399 = arith.addi %mul3A_397, %add3A_398 : vector<16xi32>
          %mul3A_400 = arith.constant 16 : i32
          %mul3A_401 = arith.muli %add3A_389, %mul3A_400 : i32
          %swap3A = arith.index_cast %mul3A_401 : i32 to index
          %swap3A_402 = tpu.vector_load %arg21[%swap3A] {strides = array<i32>} : memref<128xi32, #tpu.memory_space<vmem>>, vector<16xi32>,
          %swap3A_403 = vector.shape_cast %swap3A_402 : vector<16xi32> to vector<16xi32>
          %swap3A_404 = vector.shape_cast %add3A_399 : vector<16xi32> to vector<16xi32>
          tpu.vector_store %arg21[%swap3A], %swap3A_404 {strides = array<i32>} : memref<128xi32, #tpu.memory_space<vmem>>, vector<16xi32>,
        }
        %scan3A_381 = arith.constant 8 : i32
        %dma_start3A_382 = arith.constant 0 : i32
        %dma_start3A_383 = arith.constant 0 : i32
        %dma_start3A_384 = tpu.memref_slice %arg6[%dma_start3A_382, %dma_start3A_383] : memref<80000x64xf32, #tpu.memory_space<hbm>> -> memref<80000x64xf32, #tpu.memory_space<hbm>>
        tpu.enqueue_indirect_dma source(%dma_start3A_384 : memref<80000x64xf32, #tpu.memory_space<hbm>>) target(%arg23 : memref<128x64xf32, #tpu.memory_space<vmem>>) offsets(%arg21 : memref<128xi32, #tpu.memory_space<vmem>>) semaphore(%arg35 : memref<!tpu.dma_semaphore, #tpu.memory_space<semaphore_mem>>)
      } else {
      }
    }
    %scan3A_210 = arith.constant 40 : i32
    %dma_wait3A_211 = arith.constant 0 : i32
    %dma_wait3A_212 = arith.constant 0 : i32
    %dma_wait3A_213 = tpu.memref_slice %arg6[%dma_wait3A_211, %dma_wait3A_212] : memref<80000x64xf32, #tpu.memory_space<hbm>> -> memref<128x64xf32, #tpu.memory_space<hbm>>
    %dma_wait3A_214 = arith.constant 0 : i32
    %dma_wait3A_215 = arith.constant 0 : i32
    %dma_wait3A_216 = tpu.memref_slice %arg6[%dma_wait3A_214, %dma_wait3A_215] : memref<80000x64xf32, #tpu.memory_space<hbm>> -> memref<128x64xf32, #tpu.memory_space<hbm>>
    tpu.wait_dma2 semaphore(%arg36 : memref<!tpu.dma_semaphore, #tpu.memory_space<semaphore_mem>>) src(%dma_wait3A_216 : memref<128x64xf32, #tpu.memory_space<hbm>>) dst(%arg24 : memref<128x64xf32, #tpu.memory_space<vmem>>)
    %dma_wait3A_217 = arith.constant 0 : i32
    %dma_wait3A_218 = arith.constant 0 : i32
    %dma_wait3A_219 = tpu.memref_slice %arg6[%dma_wait3A_217, %dma_wait3A_218] : memref<80000x64xf32, #tpu.memory_space<hbm>> -> memref<128x64xf32, #tpu.memory_space<hbm>>
    %dma_wait3A_220 = arith.constant 0 : i32
    %dma_wait3A_221 = arith.constant 0 : i32
    %dma_wait3A_222 = tpu.memref_slice %arg6[%dma_wait3A_220, %dma_wait3A_221] : memref<80000x64xf32, #tpu.memory_space<hbm>> -> memref<128x64xf32, #tpu.memory_space<hbm>>
    tpu.wait_dma2 semaphore(%arg37 : memref<!tpu.dma_semaphore, #tpu.memory_space<semaphore_mem>>) src(%dma_wait3A_222 : memref<128x64xf32, #tpu.memory_space<hbm>>) dst(%arg25 : memref<128x64xf32, #tpu.memory_space<vmem>>)
    %barrier3A_223 = arith.constant 0 : index
    tpu.barrier barrier_id(%barrier3A_223)
    %mul3A_224 = arith.constant 640 : i32
    %mul3A_225 = arith.muli %arg1, %mul3A_224 : i32
    %mul3A_226 = arith.constant 10240 : i32
    %mul3A_227 = arith.muli %add3A_171, %mul3A_226 : i32
    %add3A_228 = arith.addi %mul3A_227, %mul3A_225 : i32
    "tpu.region"() ({
      %run_scoped3A = tpu.sem_alloc : memref<!tpu.dma_semaphore, #tpu.memory_space<semaphore_mem>>
      %dma_start3A_293 = arith.constant 0 : i32
      %dma_start3A_294 = tpu.memref_slice %arg9[%add3A_228, %dma_start3A_293] : memref<81920x64xf32, #tpu.memory_space<hbm>> -> memref<640x64xf32, #tpu.memory_space<hbm>>
      %dma_start3A_295 = arith.constant 0 : i32
      %dma_start3A_296 = tpu.memref_slice %arg26[%mul3A_225, %dma_start3A_295] : memref<10240x64xf32, #tpu.memory_space<vmem_shared>> -> memref<640x64xf32, #tpu.memory_space<vmem_shared>>
      tpu.enqueue_dma source(%dma_start3A_296 : memref<640x64xf32, #tpu.memory_space<vmem_shared>>) target(%dma_start3A_294 : memref<640x64xf32, #tpu.memory_space<hbm>>) target_semaphore(%run_scoped3A : memref<!tpu.dma_semaphore, #tpu.memory_space<semaphore_mem>>)
      %dma_wait3A_297 = arith.constant 0 : i32
      %dma_wait3A_298 = tpu.memref_slice %arg9[%add3A_228, %dma_wait3A_297] : memref<81920x64xf32, #tpu.memory_space<hbm>> -> memref<640x64xf32, #tpu.memory_space<hbm>>
      %dma_wait3A_299 = arith.constant 0 : i32
      %dma_wait3A_300 = tpu.memref_slice %arg26[%mul3A_225, %dma_wait3A_299] : memref<10240x64xf32, #tpu.memory_space<vmem_shared>> -> memref<640x64xf32, #tpu.memory_space<vmem_shared>>
      tpu.wait_dma2 semaphore(%run_scoped3A : memref<!tpu.dma_semaphore, #tpu.memory_space<semaphore_mem>>) src(%dma_wait3A_300 : memref<640x64xf32, #tpu.memory_space<vmem_shared>>) dst(%dma_wait3A_298 : memref<640x64xf32, #tpu.memory_space<hbm>>)
      tpu.yield
    }) : () -> ()
    %mul3A_229 = arith.constant 640 : i32
    %mul3A_230 = arith.muli %arg1, %mul3A_229 : i32
    "tpu.region"() ({
      %run_scoped3A = tpu.sem_alloc : memref<!tpu.dma_semaphore, #tpu.memory_space<semaphore_mem>>
      %dma_start3A_293 = arith.constant 0 : i32
      %dma_start3A_294 = tpu.memref_slice %arg26[%mul3A_230, %dma_start3A_293] : memref<10240x64xf32, #tpu.memory_space<vmem_shared>> -> memref<640x64xf32, #tpu.memory_space<vmem_shared>>
      tpu.enqueue_dma source(%arg7 : memref<640x64xf32, #tpu.memory_space<hbm>>) target(%dma_start3A_294 : memref<640x64xf32, #tpu.memory_space<vmem_shared>>) target_semaphore(%run_scoped3A : memref<!tpu.dma_semaphore, #tpu.memory_space<semaphore_mem>>)
      %dma_wait3A_295 = arith.constant 0 : i32
      %dma_wait3A_296 = tpu.memref_slice %arg26[%mul3A_230, %dma_wait3A_295] : memref<10240x64xf32, #tpu.memory_space<vmem_shared>> -> memref<640x64xf32, #tpu.memory_space<vmem_shared>>
      tpu.wait_dma2 semaphore(%run_scoped3A : memref<!tpu.dma_semaphore, #tpu.memory_space<semaphore_mem>>) src(%arg7 : memref<640x64xf32, #tpu.memory_space<hbm>>) dst(%dma_wait3A_296 : memref<640x64xf32, #tpu.memory_space<vmem_shared>>)
      tpu.yield
    }) : () -> ()
    %barrier3A_231 = arith.constant 0 : index
    tpu.barrier barrier_id(%barrier3A_231)
    %mul3A_232 = arith.constant 4 : i32
    %mul3A_233 = arith.muli %mul3A_232, %arg0 : i32
    %add3A_234 = arith.constant 3 : i32
    %add3A_235 = arith.addi %mul3A_233, %add3A_234 : i32
    %broadcast_in_dim3A_236 = vector.broadcast %add3A_235 : i32 to vector<16xi32>
    %mul3A_237 = arith.constant 163840 : i32
    %mul3A_238 = arith.muli %arg0, %mul3A_237 : i32
    %mul3A_239 = arith.constant 10240 : i32
    %mul3A_240 = arith.muli %arg1, %mul3A_239 : i32
    %add3A_241 = arith.addi %mul3A_238, %mul3A_240 : i32
    %add3A_242 = arith.constant 0 : i32
    %add3A_243 = arith.addi %add3A_241, %add3A_242 : i32
    %dma_start3A_244 = arith.constant 0 : i32
    %dma_start3A_245 = tpu.memref_slice %arg11[%add3A_243, %dma_start3A_244] : memref<327680x16xf32, #tpu.memory_space<hbm>> -> memref<128x16xf32, #tpu.memory_space<hbm>>
    %dma_start3A_246 = arith.constant 0 : i32
    %dma_start3A_247 = tpu.memref_slice %arg11[%add3A_243, %dma_start3A_246] : memref<327680x16xf32, #tpu.memory_space<hbm>> -> memref<128x16xf32, #tpu.memory_space<hbm>>
    tpu.enqueue_dma source(%dma_start3A_247 : memref<128x16xf32, #tpu.memory_space<hbm>>) target(%arg18 : memref<128x16xf32, #tpu.memory_space<vmem>>) target_semaphore(%arg28 : memref<!tpu.dma_semaphore, #tpu.memory_space<semaphore_mem>>)
    %scan3A_248 = arith.constant 0 : i32
    %scan3A_249 = arith.constant 8 : i32
    %scan3A_250 = arith.addi %scan3A_248, %scan3A_249 : i32
    %scan3A_251 = arith.constant 1 : i32
    scf.for %scan3A_293 = %scan3A_248 to %scan3A_250 step %scan3A_251  : i32 {
      %mul3A_294 = arith.constant 1 : i32
      %mul3A_295 = arith.muli %scan3A_293, %mul3A_294 : i32
      %add3A_296 = arith.constant 0 : i32
      %add3A_297 = arith.addi %add3A_296, %mul3A_295 : i32
      %mul3A_298 = arith.constant 16 : i32
      %mul3A_299 = arith.muli %add3A_297, %mul3A_298 : i32
      %get3A = arith.constant 0 : i32
      %get3A_300 = arith.index_cast %get3A : i32 to index
      %get3A_301 = arith.index_cast %mul3A_299 : i32 to index
      %get3A_302 = tpu.vector_load %arg12[%get3A_300, %get3A_301] {strides = array<i32>} : memref<80x128xi32, #tpu.memory_space<vmem>>, vector<1x16xi32>,
      %get3A_303 = vector.shape_cast %get3A_302 : vector<1x16xi32> to vector<16xi32>
      %mul3A_304 = arith.constant 8 : i32
      %mul3A_305 = vector.broadcast %mul3A_304 : i32 to vector<16xi32>
      %mul3A_306 = arith.muli %get3A_303, %mul3A_305 : vector<16xi32>
      %add3A_307 = vector.broadcast %add3A_235 : i32 to vector<16xi32>
      %add3A_308 = arith.addi %mul3A_306, %add3A_307 : vector<16xi32>
      %mul3A_309 = arith.constant 16 : i32
      %mul3A_310 = arith.muli %add3A_297, %mul3A_309 : i32
      %swap3A = arith.index_cast %mul3A_310 : i32 to index
      %swap3A_311 = tpu.vector_load %arg20[%swap3A] {strides = array<i32>} : memref<128xi32, #tpu.memory_space<vmem>>, vector<16xi32>,
      %swap3A_312 = vector.shape_cast %swap3A_311 : vector<16xi32> to vector<16xi32>
      %swap3A_313 = vector.shape_cast %add3A_308 : vector<16xi32> to vector<16xi32>
      tpu.vector_store %arg20[%swap3A], %swap3A_313 {strides = array<i32>} : memref<128xi32, #tpu.memory_space<vmem>>, vector<16xi32>,
    }
    %scan3A_252 = arith.constant 8 : i32
    %dma_start3A_253 = arith.constant 0 : i32
    %dma_start3A_254 = arith.constant 0 : i32
    %dma_start3A_255 = tpu.memref_slice %arg6[%dma_start3A_253, %dma_start3A_254] : memref<80000x64xf32, #tpu.memory_space<hbm>> -> memref<80000x64xf32, #tpu.memory_space<hbm>>
    tpu.enqueue_indirect_dma source(%dma_start3A_255 : memref<80000x64xf32, #tpu.memory_space<hbm>>) target(%arg22 : memref<128x64xf32, #tpu.memory_space<vmem>>) offsets(%arg20 : memref<128xi32, #tpu.memory_space<vmem>>) semaphore(%arg34 : memref<!tpu.dma_semaphore, #tpu.memory_space<semaphore_mem>>)
    %add3A_256 = arith.constant 128 : i32
    %add3A_257 = arith.addi %add3A_241, %add3A_256 : i32
    %dma_start3A_258 = arith.constant 0 : i32
    %dma_start3A_259 = tpu.memref_slice %arg11[%add3A_257, %dma_start3A_258] : memref<327680x16xf32, #tpu.memory_space<hbm>> -> memref<128x16xf32, #tpu.memory_space<hbm>>
    %dma_start3A_260 = arith.constant 0 : i32
    %dma_start3A_261 = tpu.memref_slice %arg11[%add3A_257, %dma_start3A_260] : memref<327680x16xf32, #tpu.memory_space<hbm>> -> memref<128x16xf32, #tpu.memory_space<hbm>>
    tpu.enqueue_dma source(%dma_start3A_261 : memref<128x16xf32, #tpu.memory_space<hbm>>) target(%arg19 : memref<128x16xf32, #tpu.memory_space<vmem>>) target_semaphore(%arg29 : memref<!tpu.dma_semaphore, #tpu.memory_space<semaphore_mem>>)
    %scan3A_262 = arith.constant 0 : i32
    %scan3A_263 = arith.constant 8 : i32
    %scan3A_264 = arith.addi %scan3A_262, %scan3A_263 : i32
    %scan3A_265 = arith.constant 1 : i32
    scf.for %scan3A_293 = %scan3A_262 to %scan3A_264 step %scan3A_265  : i32 {
      %mul3A_294 = arith.constant 1 : i32
      %mul3A_295 = arith.muli %scan3A_293, %mul3A_294 : i32
      %add3A_296 = arith.constant 0 : i32
      %add3A_297 = arith.addi %add3A_296, %mul3A_295 : i32
      %mul3A_298 = arith.constant 16 : i32
      %mul3A_299 = arith.muli %add3A_297, %mul3A_298 : i32
      %get3A = arith.constant 1 : i32
      %get3A_300 = arith.index_cast %get3A : i32 to index
      %get3A_301 = arith.index_cast %mul3A_299 : i32 to index
      %get3A_302 = tpu.vector_load %arg12[%get3A_300, %get3A_301] {strides = array<i32>} : memref<80x128xi32, #tpu.memory_space<vmem>>, vector<1x16xi32>,
      %get3A_303 = vector.shape_cast %get3A_302 : vector<1x16xi32> to vector<16xi32>
      %mul3A_304 = arith.constant 8 : i32
      %mul3A_305 = vector.broadcast %mul3A_304 : i32 to vector<16xi32>
      %mul3A_306 = arith.muli %get3A_303, %mul3A_305 : vector<16xi32>
      %add3A_307 = vector.broadcast %add3A_235 : i32 to vector<16xi32>
      %add3A_308 = arith.addi %mul3A_306, %add3A_307 : vector<16xi32>
      %mul3A_309 = arith.constant 16 : i32
      %mul3A_310 = arith.muli %add3A_297, %mul3A_309 : i32
      %swap3A = arith.index_cast %mul3A_310 : i32 to index
      %swap3A_311 = tpu.vector_load %arg21[%swap3A] {strides = array<i32>} : memref<128xi32, #tpu.memory_space<vmem>>, vector<16xi32>,
      %swap3A_312 = vector.shape_cast %swap3A_311 : vector<16xi32> to vector<16xi32>
      %swap3A_313 = vector.shape_cast %add3A_308 : vector<16xi32> to vector<16xi32>
      tpu.vector_store %arg21[%swap3A], %swap3A_313 {strides = array<i32>} : memref<128xi32, #tpu.memory_space<vmem>>, vector<16xi32>,
    }
    %scan3A_266 = arith.constant 8 : i32
    %dma_start3A_267 = arith.constant 0 : i32
    %dma_start3A_268 = arith.constant 0 : i32
    %dma_start3A_269 = tpu.memref_slice %arg6[%dma_start3A_267, %dma_start3A_268] : memref<80000x64xf32, #tpu.memory_space<hbm>> -> memref<80000x64xf32, #tpu.memory_space<hbm>>
    tpu.enqueue_indirect_dma source(%dma_start3A_269 : memref<80000x64xf32, #tpu.memory_space<hbm>>) target(%arg23 : memref<128x64xf32, #tpu.memory_space<vmem>>) offsets(%arg21 : memref<128xi32, #tpu.memory_space<vmem>>) semaphore(%arg35 : memref<!tpu.dma_semaphore, #tpu.memory_space<semaphore_mem>>)
    %scan3A_270 = arith.constant 0 : i32
    %scan3A_271 = arith.constant 40 : i32
    %scan3A_272 = arith.addi %scan3A_270, %scan3A_271 : i32
    %scan3A_273 = arith.constant 1 : i32
    scf.for %scan3A_293 = %scan3A_270 to %scan3A_272 step %scan3A_273  : i32 {
      %mul3A_294 = arith.constant 1 : i32
      %mul3A_295 = arith.muli %scan3A_293, %mul3A_294 : i32
      %add3A_296 = arith.constant 0 : i32
      %add3A_297 = arith.addi %add3A_296, %mul3A_295 : i32
      %mul3A_298 = arith.constant 2 : i32
      %mul3A_299 = arith.muli %mul3A_298, %add3A_297 : i32
      %dma_wait3A_300 = arith.constant 0 : i32
      %dma_wait3A_301 = arith.constant 0 : i32
      %dma_wait3A_302 = tpu.memref_slice %arg4[%dma_wait3A_300, %dma_wait3A_301] : memref<10000x16xf32, #tpu.memory_space<hbm>> -> memref<128x16xf32, #tpu.memory_space<hbm>>
      %dma_wait3A_303 = arith.constant 0 : i32
      %dma_wait3A_304 = arith.constant 0 : i32
      %dma_wait3A_305 = tpu.memref_slice %arg4[%dma_wait3A_303, %dma_wait3A_304] : memref<10000x16xf32, #tpu.memory_space<hbm>> -> memref<128x16xf32, #tpu.memory_space<hbm>>
      tpu.wait_dma2 semaphore(%arg28 : memref<!tpu.dma_semaphore, #tpu.memory_space<semaphore_mem>>) src(%dma_wait3A_305 : memref<128x16xf32, #tpu.memory_space<hbm>>) dst(%arg18 : memref<128x16xf32, #tpu.memory_space<vmem>>)
      %gt3A = arith.constant 0 : i32
      %gt3A_306 = arith.cmpi sgt, %add3A_297, %gt3A : i32
      %convert_element_type3A_307 = arith.extui %gt3A_306 : i1 to i32
      %cond3A_308 = arith.constant 0 : i32
      %cond3A_309 = arith.cmpi ne, %convert_element_type3A_307, %cond3A_308 : i32
      scf.if %cond3A_309 {
        %dma_wait3A_368 = arith.constant 0 : i32
        %dma_wait3A_369 = arith.constant 0 : i32
        %dma_wait3A_370 = tpu.memref_slice %arg6[%dma_wait3A_368, %dma_wait3A_369] : memref<80000x64xf32, #tpu.memory_space<hbm>> -> memref<128x64xf32, #tpu.memory_space<hbm>>
        %dma_wait3A_371 = arith.constant 0 : i32
        %dma_wait3A_372 = arith.constant 0 : i32
        %dma_wait3A_373 = tpu.memref_slice %arg6[%dma_wait3A_371, %dma_wait3A_372] : memref<80000x64xf32, #tpu.memory_space<hbm>> -> memref<128x64xf32, #tpu.memory_space<hbm>>
        tpu.wait_dma2 semaphore(%arg36 : memref<!tpu.dma_semaphore, #tpu.memory_space<semaphore_mem>>) src(%dma_wait3A_373 : memref<128x64xf32, #tpu.memory_space<hbm>>) dst(%arg24 : memref<128x64xf32, #tpu.memory_space<vmem>>)
      } else {
      }
      %dma_wait3A_310 = arith.constant 0 : i32
      %dma_wait3A_311 = arith.constant 0 : i32
      %dma_wait3A_312 = tpu.memref_slice %arg6[%dma_wait3A_310, %dma_wait3A_311] : memref<80000x64xf32, #tpu.memory_space<hbm>> -> memref<128x64xf32, #tpu.memory_space<hbm>>
      %dma_wait3A_313 = arith.constant 0 : i32
      %dma_wait3A_314 = arith.constant 0 : i32
      %dma_wait3A_315 = tpu.memref_slice %arg6[%dma_wait3A_313, %dma_wait3A_314] : memref<80000x64xf32, #tpu.memory_space<hbm>> -> memref<128x64xf32, #tpu.memory_space<hbm>>
      tpu.wait_dma2 semaphore(%arg34 : memref<!tpu.dma_semaphore, #tpu.memory_space<semaphore_mem>>) src(%dma_wait3A_315 : memref<128x64xf32, #tpu.memory_space<hbm>>) dst(%arg22 : memref<128x64xf32, #tpu.memory_space<vmem>>)
      %scan3A_316 = arith.constant 0 : i32
      %scan3A_317 = arith.constant 128 : i32
      %scan3A_318 = arith.addi %scan3A_316, %scan3A_317 : i32
      %scan3A_319 = arith.constant 1 : i32
      scf.for %scan3A_368 = %scan3A_316 to %scan3A_318 step %scan3A_319  : i32 {
        %mul3A_369 = arith.constant 1 : i32
        %mul3A_370 = arith.muli %scan3A_368, %mul3A_369 : i32
        %add3A_371 = arith.constant 0 : i32
        %add3A_372 = arith.addi %add3A_371, %mul3A_370 : i32
        %get3A = arith.index_cast %add3A_372 : i32 to index
        %get3A_373 = arith.constant 0 : index
        %get3A_374 = tpu.vector_load %arg18[%get3A, %get3A_373] {strides = array<i32>} : memref<128x16xf32, #tpu.memory_space<vmem>>, vector<1x16xf32>,
        %get3A_375 = vector.shape_cast %get3A_374 : vector<1x16xf32> to vector<16xf32>
        %broadcast_in_dim3A_376 = vector.shape_cast %broadcast_in_dim3A_236 : vector<16xi32> to vector<16x1xi32>
        %gather3A = vector.shape_cast %broadcast_in_dim3A_376 : vector<16x1xi32> to vector<16xi32>
        %gather3A_377 = tpu.dynamic_gather %get3A_375[%gather3A] in [0] : vector<16xf32>, vector<16xi32> -> vector<16xf32>
        %get3A_378 = arith.index_cast %add3A_372 : i32 to index
        %get3A_379 = arith.constant 0 : index
        %get3A_380 = tpu.vector_load %arg22[%get3A_378, %get3A_379] {strides = array<i32>} : memref<128x64xf32, #tpu.memory_space<vmem>>, vector<1x16xf32>,
        %get3A_381 = vector.shape_cast %get3A_380 : vector<1x16xf32> to vector<16xf32>
        %mul3A_382 = arith.mulf %get3A_381, %gather3A_377 : vector<16xf32>
        %swap3A = arith.index_cast %add3A_372 : i32 to index
        %swap3A_383 = arith.constant 0 : index
        %swap3A_384 = tpu.vector_load %arg24[%swap3A, %swap3A_383] {strides = array<i32>} : memref<128x64xf32, #tpu.memory_space<vmem>>, vector<1x16xf32>,
        %swap3A_385 = vector.shape_cast %swap3A_384 : vector<1x16xf32> to vector<16xf32>
        %swap3A_386 = vector.shape_cast %mul3A_382 : vector<16xf32> to vector<1x16xf32>
        tpu.vector_store %arg24[%swap3A, %swap3A_383], %swap3A_386 {strides = array<i32>} : memref<128x64xf32, #tpu.memory_space<vmem>>, vector<1x16xf32>,
        %get3A_387 = arith.index_cast %add3A_372 : i32 to index
        %get3A_388 = arith.constant 16 : index
        %get3A_389 = tpu.vector_load %arg22[%get3A_387, %get3A_388] {strides = array<i32>} : memref<128x64xf32, #tpu.memory_space<vmem>>, vector<1x16xf32>,
        %get3A_390 = vector.shape_cast %get3A_389 : vector<1x16xf32> to vector<16xf32>
        %mul3A_391 = arith.mulf %get3A_390, %gather3A_377 : vector<16xf32>
        %swap3A_392 = arith.index_cast %add3A_372 : i32 to index
        %swap3A_393 = arith.constant 16 : index
        %swap3A_394 = tpu.vector_load %arg24[%swap3A_392, %swap3A_393] {strides = array<i32>} : memref<128x64xf32, #tpu.memory_space<vmem>>, vector<1x16xf32>,
        %swap3A_395 = vector.shape_cast %swap3A_394 : vector<1x16xf32> to vector<16xf32>
        %swap3A_396 = vector.shape_cast %mul3A_391 : vector<16xf32> to vector<1x16xf32>
        tpu.vector_store %arg24[%swap3A_392, %swap3A_393], %swap3A_396 {strides = array<i32>} : memref<128x64xf32, #tpu.memory_space<vmem>>, vector<1x16xf32>,
        %get3A_397 = arith.index_cast %add3A_372 : i32 to index
        %get3A_398 = arith.constant 32 : index
        %get3A_399 = tpu.vector_load %arg22[%get3A_397, %get3A_398] {strides = array<i32>} : memref<128x64xf32, #tpu.memory_space<vmem>>, vector<1x16xf32>,
        %get3A_400 = vector.shape_cast %get3A_399 : vector<1x16xf32> to vector<16xf32>
        %mul3A_401 = arith.mulf %get3A_400, %gather3A_377 : vector<16xf32>
        %swap3A_402 = arith.index_cast %add3A_372 : i32 to index
        %swap3A_403 = arith.constant 32 : index
        %swap3A_404 = tpu.vector_load %arg24[%swap3A_402, %swap3A_403] {strides = array<i32>} : memref<128x64xf32, #tpu.memory_space<vmem>>, vector<1x16xf32>,
        %swap3A_405 = vector.shape_cast %swap3A_404 : vector<1x16xf32> to vector<16xf32>
        %swap3A_406 = vector.shape_cast %mul3A_401 : vector<16xf32> to vector<1x16xf32>
        tpu.vector_store %arg24[%swap3A_402, %swap3A_403], %swap3A_406 {strides = array<i32>} : memref<128x64xf32, #tpu.memory_space<vmem>>, vector<1x16xf32>,
        %get3A_407 = arith.index_cast %add3A_372 : i32 to index
        %get3A_408 = arith.constant 48 : index
        %get3A_409 = tpu.vector_load %arg22[%get3A_407, %get3A_408] {strides = array<i32>} : memref<128x64xf32, #tpu.memory_space<vmem>>, vector<1x16xf32>,
        %get3A_410 = vector.shape_cast %get3A_409 : vector<1x16xf32> to vector<16xf32>
        %mul3A_411 = arith.mulf %get3A_410, %gather3A_377 : vector<16xf32>
        %swap3A_412 = arith.index_cast %add3A_372 : i32 to index
        %swap3A_413 = arith.constant 48 : index
        %swap3A_414 = tpu.vector_load %arg24[%swap3A_412, %swap3A_413] {strides = array<i32>} : memref<128x64xf32, #tpu.memory_space<vmem>>, vector<1x16xf32>,
        %swap3A_415 = vector.shape_cast %swap3A_414 : vector<1x16xf32> to vector<16xf32>
        %swap3A_416 = vector.shape_cast %mul3A_411 : vector<16xf32> to vector<1x16xf32>
        tpu.vector_store %arg24[%swap3A_412, %swap3A_413], %swap3A_416 {strides = array<i32>} : memref<128x64xf32, #tpu.memory_space<vmem>>, vector<1x16xf32>,
      }
      %scan3A_320 = arith.constant 128 : i32
      %dma_start3A_321 = arith.constant 0 : i32
      %dma_start3A_322 = tpu.memref_slice %arg13[%mul3A_299, %dma_start3A_321] : memref<80x128xi32, #tpu.memory_space<vmem>> -> memref<1x128xi32, #tpu.memory_space<vmem>>
      %dma_start3A_323 = tpu.memref_squeeze %dma_start3A_322 : memref<1x128xi32, #tpu.memory_space<vmem>> -> memref<128xi32, #tpu.memory_space<vmem>>
      %dma_start3A_324 = arith.constant 0 : i32
      %dma_start3A_325 = arith.constant 0 : i32
      %dma_start3A_326 = tpu.memref_slice %arg26[%dma_start3A_324, %dma_start3A_325] : memref<10240x64xf32, #tpu.memory_space<vmem_shared>> -> memref<10240x64xf32, #tpu.memory_space<vmem_shared>>
      tpu.enqueue_indirect_dma source(%arg24 : memref<128x64xf32, #tpu.memory_space<vmem>>) target(%dma_start3A_326 : memref<10240x64xf32, #tpu.memory_space<vmem_shared>>) offsets(%dma_start3A_323 : memref<128xi32, #tpu.memory_space<vmem>>) semaphore(%arg36 : memref<!tpu.dma_semaphore, #tpu.memory_space<semaphore_mem>>) {add = true}
      %lt3A = arith.constant 39 : i32
      %lt3A_327 = arith.cmpi slt, %add3A_297, %lt3A : i32
      %convert_element_type3A_328 = arith.extui %lt3A_327 : i1 to i32
      %cond3A_329 = arith.constant 0 : i32
      %cond3A_330 = arith.cmpi ne, %convert_element_type3A_328, %cond3A_329 : i32
      scf.if %cond3A_330 {
        %add3A_368 = arith.constant 2 : i32
        %add3A_369 = arith.addi %mul3A_299, %add3A_368 : i32
        %mul3A_370 = arith.constant 128 : i32
        %mul3A_371 = arith.muli %add3A_369, %mul3A_370 : i32
        %add3A_372 = arith.addi %add3A_241, %mul3A_371 : i32
        %dma_start3A_373 = arith.constant 0 : i32
        %dma_start3A_374 = tpu.memref_slice %arg11[%add3A_372, %dma_start3A_373] : memref<327680x16xf32, #tpu.memory_space<hbm>> -> memref<128x16xf32, #tpu.memory_space<hbm>>
        %dma_start3A_375 = arith.constant 0 : i32
        %dma_start3A_376 = tpu.memref_slice %arg11[%add3A_372, %dma_start3A_375] : memref<327680x16xf32, #tpu.memory_space<hbm>> -> memref<128x16xf32, #tpu.memory_space<hbm>>
        tpu.enqueue_dma source(%dma_start3A_376 : memref<128x16xf32, #tpu.memory_space<hbm>>) target(%arg18 : memref<128x16xf32, #tpu.memory_space<vmem>>) target_semaphore(%arg28 : memref<!tpu.dma_semaphore, #tpu.memory_space<semaphore_mem>>)
        %scan3A_377 = arith.constant 0 : i32
        %scan3A_378 = arith.constant 8 : i32
        %scan3A_379 = arith.addi %scan3A_377, %scan3A_378 : i32
        %scan3A_380 = arith.constant 1 : i32
        scf.for %scan3A_385 = %scan3A_377 to %scan3A_379 step %scan3A_380  : i32 {
          %mul3A_386 = arith.constant 1 : i32
          %mul3A_387 = arith.muli %scan3A_385, %mul3A_386 : i32
          %add3A_388 = arith.constant 0 : i32
          %add3A_389 = arith.addi %add3A_388, %mul3A_387 : i32
          %mul3A_390 = arith.constant 16 : i32
          %mul3A_391 = arith.muli %add3A_389, %mul3A_390 : i32
          %get3A = arith.index_cast %add3A_369 : i32 to index
          %get3A_392 = arith.index_cast %mul3A_391 : i32 to index
          %get3A_393 = tpu.vector_load %arg12[%get3A, %get3A_392] {strides = array<i32>} : memref<80x128xi32, #tpu.memory_space<vmem>>, vector<1x16xi32>,
          %get3A_394 = vector.shape_cast %get3A_393 : vector<1x16xi32> to vector<16xi32>
          %mul3A_395 = arith.constant 8 : i32
          %mul3A_396 = vector.broadcast %mul3A_395 : i32 to vector<16xi32>
          %mul3A_397 = arith.muli %get3A_394, %mul3A_396 : vector<16xi32>
          %add3A_398 = vector.broadcast %add3A_235 : i32 to vector<16xi32>
          %add3A_399 = arith.addi %mul3A_397, %add3A_398 : vector<16xi32>
          %mul3A_400 = arith.constant 16 : i32
          %mul3A_401 = arith.muli %add3A_389, %mul3A_400 : i32
          %swap3A = arith.index_cast %mul3A_401 : i32 to index
          %swap3A_402 = tpu.vector_load %arg20[%swap3A] {strides = array<i32>} : memref<128xi32, #tpu.memory_space<vmem>>, vector<16xi32>,
          %swap3A_403 = vector.shape_cast %swap3A_402 : vector<16xi32> to vector<16xi32>
          %swap3A_404 = vector.shape_cast %add3A_399 : vector<16xi32> to vector<16xi32>
          tpu.vector_store %arg20[%swap3A], %swap3A_404 {strides = array<i32>} : memref<128xi32, #tpu.memory_space<vmem>>, vector<16xi32>,
        }
        %scan3A_381 = arith.constant 8 : i32
        %dma_start3A_382 = arith.constant 0 : i32
        %dma_start3A_383 = arith.constant 0 : i32
        %dma_start3A_384 = tpu.memref_slice %arg6[%dma_start3A_382, %dma_start3A_383] : memref<80000x64xf32, #tpu.memory_space<hbm>> -> memref<80000x64xf32, #tpu.memory_space<hbm>>
        tpu.enqueue_indirect_dma source(%dma_start3A_384 : memref<80000x64xf32, #tpu.memory_space<hbm>>) target(%arg22 : memref<128x64xf32, #tpu.memory_space<vmem>>) offsets(%arg20 : memref<128xi32, #tpu.memory_space<vmem>>) semaphore(%arg34 : memref<!tpu.dma_semaphore, #tpu.memory_space<semaphore_mem>>)
      } else {
      }
      %mul3A_331 = arith.constant 2 : i32
      %mul3A_332 = arith.muli %mul3A_331, %add3A_297 : i32
      %add3A_333 = arith.constant 1 : i32
      %add3A_334 = arith.addi %mul3A_332, %add3A_333 : i32
      %dma_wait3A_335 = arith.constant 0 : i32
      %dma_wait3A_336 = arith.constant 0 : i32
      %dma_wait3A_337 = tpu.memref_slice %arg4[%dma_wait3A_335, %dma_wait3A_336] : memref<10000x16xf32, #tpu.memory_space<hbm>> -> memref<128x16xf32, #tpu.memory_space<hbm>>
      %dma_wait3A_338 = arith.constant 0 : i32
      %dma_wait3A_339 = arith.constant 0 : i32
      %dma_wait3A_340 = tpu.memref_slice %arg4[%dma_wait3A_338, %dma_wait3A_339] : memref<10000x16xf32, #tpu.memory_space<hbm>> -> memref<128x16xf32, #tpu.memory_space<hbm>>
      tpu.wait_dma2 semaphore(%arg29 : memref<!tpu.dma_semaphore, #tpu.memory_space<semaphore_mem>>) src(%dma_wait3A_340 : memref<128x16xf32, #tpu.memory_space<hbm>>) dst(%arg19 : memref<128x16xf32, #tpu.memory_space<vmem>>)
      %gt3A_341 = arith.constant 0 : i32
      %gt3A_342 = arith.cmpi sgt, %add3A_297, %gt3A_341 : i32
      %convert_element_type3A_343 = arith.extui %gt3A_342 : i1 to i32
      %cond3A_344 = arith.constant 0 : i32
      %cond3A_345 = arith.cmpi ne, %convert_element_type3A_343, %cond3A_344 : i32
      scf.if %cond3A_345 {
        %dma_wait3A_368 = arith.constant 0 : i32
        %dma_wait3A_369 = arith.constant 0 : i32
        %dma_wait3A_370 = tpu.memref_slice %arg6[%dma_wait3A_368, %dma_wait3A_369] : memref<80000x64xf32, #tpu.memory_space<hbm>> -> memref<128x64xf32, #tpu.memory_space<hbm>>
        %dma_wait3A_371 = arith.constant 0 : i32
        %dma_wait3A_372 = arith.constant 0 : i32
        %dma_wait3A_373 = tpu.memref_slice %arg6[%dma_wait3A_371, %dma_wait3A_372] : memref<80000x64xf32, #tpu.memory_space<hbm>> -> memref<128x64xf32, #tpu.memory_space<hbm>>
        tpu.wait_dma2 semaphore(%arg37 : memref<!tpu.dma_semaphore, #tpu.memory_space<semaphore_mem>>) src(%dma_wait3A_373 : memref<128x64xf32, #tpu.memory_space<hbm>>) dst(%arg25 : memref<128x64xf32, #tpu.memory_space<vmem>>)
      } else {
      }
      %dma_wait3A_346 = arith.constant 0 : i32
      %dma_wait3A_347 = arith.constant 0 : i32
      %dma_wait3A_348 = tpu.memref_slice %arg6[%dma_wait3A_346, %dma_wait3A_347] : memref<80000x64xf32, #tpu.memory_space<hbm>> -> memref<128x64xf32, #tpu.memory_space<hbm>>
      %dma_wait3A_349 = arith.constant 0 : i32
      %dma_wait3A_350 = arith.constant 0 : i32
      %dma_wait3A_351 = tpu.memref_slice %arg6[%dma_wait3A_349, %dma_wait3A_350] : memref<80000x64xf32, #tpu.memory_space<hbm>> -> memref<128x64xf32, #tpu.memory_space<hbm>>
      tpu.wait_dma2 semaphore(%arg35 : memref<!tpu.dma_semaphore, #tpu.memory_space<semaphore_mem>>) src(%dma_wait3A_351 : memref<128x64xf32, #tpu.memory_space<hbm>>) dst(%arg23 : memref<128x64xf32, #tpu.memory_space<vmem>>)
      %scan3A_352 = arith.constant 0 : i32
      %scan3A_353 = arith.constant 128 : i32
      %scan3A_354 = arith.addi %scan3A_352, %scan3A_353 : i32
      %scan3A_355 = arith.constant 1 : i32
      scf.for %scan3A_368 = %scan3A_352 to %scan3A_354 step %scan3A_355  : i32 {
        %mul3A_369 = arith.constant 1 : i32
        %mul3A_370 = arith.muli %scan3A_368, %mul3A_369 : i32
        %add3A_371 = arith.constant 0 : i32
        %add3A_372 = arith.addi %add3A_371, %mul3A_370 : i32
        %get3A = arith.index_cast %add3A_372 : i32 to index
        %get3A_373 = arith.constant 0 : index
        %get3A_374 = tpu.vector_load %arg19[%get3A, %get3A_373] {strides = array<i32>} : memref<128x16xf32, #tpu.memory_space<vmem>>, vector<1x16xf32>,
        %get3A_375 = vector.shape_cast %get3A_374 : vector<1x16xf32> to vector<16xf32>
        %broadcast_in_dim3A_376 = vector.shape_cast %broadcast_in_dim3A_236 : vector<16xi32> to vector<16x1xi32>
        %gather3A = vector.shape_cast %broadcast_in_dim3A_376 : vector<16x1xi32> to vector<16xi32>
        %gather3A_377 = tpu.dynamic_gather %get3A_375[%gather3A] in [0] : vector<16xf32>, vector<16xi32> -> vector<16xf32>
        %get3A_378 = arith.index_cast %add3A_372 : i32 to index
        %get3A_379 = arith.constant 0 : index
        %get3A_380 = tpu.vector_load %arg23[%get3A_378, %get3A_379] {strides = array<i32>} : memref<128x64xf32, #tpu.memory_space<vmem>>, vector<1x16xf32>,
        %get3A_381 = vector.shape_cast %get3A_380 : vector<1x16xf32> to vector<16xf32>
        %mul3A_382 = arith.mulf %get3A_381, %gather3A_377 : vector<16xf32>
        %swap3A = arith.index_cast %add3A_372 : i32 to index
        %swap3A_383 = arith.constant 0 : index
        %swap3A_384 = tpu.vector_load %arg25[%swap3A, %swap3A_383] {strides = array<i32>} : memref<128x64xf32, #tpu.memory_space<vmem>>, vector<1x16xf32>,
        %swap3A_385 = vector.shape_cast %swap3A_384 : vector<1x16xf32> to vector<16xf32>
        %swap3A_386 = vector.shape_cast %mul3A_382 : vector<16xf32> to vector<1x16xf32>
        tpu.vector_store %arg25[%swap3A, %swap3A_383], %swap3A_386 {strides = array<i32>} : memref<128x64xf32, #tpu.memory_space<vmem>>, vector<1x16xf32>,
        %get3A_387 = arith.index_cast %add3A_372 : i32 to index
        %get3A_388 = arith.constant 16 : index
        %get3A_389 = tpu.vector_load %arg23[%get3A_387, %get3A_388] {strides = array<i32>} : memref<128x64xf32, #tpu.memory_space<vmem>>, vector<1x16xf32>,
        %get3A_390 = vector.shape_cast %get3A_389 : vector<1x16xf32> to vector<16xf32>
        %mul3A_391 = arith.mulf %get3A_390, %gather3A_377 : vector<16xf32>
        %swap3A_392 = arith.index_cast %add3A_372 : i32 to index
        %swap3A_393 = arith.constant 16 : index
        %swap3A_394 = tpu.vector_load %arg25[%swap3A_392, %swap3A_393] {strides = array<i32>} : memref<128x64xf32, #tpu.memory_space<vmem>>, vector<1x16xf32>,
        %swap3A_395 = vector.shape_cast %swap3A_394 : vector<1x16xf32> to vector<16xf32>
        %swap3A_396 = vector.shape_cast %mul3A_391 : vector<16xf32> to vector<1x16xf32>
        tpu.vector_store %arg25[%swap3A_392, %swap3A_393], %swap3A_396 {strides = array<i32>} : memref<128x64xf32, #tpu.memory_space<vmem>>, vector<1x16xf32>,
        %get3A_397 = arith.index_cast %add3A_372 : i32 to index
        %get3A_398 = arith.constant 32 : index
        %get3A_399 = tpu.vector_load %arg23[%get3A_397, %get3A_398] {strides = array<i32>} : memref<128x64xf32, #tpu.memory_space<vmem>>, vector<1x16xf32>,
        %get3A_400 = vector.shape_cast %get3A_399 : vector<1x16xf32> to vector<16xf32>
        %mul3A_401 = arith.mulf %get3A_400, %gather3A_377 : vector<16xf32>
        %swap3A_402 = arith.index_cast %add3A_372 : i32 to index
        %swap3A_403 = arith.constant 32 : index
        %swap3A_404 = tpu.vector_load %arg25[%swap3A_402, %swap3A_403] {strides = array<i32>} : memref<128x64xf32, #tpu.memory_space<vmem>>, vector<1x16xf32>,
        %swap3A_405 = vector.shape_cast %swap3A_404 : vector<1x16xf32> to vector<16xf32>
        %swap3A_406 = vector.shape_cast %mul3A_401 : vector<16xf32> to vector<1x16xf32>
        tpu.vector_store %arg25[%swap3A_402, %swap3A_403], %swap3A_406 {strides = array<i32>} : memref<128x64xf32, #tpu.memory_space<vmem>>, vector<1x16xf32>,
        %get3A_407 = arith.index_cast %add3A_372 : i32 to index
        %get3A_408 = arith.constant 48 : index
        %get3A_409 = tpu.vector_load %arg23[%get3A_407, %get3A_408] {strides = array<i32>} : memref<128x64xf32, #tpu.memory_space<vmem>>, vector<1x16xf32>,
        %get3A_410 = vector.shape_cast %get3A_409 : vector<1x16xf32> to vector<16xf32>
        %mul3A_411 = arith.mulf %get3A_410, %gather3A_377 : vector<16xf32>
        %swap3A_412 = arith.index_cast %add3A_372 : i32 to index
        %swap3A_413 = arith.constant 48 : index
        %swap3A_414 = tpu.vector_load %arg25[%swap3A_412, %swap3A_413] {strides = array<i32>} : memref<128x64xf32, #tpu.memory_space<vmem>>, vector<1x16xf32>,
        %swap3A_415 = vector.shape_cast %swap3A_414 : vector<1x16xf32> to vector<16xf32>
        %swap3A_416 = vector.shape_cast %mul3A_411 : vector<16xf32> to vector<1x16xf32>
        tpu.vector_store %arg25[%swap3A_412, %swap3A_413], %swap3A_416 {strides = array<i32>} : memref<128x64xf32, #tpu.memory_space<vmem>>, vector<1x16xf32>,
      }
      %scan3A_356 = arith.constant 128 : i32
      %dma_start3A_357 = arith.constant 0 : i32
      %dma_start3A_358 = tpu.memref_slice %arg13[%add3A_334, %dma_start3A_357] : memref<80x128xi32, #tpu.memory_space<vmem>> -> memref<1x128xi32, #tpu.memory_space<vmem>>
      %dma_start3A_359 = tpu.memref_squeeze %dma_start3A_358 : memref<1x128xi32, #tpu.memory_space<vmem>> -> memref<128xi32, #tpu.memory_space<vmem>>
      %dma_start3A_360 = arith.constant 0 : i32
      %dma_start3A_361 = arith.constant 0 : i32
      %dma_start3A_362 = tpu.memref_slice %arg26[%dma_start3A_360, %dma_start3A_361] : memref<10240x64xf32, #tpu.memory_space<vmem_shared>> -> memref<10240x64xf32, #tpu.memory_space<vmem_shared>>
      tpu.enqueue_indirect_dma source(%arg25 : memref<128x64xf32, #tpu.memory_space<vmem>>) target(%dma_start3A_362 : memref<10240x64xf32, #tpu.memory_space<vmem_shared>>) offsets(%dma_start3A_359 : memref<128xi32, #tpu.memory_space<vmem>>) semaphore(%arg37 : memref<!tpu.dma_semaphore, #tpu.memory_space<semaphore_mem>>) {add = true}
      %lt3A_363 = arith.constant 39 : i32
      %lt3A_364 = arith.cmpi slt, %add3A_297, %lt3A_363 : i32
      %convert_element_type3A_365 = arith.extui %lt3A_364 : i1 to i32
      %cond3A_366 = arith.constant 0 : i32
      %cond3A_367 = arith.cmpi ne, %convert_element_type3A_365, %cond3A_366 : i32
      scf.if %cond3A_367 {
        %add3A_368 = arith.constant 2 : i32
        %add3A_369 = arith.addi %add3A_334, %add3A_368 : i32
        %mul3A_370 = arith.constant 128 : i32
        %mul3A_371 = arith.muli %add3A_369, %mul3A_370 : i32
        %add3A_372 = arith.addi %add3A_241, %mul3A_371 : i32
        %dma_start3A_373 = arith.constant 0 : i32
        %dma_start3A_374 = tpu.memref_slice %arg11[%add3A_372, %dma_start3A_373] : memref<327680x16xf32, #tpu.memory_space<hbm>> -> memref<128x16xf32, #tpu.memory_space<hbm>>
        %dma_start3A_375 = arith.constant 0 : i32
        %dma_start3A_376 = tpu.memref_slice %arg11[%add3A_372, %dma_start3A_375] : memref<327680x16xf32, #tpu.memory_space<hbm>> -> memref<128x16xf32, #tpu.memory_space<hbm>>
        tpu.enqueue_dma source(%dma_start3A_376 : memref<128x16xf32, #tpu.memory_space<hbm>>) target(%arg19 : memref<128x16xf32, #tpu.memory_space<vmem>>) target_semaphore(%arg29 : memref<!tpu.dma_semaphore, #tpu.memory_space<semaphore_mem>>)
        %scan3A_377 = arith.constant 0 : i32
        %scan3A_378 = arith.constant 8 : i32
        %scan3A_379 = arith.addi %scan3A_377, %scan3A_378 : i32
        %scan3A_380 = arith.constant 1 : i32
        scf.for %scan3A_385 = %scan3A_377 to %scan3A_379 step %scan3A_380  : i32 {
          %mul3A_386 = arith.constant 1 : i32
          %mul3A_387 = arith.muli %scan3A_385, %mul3A_386 : i32
          %add3A_388 = arith.constant 0 : i32
          %add3A_389 = arith.addi %add3A_388, %mul3A_387 : i32
          %mul3A_390 = arith.constant 16 : i32
          %mul3A_391 = arith.muli %add3A_389, %mul3A_390 : i32
          %get3A = arith.index_cast %add3A_369 : i32 to index
          %get3A_392 = arith.index_cast %mul3A_391 : i32 to index
          %get3A_393 = tpu.vector_load %arg12[%get3A, %get3A_392] {strides = array<i32>} : memref<80x128xi32, #tpu.memory_space<vmem>>, vector<1x16xi32>,
          %get3A_394 = vector.shape_cast %get3A_393 : vector<1x16xi32> to vector<16xi32>
          %mul3A_395 = arith.constant 8 : i32
          %mul3A_396 = vector.broadcast %mul3A_395 : i32 to vector<16xi32>
          %mul3A_397 = arith.muli %get3A_394, %mul3A_396 : vector<16xi32>
          %add3A_398 = vector.broadcast %add3A_235 : i32 to vector<16xi32>
          %add3A_399 = arith.addi %mul3A_397, %add3A_398 : vector<16xi32>
          %mul3A_400 = arith.constant 16 : i32
          %mul3A_401 = arith.muli %add3A_389, %mul3A_400 : i32
          %swap3A = arith.index_cast %mul3A_401 : i32 to index
          %swap3A_402 = tpu.vector_load %arg21[%swap3A] {strides = array<i32>} : memref<128xi32, #tpu.memory_space<vmem>>, vector<16xi32>,
          %swap3A_403 = vector.shape_cast %swap3A_402 : vector<16xi32> to vector<16xi32>
          %swap3A_404 = vector.shape_cast %add3A_399 : vector<16xi32> to vector<16xi32>
          tpu.vector_store %arg21[%swap3A], %swap3A_404 {strides = array<i32>} : memref<128xi32, #tpu.memory_space<vmem>>, vector<16xi32>,
        }
        %scan3A_381 = arith.constant 8 : i32
        %dma_start3A_382 = arith.constant 0 : i32
        %dma_start3A_383 = arith.constant 0 : i32
        %dma_start3A_384 = tpu.memref_slice %arg6[%dma_start3A_382, %dma_start3A_383] : memref<80000x64xf32, #tpu.memory_space<hbm>> -> memref<80000x64xf32, #tpu.memory_space<hbm>>
        tpu.enqueue_indirect_dma source(%dma_start3A_384 : memref<80000x64xf32, #tpu.memory_space<hbm>>) target(%arg23 : memref<128x64xf32, #tpu.memory_space<vmem>>) offsets(%arg21 : memref<128xi32, #tpu.memory_space<vmem>>) semaphore(%arg35 : memref<!tpu.dma_semaphore, #tpu.memory_space<semaphore_mem>>)
      } else {
      }
    }
    %scan3A_274 = arith.constant 40 : i32
    %dma_wait3A_275 = arith.constant 0 : i32
    %dma_wait3A_276 = arith.constant 0 : i32
    %dma_wait3A_277 = tpu.memref_slice %arg6[%dma_wait3A_275, %dma_wait3A_276] : memref<80000x64xf32, #tpu.memory_space<hbm>> -> memref<128x64xf32, #tpu.memory_space<hbm>>
    %dma_wait3A_278 = arith.constant 0 : i32
    %dma_wait3A_279 = arith.constant 0 : i32
    %dma_wait3A_280 = tpu.memref_slice %arg6[%dma_wait3A_278, %dma_wait3A_279] : memref<80000x64xf32, #tpu.memory_space<hbm>> -> memref<128x64xf32, #tpu.memory_space<hbm>>
    tpu.wait_dma2 semaphore(%arg36 : memref<!tpu.dma_semaphore, #tpu.memory_space<semaphore_mem>>) src(%dma_wait3A_280 : memref<128x64xf32, #tpu.memory_space<hbm>>) dst(%arg24 : memref<128x64xf32, #tpu.memory_space<vmem>>)
    %dma_wait3A_281 = arith.constant 0 : i32
    %dma_wait3A_282 = arith.constant 0 : i32
    %dma_wait3A_283 = tpu.memref_slice %arg6[%dma_wait3A_281, %dma_wait3A_282] : memref<80000x64xf32, #tpu.memory_space<hbm>> -> memref<128x64xf32, #tpu.memory_space<hbm>>
    %dma_wait3A_284 = arith.constant 0 : i32
    %dma_wait3A_285 = arith.constant 0 : i32
    %dma_wait3A_286 = tpu.memref_slice %arg6[%dma_wait3A_284, %dma_wait3A_285] : memref<80000x64xf32, #tpu.memory_space<hbm>> -> memref<128x64xf32, #tpu.memory_space<hbm>>
    tpu.wait_dma2 semaphore(%arg37 : memref<!tpu.dma_semaphore, #tpu.memory_space<semaphore_mem>>) src(%dma_wait3A_286 : memref<128x64xf32, #tpu.memory_space<hbm>>) dst(%arg25 : memref<128x64xf32, #tpu.memory_space<vmem>>)
    %barrier3A_287 = arith.constant 0 : index
    tpu.barrier barrier_id(%barrier3A_287)
    %mul3A_288 = arith.constant 640 : i32
    %mul3A_289 = arith.muli %arg1, %mul3A_288 : i32
    %mul3A_290 = arith.constant 10240 : i32
    %mul3A_291 = arith.muli %add3A_235, %mul3A_290 : i32
    %add3A_292 = arith.addi %mul3A_291, %mul3A_289 : i32
    "tpu.region"() ({
      %run_scoped3A = tpu.sem_alloc : memref<!tpu.dma_semaphore, #tpu.memory_space<semaphore_mem>>
      %dma_start3A_293 = arith.constant 0 : i32
      %dma_start3A_294 = tpu.memref_slice %arg9[%add3A_292, %dma_start3A_293] : memref<81920x64xf32, #tpu.memory_space<hbm>> -> memref<640x64xf32, #tpu.memory_space<hbm>>
      %dma_start3A_295 = arith.constant 0 : i32
      %dma_start3A_296 = tpu.memref_slice %arg26[%mul3A_289, %dma_start3A_295] : memref<10240x64xf32, #tpu.memory_space<vmem_shared>> -> memref<640x64xf32, #tpu.memory_space<vmem_shared>>
      tpu.enqueue_dma source(%dma_start3A_296 : memref<640x64xf32, #tpu.memory_space<vmem_shared>>) target(%dma_start3A_294 : memref<640x64xf32, #tpu.memory_space<hbm>>) target_semaphore(%run_scoped3A : memref<!tpu.dma_semaphore, #tpu.memory_space<semaphore_mem>>)
      %dma_wait3A_297 = arith.constant 0 : i32
      %dma_wait3A_298 = tpu.memref_slice %arg9[%add3A_292, %dma_wait3A_297] : memref<81920x64xf32, #tpu.memory_space<hbm>> -> memref<640x64xf32, #tpu.memory_space<hbm>>
      %dma_wait3A_299 = arith.constant 0 : i32
      %dma_wait3A_300 = tpu.memref_slice %arg26[%mul3A_289, %dma_wait3A_299] : memref<10240x64xf32, #tpu.memory_space<vmem_shared>> -> memref<640x64xf32, #tpu.memory_space<vmem_shared>>
      tpu.wait_dma2 semaphore(%run_scoped3A : memref<!tpu.dma_semaphore, #tpu.memory_space<semaphore_mem>>) src(%dma_wait3A_300 : memref<640x64xf32, #tpu.memory_space<vmem_shared>>) dst(%dma_wait3A_298 : memref<640x64xf32, #tpu.memory_space<hbm>>)
      tpu.yield
    }) : () -> ()
    return
  }
}

#map = affine_map<(d0, d1) -> (0, 0, 0)>
#map1 = affine_map<(d0, d1) -> (0, 0)>
module attributes {stable_mosaic.version = 14 : i64} {
  func.func @_sc2_body(%arg0: i32, %arg1: i32, %arg2: memref<32x125x40xi32, #tpu.memory_space<hbm>>, %arg3: memref<32x125x40xi32, #tpu.memory_space<hbm>>, %arg4: memref<10000x32xf32, #tpu.memory_space<hbm>>, %arg5: memref<640x32xf32, #tpu.memory_space<hbm>>, %arg6: memref<20480x32xf32, #tpu.memory_space<hbm>>, %arg7: memref<125x40xi32, #tpu.memory_space<vmem>>, %arg8: memref<125x40xi32, #tpu.memory_space<vmem>>, %arg9: memref<40x32xf32, #tpu.memory_space<vmem>>, %arg10: memref<40x32xf32, #tpu.memory_space<vmem>>, %arg11: memref<40x32xf32, #tpu.memory_space<vmem>>, %arg12: memref<10240x32xf32, #tpu.memory_space<vmem_shared>>) attributes {dimension_semantics = [#tpu.dimension_semantics<core_parallel>, #tpu.dimension_semantics<subcore_parallel>], iteration_bounds = array<i64: 2, 16>, scalar_prefetch = 0 : i64, scratch_operands = 6 : i64, tpu.core_type = #tpu.core_type<sc_vector_subcore>, window_params = [{transform_indices = #map}, {transform_indices = #map}, {transform_indices = #map1}, {transform_indices = #map1}, {transform_indices = #map1}]} {
    %mul3A = arith.constant 2 : i32
    %mul3A_0 = arith.muli %arg1, %mul3A : i32
    %add3A = arith.addi %mul3A_0, %arg0 : i32
    %iota3A = tpu.iota {dimensions = array<i32: 0>} : vector<16xi32>
    %eq3A = arith.constant 0 : i32
    %eq3A_1 = vector.broadcast %eq3A : i32 to vector<16xi32>
    %eq3A_2 = arith.cmpi eq, %iota3A, %eq3A_1 : vector<16xi32>
    %mul3A_3 = arith.constant 640 : i32
    %mul3A_4 = arith.muli %arg1, %mul3A_3 : i32
    "tpu.region"() ({
      %run_scoped3A = tpu.sem_alloc : memref<!tpu.dma_semaphore, #tpu.memory_space<semaphore_mem>>
      %dma_start3A = arith.constant 0 : i32
      %dma_start3A_15 = tpu.memref_slice %arg12[%mul3A_4, %dma_start3A] : memref<10240x32xf32, #tpu.memory_space<vmem_shared>> -> memref<640x32xf32, #tpu.memory_space<vmem_shared>>
      tpu.enqueue_dma source(%arg5 : memref<640x32xf32, #tpu.memory_space<hbm>>) target(%dma_start3A_15 : memref<640x32xf32, #tpu.memory_space<vmem_shared>>) target_semaphore(%run_scoped3A : memref<!tpu.dma_semaphore, #tpu.memory_space<semaphore_mem>>)
      %dma_wait3A = arith.constant 0 : i32
      %dma_wait3A_16 = tpu.memref_slice %arg12[%mul3A_4, %dma_wait3A] : memref<10240x32xf32, #tpu.memory_space<vmem_shared>> -> memref<640x32xf32, #tpu.memory_space<vmem_shared>>
      tpu.wait_dma2 semaphore(%run_scoped3A : memref<!tpu.dma_semaphore, #tpu.memory_space<semaphore_mem>>) src(%arg5 : memref<640x32xf32, #tpu.memory_space<hbm>>) dst(%dma_wait3A_16 : memref<640x32xf32, #tpu.memory_space<vmem_shared>>)
      tpu.yield
    }) : () -> ()
    "tpu.region"() ({
      %run_scoped3A = tpu.sem_alloc : memref<!tpu.dma_semaphore, #tpu.memory_space<semaphore_mem>>
      %dma_start3A = arith.constant 0 : i32
      %dma_start3A_15 = arith.constant 0 : i32
      %dma_start3A_16 = tpu.memref_slice %arg2[%add3A, %dma_start3A, %dma_start3A_15] : memref<32x125x40xi32, #tpu.memory_space<hbm>> -> memref<1x125x40xi32, #tpu.memory_space<hbm>>
      %dma_start3A_17 = tpu.memref_squeeze %dma_start3A_16 : memref<1x125x40xi32, #tpu.memory_space<hbm>> -> memref<125x40xi32, #tpu.memory_space<hbm>>
      %dma_start3A_18 = arith.constant 0 : i32
      %dma_start3A_19 = arith.constant 0 : i32
      %dma_start3A_20 = tpu.memref_slice %arg2[%add3A, %dma_start3A_18, %dma_start3A_19] : memref<32x125x40xi32, #tpu.memory_space<hbm>> -> memref<1x125x40xi32, #tpu.memory_space<hbm>>
      %dma_start3A_21 = tpu.memref_squeeze %dma_start3A_20 : memref<1x125x40xi32, #tpu.memory_space<hbm>> -> memref<125x40xi32, #tpu.memory_space<hbm>>
      tpu.enqueue_dma source(%dma_start3A_21 : memref<125x40xi32, #tpu.memory_space<hbm>>) target(%arg7 : memref<125x40xi32, #tpu.memory_space<vmem>>) target_semaphore(%run_scoped3A : memref<!tpu.dma_semaphore, #tpu.memory_space<semaphore_mem>>)
      %dma_wait3A = arith.constant 0 : i32
      %dma_wait3A_22 = arith.constant 0 : i32
      %dma_wait3A_23 = tpu.memref_slice %arg2[%add3A, %dma_wait3A, %dma_wait3A_22] : memref<32x125x40xi32, #tpu.memory_space<hbm>> -> memref<1x125x40xi32, #tpu.memory_space<hbm>>
      %dma_wait3A_24 = tpu.memref_squeeze %dma_wait3A_23 : memref<1x125x40xi32, #tpu.memory_space<hbm>> -> memref<125x40xi32, #tpu.memory_space<hbm>>
      %dma_wait3A_25 = arith.constant 0 : i32
      %dma_wait3A_26 = arith.constant 0 : i32
      %dma_wait3A_27 = tpu.memref_slice %arg2[%add3A, %dma_wait3A_25, %dma_wait3A_26] : memref<32x125x40xi32, #tpu.memory_space<hbm>> -> memref<1x125x40xi32, #tpu.memory_space<hbm>>
      %dma_wait3A_28 = tpu.memref_squeeze %dma_wait3A_27 : memref<1x125x40xi32, #tpu.memory_space<hbm>> -> memref<125x40xi32, #tpu.memory_space<hbm>>
      tpu.wait_dma2 semaphore(%run_scoped3A : memref<!tpu.dma_semaphore, #tpu.memory_space<semaphore_mem>>) src(%dma_wait3A_28 : memref<125x40xi32, #tpu.memory_space<hbm>>) dst(%arg7 : memref<125x40xi32, #tpu.memory_space<vmem>>)
      tpu.yield
    }) : () -> ()
    "tpu.region"() ({
      %run_scoped3A = tpu.sem_alloc : memref<!tpu.dma_semaphore, #tpu.memory_space<semaphore_mem>>
      %dma_start3A = arith.constant 0 : i32
      %dma_start3A_15 = arith.constant 0 : i32
      %dma_start3A_16 = tpu.memref_slice %arg3[%add3A, %dma_start3A, %dma_start3A_15] : memref<32x125x40xi32, #tpu.memory_space<hbm>> -> memref<1x125x40xi32, #tpu.memory_space<hbm>>
      %dma_start3A_17 = tpu.memref_squeeze %dma_start3A_16 : memref<1x125x40xi32, #tpu.memory_space<hbm>> -> memref<125x40xi32, #tpu.memory_space<hbm>>
      %dma_start3A_18 = arith.constant 0 : i32
      %dma_start3A_19 = arith.constant 0 : i32
      %dma_start3A_20 = tpu.memref_slice %arg3[%add3A, %dma_start3A_18, %dma_start3A_19] : memref<32x125x40xi32, #tpu.memory_space<hbm>> -> memref<1x125x40xi32, #tpu.memory_space<hbm>>
      %dma_start3A_21 = tpu.memref_squeeze %dma_start3A_20 : memref<1x125x40xi32, #tpu.memory_space<hbm>> -> memref<125x40xi32, #tpu.memory_space<hbm>>
      tpu.enqueue_dma source(%dma_start3A_21 : memref<125x40xi32, #tpu.memory_space<hbm>>) target(%arg8 : memref<125x40xi32, #tpu.memory_space<vmem>>) target_semaphore(%run_scoped3A : memref<!tpu.dma_semaphore, #tpu.memory_space<semaphore_mem>>)
      %dma_wait3A = arith.constant 0 : i32
      %dma_wait3A_22 = arith.constant 0 : i32
      %dma_wait3A_23 = tpu.memref_slice %arg3[%add3A, %dma_wait3A, %dma_wait3A_22] : memref<32x125x40xi32, #tpu.memory_space<hbm>> -> memref<1x125x40xi32, #tpu.memory_space<hbm>>
      %dma_wait3A_24 = tpu.memref_squeeze %dma_wait3A_23 : memref<1x125x40xi32, #tpu.memory_space<hbm>> -> memref<125x40xi32, #tpu.memory_space<hbm>>
      %dma_wait3A_25 = arith.constant 0 : i32
      %dma_wait3A_26 = arith.constant 0 : i32
      %dma_wait3A_27 = tpu.memref_slice %arg3[%add3A, %dma_wait3A_25, %dma_wait3A_26] : memref<32x125x40xi32, #tpu.memory_space<hbm>> -> memref<1x125x40xi32, #tpu.memory_space<hbm>>
      %dma_wait3A_28 = tpu.memref_squeeze %dma_wait3A_27 : memref<1x125x40xi32, #tpu.memory_space<hbm>> -> memref<125x40xi32, #tpu.memory_space<hbm>>
      tpu.wait_dma2 semaphore(%run_scoped3A : memref<!tpu.dma_semaphore, #tpu.memory_space<semaphore_mem>>) src(%dma_wait3A_28 : memref<125x40xi32, #tpu.memory_space<hbm>>) dst(%arg8 : memref<125x40xi32, #tpu.memory_space<vmem>>)
      tpu.yield
    }) : () -> ()
    %barrier3A = arith.constant 0 : index
    tpu.barrier barrier_id(%barrier3A)
    %scan3A = arith.constant 0 : i32
    %scan3A_5 = arith.constant 125 : i32
    %scan3A_6 = arith.addi %scan3A, %scan3A_5 : i32
    %scan3A_7 = arith.constant 1 : i32
    scf.for %scan3A_15 = %scan3A to %scan3A_6 step %scan3A_7  : i32 {
      %mul3A_16 = arith.constant 1 : i32
      %mul3A_17 = arith.muli %scan3A_15, %mul3A_16 : i32
      %add3A_18 = arith.constant 0 : i32
      %add3A_19 = arith.addi %add3A_18, %mul3A_17 : i32
      "tpu.region"() ({
        %run_scoped3A = tpu.sem_alloc : memref<!tpu.dma_semaphore, #tpu.memory_space<semaphore_mem>>
        %dma_start3A = arith.constant 0 : i32
        %dma_start3A_28 = tpu.memref_slice %arg7[%add3A_19, %dma_start3A] : memref<125x40xi32, #tpu.memory_space<vmem>> -> memref<1x40xi32, #tpu.memory_space<vmem>>
        %dma_start3A_29 = tpu.memref_squeeze %dma_start3A_28 : memref<1x40xi32, #tpu.memory_space<vmem>> -> memref<40xi32, #tpu.memory_space<vmem>>
        %dma_start3A_30 = arith.constant 0 : i32
        %dma_start3A_31 = arith.constant 0 : i32
        %dma_start3A_32 = tpu.memref_slice %arg4[%dma_start3A_30, %dma_start3A_31] : memref<10000x32xf32, #tpu.memory_space<hbm>> -> memref<10000x32xf32, #tpu.memory_space<hbm>>
        tpu.enqueue_indirect_dma source(%dma_start3A_32 : memref<10000x32xf32, #tpu.memory_space<hbm>>) target(%arg9 : memref<40x32xf32, #tpu.memory_space<vmem>>) offsets(%dma_start3A_29 : memref<40xi32, #tpu.memory_space<vmem>>) semaphore(%run_scoped3A : memref<!tpu.dma_semaphore, #tpu.memory_space<semaphore_mem>>)
        %dma_wait3A = arith.constant 0 : i32
        %dma_wait3A_33 = tpu.memref_slice %arg7[%add3A_19, %dma_wait3A] : memref<125x40xi32, #tpu.memory_space<vmem>> -> memref<1x40xi32, #tpu.memory_space<vmem>>
        %dma_wait3A_34 = tpu.memref_squeeze %dma_wait3A_33 : memref<1x40xi32, #tpu.memory_space<vmem>> -> memref<40xi32, #tpu.memory_space<vmem>>
        %dma_wait3A_35 = arith.constant 0 : i32
        %dma_wait3A_36 = arith.constant 0 : i32
        %dma_wait3A_37 = tpu.memref_slice %arg4[%dma_wait3A_35, %dma_wait3A_36] : memref<10000x32xf32, #tpu.memory_space<hbm>> -> memref<10000x32xf32, #tpu.memory_space<hbm>>
        tpu.wait_indirect_dma semaphore(%run_scoped3A : memref<!tpu.dma_semaphore, #tpu.memory_space<semaphore_mem>>) src(%dma_wait3A_37 : memref<10000x32xf32, #tpu.memory_space<hbm>>) dst(%arg9 : memref<40x32xf32, #tpu.memory_space<vmem>>)
        tpu.yield
      }) : () -> ()
      "tpu.region"() ({
        %run_scoped3A = tpu.sem_alloc : memref<!tpu.dma_semaphore, #tpu.memory_space<semaphore_mem>>
        %dma_start3A = arith.constant 0 : i32
        %dma_start3A_28 = tpu.memref_slice %arg8[%add3A_19, %dma_start3A] : memref<125x40xi32, #tpu.memory_space<vmem>> -> memref<1x40xi32, #tpu.memory_space<vmem>>
        %dma_start3A_29 = tpu.memref_squeeze %dma_start3A_28 : memref<1x40xi32, #tpu.memory_space<vmem>> -> memref<40xi32, #tpu.memory_space<vmem>>
        %dma_start3A_30 = arith.constant 0 : i32
        %dma_start3A_31 = arith.constant 0 : i32
        %dma_start3A_32 = tpu.memref_slice %arg4[%dma_start3A_30, %dma_start3A_31] : memref<10000x32xf32, #tpu.memory_space<hbm>> -> memref<10000x32xf32, #tpu.memory_space<hbm>>
        tpu.enqueue_indirect_dma source(%dma_start3A_32 : memref<10000x32xf32, #tpu.memory_space<hbm>>) target(%arg10 : memref<40x32xf32, #tpu.memory_space<vmem>>) offsets(%dma_start3A_29 : memref<40xi32, #tpu.memory_space<vmem>>) semaphore(%run_scoped3A : memref<!tpu.dma_semaphore, #tpu.memory_space<semaphore_mem>>)
        %dma_wait3A = arith.constant 0 : i32
        %dma_wait3A_33 = tpu.memref_slice %arg8[%add3A_19, %dma_wait3A] : memref<125x40xi32, #tpu.memory_space<vmem>> -> memref<1x40xi32, #tpu.memory_space<vmem>>
        %dma_wait3A_34 = tpu.memref_squeeze %dma_wait3A_33 : memref<1x40xi32, #tpu.memory_space<vmem>> -> memref<40xi32, #tpu.memory_space<vmem>>
        %dma_wait3A_35 = arith.constant 0 : i32
        %dma_wait3A_36 = arith.constant 0 : i32
        %dma_wait3A_37 = tpu.memref_slice %arg4[%dma_wait3A_35, %dma_wait3A_36] : memref<10000x32xf32, #tpu.memory_space<hbm>> -> memref<10000x32xf32, #tpu.memory_space<hbm>>
        tpu.wait_indirect_dma semaphore(%run_scoped3A : memref<!tpu.dma_semaphore, #tpu.memory_space<semaphore_mem>>) src(%dma_wait3A_37 : memref<10000x32xf32, #tpu.memory_space<hbm>>) dst(%arg10 : memref<40x32xf32, #tpu.memory_space<vmem>>)
        tpu.yield
      }) : () -> ()
      %broadcast_in_dim3A = arith.constant 0 : i32
      %broadcast_in_dim3A_20 = vector.broadcast %broadcast_in_dim3A : i32 to vector<16xi32>
      %broadcast_in_dim3A_21 = arith.constant 1 : i32
      %broadcast_in_dim3A_22 = vector.broadcast %broadcast_in_dim3A_21 : i32 to vector<16xi32>
      %scan3A_23 = arith.constant 0 : i32
      %scan3A_24 = arith.constant 40 : i32
      %scan3A_25 = arith.addi %scan3A_23, %scan3A_24 : i32
      %scan3A_26 = arith.constant 1 : i32
      scf.for %scan3A_28 = %scan3A_23 to %scan3A_25 step %scan3A_26  : i32 {
        %mul3A_29 = arith.constant 1 : i32
        %mul3A_30 = arith.muli %scan3A_28, %mul3A_29 : i32
        %add3A_31 = arith.constant 0 : i32
        %add3A_32 = arith.addi %add3A_31, %mul3A_30 : i32
        %get3A = arith.index_cast %add3A_32 : i32 to index
        %get3A_33 = arith.constant 16 : index
        %get3A_34 = tpu.vector_load %arg9[%get3A, %get3A_33] {strides = array<i32>} : memref<40x32xf32, #tpu.memory_space<vmem>>, vector<1x16xf32>,
        %get3A_35 = vector.shape_cast %get3A_34 : vector<1x16xf32> to vector<16xf32>
        %broadcast_in_dim3A_36 = vector.shape_cast %broadcast_in_dim3A_20 : vector<16xi32> to vector<16x1xi32>
        %gather3A = vector.shape_cast %broadcast_in_dim3A_36 : vector<16x1xi32> to vector<16xi32>
        %gather3A_37 = tpu.dynamic_gather %get3A_35[%gather3A] in [0] : vector<16xf32>, vector<16xi32> -> vector<16xf32>
        %get3A_38 = arith.index_cast %add3A_32 : i32 to index
        %get3A_39 = arith.constant 16 : index
        %get3A_40 = tpu.vector_load %arg10[%get3A_38, %get3A_39] {strides = array<i32>} : memref<40x32xf32, #tpu.memory_space<vmem>>, vector<1x16xf32>,
        %get3A_41 = vector.shape_cast %get3A_40 : vector<1x16xf32> to vector<16xf32>
        %broadcast_in_dim3A_42 = vector.shape_cast %broadcast_in_dim3A_22 : vector<16xi32> to vector<16x1xi32>
        %gather3A_43 = vector.shape_cast %broadcast_in_dim3A_42 : vector<16x1xi32> to vector<16xi32>
        %gather3A_44 = tpu.dynamic_gather %get3A_41[%gather3A_43] in [0] : vector<16xf32>, vector<16xi32> -> vector<16xf32>
        %add3A_45 = arith.addf %gather3A_37, %gather3A_44 : vector<16xf32>
        %ge3A = arith.constant 0.000000e+00 : f32
        %ge3A_46 = vector.broadcast %ge3A : f32 to vector<16xf32>
        %ge3A_47 = arith.cmpf oge, %add3A_45, %ge3A_46 : vector<16xf32>
        %mul3A_48 = arith.constant 2.000000e-01 : f32
        %mul3A_49 = vector.broadcast %mul3A_48 : f32 to vector<16xf32>
        %mul3A_50 = arith.mulf %mul3A_49, %add3A_45 : vector<16xf32>
        %select_n3A = arith.select %ge3A_47, %add3A_45, %mul3A_50 : vector<16xi1>, vector<16xf32>
        %exp3A = math.exp %select_n3A : vector<16xf32>
        %get3A_51 = arith.index_cast %add3A_32 : i32 to index
        %get3A_52 = arith.constant 0 : index
        %get3A_53 = tpu.vector_load %arg9[%get3A_51, %get3A_52] {strides = array<i32>} : memref<40x32xf32, #tpu.memory_space<vmem>>, vector<1x16xf32>,
        %get3A_54 = vector.shape_cast %get3A_53 : vector<1x16xf32> to vector<16xf32>
        %mul3A_55 = arith.mulf %exp3A, %get3A_54 : vector<16xf32>
        %swap3A = arith.index_cast %add3A_32 : i32 to index
        %swap3A_56 = arith.constant 0 : index
        %swap3A_57 = tpu.vector_load %arg11[%swap3A, %swap3A_56] {strides = array<i32>} : memref<40x32xf32, #tpu.memory_space<vmem>>, vector<1x16xf32>,
        %swap3A_58 = vector.shape_cast %swap3A_57 : vector<1x16xf32> to vector<16xf32>
        %swap3A_59 = vector.shape_cast %mul3A_55 : vector<16xf32> to vector<1x16xf32>
        tpu.vector_store %arg11[%swap3A, %swap3A_56], %swap3A_59 {strides = array<i32>} : memref<40x32xf32, #tpu.memory_space<vmem>>, vector<1x16xf32>,
        %jit3A = arith.constant 0.000000e+00 : f32
        %broadcast_in_dim3A_60 = vector.broadcast %jit3A : f32 to vector<16xf32>
        %select_n3A_61 = arith.select %eq3A_2, %exp3A, %broadcast_in_dim3A_60 : vector<16xi1>, vector<16xf32>
        %swap3A_62 = arith.index_cast %add3A_32 : i32 to index
        %swap3A_63 = arith.constant 16 : index
        %swap3A_64 = tpu.vector_load %arg11[%swap3A_62, %swap3A_63] {strides = array<i32>} : memref<40x32xf32, #tpu.memory_space<vmem>>, vector<1x16xf32>,
        %swap3A_65 = vector.shape_cast %swap3A_64 : vector<1x16xf32> to vector<16xf32>
        %swap3A_66 = vector.shape_cast %select_n3A_61 : vector<16xf32> to vector<1x16xf32>
        tpu.vector_store %arg11[%swap3A_62, %swap3A_63], %swap3A_66 {strides = array<i32>} : memref<40x32xf32, #tpu.memory_space<vmem>>, vector<1x16xf32>,
      }
      %scan3A_27 = arith.constant 40 : i32
      "tpu.region"() ({
        %run_scoped3A = tpu.sem_alloc : memref<!tpu.dma_semaphore, #tpu.memory_space<semaphore_mem>>
        %dma_start3A = arith.constant 0 : i32
        %dma_start3A_28 = tpu.memref_slice %arg8[%add3A_19, %dma_start3A] : memref<125x40xi32, #tpu.memory_space<vmem>> -> memref<1x40xi32, #tpu.memory_space<vmem>>
        %dma_start3A_29 = tpu.memref_squeeze %dma_start3A_28 : memref<1x40xi32, #tpu.memory_space<vmem>> -> memref<40xi32, #tpu.memory_space<vmem>>
        %dma_start3A_30 = arith.constant 0 : i32
        %dma_start3A_31 = arith.constant 0 : i32
        %dma_start3A_32 = tpu.memref_slice %arg12[%dma_start3A_30, %dma_start3A_31] : memref<10240x32xf32, #tpu.memory_space<vmem_shared>> -> memref<10240x32xf32, #tpu.memory_space<vmem_shared>>
        tpu.enqueue_indirect_dma source(%arg11 : memref<40x32xf32, #tpu.memory_space<vmem>>) target(%dma_start3A_32 : memref<10240x32xf32, #tpu.memory_space<vmem_shared>>) offsets(%dma_start3A_29 : memref<40xi32, #tpu.memory_space<vmem>>) semaphore(%run_scoped3A : memref<!tpu.dma_semaphore, #tpu.memory_space<semaphore_mem>>) {add = true}
        %dma_wait3A = arith.constant 0 : i32
        %dma_wait3A_33 = tpu.memref_slice %arg8[%add3A_19, %dma_wait3A] : memref<125x40xi32, #tpu.memory_space<vmem>> -> memref<1x40xi32, #tpu.memory_space<vmem>>
        %dma_wait3A_34 = tpu.memref_squeeze %dma_wait3A_33 : memref<1x40xi32, #tpu.memory_space<vmem>> -> memref<40xi32, #tpu.memory_space<vmem>>
        %dma_wait3A_35 = arith.constant 0 : i32
        %dma_wait3A_36 = arith.constant 0 : i32
        %dma_wait3A_37 = tpu.memref_slice %arg12[%dma_wait3A_35, %dma_wait3A_36] : memref<10240x32xf32, #tpu.memory_space<vmem_shared>> -> memref<10240x32xf32, #tpu.memory_space<vmem_shared>>
        tpu.wait_indirect_dma semaphore(%run_scoped3A : memref<!tpu.dma_semaphore, #tpu.memory_space<semaphore_mem>>) src(%arg11 : memref<40x32xf32, #tpu.memory_space<vmem>>) dst(%dma_wait3A_37 : memref<10240x32xf32, #tpu.memory_space<vmem_shared>>)
        tpu.yield
      }) : () -> ()
    }
    %scan3A_8 = arith.constant 125 : i32
    %barrier3A_9 = arith.constant 0 : index
    tpu.barrier barrier_id(%barrier3A_9)
    %mul3A_10 = arith.constant 640 : i32
    %mul3A_11 = arith.muli %arg1, %mul3A_10 : i32
    %mul3A_12 = arith.constant 10240 : i32
    %mul3A_13 = arith.muli %arg0, %mul3A_12 : i32
    %add3A_14 = arith.addi %mul3A_13, %mul3A_11 : i32
    "tpu.region"() ({
      %run_scoped3A = tpu.sem_alloc : memref<!tpu.dma_semaphore, #tpu.memory_space<semaphore_mem>>
      %dma_start3A = arith.constant 0 : i32
      %dma_start3A_15 = tpu.memref_slice %arg6[%add3A_14, %dma_start3A] : memref<20480x32xf32, #tpu.memory_space<hbm>> -> memref<640x32xf32, #tpu.memory_space<hbm>>
      %dma_start3A_16 = arith.constant 0 : i32
      %dma_start3A_17 = tpu.memref_slice %arg12[%mul3A_11, %dma_start3A_16] : memref<10240x32xf32, #tpu.memory_space<vmem_shared>> -> memref<640x32xf32, #tpu.memory_space<vmem_shared>>
      tpu.enqueue_dma source(%dma_start3A_17 : memref<640x32xf32, #tpu.memory_space<vmem_shared>>) target(%dma_start3A_15 : memref<640x32xf32, #tpu.memory_space<hbm>>) target_semaphore(%run_scoped3A : memref<!tpu.dma_semaphore, #tpu.memory_space<semaphore_mem>>)
      %dma_wait3A = arith.constant 0 : i32
      %dma_wait3A_18 = tpu.memref_slice %arg6[%add3A_14, %dma_wait3A] : memref<20480x32xf32, #tpu.memory_space<hbm>> -> memref<640x32xf32, #tpu.memory_space<hbm>>
      %dma_wait3A_19 = arith.constant 0 : i32
      %dma_wait3A_20 = tpu.memref_slice %arg12[%mul3A_11, %dma_wait3A_19] : memref<10240x32xf32, #tpu.memory_space<vmem_shared>> -> memref<640x32xf32, #tpu.memory_space<vmem_shared>>
      tpu.wait_dma2 semaphore(%run_scoped3A : memref<!tpu.dma_semaphore, #tpu.memory_space<semaphore_mem>>) src(%dma_wait3A_20 : memref<640x32xf32, #tpu.memory_space<vmem_shared>>) dst(%dma_wait3A_18 : memref<640x32xf32, #tpu.memory_space<hbm>>)
      tpu.yield
    }) : () -> ()
    return
  }
}

module attributes {stable_mosaic.version = 14 : i64} {
  func.func @_mm1_body(%arg0: i32, %arg1: memref<1000x256xf32, #tpu.memory_space<vmem>>, %arg2: memref<256x512xf32, #tpu.memory_space<vmem>>, %arg3: memref<512x8xf32, #tpu.memory_space<vmem>>, %arg4: memref<512x8xf32, #tpu.memory_space<vmem>>, %arg5: memref<1000x512xf32, #tpu.memory_space<vmem>>, %arg6: memref<1000x8xf32, #tpu.memory_space<vmem>>, %arg7: memref<1000x8xf32, #tpu.memory_space<vmem>>) attributes {dimension_semantics = [#tpu.dimension_semantics<arbitrary>], iteration_bounds = array<i64: 10>, scalar_prefetch = 0 : i64, scratch_operands = 0 : i64, tpu.core_type = #tpu.core_type<tc>, window_params = [{transform_indices = @transform_0, window_bounds = array<i64: 1000, 256>}, {pipeline_mode = #tpu.pipeline_mode<synchronous>, transform_indices = @transform_1, window_bounds = array<i64: 256, 512>}, {pipeline_mode = #tpu.pipeline_mode<synchronous>, transform_indices = @transform_2, window_bounds = array<i64: 512, 8>}, {pipeline_mode = #tpu.pipeline_mode<synchronous>, transform_indices = @transform_3, window_bounds = array<i64: 512, 8>}, {transform_indices = @transform_4, window_bounds = array<i64: 1000, 512>}, {transform_indices = @transform_5, window_bounds = array<i64: 1000, 8>}, {transform_indices = @transform_6, window_bounds = array<i64: 1000, 8>}]} {
    %get3A = arith.constant 0 : index
    %get3A_0 = arith.constant 0 : index
    %get3A_1 = vector.load %arg1[%get3A, %get3A_0] : memref<1000x256xf32, #tpu.memory_space<vmem>>, vector<1000x256xf32>
    %get3A_2 = arith.constant 0 : index
    %get3A_3 = arith.constant 0 : index
    %get3A_4 = vector.load %arg2[%get3A_2, %get3A_3] : memref<256x512xf32, #tpu.memory_space<vmem>>, vector<256x512xf32>
    %dot_general3A = arith.constant dense<0.000000e+00> : vector<1000x512xf32>
    %dot_general3A_5 = tpu.matmul %get3A_1, %get3A_4, %dot_general3A {dimension_numbers = #tpu.dot_dimension_numbers<[1], [0], [0], [1], [0, 0, 1, 1], [], []>, transpose_lhs_hint = false} : vector<1000x256xf32>, vector<256x512xf32>, vector<1000x512xf32> -> vector<1000x512xf32>
    %swap3A = arith.constant 0 : index
    %swap3A_6 = arith.constant 0 : index
    %swap3A_7 = vector.load %arg5[%swap3A, %swap3A_6] : memref<1000x512xf32, #tpu.memory_space<vmem>>, vector<1000x512xf32>
    tpu.vector_store %arg5[%swap3A, %swap3A_6], %dot_general3A_5 {strides = array<i32>} : memref<1000x512xf32, #tpu.memory_space<vmem>>, vector<1000x512xf32>,
    %get3A_8 = arith.constant 0 : index
    %get3A_9 = arith.constant 0 : index
    %get3A_10 = vector.load %arg3[%get3A_8, %get3A_9] : memref<512x8xf32, #tpu.memory_space<vmem>>, vector<512x8xf32>
    %dot_general3A_11 = arith.constant dense<0.000000e+00> : vector<1000x8xf32>
    %dot_general3A_12 = tpu.matmul %dot_general3A_5, %get3A_10, %dot_general3A_11 {dimension_numbers = #tpu.dot_dimension_numbers<[1], [0], [0], [1], [0, 0, 1, 1], [], []>, transpose_lhs_hint = false} : vector<1000x512xf32>, vector<512x8xf32>, vector<1000x8xf32> -> vector<1000x8xf32>
    %swap3A_13 = arith.constant 0 : index
    %swap3A_14 = arith.constant 0 : index
    %swap3A_15 = vector.load %arg6[%swap3A_13, %swap3A_14] : memref<1000x8xf32, #tpu.memory_space<vmem>>, vector<1000x8xf32>
    tpu.vector_store %arg6[%swap3A_13, %swap3A_14], %dot_general3A_12 {strides = array<i32>} : memref<1000x8xf32, #tpu.memory_space<vmem>>, vector<1000x8xf32>,
    %get3A_16 = arith.constant 0 : index
    %get3A_17 = arith.constant 0 : index
    %get3A_18 = vector.load %arg4[%get3A_16, %get3A_17] : memref<512x8xf32, #tpu.memory_space<vmem>>, vector<512x8xf32>
    %dot_general3A_19 = arith.constant dense<0.000000e+00> : vector<1000x8xf32>
    %dot_general3A_20 = tpu.matmul %dot_general3A_5, %get3A_18, %dot_general3A_19 {dimension_numbers = #tpu.dot_dimension_numbers<[1], [0], [0], [1], [0, 0, 1, 1], [], []>, transpose_lhs_hint = false} : vector<1000x512xf32>, vector<512x8xf32>, vector<1000x8xf32> -> vector<1000x8xf32>
    %swap3A_21 = arith.constant 0 : index
    %swap3A_22 = arith.constant 0 : index
    %swap3A_23 = vector.load %arg7[%swap3A_21, %swap3A_22] : memref<1000x8xf32, #tpu.memory_space<vmem>>, vector<1000x8xf32>
    tpu.vector_store %arg7[%swap3A_21, %swap3A_22], %dot_general3A_20 {strides = array<i32>} : memref<1000x8xf32, #tpu.memory_space<vmem>>, vector<1000x8xf32>,
    return
  }
  func.func @transform_0(%arg0: i32) -> (i32, i32) {
    %c0_i32 = arith.constant 0 : i32
    %c0_i32_0 = arith.constant 0 : i32
    return %arg0, %c0_i32 : i32, i32
  }
  func.func @transform_1(%arg0: i32) -> (i32, i32) {
    %c0_i32 = arith.constant 0 : i32
    %c0_i32_0 = arith.constant 0 : i32
    %c0_i32_1 = arith.constant 0 : i32
    return %c0_i32, %c0_i32_0 : i32, i32
  }
  func.func @transform_2(%arg0: i32) -> (i32, i32) {
    %c0_i32 = arith.constant 0 : i32
    %c0_i32_0 = arith.constant 0 : i32
    %c0_i32_1 = arith.constant 0 : i32
    return %c0_i32, %c0_i32_0 : i32, i32
  }
  func.func @transform_3(%arg0: i32) -> (i32, i32) {
    %c0_i32 = arith.constant 0 : i32
    %c0_i32_0 = arith.constant 0 : i32
    %c0_i32_1 = arith.constant 0 : i32
    return %c0_i32, %c0_i32_0 : i32, i32
  }
  func.func @transform_4(%arg0: i32) -> (i32, i32) {
    %c0_i32 = arith.constant 0 : i32
    %c0_i32_0 = arith.constant 0 : i32
    return %arg0, %c0_i32 : i32, i32
  }
  func.func @transform_5(%arg0: i32) -> (i32, i32) {
    %c0_i32 = arith.constant 0 : i32
    %c0_i32_0 = arith.constant 0 : i32
    return %arg0, %c0_i32 : i32, i32
  }
  func.func @transform_6(%arg0: i32) -> (i32, i32) {
    %c0_i32 = arith.constant 0 : i32
    %c0_i32_0 = arith.constant 0 : i32
    return %arg0, %c0_i32 : i32, i32
  }
}

module attributes {stable_mosaic.version = 14 : i64} {
  func.func @_mm2_body(%arg0: i32, %arg1: memref<8x1000x64xf32, #tpu.memory_space<vmem>>, %arg2: memref<1000x16xf32, #tpu.memory_space<vmem>>, %arg3: memref<8x64x16xf32, #tpu.memory_space<vmem>>, %arg4: memref<8x64xf32, #tpu.memory_space<vmem>>, %arg5: memref<1x16xf32, #tpu.memory_space<vmem>>, %arg6: memref<1x16xf32, #tpu.memory_space<vmem>>, %arg7: memref<1000x32xf32, #tpu.memory_space<vmem>>) attributes {dimension_semantics = [#tpu.dimension_semantics<arbitrary>], iteration_bounds = array<i64: 10>, scalar_prefetch = 0 : i64, scratch_operands = 0 : i64, tpu.core_type = #tpu.core_type<tc>, window_params = [{transform_indices = @transform_0, window_bounds = array<i64: 8, 1000, 64>}, {transform_indices = @transform_1, window_bounds = array<i64: 1000, 16>}, {pipeline_mode = #tpu.pipeline_mode<synchronous>, transform_indices = @transform_2, window_bounds = array<i64: 8, 64, 16>}, {pipeline_mode = #tpu.pipeline_mode<synchronous>, transform_indices = @transform_3, window_bounds = array<i64: 8, 64>}, {pipeline_mode = #tpu.pipeline_mode<synchronous>, transform_indices = @transform_4, window_bounds = array<i64: 1, 16>}, {pipeline_mode = #tpu.pipeline_mode<synchronous>, transform_indices = @transform_5, window_bounds = array<i64: 1, 16>}, {transform_indices = @transform_6, window_bounds = array<i64: 1000, 32>}]} {
    %broadcast_in_dim3A = arith.constant 0.000000e+00 : f32
    %broadcast_in_dim3A_0 = vector.broadcast %broadcast_in_dim3A : f32 to vector<1000x16xf32>
    %get3A = arith.constant 0 : index
    %get3A_1 = arith.constant 0 : index
    %get3A_2 = vector.load %arg2[%get3A, %get3A_1] : memref<1000x16xf32, #tpu.memory_space<vmem>>, vector<1000x16xf32>
    %get3A_3 = arith.constant 0 : index
    %get3A_4 = arith.constant 0 : index
    %get3A_5 = arith.constant 0 : index
    %get3A_6 = vector.load %arg1[%get3A_3, %get3A_4, %get3A_5] : memref<8x1000x64xf32, #tpu.memory_space<vmem>>, vector<1x1000x64xf32>
    %get3A_7 = vector.shape_cast %get3A_6 : vector<1x1000x64xf32> to vector<1000x64xf32>
    %slice3A = vector.extract_strided_slice %get3A_2 {offsets = [0, 0], sizes = [1000, 1], strides = [1, 1]} : vector<1000x16xf32> to vector<1000x1xf32>
    %squeeze3A = vector.shape_cast %slice3A : vector<1000x1xf32> to vector<1000xf32>
    %broadcast_in_dim3A_8 = vector.shape_cast %squeeze3A : vector<1000xf32> to vector<1000x1xf32>
    %add3A = arith.constant 1.000000e-16 : f32
    %add3A_9 = vector.broadcast %add3A : f32 to vector<1000x1xf32>
    %add3A_10 = arith.addf %broadcast_in_dim3A_8, %add3A_9 : vector<1000x1xf32>
    %div3A = vector.broadcast %add3A_10 : vector<1000x1xf32> to vector<1000x64xf32>
    %div3A_11 = arith.divf %get3A_7, %div3A : vector<1000x64xf32>
    %get3A_12 = arith.constant 0 : index
    %get3A_13 = arith.constant 0 : index
    %get3A_14 = vector.load %arg4[%get3A_12, %get3A_13] : memref<8x64xf32, #tpu.memory_space<vmem>>, vector<1x64xf32>
    %get3A_15 = vector.shape_cast %get3A_14 : vector<1x64xf32> to vector<64xf32>
    %broadcast_in_dim3A_16 = vector.shape_cast %get3A_15 : vector<64xf32> to vector<1x64xf32>
    %add3A_17 = vector.broadcast %broadcast_in_dim3A_16 : vector<1x64xf32> to vector<1000x64xf32>
    %add3A_18 = arith.addf %div3A_11, %add3A_17 : vector<1000x64xf32>
    %gt3A = arith.constant 0.000000e+00 : f32
    %gt3A_19 = vector.broadcast %gt3A : f32 to vector<1000x64xf32>
    %gt3A_20 = arith.cmpf ogt, %add3A_18, %gt3A_19 : vector<1000x64xf32>
    %min3A = arith.constant 0.000000e+00 : f32
    %min3A_21 = vector.broadcast %min3A : f32 to vector<1000x64xf32>
    %min3A_22 = arith.minimumf %add3A_18, %min3A_21 : vector<1000x64xf32>
    %exp3A = math.exp %min3A_22 : vector<1000x64xf32>
    %sub3A = arith.constant 1.000000e+00 : f32
    %sub3A_23 = vector.broadcast %sub3A : f32 to vector<1000x64xf32>
    %sub3A_24 = arith.subf %exp3A, %sub3A_23 : vector<1000x64xf32>
    %select_n3A = arith.select %gt3A_20, %add3A_18, %sub3A_24 : vector<1000x64xi1>, vector<1000x64xf32>
    %get3A_25 = arith.constant 0 : index
    %get3A_26 = arith.constant 0 : index
    %get3A_27 = arith.constant 0 : index
    %get3A_28 = vector.load %arg3[%get3A_25, %get3A_26, %get3A_27] : memref<8x64x16xf32, #tpu.memory_space<vmem>>, vector<1x64x16xf32>
    %get3A_29 = vector.shape_cast %get3A_28 : vector<1x64x16xf32> to vector<64x16xf32>
    %dot_general3A = arith.constant dense<0.000000e+00> : vector<1000x16xf32>
    %dot_general3A_30 = tpu.matmul %select_n3A, %get3A_29, %dot_general3A {dimension_numbers = #tpu.dot_dimension_numbers<[1], [0], [0], [1], [0, 0, 1, 1], [], []>, transpose_lhs_hint = false} : vector<1000x64xf32>, vector<64x16xf32>, vector<1000x16xf32> -> vector<1000x16xf32>
    %add3A_31 = arith.addf %broadcast_in_dim3A_0, %dot_general3A_30 : vector<1000x16xf32>
    %get3A_32 = arith.constant 1 : index
    %get3A_33 = arith.constant 0 : index
    %get3A_34 = arith.constant 0 : index
    %get3A_35 = vector.load %arg1[%get3A_32, %get3A_33, %get3A_34] : memref<8x1000x64xf32, #tpu.memory_space<vmem>>, vector<1x1000x64xf32>
    %get3A_36 = vector.shape_cast %get3A_35 : vector<1x1000x64xf32> to vector<1000x64xf32>
    %slice3A_37 = vector.extract_strided_slice %get3A_2 {offsets = [0, 1], sizes = [1000, 1], strides = [1, 1]} : vector<1000x16xf32> to vector<1000x1xf32>
    %squeeze3A_38 = vector.shape_cast %slice3A_37 : vector<1000x1xf32> to vector<1000xf32>
    %broadcast_in_dim3A_39 = vector.shape_cast %squeeze3A_38 : vector<1000xf32> to vector<1000x1xf32>
    %add3A_40 = arith.constant 1.000000e-16 : f32
    %add3A_41 = vector.broadcast %add3A_40 : f32 to vector<1000x1xf32>
    %add3A_42 = arith.addf %broadcast_in_dim3A_39, %add3A_41 : vector<1000x1xf32>
    %div3A_43 = vector.broadcast %add3A_42 : vector<1000x1xf32> to vector<1000x64xf32>
    %div3A_44 = arith.divf %get3A_36, %div3A_43 : vector<1000x64xf32>
    %get3A_45 = arith.constant 1 : index
    %get3A_46 = arith.constant 0 : index
    %get3A_47 = vector.load %arg4[%get3A_45, %get3A_46] : memref<8x64xf32, #tpu.memory_space<vmem>>, vector<1x64xf32>
    %get3A_48 = vector.shape_cast %get3A_47 : vector<1x64xf32> to vector<64xf32>
    %broadcast_in_dim3A_49 = vector.shape_cast %get3A_48 : vector<64xf32> to vector<1x64xf32>
    %add3A_50 = vector.broadcast %broadcast_in_dim3A_49 : vector<1x64xf32> to vector<1000x64xf32>
    %add3A_51 = arith.addf %div3A_44, %add3A_50 : vector<1000x64xf32>
    %gt3A_52 = arith.constant 0.000000e+00 : f32
    %gt3A_53 = vector.broadcast %gt3A_52 : f32 to vector<1000x64xf32>
    %gt3A_54 = arith.cmpf ogt, %add3A_51, %gt3A_53 : vector<1000x64xf32>
    %min3A_55 = arith.constant 0.000000e+00 : f32
    %min3A_56 = vector.broadcast %min3A_55 : f32 to vector<1000x64xf32>
    %min3A_57 = arith.minimumf %add3A_51, %min3A_56 : vector<1000x64xf32>
    %exp3A_58 = math.exp %min3A_57 : vector<1000x64xf32>
    %sub3A_59 = arith.constant 1.000000e+00 : f32
    %sub3A_60 = vector.broadcast %sub3A_59 : f32 to vector<1000x64xf32>
    %sub3A_61 = arith.subf %exp3A_58, %sub3A_60 : vector<1000x64xf32>
    %select_n3A_62 = arith.select %gt3A_54, %add3A_51, %sub3A_61 : vector<1000x64xi1>, vector<1000x64xf32>
    %get3A_63 = arith.constant 1 : index
    %get3A_64 = arith.constant 0 : index
    %get3A_65 = arith.constant 0 : index
    %get3A_66 = vector.load %arg3[%get3A_63, %get3A_64, %get3A_65] : memref<8x64x16xf32, #tpu.memory_space<vmem>>, vector<1x64x16xf32>
    %get3A_67 = vector.shape_cast %get3A_66 : vector<1x64x16xf32> to vector<64x16xf32>
    %dot_general3A_68 = arith.constant dense<0.000000e+00> : vector<1000x16xf32>
    %dot_general3A_69 = tpu.matmul %select_n3A_62, %get3A_67, %dot_general3A_68 {dimension_numbers = #tpu.dot_dimension_numbers<[1], [0], [0], [1], [0, 0, 1, 1], [], []>, transpose_lhs_hint = false} : vector<1000x64xf32>, vector<64x16xf32>, vector<1000x16xf32> -> vector<1000x16xf32>
    %add3A_70 = arith.addf %add3A_31, %dot_general3A_69 : vector<1000x16xf32>
    %get3A_71 = arith.constant 2 : index
    %get3A_72 = arith.constant 0 : index
    %get3A_73 = arith.constant 0 : index
    %get3A_74 = vector.load %arg1[%get3A_71, %get3A_72, %get3A_73] : memref<8x1000x64xf32, #tpu.memory_space<vmem>>, vector<1x1000x64xf32>
    %get3A_75 = vector.shape_cast %get3A_74 : vector<1x1000x64xf32> to vector<1000x64xf32>
    %slice3A_76 = vector.extract_strided_slice %get3A_2 {offsets = [0, 2], sizes = [1000, 1], strides = [1, 1]} : vector<1000x16xf32> to vector<1000x1xf32>
    %squeeze3A_77 = vector.shape_cast %slice3A_76 : vector<1000x1xf32> to vector<1000xf32>
    %broadcast_in_dim3A_78 = vector.shape_cast %squeeze3A_77 : vector<1000xf32> to vector<1000x1xf32>
    %add3A_79 = arith.constant 1.000000e-16 : f32
    %add3A_80 = vector.broadcast %add3A_79 : f32 to vector<1000x1xf32>
    %add3A_81 = arith.addf %broadcast_in_dim3A_78, %add3A_80 : vector<1000x1xf32>
    %div3A_82 = vector.broadcast %add3A_81 : vector<1000x1xf32> to vector<1000x64xf32>
    %div3A_83 = arith.divf %get3A_75, %div3A_82 : vector<1000x64xf32>
    %get3A_84 = arith.constant 2 : index
    %get3A_85 = arith.constant 0 : index
    %get3A_86 = vector.load %arg4[%get3A_84, %get3A_85] : memref<8x64xf32, #tpu.memory_space<vmem>>, vector<1x64xf32>
    %get3A_87 = vector.shape_cast %get3A_86 : vector<1x64xf32> to vector<64xf32>
    %broadcast_in_dim3A_88 = vector.shape_cast %get3A_87 : vector<64xf32> to vector<1x64xf32>
    %add3A_89 = vector.broadcast %broadcast_in_dim3A_88 : vector<1x64xf32> to vector<1000x64xf32>
    %add3A_90 = arith.addf %div3A_83, %add3A_89 : vector<1000x64xf32>
    %gt3A_91 = arith.constant 0.000000e+00 : f32
    %gt3A_92 = vector.broadcast %gt3A_91 : f32 to vector<1000x64xf32>
    %gt3A_93 = arith.cmpf ogt, %add3A_90, %gt3A_92 : vector<1000x64xf32>
    %min3A_94 = arith.constant 0.000000e+00 : f32
    %min3A_95 = vector.broadcast %min3A_94 : f32 to vector<1000x64xf32>
    %min3A_96 = arith.minimumf %add3A_90, %min3A_95 : vector<1000x64xf32>
    %exp3A_97 = math.exp %min3A_96 : vector<1000x64xf32>
    %sub3A_98 = arith.constant 1.000000e+00 : f32
    %sub3A_99 = vector.broadcast %sub3A_98 : f32 to vector<1000x64xf32>
    %sub3A_100 = arith.subf %exp3A_97, %sub3A_99 : vector<1000x64xf32>
    %select_n3A_101 = arith.select %gt3A_93, %add3A_90, %sub3A_100 : vector<1000x64xi1>, vector<1000x64xf32>
    %get3A_102 = arith.constant 2 : index
    %get3A_103 = arith.constant 0 : index
    %get3A_104 = arith.constant 0 : index
    %get3A_105 = vector.load %arg3[%get3A_102, %get3A_103, %get3A_104] : memref<8x64x16xf32, #tpu.memory_space<vmem>>, vector<1x64x16xf32>
    %get3A_106 = vector.shape_cast %get3A_105 : vector<1x64x16xf32> to vector<64x16xf32>
    %dot_general3A_107 = arith.constant dense<0.000000e+00> : vector<1000x16xf32>
    %dot_general3A_108 = tpu.matmul %select_n3A_101, %get3A_106, %dot_general3A_107 {dimension_numbers = #tpu.dot_dimension_numbers<[1], [0], [0], [1], [0, 0, 1, 1], [], []>, transpose_lhs_hint = false} : vector<1000x64xf32>, vector<64x16xf32>, vector<1000x16xf32> -> vector<1000x16xf32>
    %add3A_109 = arith.addf %add3A_70, %dot_general3A_108 : vector<1000x16xf32>
    %get3A_110 = arith.constant 3 : index
    %get3A_111 = arith.constant 0 : index
    %get3A_112 = arith.constant 0 : index
    %get3A_113 = vector.load %arg1[%get3A_110, %get3A_111, %get3A_112] : memref<8x1000x64xf32, #tpu.memory_space<vmem>>, vector<1x1000x64xf32>
    %get3A_114 = vector.shape_cast %get3A_113 : vector<1x1000x64xf32> to vector<1000x64xf32>
    %slice3A_115 = vector.extract_strided_slice %get3A_2 {offsets = [0, 3], sizes = [1000, 1], strides = [1, 1]} : vector<1000x16xf32> to vector<1000x1xf32>
    %squeeze3A_116 = vector.shape_cast %slice3A_115 : vector<1000x1xf32> to vector<1000xf32>
    %broadcast_in_dim3A_117 = vector.shape_cast %squeeze3A_116 : vector<1000xf32> to vector<1000x1xf32>
    %add3A_118 = arith.constant 1.000000e-16 : f32
    %add3A_119 = vector.broadcast %add3A_118 : f32 to vector<1000x1xf32>
    %add3A_120 = arith.addf %broadcast_in_dim3A_117, %add3A_119 : vector<1000x1xf32>
    %div3A_121 = vector.broadcast %add3A_120 : vector<1000x1xf32> to vector<1000x64xf32>
    %div3A_122 = arith.divf %get3A_114, %div3A_121 : vector<1000x64xf32>
    %get3A_123 = arith.constant 3 : index
    %get3A_124 = arith.constant 0 : index
    %get3A_125 = vector.load %arg4[%get3A_123, %get3A_124] : memref<8x64xf32, #tpu.memory_space<vmem>>, vector<1x64xf32>
    %get3A_126 = vector.shape_cast %get3A_125 : vector<1x64xf32> to vector<64xf32>
    %broadcast_in_dim3A_127 = vector.shape_cast %get3A_126 : vector<64xf32> to vector<1x64xf32>
    %add3A_128 = vector.broadcast %broadcast_in_dim3A_127 : vector<1x64xf32> to vector<1000x64xf32>
    %add3A_129 = arith.addf %div3A_122, %add3A_128 : vector<1000x64xf32>
    %gt3A_130 = arith.constant 0.000000e+00 : f32
    %gt3A_131 = vector.broadcast %gt3A_130 : f32 to vector<1000x64xf32>
    %gt3A_132 = arith.cmpf ogt, %add3A_129, %gt3A_131 : vector<1000x64xf32>
    %min3A_133 = arith.constant 0.000000e+00 : f32
    %min3A_134 = vector.broadcast %min3A_133 : f32 to vector<1000x64xf32>
    %min3A_135 = arith.minimumf %add3A_129, %min3A_134 : vector<1000x64xf32>
    %exp3A_136 = math.exp %min3A_135 : vector<1000x64xf32>
    %sub3A_137 = arith.constant 1.000000e+00 : f32
    %sub3A_138 = vector.broadcast %sub3A_137 : f32 to vector<1000x64xf32>
    %sub3A_139 = arith.subf %exp3A_136, %sub3A_138 : vector<1000x64xf32>
    %select_n3A_140 = arith.select %gt3A_132, %add3A_129, %sub3A_139 : vector<1000x64xi1>, vector<1000x64xf32>
    %get3A_141 = arith.constant 3 : index
    %get3A_142 = arith.constant 0 : index
    %get3A_143 = arith.constant 0 : index
    %get3A_144 = vector.load %arg3[%get3A_141, %get3A_142, %get3A_143] : memref<8x64x16xf32, #tpu.memory_space<vmem>>, vector<1x64x16xf32>
    %get3A_145 = vector.shape_cast %get3A_144 : vector<1x64x16xf32> to vector<64x16xf32>
    %dot_general3A_146 = arith.constant dense<0.000000e+00> : vector<1000x16xf32>
    %dot_general3A_147 = tpu.matmul %select_n3A_140, %get3A_145, %dot_general3A_146 {dimension_numbers = #tpu.dot_dimension_numbers<[1], [0], [0], [1], [0, 0, 1, 1], [], []>, transpose_lhs_hint = false} : vector<1000x64xf32>, vector<64x16xf32>, vector<1000x16xf32> -> vector<1000x16xf32>
    %add3A_148 = arith.addf %add3A_109, %dot_general3A_147 : vector<1000x16xf32>
    %get3A_149 = arith.constant 4 : index
    %get3A_150 = arith.constant 0 : index
    %get3A_151 = arith.constant 0 : index
    %get3A_152 = vector.load %arg1[%get3A_149, %get3A_150, %get3A_151] : memref<8x1000x64xf32, #tpu.memory_space<vmem>>, vector<1x1000x64xf32>
    %get3A_153 = vector.shape_cast %get3A_152 : vector<1x1000x64xf32> to vector<1000x64xf32>
    %slice3A_154 = vector.extract_strided_slice %get3A_2 {offsets = [0, 4], sizes = [1000, 1], strides = [1, 1]} : vector<1000x16xf32> to vector<1000x1xf32>
    %squeeze3A_155 = vector.shape_cast %slice3A_154 : vector<1000x1xf32> to vector<1000xf32>
    %broadcast_in_dim3A_156 = vector.shape_cast %squeeze3A_155 : vector<1000xf32> to vector<1000x1xf32>
    %add3A_157 = arith.constant 1.000000e-16 : f32
    %add3A_158 = vector.broadcast %add3A_157 : f32 to vector<1000x1xf32>
    %add3A_159 = arith.addf %broadcast_in_dim3A_156, %add3A_158 : vector<1000x1xf32>
    %div3A_160 = vector.broadcast %add3A_159 : vector<1000x1xf32> to vector<1000x64xf32>
    %div3A_161 = arith.divf %get3A_153, %div3A_160 : vector<1000x64xf32>
    %get3A_162 = arith.constant 4 : index
    %get3A_163 = arith.constant 0 : index
    %get3A_164 = vector.load %arg4[%get3A_162, %get3A_163] : memref<8x64xf32, #tpu.memory_space<vmem>>, vector<1x64xf32>
    %get3A_165 = vector.shape_cast %get3A_164 : vector<1x64xf32> to vector<64xf32>
    %broadcast_in_dim3A_166 = vector.shape_cast %get3A_165 : vector<64xf32> to vector<1x64xf32>
    %add3A_167 = vector.broadcast %broadcast_in_dim3A_166 : vector<1x64xf32> to vector<1000x64xf32>
    %add3A_168 = arith.addf %div3A_161, %add3A_167 : vector<1000x64xf32>
    %gt3A_169 = arith.constant 0.000000e+00 : f32
    %gt3A_170 = vector.broadcast %gt3A_169 : f32 to vector<1000x64xf32>
    %gt3A_171 = arith.cmpf ogt, %add3A_168, %gt3A_170 : vector<1000x64xf32>
    %min3A_172 = arith.constant 0.000000e+00 : f32
    %min3A_173 = vector.broadcast %min3A_172 : f32 to vector<1000x64xf32>
    %min3A_174 = arith.minimumf %add3A_168, %min3A_173 : vector<1000x64xf32>
    %exp3A_175 = math.exp %min3A_174 : vector<1000x64xf32>
    %sub3A_176 = arith.constant 1.000000e+00 : f32
    %sub3A_177 = vector.broadcast %sub3A_176 : f32 to vector<1000x64xf32>
    %sub3A_178 = arith.subf %exp3A_175, %sub3A_177 : vector<1000x64xf32>
    %select_n3A_179 = arith.select %gt3A_171, %add3A_168, %sub3A_178 : vector<1000x64xi1>, vector<1000x64xf32>
    %get3A_180 = arith.constant 4 : index
    %get3A_181 = arith.constant 0 : index
    %get3A_182 = arith.constant 0 : index
    %get3A_183 = vector.load %arg3[%get3A_180, %get3A_181, %get3A_182] : memref<8x64x16xf32, #tpu.memory_space<vmem>>, vector<1x64x16xf32>
    %get3A_184 = vector.shape_cast %get3A_183 : vector<1x64x16xf32> to vector<64x16xf32>
    %dot_general3A_185 = arith.constant dense<0.000000e+00> : vector<1000x16xf32>
    %dot_general3A_186 = tpu.matmul %select_n3A_179, %get3A_184, %dot_general3A_185 {dimension_numbers = #tpu.dot_dimension_numbers<[1], [0], [0], [1], [0, 0, 1, 1], [], []>, transpose_lhs_hint = false} : vector<1000x64xf32>, vector<64x16xf32>, vector<1000x16xf32> -> vector<1000x16xf32>
    %add3A_187 = arith.addf %add3A_148, %dot_general3A_186 : vector<1000x16xf32>
    %get3A_188 = arith.constant 5 : index
    %get3A_189 = arith.constant 0 : index
    %get3A_190 = arith.constant 0 : index
    %get3A_191 = vector.load %arg1[%get3A_188, %get3A_189, %get3A_190] : memref<8x1000x64xf32, #tpu.memory_space<vmem>>, vector<1x1000x64xf32>
    %get3A_192 = vector.shape_cast %get3A_191 : vector<1x1000x64xf32> to vector<1000x64xf32>
    %slice3A_193 = vector.extract_strided_slice %get3A_2 {offsets = [0, 5], sizes = [1000, 1], strides = [1, 1]} : vector<1000x16xf32> to vector<1000x1xf32>
    %squeeze3A_194 = vector.shape_cast %slice3A_193 : vector<1000x1xf32> to vector<1000xf32>
    %broadcast_in_dim3A_195 = vector.shape_cast %squeeze3A_194 : vector<1000xf32> to vector<1000x1xf32>
    %add3A_196 = arith.constant 1.000000e-16 : f32
    %add3A_197 = vector.broadcast %add3A_196 : f32 to vector<1000x1xf32>
    %add3A_198 = arith.addf %broadcast_in_dim3A_195, %add3A_197 : vector<1000x1xf32>
    %div3A_199 = vector.broadcast %add3A_198 : vector<1000x1xf32> to vector<1000x64xf32>
    %div3A_200 = arith.divf %get3A_192, %div3A_199 : vector<1000x64xf32>
    %get3A_201 = arith.constant 5 : index
    %get3A_202 = arith.constant 0 : index
    %get3A_203 = vector.load %arg4[%get3A_201, %get3A_202] : memref<8x64xf32, #tpu.memory_space<vmem>>, vector<1x64xf32>
    %get3A_204 = vector.shape_cast %get3A_203 : vector<1x64xf32> to vector<64xf32>
    %broadcast_in_dim3A_205 = vector.shape_cast %get3A_204 : vector<64xf32> to vector<1x64xf32>
    %add3A_206 = vector.broadcast %broadcast_in_dim3A_205 : vector<1x64xf32> to vector<1000x64xf32>
    %add3A_207 = arith.addf %div3A_200, %add3A_206 : vector<1000x64xf32>
    %gt3A_208 = arith.constant 0.000000e+00 : f32
    %gt3A_209 = vector.broadcast %gt3A_208 : f32 to vector<1000x64xf32>
    %gt3A_210 = arith.cmpf ogt, %add3A_207, %gt3A_209 : vector<1000x64xf32>
    %min3A_211 = arith.constant 0.000000e+00 : f32
    %min3A_212 = vector.broadcast %min3A_211 : f32 to vector<1000x64xf32>
    %min3A_213 = arith.minimumf %add3A_207, %min3A_212 : vector<1000x64xf32>
    %exp3A_214 = math.exp %min3A_213 : vector<1000x64xf32>
    %sub3A_215 = arith.constant 1.000000e+00 : f32
    %sub3A_216 = vector.broadcast %sub3A_215 : f32 to vector<1000x64xf32>
    %sub3A_217 = arith.subf %exp3A_214, %sub3A_216 : vector<1000x64xf32>
    %select_n3A_218 = arith.select %gt3A_210, %add3A_207, %sub3A_217 : vector<1000x64xi1>, vector<1000x64xf32>
    %get3A_219 = arith.constant 5 : index
    %get3A_220 = arith.constant 0 : index
    %get3A_221 = arith.constant 0 : index
    %get3A_222 = vector.load %arg3[%get3A_219, %get3A_220, %get3A_221] : memref<8x64x16xf32, #tpu.memory_space<vmem>>, vector<1x64x16xf32>
    %get3A_223 = vector.shape_cast %get3A_222 : vector<1x64x16xf32> to vector<64x16xf32>
    %dot_general3A_224 = arith.constant dense<0.000000e+00> : vector<1000x16xf32>
    %dot_general3A_225 = tpu.matmul %select_n3A_218, %get3A_223, %dot_general3A_224 {dimension_numbers = #tpu.dot_dimension_numbers<[1], [0], [0], [1], [0, 0, 1, 1], [], []>, transpose_lhs_hint = false} : vector<1000x64xf32>, vector<64x16xf32>, vector<1000x16xf32> -> vector<1000x16xf32>
    %add3A_226 = arith.addf %add3A_187, %dot_general3A_225 : vector<1000x16xf32>
    %get3A_227 = arith.constant 6 : index
    %get3A_228 = arith.constant 0 : index
    %get3A_229 = arith.constant 0 : index
    %get3A_230 = vector.load %arg1[%get3A_227, %get3A_228, %get3A_229] : memref<8x1000x64xf32, #tpu.memory_space<vmem>>, vector<1x1000x64xf32>
    %get3A_231 = vector.shape_cast %get3A_230 : vector<1x1000x64xf32> to vector<1000x64xf32>
    %slice3A_232 = vector.extract_strided_slice %get3A_2 {offsets = [0, 6], sizes = [1000, 1], strides = [1, 1]} : vector<1000x16xf32> to vector<1000x1xf32>
    %squeeze3A_233 = vector.shape_cast %slice3A_232 : vector<1000x1xf32> to vector<1000xf32>
    %broadcast_in_dim3A_234 = vector.shape_cast %squeeze3A_233 : vector<1000xf32> to vector<1000x1xf32>
    %add3A_235 = arith.constant 1.000000e-16 : f32
    %add3A_236 = vector.broadcast %add3A_235 : f32 to vector<1000x1xf32>
    %add3A_237 = arith.addf %broadcast_in_dim3A_234, %add3A_236 : vector<1000x1xf32>
    %div3A_238 = vector.broadcast %add3A_237 : vector<1000x1xf32> to vector<1000x64xf32>
    %div3A_239 = arith.divf %get3A_231, %div3A_238 : vector<1000x64xf32>
    %get3A_240 = arith.constant 6 : index
    %get3A_241 = arith.constant 0 : index
    %get3A_242 = vector.load %arg4[%get3A_240, %get3A_241] : memref<8x64xf32, #tpu.memory_space<vmem>>, vector<1x64xf32>
    %get3A_243 = vector.shape_cast %get3A_242 : vector<1x64xf32> to vector<64xf32>
    %broadcast_in_dim3A_244 = vector.shape_cast %get3A_243 : vector<64xf32> to vector<1x64xf32>
    %add3A_245 = vector.broadcast %broadcast_in_dim3A_244 : vector<1x64xf32> to vector<1000x64xf32>
    %add3A_246 = arith.addf %div3A_239, %add3A_245 : vector<1000x64xf32>
    %gt3A_247 = arith.constant 0.000000e+00 : f32
    %gt3A_248 = vector.broadcast %gt3A_247 : f32 to vector<1000x64xf32>
    %gt3A_249 = arith.cmpf ogt, %add3A_246, %gt3A_248 : vector<1000x64xf32>
    %min3A_250 = arith.constant 0.000000e+00 : f32
    %min3A_251 = vector.broadcast %min3A_250 : f32 to vector<1000x64xf32>
    %min3A_252 = arith.minimumf %add3A_246, %min3A_251 : vector<1000x64xf32>
    %exp3A_253 = math.exp %min3A_252 : vector<1000x64xf32>
    %sub3A_254 = arith.constant 1.000000e+00 : f32
    %sub3A_255 = vector.broadcast %sub3A_254 : f32 to vector<1000x64xf32>
    %sub3A_256 = arith.subf %exp3A_253, %sub3A_255 : vector<1000x64xf32>
    %select_n3A_257 = arith.select %gt3A_249, %add3A_246, %sub3A_256 : vector<1000x64xi1>, vector<1000x64xf32>
    %get3A_258 = arith.constant 6 : index
    %get3A_259 = arith.constant 0 : index
    %get3A_260 = arith.constant 0 : index
    %get3A_261 = vector.load %arg3[%get3A_258, %get3A_259, %get3A_260] : memref<8x64x16xf32, #tpu.memory_space<vmem>>, vector<1x64x16xf32>
    %get3A_262 = vector.shape_cast %get3A_261 : vector<1x64x16xf32> to vector<64x16xf32>
    %dot_general3A_263 = arith.constant dense<0.000000e+00> : vector<1000x16xf32>
    %dot_general3A_264 = tpu.matmul %select_n3A_257, %get3A_262, %dot_general3A_263 {dimension_numbers = #tpu.dot_dimension_numbers<[1], [0], [0], [1], [0, 0, 1, 1], [], []>, transpose_lhs_hint = false} : vector<1000x64xf32>, vector<64x16xf32>, vector<1000x16xf32> -> vector<1000x16xf32>
    %add3A_265 = arith.addf %add3A_226, %dot_general3A_264 : vector<1000x16xf32>
    %get3A_266 = arith.constant 7 : index
    %get3A_267 = arith.constant 0 : index
    %get3A_268 = arith.constant 0 : index
    %get3A_269 = vector.load %arg1[%get3A_266, %get3A_267, %get3A_268] : memref<8x1000x64xf32, #tpu.memory_space<vmem>>, vector<1x1000x64xf32>
    %get3A_270 = vector.shape_cast %get3A_269 : vector<1x1000x64xf32> to vector<1000x64xf32>
    %slice3A_271 = vector.extract_strided_slice %get3A_2 {offsets = [0, 7], sizes = [1000, 1], strides = [1, 1]} : vector<1000x16xf32> to vector<1000x1xf32>
    %squeeze3A_272 = vector.shape_cast %slice3A_271 : vector<1000x1xf32> to vector<1000xf32>
    %broadcast_in_dim3A_273 = vector.shape_cast %squeeze3A_272 : vector<1000xf32> to vector<1000x1xf32>
    %add3A_274 = arith.constant 1.000000e-16 : f32
    %add3A_275 = vector.broadcast %add3A_274 : f32 to vector<1000x1xf32>
    %add3A_276 = arith.addf %broadcast_in_dim3A_273, %add3A_275 : vector<1000x1xf32>
    %div3A_277 = vector.broadcast %add3A_276 : vector<1000x1xf32> to vector<1000x64xf32>
    %div3A_278 = arith.divf %get3A_270, %div3A_277 : vector<1000x64xf32>
    %get3A_279 = arith.constant 7 : index
    %get3A_280 = arith.constant 0 : index
    %get3A_281 = vector.load %arg4[%get3A_279, %get3A_280] : memref<8x64xf32, #tpu.memory_space<vmem>>, vector<1x64xf32>
    %get3A_282 = vector.shape_cast %get3A_281 : vector<1x64xf32> to vector<64xf32>
    %broadcast_in_dim3A_283 = vector.shape_cast %get3A_282 : vector<64xf32> to vector<1x64xf32>
    %add3A_284 = vector.broadcast %broadcast_in_dim3A_283 : vector<1x64xf32> to vector<1000x64xf32>
    %add3A_285 = arith.addf %div3A_278, %add3A_284 : vector<1000x64xf32>
    %gt3A_286 = arith.constant 0.000000e+00 : f32
    %gt3A_287 = vector.broadcast %gt3A_286 : f32 to vector<1000x64xf32>
    %gt3A_288 = arith.cmpf ogt, %add3A_285, %gt3A_287 : vector<1000x64xf32>
    %min3A_289 = arith.constant 0.000000e+00 : f32
    %min3A_290 = vector.broadcast %min3A_289 : f32 to vector<1000x64xf32>
    %min3A_291 = arith.minimumf %add3A_285, %min3A_290 : vector<1000x64xf32>
    %exp3A_292 = math.exp %min3A_291 : vector<1000x64xf32>
    %sub3A_293 = arith.constant 1.000000e+00 : f32
    %sub3A_294 = vector.broadcast %sub3A_293 : f32 to vector<1000x64xf32>
    %sub3A_295 = arith.subf %exp3A_292, %sub3A_294 : vector<1000x64xf32>
    %select_n3A_296 = arith.select %gt3A_288, %add3A_285, %sub3A_295 : vector<1000x64xi1>, vector<1000x64xf32>
    %get3A_297 = arith.constant 7 : index
    %get3A_298 = arith.constant 0 : index
    %get3A_299 = arith.constant 0 : index
    %get3A_300 = vector.load %arg3[%get3A_297, %get3A_298, %get3A_299] : memref<8x64x16xf32, #tpu.memory_space<vmem>>, vector<1x64x16xf32>
    %get3A_301 = vector.shape_cast %get3A_300 : vector<1x64x16xf32> to vector<64x16xf32>
    %dot_general3A_302 = arith.constant dense<0.000000e+00> : vector<1000x16xf32>
    %dot_general3A_303 = tpu.matmul %select_n3A_296, %get3A_301, %dot_general3A_302 {dimension_numbers = #tpu.dot_dimension_numbers<[1], [0], [0], [1], [0, 0, 1, 1], [], []>, transpose_lhs_hint = false} : vector<1000x64xf32>, vector<64x16xf32>, vector<1000x16xf32> -> vector<1000x16xf32>
    %add3A_304 = arith.addf %add3A_265, %dot_general3A_303 : vector<1000x16xf32>
    %get3A_305 = arith.constant 0 : index
    %get3A_306 = arith.constant 0 : index
    %get3A_307 = vector.load %arg5[%get3A_305, %get3A_306] : memref<1x16xf32, #tpu.memory_space<vmem>>, vector<1x16xf32>
    %mul3A = vector.broadcast %get3A_307 : vector<1x16xf32> to vector<1000x16xf32>
    %mul3A_308 = arith.mulf %add3A_304, %mul3A : vector<1000x16xf32>
    %reduce_sum3A = arith.constant dense<0.000000e+00> : vector<1000xf32>
    %reduce_sum3A_309 = vector.multi_reduction <add>, %mul3A_308, %reduce_sum3A [1] : vector<1000x16xf32> to vector<1000xf32>
    %get3A_310 = arith.constant 0 : index
    %get3A_311 = arith.constant 0 : index
    %get3A_312 = vector.load %arg6[%get3A_310, %get3A_311] : memref<1x16xf32, #tpu.memory_space<vmem>>, vector<1x16xf32>
    %mul3A_313 = vector.broadcast %get3A_312 : vector<1x16xf32> to vector<1000x16xf32>
    %mul3A_314 = arith.mulf %add3A_304, %mul3A_313 : vector<1000x16xf32>
    %reduce_sum3A_315 = arith.constant dense<0.000000e+00> : vector<1000xf32>
    %reduce_sum3A_316 = vector.multi_reduction <add>, %mul3A_314, %reduce_sum3A_315 [1] : vector<1000x16xf32> to vector<1000xf32>
    %broadcast_in_dim3A_317 = arith.constant 0.000000e+00 : f32
    %broadcast_in_dim3A_318 = vector.broadcast %broadcast_in_dim3A_317 : f32 to vector<1000x14xf32>
    %broadcast_in_dim3A_319 = vector.shape_cast %reduce_sum3A_309 : vector<1000xf32> to vector<1000x1xf32>
    %broadcast_in_dim3A_320 = vector.shape_cast %reduce_sum3A_316 : vector<1000xf32> to vector<1000x1xf32>
    %concatenate3A = tpu.concatenate %add3A_304, %broadcast_in_dim3A_319, %broadcast_in_dim3A_320, %broadcast_in_dim3A_318 in 1 : vector<1000x16xf32>, vector<1000x1xf32>, vector<1000x1xf32>, vector<1000x14xf32> -> vector<1000x32xf32>
    %swap3A = arith.constant 0 : index
    %swap3A_321 = arith.constant 0 : index
    %swap3A_322 = vector.load %arg7[%swap3A, %swap3A_321] : memref<1000x32xf32, #tpu.memory_space<vmem>>, vector<1000x32xf32>
    tpu.vector_store %arg7[%swap3A, %swap3A_321], %concatenate3A {strides = array<i32>} : memref<1000x32xf32, #tpu.memory_space<vmem>>, vector<1000x32xf32>,
    return
  }
  func.func @transform_0(%arg0: i32) -> (i32, i32, i32) {
    %c0_i32 = arith.constant 0 : i32
    %c0_i32_0 = arith.constant 0 : i32
    %c0_i32_1 = arith.constant 0 : i32
    return %c0_i32, %arg0, %c0_i32_0 : i32, i32, i32
  }
  func.func @transform_1(%arg0: i32) -> (i32, i32) {
    %c0_i32 = arith.constant 0 : i32
    %c0_i32_0 = arith.constant 0 : i32
    return %arg0, %c0_i32 : i32, i32
  }
  func.func @transform_2(%arg0: i32) -> (i32, i32, i32) {
    %c0_i32 = arith.constant 0 : i32
    %c0_i32_0 = arith.constant 0 : i32
    %c0_i32_1 = arith.constant 0 : i32
    %c0_i32_2 = arith.constant 0 : i32
    return %c0_i32, %c0_i32_0, %c0_i32_1 : i32, i32, i32
  }
  func.func @transform_3(%arg0: i32) -> (i32, i32) {
    %c0_i32 = arith.constant 0 : i32
    %c0_i32_0 = arith.constant 0 : i32
    %c0_i32_1 = arith.constant 0 : i32
    return %c0_i32, %c0_i32_0 : i32, i32
  }
  func.func @transform_4(%arg0: i32) -> (i32, i32) {
    %c0_i32 = arith.constant 0 : i32
    %c0_i32_0 = arith.constant 0 : i32
    %c0_i32_1 = arith.constant 0 : i32
    return %c0_i32, %c0_i32_0 : i32, i32
  }
  func.func @transform_5(%arg0: i32) -> (i32, i32) {
    %c0_i32 = arith.constant 0 : i32
    %c0_i32_0 = arith.constant 0 : i32
    %c0_i32_1 = arith.constant 0 : i32
    return %c0_i32, %c0_i32_0 : i32, i32
  }
  func.func @transform_6(%arg0: i32) -> (i32, i32) {
    %c0_i32 = arith.constant 0 : i32
    %c0_i32_0 = arith.constant 0 : i32
    return %arg0, %c0_i32 : i32, i32
  }
}

module attributes {stable_mosaic.version = 14 : i64} {
  func.func @_fin_body(%arg0: i32, %arg1: memref<2x1000x32xf32, #tpu.memory_space<vmem>>, %arg2: memref<16xf32, #tpu.memory_space<vmem>>, %arg3: memref<1000x16xf32, #tpu.memory_space<vmem>>) attributes {dimension_semantics = [#tpu.dimension_semantics<arbitrary>], iteration_bounds = array<i64: 10>, scalar_prefetch = 0 : i64, scratch_operands = 0 : i64, tpu.core_type = #tpu.core_type<tc>, window_params = [{transform_indices = @transform_0, window_bounds = array<i64: 2, 1000, 32>}, {pipeline_mode = #tpu.pipeline_mode<synchronous>, transform_indices = @transform_1, window_bounds = array<i64: 16>}, {transform_indices = @transform_2, window_bounds = array<i64: 1000, 16>}]} {
    %get3A = arith.constant 0 : index
    %get3A_0 = arith.constant 0 : index
    %get3A_1 = arith.constant 0 : index
    %get3A_2 = vector.load %arg1[%get3A, %get3A_0, %get3A_1] : memref<2x1000x32xf32, #tpu.memory_space<vmem>>, vector<1x1000x16xf32>
    %get3A_3 = vector.shape_cast %get3A_2 : vector<1x1000x16xf32> to vector<1000x16xf32>
    %get3A_4 = arith.constant 1 : index
    %get3A_5 = arith.constant 0 : index
    %get3A_6 = arith.constant 0 : index
    %get3A_7 = vector.load %arg1[%get3A_4, %get3A_5, %get3A_6] : memref<2x1000x32xf32, #tpu.memory_space<vmem>>, vector<1x1000x16xf32>
    %get3A_8 = vector.shape_cast %get3A_7 : vector<1x1000x16xf32> to vector<1000x16xf32>
    %add3A = arith.addf %get3A_3, %get3A_8 : vector<1000x16xf32>
    %get3A_9 = arith.constant 0 : index
    %get3A_10 = arith.constant 0 : index
    %get3A_11 = arith.constant 16 : index
    %get3A_12 = vector.load %arg1[%get3A_9, %get3A_10, %get3A_11] : memref<2x1000x32xf32, #tpu.memory_space<vmem>>, vector<1x1000x1xf32>
    %get3A_13 = vector.shape_cast %get3A_12 : vector<1x1000x1xf32> to vector<1000xf32>
    %get3A_14 = arith.constant 1 : index
    %get3A_15 = arith.constant 0 : index
    %get3A_16 = arith.constant 16 : index
    %get3A_17 = vector.load %arg1[%get3A_14, %get3A_15, %get3A_16] : memref<2x1000x32xf32, #tpu.memory_space<vmem>>, vector<1x1000x1xf32>
    %get3A_18 = vector.shape_cast %get3A_17 : vector<1x1000x1xf32> to vector<1000xf32>
    %add3A_19 = arith.addf %get3A_13, %get3A_18 : vector<1000xf32>
    %broadcast_in_dim3A = vector.shape_cast %add3A_19 : vector<1000xf32> to vector<1000x1xf32>
    %add3A_20 = arith.constant 1.000000e-16 : f32
    %add3A_21 = vector.broadcast %add3A_20 : f32 to vector<1000x1xf32>
    %add3A_22 = arith.addf %broadcast_in_dim3A, %add3A_21 : vector<1000x1xf32>
    %div3A = vector.broadcast %add3A_22 : vector<1000x1xf32> to vector<1000x16xf32>
    %div3A_23 = arith.divf %add3A, %div3A : vector<1000x16xf32>
    %get3A_24 = arith.constant 0 : index
    %get3A_25 = vector.load %arg2[%get3A_24] : memref<16xf32, #tpu.memory_space<vmem>>, vector<16xf32>
    %broadcast_in_dim3A_26 = vector.shape_cast %get3A_25 : vector<16xf32> to vector<1x16xf32>
    %add3A_27 = vector.broadcast %broadcast_in_dim3A_26 : vector<1x16xf32> to vector<1000x16xf32>
    %add3A_28 = arith.addf %div3A_23, %add3A_27 : vector<1000x16xf32>
    %reduce_max3A = arith.constant dense<0xFF800000> : vector<1000xf32>
    %reduce_max3A_29 = vector.multi_reduction <maximumf>, %add3A_28, %reduce_max3A [1] : vector<1000x16xf32> to vector<1000xf32>
    %broadcast_in_dim3A_30 = vector.shape_cast %reduce_max3A_29 : vector<1000xf32> to vector<1000x1xf32>
    %sub3A = vector.broadcast %broadcast_in_dim3A_30 : vector<1000x1xf32> to vector<1000x16xf32>
    %sub3A_31 = arith.subf %add3A_28, %sub3A : vector<1000x16xf32>
    %exp3A = math.exp %sub3A_31 : vector<1000x16xf32>
    %reduce_sum3A = arith.constant dense<0.000000e+00> : vector<1000xf32>
    %reduce_sum3A_32 = vector.multi_reduction <add>, %exp3A, %reduce_sum3A [1] : vector<1000x16xf32> to vector<1000xf32>
    %broadcast_in_dim3A_33 = vector.shape_cast %reduce_sum3A_32 : vector<1000xf32> to vector<1000x1xf32>
    %log3A = math.log %broadcast_in_dim3A_33 : vector<1000x1xf32>
    %sub3A_34 = vector.broadcast %log3A : vector<1000x1xf32> to vector<1000x16xf32>
    %sub3A_35 = arith.subf %sub3A_31, %sub3A_34 : vector<1000x16xf32>
    %swap3A = arith.constant 0 : index
    %swap3A_36 = arith.constant 0 : index
    %swap3A_37 = vector.load %arg3[%swap3A, %swap3A_36] : memref<1000x16xf32, #tpu.memory_space<vmem>>, vector<1000x16xf32>
    tpu.vector_store %arg3[%swap3A, %swap3A_36], %sub3A_35 {strides = array<i32>} : memref<1000x16xf32, #tpu.memory_space<vmem>>, vector<1000x16xf32>,
    return
  }
  func.func @transform_0(%arg0: i32) -> (i32, i32, i32) {
    %c0_i32 = arith.constant 0 : i32
    %c0_i32_0 = arith.constant 0 : i32
    %c0_i32_1 = arith.constant 0 : i32
    return %c0_i32, %arg0, %c0_i32_0 : i32, i32, i32
  }
  func.func @transform_1(%arg0: i32) -> i32 {
    %c0_i32 = arith.constant 0 : i32
    %c0_i32_0 = arith.constant 0 : i32
    return %c0_i32 : i32
  }
  func.func @transform_2(%arg0: i32) -> (i32, i32) {
    %c0_i32 = arith.constant 0 : i32
    %c0_i32_0 = arith.constant 0 : i32
    return %arg0, %c0_i32 : i32, i32
  }
}

</mosaic_0001>

<sc_bundles>
// kernel: kernel.10.cloned.1.call-start
scs
__scs_entry_jumppad:
0x0: {  	(pc) =	sbr.rel $0x88, $3  }
0x1: {  	(tag) =	ssettag $0x0;
	lr =	simm.s32 $0x1  }
0x2: {  	[smem:$0x3F97] =	sst lr;
	_ =	strace $0xD0000000  }
0x3: {  	_ = 	snop  }
0x4: {  	_ = 	snop  }
0x5: {  	_ = 	snop  }
0x6: {  	_ = 	snop  }
0x7: {  	_ = 	snop  }
__scs_overlays_trampoline_lowered:
0x8: {  	[smem:$0x3FA6] =	sst s0  }
0x9: {  	[smem:$0x3FA7] =	sst s1  }
0xa: {  	[smem:$0x3FA8] =	sst s2  }
0xb: {  	[smem:$0x3FA9] =	sst s3  }
0xc: {  	[smem:$0x3FAA] =	sst s4  }
0xd: {  	[smem:$0x3FAB] =	sst s5  }
0xe: {  	[smem:$0x3FAC] =	sst s6  }
0xf: {  	[smem:$0x3FAD] =	sst s7  }
0x10: {  	[smem:$0x3FAE] =	sst s8  }
0x11: {  	[smem:$0x3FAF] =	sst s9;
	s0 =	simm.s32 @!p0 $0x0  }
0x12: {  	s1 =	sld [smem:$0x3F95];
	s0 =	simm.s32 @p0 $0x1  }
0x13: {  	[smem:$0x3FB0] =	sst s0;
	s0 =	simm.s32 @!p1 $0x0  }
0x14: {  	s2 =	sld [smem:$0x3F94];
	s0 =	simm.s32 @p1 $0x1  }
0x15: {  	[smem:$0x3FB1] =	sst s0;
	s0 =	simm.s32 @!p2 $0x0  }
0x16: {  	s3 =	sld [smem:$0x3FDB];
	s0 =	simm.s32 @p2 $0x1  }
0x17: {  	s4 =	simm.s32 $0x1BF5;
	[smem:$0x3FB3] =	sst s0  }
0x18: {  	s0 =	sld [smem:$0x3F96];
	_ =	swait.ge [sflag:s4], $0x0  }
0x19: {  	s7 =	sld [smem:$0x3F97]  }
0x1a: {  	s8 =	sadd.s32 $0xFFFFE003, lr  }
0x1b: {  	s9 =	sadd.s32 $0xFFFFFEF7, lr;
	s5 =	simm.s32 $0xFFFFFFFF;
	p2 =	slt.u32 s8, $0xFFFFF086  }
0x1c: {  	p1 =	slt.u32 s9, $0xF7A;
	s5 =	simm.s32 @!p2 $0x0  }
0x1d: {  	s5 =	simm.s32 @p1 $0x1;
	p0 =	seq.s32 s7, s2  }
0x1e: {  	s7 =	smul.u32 @!p0 $0xF7A, s2;
	p2 =	seq.s32 @!p0 s5, $0x0  }
0x1f: {  	s9 =	smul.u32 $0xF7A, s1;
	s8 =	simm.s32 @!p0 $0x1BF5;
	p2 =	por !p2, p0  }
0x20: {  	[sflag:s8] =	ssyncset.s32 @!p0 $0xFFFFF086;
	s6 =	sadd.s32 @!p0 s3, s7;
	s7 =	simm.s32 @!p0 $0x108  }
0x21: {  	s3 =	sadd.s32 s3, s9;
	s6 =	sadd.s32 @!p0 $0x88, s6;
	s7 =	simm.s32 @p2 $0x1082  }
0x22: {  	[simem:s7], [sflag:s8] =	dma.local @!p0 [hbm:s6], $0xF7A  }
0x23: {  	s9 =	sor.u32 $0xD0000000, s2;
	s6 =	simm.s32 $0x108;
	_ =	swait.ge @!p0 [sflag:s8], $0x0  }
0x24: {  	s3 =	sadd.s32 $0x88, s3;
	s6 =	simm.s32 @!p1 $0x1082;
	[sflag:s4] =	ssyncset.s32 $0xFFFFF086  }
0x25: {  	[simem:s6], [sflag:s4] =	dma.local [hbm:s3], $0xF7A  }
0x26: {  	[smem:$0x3F97] =	sst s1;
	(tag) =	ssettag s2;
	_ =	strace s9  }
0x27: {  	s1 =	sld [smem:$0x3FA7]  }
0x28: {  	s2 =	sld [smem:$0x3FA8]  }
0x29: {  	s4 =	sld [smem:$0x3FAA]  }
0x2a: {  	p0 =	seq.s32 s5, $0x0;
	s5 =	sld [smem:$0x3FAB]  }
0x2b: {  	s6 =	sld [smem:$0x3FAC]  }
0x2c: {  	s7 =	sld [smem:$0x3FAD]  }
0x2d: {  	s3 =	simm.s32 $0x108;
	s8 =	sld [smem:$0x3FAE]  }
0x2e: {  	s3 =	simm.s32 @!p0 $0x1082;
	s9 =	sld [smem:$0x3FAF]  }
0x2f: {  	lr =	sadd.s32 s0, s3;
	s0 =	sld [smem:$0x3FA6]  }
0x30: {  	s3 =	sld [smem:$0x3FA9]  }
0x31: {  	[smem:$0x3FB2] =	sst s10  }
0x32: {  	s10 =	sld [smem:$0x3FB0];
	_ =	sdelay $0x3  }
0x33: {  	p0 =	seq.s32 s10, $0x1;
	s10 =	sld [smem:$0x3FB2];
	_ =	sdelay $0x3  }
0x34: {  	[smem:$0x3FB2] =	sst s10  }
0x35: {  	s10 =	sld [smem:$0x3FB1];
	_ =	sdelay $0x3  }
0x36: {  	p1 =	seq.s32 s10, $0x1;
	s10 =	sld [smem:$0x3FB2];
	_ =	sdelay $0x3  }
0x37: {  	[smem:$0x3FB2] =	sst s10  }
0x38: {  	s10 =	sld [smem:$0x3FB3]  }
0x39: {  	_ = 	snop;
	(pc) =	sbr.ind lr, $3  }
0x3a: {  	_ = 	snop  }
0x3b: {  	_ = 	snop  }
0x3c: {  	p2 =	seq.s32 s10, $0x1;
	s10 =	sld [smem:$0x3FB2]  }
0x3d: {  	_ =	shalt  }
0x3e: {  	_ =	shalt  }
0x3f: {  	_ =	shalt  }
0x40: {  	_ =	shalt  }
0x41: {  	_ =	shalt  }
0x42: {  	_ =	shalt  }
0x43: {  	_ =	shalt  }
0x44: {  	_ =	shalt  }
0x45: {  	_ =	shalt  }
0x46: {  	_ =	shalt  }
0x47: {  	_ =	shalt  }
0x48: {  	_ =	shalt  }
0x49: {  	_ =	shalt  }
0x4a: {  	_ =	shalt  }
0x4b: {  	_ =	shalt  }
0x4c: {  	_ =	shalt  }
0x4d: {  	_ =	shalt  }
0x4e: {  	_ =	shalt  }
0x4f: {  	_ =	shalt  }
0x50: {  	_ =	shalt  }
0x51: {  	_ =	shalt  }
0x52: {  	_ =	shalt  }
0x53: {  	_ =	shalt  }
0x54: {  	_ =	shalt  }
0x55: {  	_ =	shalt  }
0x56: {  	_ =	shalt  }
0x57: {  	_ =	shalt  }
0x58: {  	_ =	shalt  }
0x59: {  	_ =	shalt  }
0x5a: {  	_ =	shalt  }
0x5b: {  	_ =	shalt  }
0x5c: {  	_ =	shalt  }
0x5d: {  	_ =	shalt  }
0x5e: {  	_ =	shalt  }
0x5f: {  	_ =	shalt  }
0x60: {  	_ =	shalt  }
0x61: {  	_ =	shalt  }
0x62: {  	_ =	shalt  }
0x63: {  	_ =	shalt  }
0x64: {  	_ =	shalt  }
0x65: {  	_ =	shalt  }
0x66: {  	_ =	shalt  }
0x67: {  	_ =	shalt  }
0x68: {  	_ =	shalt  }
0x69: {  	_ =	shalt  }
0x6a: {  	_ =	shalt  }
0x6b: {  	_ =	shalt  }
0x6c: {  	_ =	shalt  }
0x6d: {  	_ =	shalt  }
0x6e: {  	_ =	shalt  }
0x6f: {  	_ =	shalt  }
0x70: {  	_ =	shalt  }
0x71: {  	_ =	shalt  }
0x72: {  	_ =	shalt  }
0x73: {  	_ =	shalt  }
0x74: {  	_ =	shalt  }
0x75: {  	_ =	shalt  }
0x76: {  	_ =	shalt  }
0x77: {  	_ =	shalt  }
0x78: {  	_ =	shalt  }
0x79: {  	_ =	shalt  }
0x7a: {  	_ =	shalt  }
0x7b: {  	_ =	shalt  }
0x7c: {  	_ =	shalt  }
0x7d: {  	_ =	shalt  }
0x7e: {  	_ =	shalt  }
0x7f: {  	_ =	shalt  }
0x80: {  	_ =	shalt  }
0x81: {  	_ =	shalt  }
0x82: {  	_ =	shalt  }
0x83: {  	_ =	shalt  }
0x84: {  	_ =	shalt  }
0x85: {  	_ =	shalt  }
0x86: {  	_ =	shalt  }
0x87: {  	_ =	shalt  }
.Lfunc_end0:
.L_simem_size_0:
called_computation.1_lowered:
.L_overlay_start_0:
0x88: {  	s2 =	sld [smem:$0x3FD9]  }
0x89: {  	s3 =	sld [smem:$0x3FFE];
	_ =	sdelay $0x1  }
0x8a: {  	s1 =	srdreg.scid  }
0x8b: {  	s0 =	sand.u32 $0x1, s1  }
0x8c: {  	s17 =	sshll.u32 s0, $0xA;
	s2 =	sadd.s32 s3, s2  }
0x8d: {  	s2 =	sadd.s32 s2, s17  }
0x8e: {  	[smem:$0x3FBE] =	sst s2  }
0x8f: {  	_ = 	snop  }
0x90: {  	s2 =	sld [smem:$0x3FD0];
	(tm) =	ssettm $0x1  }
0x91: {  	s18 =	sld [smem:$0x3FFB];
	_ =	sdelay $0x3  }
0x92: {  	_ =	strace s18  }
0x93: {  	s3 =	sld [smem:$0x3FFC];
	_ =	sdelay $0x3  }
0x94: {  	_ =	strace s3  }
0x95: {  	s3 =	sld [smem:$0x3FFD];
	_ =	sdelay $0x3  }
0x96: {  	_ =	strace s3  }
0x97: {  	_ =	strace $0x8FFFFFFF  }
0x98: {  	s19 =	sld [smem:$0x3FDB];
	_ =	sdelay $0x1  }
0x99: {  	s4 =	simm.s32 $_scs_section_size  }
0x9a: {  	s5 =	simm.s32 $_size__tile_overlayer_lowered;
	s6 =	simm.s32 $_tile_overlayer_lowered  }
0x9b: {  	s22 =	simm.s32 $0x1BFF;
	s21 =	sshll.u32 s6, $0x1;
	s3 =	sadd.s32 s4, s19  }
0x9c: {  	s7 =	simm.s32 $0x0;
	s20 =	sshll.u32 s5, $0x1;
	s5 =	sadd.s32 s21, s3  }
0x9d: {  	[timem:s7], [sflag:s22] =	dma.local [hbm:s5], s20  }
0x9e: {  	_ =	swait.ge [sflag:s22], s20  }
0x9f: {  	s4 =	ssub.s32 $0x0, s20;
	[sflag:s22] =	ssyncset.done $0x0  }
0xa0: {  	[sflag:s22] =	ssyncadd.s32 s4;
	_ =	sdelay $0x1  }
0xa1: {  	s23 =	simm.s32 $0x1B8B  }
0xa2: {  	_ =	swait.ge [sflag:s23], $0x1  }
0xa3: {  	[sflag:s23] =	ssyncset.done $0x0  }
0xa4: {  	s25 =	simm.s32 $0x1B8E;
	s24 =	sld [smem:$0x3FFE];
	[sflag:s23] =	ssyncadd.s32 $0xFFFFFFFF  }
0xa5: {  	s26 =	simm.s32 $execute0_lowered;
	[smem:$0x3FD2] =	sst s25  }
0xa6: {  	s5 =	sshll.u32 s26, $0x1;
	_ =	strace $0x80000049;
	[dreg:$0x1] =	wrdreg $0xFFFFFFFF  }
0xa7: {  	s28 =	simm.s32 $_size_execute0_lowered;
	s3 =	sadd.s32 s3, s5;
	[dreg:$0x0] =	wrdreg $0x0  }
0xa8: {  	s5 =	sshll.u32 s28, $0x1;
	[dreg:$0x2] =	wrdreg s3  }
0xa9: {  	[dreg:$0x3] =	wrdreg s5  }
0xaa: {  	[dreg:$0x4] =	wrdreg $0xC0  }
0xab: {  	_ =	task [dreg:s7], $0x5FFFF  }
0xac: {  	[dreg:$0x1] =	wrdreg $0xFFFFFFFF  }
0xad: {  	[dreg:$0x0] =	wrdreg $0x60  }
0xae: {  	[dreg:$0x2] =	wrdreg s2  }
0xaf: {  	[dreg:$0x3] =	wrdreg s24  }
0xb0: {  	[dreg:$0x4] =	wrdreg $0x36100  }
0xb1: {  	[dreg:$0x5] =	wrdreg $0x9  }
0xb2: {  	_ =	task.clear_ibuf [dreg:s7], $0x6FFFF;
	_ =	strace $0x90000049  }
0xb3: {  	s29 =	simm.s32 $0x9;
	_ =	strace $0x8000004B  }
0xb4: {  	_ =	swait.ge [sflag:s29], $0x1  }
0xb5: {  	[sflag:s29] =	ssyncadd.s32 $0xFFFFFFFF  }
0xb6: {  	_ =	strace $0x9000004B  }
0xb7: {  	_ =	sfence  }
0xb8: {  	s30 =	sld [smem:$0x0];
	_ =	sdelay $0x2  }
0xb9: {  	s31 =	sshll.u32 s1, $0xD;
	s1 =	sshrl.u32 s1, $0x2  }
0xba: {  	s3 =	sand.u32 $0x4000, s31;
	s1 =	sadd.s32 s1, s30  }
0xbb: {  	s0 =	sor.u32 s3, s0;
	s1 =	sshll.u32 s1, $0x11  }
0xbc: {  	s0 =	sor.u32 s1, s0  }
0xbd: {  	s0 =	sadd.s32 $0x8F2B, s0  }
0xbe: {  	[sflag:s0] =	ssyncadd.remote.s32 $0x1  }
0xbf: {  	_ =	sfence.sel $0xFFFF  }
0xc0: {  	[dreg:$0x0] =	wrdreg $0xFFFFFFFF;
	(pc) =	sbr.abs _section_cstart, $3  }
0xc1: {  	[dreg:$0x1] =	wrdreg $0xFFFFFFFF  }
0xc2: {  	_ =	task.clear_ibuf [dreg:s7], $0x2FFFF;
	_ =	strace $0x9FFFFFFF  }
0xc3: {  	(tm) =	ssettm $0x7FFFFFFF  }
tec
execute0_lowered:
.L_overlay_start_1:
0x0: {  	(tag) =	ssettag $0x1  }
0x1: {  	s1 =	srdreg.scid;
	s7 =	rddreg [dreg:$0x0]  }
0x2: {  	s0 =	stileid.u32;
	s8 =	rddreg [dreg:$0x1]  }
0x3: {  	s2 =	rddreg [dreg:$0x2];
	s3 =	simm.s32 $0x0;
	s15 =	simm.s32 $0x2710  }
0x4: {  	s16 =	simm.s32 $0x2C10;
	s17 =	simm.s32 $0x3110;
	s18 =	simm.s32 $0x0  }
0x5: {  	s6 =	sand.u32 $0x1, s1;
	s30 =	sshll.u32 s0, $0x1;
	s5 =	smul.u32 $0xA00, s0  }
0x6: {  	[smem:$0x7FF] =	sst s3;
	s4 =	sadd.s32 $0x2200, s8;
	s12 =	smul.u32 $0x14000, s0  }
0x7: {  	s13 =	sshll.u32 s0, $0x6;
	s1 =	sor.u32 s6, s30;
	s10 =	smul.u32 $0xA000, s6  }
0x8: {  	s6 =	ssub.s32 $0x2, s6;
	s9 =	smul.u32 $0x271, s1;
	s1 =	rddreg [dreg:$0x3]  }
0x9: {  	_ =	strace $0x8000004A;
	s31 =	sshrl.u32 s6, $0x1;
	s12 =	sshrl.u32 s12, $0x2  }
0xa: {  	s10 =	sadd.s32 s5, s10;
	s5 =	sadd.s32 $0xC000, s8;
	s14 =	ssub.s32 s6, s31  }
0xb: {  	s12 =	sadd.s32 s12, s2;
	s6 =	sor.u32 $0x1C01, s13;
	s13 =	simm.s32 $0x1388  }
0xc: {  	s11 =	sadd.s32 s9, s8;
	s10 =	sadd.s32 s10, s8;
	s7 =	sadd.s32 s7, s9  }
0xd: {  	s8 =	sadd.s32 $0xA8600, s11;
	s9 =	sadd.s32 $0xCA00, s10;
	s10 =	smax.u32 s14, $0x1  }
0xe: {  	v0 =	vimm.s32 $0x0;
	v1 =	vimm.s32 $0x1;
	vm0 =	vmmov $0x1;
	s11 =	sshrl.u32 s12, $0x3;
	s12 =	simm.s32 $0x1;
	s14 =	simm.s32 $0x28  }
.LBB2_1:
0xf: {  	[spmem:s11], [sflag:s6] =	dma.local [hbm:s5], $0xA00  }
0x10: {  	_ =	swait.ge [sflag:s12], $0xA00  }
0x11: {  	[sflag:s12] =	ssyncset.done $0x0  }
0x12: {  	[sflag:s12] =	ssyncadd.s32 $0xFFFFF600  }
0x13: {  	[tilespmem:s3], [sflag:$0x1] =	stream.linear.gather [hbm4b:s7+s3], $0x1388, $0x38;
	[tilespmem:$0x8610] =	vst v63  }
0x14: {  	_ =	swait.ge [sflag:s12], $0x1388  }
0x15: {  	[sflag:s12] =	ssyncset.done $0x0  }
0x16: {  	[sflag:s12] =	ssyncadd.s32 $0xFFFFEC78  }
0x17: {  	[tilespmem:s13], [sflag:$0x1] =	stream.linear.gather [hbm4b:s8+s3], $0x1388, $0x38;
	[tilespmem:$0x8610] =	vst v63  }
0x18: {  	_ =	swait.ge [sflag:s12], $0x1388  }
0x19: {  	[sflag:s12] =	ssyncset.done $0x0  }
0x1a: {  	[sflag:s12] =	ssyncadd.s32 $0xFFFFEC78  }
0x1b: {  	s19 =	simm.s32 $0x0;
	[bflag:$0x0] =	sbarrier.arrive $0xFFFF  }
.LBB2_2:
0x1c: {  	s20 =	smul.u32 $0x28, s19;
	_ =	sdelay $0x1  }
0x1d: {  	[tilespmem:s15], [sflag:$0x1] =	stream.indirect.gather [hbm4b:s4+s14], $0x20, s20, s14, $0xb8;
	[tilespmem:$0x8610] =	vst v63  }
0x1e: {  	_ =	swait.ge [sflag:s12], $0x500  }
0x1f: {  	[sflag:s12] =	ssyncset.done $0x0  }
0x20: {  	s20 =	sadd.s32 $0x1388, s20;
	[sflag:s12] =	ssyncadd.s32 $0xFFFFFB00  }
0x21: {  	[tilespmem:s16], [sflag:$0x1] =	stream.indirect.gather [hbm4b:s4+s14], $0x20, s20, s14, $0xb8;
	[tilespmem:$0x8610] =	vst v63  }
0x22: {  	_ =	swait.ge [sflag:s12], $0x500  }
0x23: {  	[sflag:s12] =	ssyncset.done $0x0  }
0x24: {  	s23 =	simm.s32 $0x0;
	[sflag:s12] =	ssyncadd.s32 $0xFFFFFB00  }
0x25: {  	v2 =	vld [tilespmem:s23+$0x2720]  }
0x26: {  	s22 =	simm.s32 $0x20;
	v3 =	vld [tilespmem:s23+$0x2C20]  }
0x27: {  	v4 =	vld [tilespmem:s22+$0x2720]  }
0x28: {  	v5 =	vld [tilespmem:s22+$0x2C20];
	_ =	sdelay $0x2  }
0x29: {  	v2 =	vperm.xlane v2, v0;
	v3 =	vperm.xlane v3, v1;
	_ =	sdelay $0x1  }
0x2a: {  	v2 =	vadd.f32 v3, v2;
	v3 =	vperm.xlane v4, v0;
	v4 =	vperm.xlane v5, v1;
	_ =	sdelay $0x1  }
0x2b: {  	s21 =	simm.s32 $0x40;
	v3 =	vadd.f32 v4, v3;
	v4 =	vmul.f32 $2.000000030e-01, v2  }
0x2c: {  	v6 =	vld [tilespmem:s21+$0x2720];
	vm1 =	vge.f32 v2, $0.0e+00  }
0x2d: {  	v5 =	vld [tilespmem:s21+$0x2C20];
	v2 =	vsel vm1, v2, v4  }
0x2e: {  	v2 =	vmul.f32 $1.442695020e+00, v2  }
0x2f: {  	v4 =	vmul.f32 $2.000000030e-01, v3  }
0x30: {  	vm1 =	vge.f32 v3, $0.0e+00;
	(erf) = vpow2.f32 v2  }
0x31: {  	v6 =	vperm.xlane v6, v0;
	v4 =	vsel vm1, v3, v4  }
0x32: {  	s24 =	simm.s32 $0x60;
	v5 =	vperm.xlane v5, v1;
	v7 =	vmul.f32 $1.442695020e+00, v4  }
0x33: {  	v3 =	vld [tilespmem:s24+$0x2720]  }
0x34: {  	v4 =	vadd.f32 v5, v6;
	v5 =	vld [tilespmem:s24+$0x2C20];
	(erf) = vpow2.f32 v7  }
0x35: {  	v2 =	vld [tilespmem:s23+$0x2710];
	_ =	sdelay $0x1  }
0x36: {  	s25 =	simm.s32 $0x200;
	v6 =	vmul.f32 $2.000000030e-01, v4  }
.LBB2_3:
0x37: {  	s26 =	sshra.s32 s25, $0x2;
	vm1 =	vge.f32 v4, $0.0e+00;
	p0 =	sne.s32 s25, $0x1380  }
.Ltmp0:
0x38: {  	s25 =	sadd.s32 $0x80, s25;
	v7 =	vperm.xlane v3, v0;
	v3 =	vld [tilespmem:s26+$0x2720];
	v8 =	vperm.xlane v5, v1;
	v4 =	vsel vm1, v4, v6;
	v6 =	vpop (erf);
	(pc) =	sbr.rel @p0 .LBB2_3-.Ltmp0, $4  }
0x39: {  	v5 =	vld [tilespmem:s26+$0x2C20];
	v9 =	vmul.f32 $1.442695020e+00, v4;
	v10 =	vmul.f32 v6, v2;
	v6 =	vnsel vm0, $0x0, v6  }
0x3a: {  	v4 =	vadd.f32 v8, v7;
	v2 =	vld [tilespmem:s22+$0x2710];
	[tilespmem:s23+$0x3120] =	vst v6  }
0x3b: {  	(erf) = vpow2.f32 v9;
	[tilespmem:s23+$0x3110] =	vst v10;
	s23 =	smov.u32 s22;
	s22 =	smov.u32 s21;
	s21 =	smov.u32 s24  }
0x3c: {  	s24 =	smov.u32 s26;
	v6 =	vmul.f32 $2.000000030e-01, v4  }
0x3d: {  	_ = 	snop  }
0x3e: {  	v3 =	vperm.xlane v3, v0;
	v5 =	vperm.xlane v5, v1;
	_ =	sdelay $0x1  }
0x3f: {  	vm1 =	vge.f32 v4, $0.0e+00;
	v3 =	vadd.f32 v5, v3  }
0x40: {  	v4 =	vsel vm1, v4, v6  }
0x41: {  	v4 =	vmul.f32 $1.442695020e+00, v4;
	v5 =	vmul.f32 $2.000000030e-01, v3  }
0x42: {  	vm1 =	vge.f32 v3, $0.0e+00  }
0x43: {  	v62 =	vpop (erf);
	(erf) = vpow2.f32 v4;
	v3 =	vsel vm1, v3, v5  }
0x44: {  	v61 =	vld [tilespmem:s22+$0x2710];
	v3 =	vmul.f32 $1.442695020e+00, v3  }
0x45: {  	v63 =	vnsel vm0, $0x0, v62;
	v2 =	vmul.f32 v62, v2  }
0x46: {  	[tilespmem:s23+$0x3120] =	vst v63  }
0x47: {  	[tilespmem:s23+$0x3110] =	vst v2;
	(erf) = vpow2.f32 v3  }
0x48: {  	v4 =	vld [tilespmem:s21+$0x2710];
	v3 =	vpop (erf)  }
0x49: {  	v2 =	vmul.f32 v3, v61;
	v3 =	vnsel vm0, $0x0, v3  }
0x4a: {  	[tilespmem:s22+$0x3120] =	vst v3  }
0x4b: {  	[tilespmem:s22+$0x3110] =	vst v2  }
0x4c: {  	v2 =	vld [tilespmem:s24+$0x2710];
	v3 =	vpop (erf)  }
0x4d: {  	v4 =	vmul.f32 v3, v4;
	v3 =	vnsel vm0, $0x0, v3;
	_ =	sdelay $0x2  }
0x4e: {  	[tilespmem:s21+$0x3120] =	vst v3;
	v3 =	vpop (erf)  }
0x4f: {  	s19 =	sadd.s32 $0x1, s19;
	[tilespmem:s21+$0x3110] =	vst v4;
	v2 =	vmul.f32 v3, v2;
	v3 =	vnsel vm0, $0x0, v3  }
0x50: {  	p0 =	sne.s32 s19, $0x7D;
	[tilespmem:s24+$0x3120] =	vst v3  }
.Ltmp1:
0x51: {  	[tilespmem:s24+$0x3110] =	vst v2;
	(pc) =	sbr.rel @p0 .LBB2_2-.Ltmp1, $4  }
0x52: {  	[spmem:s2] =	stream.indirect.scatter.add.f32 [tilespmem:s17], [sflag:$0x1], $0x20, s20, s14, $0xb8;
	[tilespmem:$0x8610] =	vst v63  }
0x53: {  	_ =	swait.ge [sflag:s12], $0x500  }
0x54: {  	[sflag:s12] =	ssyncset.done $0x0  }
0x55: {  	[sflag:s12] =	ssyncadd.s32 $0xFFFFFB00  }
0x56: {  	s18 =	sadd.s32 $0x1, s18  }
0x57: {  	p0 =	sne.s32 s18, s10  }
.Ltmp2:
0x58: {  	[bflag:$0x0] =	sbarrier.arrive $0xFFFF;
	(pc) =	sbr.rel @p0 .LBB2_1-.Ltmp2, $4  }
0x59: {  	[hbm:s9], [sflag:s6] =	dma.local [spmem:s11], $0xA00  }
0x5a: {  	_ =	swait.ge [sflag:s12], $0xA00  }
0x5b: {  	[sflag:s12] =	ssyncset.done $0x0  }
0x5c: {  	[sflag:s12] =	ssyncadd.s32 $0xFFFFF600  }
0x5d: {  	_ =	sfence.sel $0x180000  }
0x5e: {  	[bflag:$0x0] =	sbarrier.arrive $0xFFFF  }
0x5f: {  	p0 =	sne.s32 s0, $0x0;
	_ =	strace $0x9000004A  }
0x60: {  	s0 =	sadd.s32 @!p0 $0x100000, s1;
	[bflag:$0x2] =	sbarrier.arrive $0xFFFF  }
0x61: {  	[sflag:s0] =	ssyncadd.tile.s32 @!p0 $0x1;
	_ =	shalt  }
.Lfunc_end2:
_tile_overlayer_lowered:
.L_overlay_start_2:
0x62: {  	(tag) =	ssettag $0x2  }
0x63: {  	s0 =	rddreg [dreg:$0x0];
	s2 =	stileid.u32  }
0x64: {  	s1 =	rddreg [dreg:$0x1];
	p0 =	sne.s32 s2, $0x0  }
0x65: {  	s3 =	rddreg [dreg:$0x2];
	[bflag:$0x3] =	sbarrier.arrive $0xFFFF;
	s2 =	simm.s32 @!p0 $0x1C01  }
0x66: {  	[timem:s3], [sflag:s2] =	dma.local @!p0 [hbm:s0], s1  }
0x67: {  	s0 =	simm.s32 @!p0 $0x1  }
0x68: {  	_ =	swait.ge @!p0 [sflag:s0], s1  }
0x69: {  	s1 =	ssub.s32 @!p0 $0x0, s1;
	[sflag:s0] =	ssyncset.done @!p0 $0x0  }
0x6a: {  	[sflag:s0] =	ssyncadd.s32 @!p0 s1  }
0x6b: {  	[bflag:$0x3] =	sbarrier.arrive $0xFFFF  }
0x6c: {  	_ =	shalt  }

// kernel: kernel.7.cloned.1.call-start
scs
__scs_entry_jumppad:
0x0: {  	(pc) =	sbr.rel $0x88, $3  }
0x1: {  	(tag) =	ssettag $0x0;
	lr =	simm.s32 $0x1  }
0x2: {  	[smem:$0x3F97] =	sst lr;
	_ =	strace $0xD0000000  }
0x3: {  	_ = 	snop  }
0x4: {  	_ = 	snop  }
0x5: {  	_ = 	snop  }
0x6: {  	_ = 	snop  }
0x7: {  	_ = 	snop  }
__scs_overlays_trampoline_lowered:
0x8: {  	[smem:$0x3FA6] =	sst s0  }
0x9: {  	[smem:$0x3FA7] =	sst s1  }
0xa: {  	[smem:$0x3FA8] =	sst s2  }
0xb: {  	[smem:$0x3FA9] =	sst s3  }
0xc: {  	[smem:$0x3FAA] =	sst s4  }
0xd: {  	[smem:$0x3FAB] =	sst s5  }
0xe: {  	[smem:$0x3FAC] =	sst s6  }
0xf: {  	[smem:$0x3FAD] =	sst s7  }
0x10: {  	[smem:$0x3FAE] =	sst s8  }
0x11: {  	[smem:$0x3FAF] =	sst s9;
	s0 =	simm.s32 @!p0 $0x0  }
0x12: {  	s1 =	sld [smem:$0x3F95];
	s0 =	simm.s32 @p0 $0x1  }
0x13: {  	[smem:$0x3FB0] =	sst s0;
	s0 =	simm.s32 @!p1 $0x0  }
0x14: {  	s2 =	sld [smem:$0x3F94];
	s0 =	simm.s32 @p1 $0x1  }
0x15: {  	[smem:$0x3FB1] =	sst s0;
	s0 =	simm.s32 @!p2 $0x0  }
0x16: {  	s3 =	sld [smem:$0x3FDB];
	s0 =	simm.s32 @p2 $0x1  }
0x17: {  	s4 =	simm.s32 $0x1BF5;
	[smem:$0x3FB3] =	sst s0  }
0x18: {  	s0 =	sld [smem:$0x3F96];
	_ =	swait.ge [sflag:s4], $0x0  }
0x19: {  	s7 =	sld [smem:$0x3F97]  }
0x1a: {  	s8 =	sadd.s32 $0xFFFFE003, lr  }
0x1b: {  	s9 =	sadd.s32 $0xFFFFFEF7, lr;
	s5 =	simm.s32 $0xFFFFFFFF;
	p2 =	slt.u32 s8, $0xFFFFF086  }
0x1c: {  	p1 =	slt.u32 s9, $0xF7A;
	s5 =	simm.s32 @!p2 $0x0  }
0x1d: {  	s5 =	simm.s32 @p1 $0x1;
	p0 =	seq.s32 s7, s2  }
0x1e: {  	s7 =	smul.u32 @!p0 $0xF7A, s2;
	p2 =	seq.s32 @!p0 s5, $0x0  }
0x1f: {  	s9 =	smul.u32 $0xF7A, s1;
	s8 =	simm.s32 @!p0 $0x1BF5;
	p2 =	por !p2, p0  }
0x20: {  	[sflag:s8] =	ssyncset.s32 @!p0 $0xFFFFF086;
	s6 =	sadd.s32 @!p0 s3, s7;
	s7 =	simm.s32 @!p0 $0x108  }
0x21: {  	s3 =	sadd.s32 s3, s9;
	s6 =	sadd.s32 @!p0 $0x88, s6;
	s7 =	simm.s32 @p2 $0x1082  }
0x22: {  	[simem:s7], [sflag:s8] =	dma.local @!p0 [hbm:s6], $0xF7A  }
0x23: {  	s9 =	sor.u32 $0xD0000000, s2;
	s6 =	simm.s32 $0x108;
	_ =	swait.ge @!p0 [sflag:s8], $0x0  }
0x24: {  	s3 =	sadd.s32 $0x88, s3;
	s6 =	simm.s32 @!p1 $0x1082;
	[sflag:s4] =	ssyncset.s32 $0xFFFFF086  }
0x25: {  	[simem:s6], [sflag:s4] =	dma.local [hbm:s3], $0xF7A  }
0x26: {  	[smem:$0x3F97] =	sst s1;
	(tag) =	ssettag s2;
	_ =	strace s9  }
0x27: {  	s1 =	sld [smem:$0x3FA7]  }
0x28: {  	s2 =	sld [smem:$0x3FA8]  }
0x29: {  	s4 =	sld [smem:$0x3FAA]  }
0x2a: {  	p0 =	seq.s32 s5, $0x0;
	s5 =	sld [smem:$0x3FAB]  }
0x2b: {  	s6 =	sld [smem:$0x3FAC]  }
0x2c: {  	s7 =	sld [smem:$0x3FAD]  }
0x2d: {  	s3 =	simm.s32 $0x108;
	s8 =	sld [smem:$0x3FAE]  }
0x2e: {  	s3 =	simm.s32 @!p0 $0x1082;
	s9 =	sld [smem:$0x3FAF]  }
0x2f: {  	lr =	sadd.s32 s0, s3;
	s0 =	sld [smem:$0x3FA6]  }
0x30: {  	s3 =	sld [smem:$0x3FA9]  }
0x31: {  	[smem:$0x3FB2] =	sst s10  }
0x32: {  	s10 =	sld [smem:$0x3FB0];
	_ =	sdelay $0x3  }
0x33: {  	p0 =	seq.s32 s10, $0x1;
	s10 =	sld [smem:$0x3FB2];
	_ =	sdelay $0x3  }
0x34: {  	[smem:$0x3FB2] =	sst s10  }
0x35: {  	s10 =	sld [smem:$0x3FB1];
	_ =	sdelay $0x3  }
0x36: {  	p1 =	seq.s32 s10, $0x1;
	s10 =	sld [smem:$0x3FB2];
	_ =	sdelay $0x3  }
0x37: {  	[smem:$0x3FB2] =	sst s10  }
0x38: {  	s10 =	sld [smem:$0x3FB3]  }
0x39: {  	_ = 	snop;
	(pc) =	sbr.ind lr, $3  }
0x3a: {  	_ = 	snop  }
0x3b: {  	_ = 	snop  }
0x3c: {  	p2 =	seq.s32 s10, $0x1;
	s10 =	sld [smem:$0x3FB2]  }
0x3d: {  	_ =	shalt  }
0x3e: {  	_ =	shalt  }
0x3f: {  	_ =	shalt  }
0x40: {  	_ =	shalt  }
0x41: {  	_ =	shalt  }
0x42: {  	_ =	shalt  }
0x43: {  	_ =	shalt  }
0x44: {  	_ =	shalt  }
0x45: {  	_ =	shalt  }
0x46: {  	_ =	shalt  }
0x47: {  	_ =	shalt  }
0x48: {  	_ =	shalt  }
0x49: {  	_ =	shalt  }
0x4a: {  	_ =	shalt  }
0x4b: {  	_ =	shalt  }
0x4c: {  	_ =	shalt  }
0x4d: {  	_ =	shalt  }
0x4e: {  	_ =	shalt  }
0x4f: {  	_ =	shalt  }
0x50: {  	_ =	shalt  }
0x51: {  	_ =	shalt  }
0x52: {  	_ =	shalt  }
0x53: {  	_ =	shalt  }
0x54: {  	_ =	shalt  }
0x55: {  	_ =	shalt  }
0x56: {  	_ =	shalt  }
0x57: {  	_ =	shalt  }
0x58: {  	_ =	shalt  }
0x59: {  	_ =	shalt  }
0x5a: {  	_ =	shalt  }
0x5b: {  	_ =	shalt  }
0x5c: {  	_ =	shalt  }
0x5d: {  	_ =	shalt  }
0x5e: {  	_ =	shalt  }
0x5f: {  	_ =	shalt  }
0x60: {  	_ =	shalt  }
0x61: {  	_ =	shalt  }
0x62: {  	_ =	shalt  }
0x63: {  	_ =	shalt  }
0x64: {  	_ =	shalt  }
0x65: {  	_ =	shalt  }
0x66: {  	_ =	shalt  }
0x67: {  	_ =	shalt  }
0x68: {  	_ =	shalt  }
0x69: {  	_ =	shalt  }
0x6a: {  	_ =	shalt  }
0x6b: {  	_ =	shalt  }
0x6c: {  	_ =	shalt  }
0x6d: {  	_ =	shalt  }
0x6e: {  	_ =	shalt  }
0x6f: {  	_ =	shalt  }
0x70: {  	_ =	shalt  }
0x71: {  	_ =	shalt  }
0x72: {  	_ =	shalt  }
0x73: {  	_ =	shalt  }
0x74: {  	_ =	shalt  }
0x75: {  	_ =	shalt  }
0x76: {  	_ =	shalt  }
0x77: {  	_ =	shalt  }
0x78: {  	_ =	shalt  }
0x79: {  	_ =	shalt  }
0x7a: {  	_ =	shalt  }
0x7b: {  	_ =	shalt  }
0x7c: {  	_ =	shalt  }
0x7d: {  	_ =	shalt  }
0x7e: {  	_ =	shalt  }
0x7f: {  	_ =	shalt  }
0x80: {  	_ =	shalt  }
0x81: {  	_ =	shalt  }
0x82: {  	_ =	shalt  }
0x83: {  	_ =	shalt  }
0x84: {  	_ =	shalt  }
0x85: {  	_ =	shalt  }
0x86: {  	_ =	shalt  }
0x87: {  	_ =	shalt  }
.Lfunc_end0:
.L_simem_size_0:
called_computation_lowered:
.L_overlay_start_0:
0x88: {  	s2 =	sld [smem:$0x3FD9]  }
0x89: {  	s3 =	sld [smem:$0x3FFE];
	_ =	sdelay $0x1  }
0x8a: {  	s1 =	srdreg.scid  }
0x8b: {  	s0 =	sand.u32 $0x1, s1  }
0x8c: {  	s16 =	sshll.u32 s0, $0xA;
	s2 =	sadd.s32 s3, s2  }
0x8d: {  	s2 =	sadd.s32 s2, s16  }
0x8e: {  	[smem:$0x3FBE] =	sst s2  }
0x8f: {  	_ = 	snop  }
0x90: {  	(tm) =	ssettm $0x1  }
0x91: {  	s17 =	sld [smem:$0x3FFB];
	_ =	sdelay $0x3  }
0x92: {  	_ =	strace s17  }
0x93: {  	s2 =	sld [smem:$0x3FFC];
	_ =	sdelay $0x3  }
0x94: {  	_ =	strace s2  }
0x95: {  	s2 =	sld [smem:$0x3FFD];
	_ =	sdelay $0x3  }
0x96: {  	_ =	strace s2  }
0x97: {  	_ =	strace $0x8FFFFFFF  }
0x98: {  	s18 =	sld [smem:$0x3FDB];
	_ =	sdelay $0x1  }
0x99: {  	s19 =	simm.s32 $_scs_section_size  }
0x9a: {  	s4 =	simm.s32 $_size__tile_overlayer_lowered;
	s5 =	simm.s32 $_tile_overlayer_lowered  }
0x9b: {  	s22 =	simm.s32 $0x1BFF;
	s21 =	sshll.u32 s5, $0x1;
	s2 =	sadd.s32 s19, s18  }
0x9c: {  	s6 =	simm.s32 $0x0;
	s20 =	sshll.u32 s4, $0x1;
	s4 =	sadd.s32 s21, s2  }
0x9d: {  	[timem:s6], [sflag:s22] =	dma.local [hbm:s4], s20  }
0x9e: {  	_ =	swait.ge [sflag:s22], s20  }
0x9f: {  	s3 =	ssub.s32 $0x0, s20;
	[sflag:s22] =	ssyncset.done $0x0  }
0xa0: {  	[sflag:s22] =	ssyncadd.s32 s3;
	_ =	sdelay $0x1  }
0xa1: {  	s23 =	simm.s32 $0x1B8B  }
0xa2: {  	_ =	swait.ge [sflag:s23], $0x1  }
0xa3: {  	[sflag:s23] =	ssyncset.done $0x0  }
0xa4: {  	s25 =	simm.s32 $0x1B8E;
	s24 =	sld [smem:$0x3FFE];
	[sflag:s23] =	ssyncadd.s32 $0xFFFFFFFF  }
0xa5: {  	s26 =	simm.s32 $execute0_lowered;
	[smem:$0x3FD2] =	sst s25  }
0xa6: {  	s4 =	sshll.u32 s26, $0x1;
	_ =	strace $0x80000046;
	[dreg:$0x1] =	wrdreg $0xFFFFFFFF  }
0xa7: {  	s28 =	simm.s32 $_size_execute0_lowered;
	s2 =	sadd.s32 s2, s4;
	[dreg:$0x0] =	wrdreg $0x0  }
0xa8: {  	s4 =	sshll.u32 s28, $0x1;
	[dreg:$0x2] =	wrdreg s2  }
0xa9: {  	[dreg:$0x3] =	wrdreg s4  }
0xaa: {  	[dreg:$0x4] =	wrdreg $0xC0  }
0xab: {  	_ =	task [dreg:s6], $0x5FFFF  }
0xac: {  	[dreg:$0x1] =	wrdreg $0xFFFFFFFF  }
0xad: {  	[dreg:$0x0] =	wrdreg $0x60  }
0xae: {  	[dreg:$0x2] =	wrdreg s24  }
0xaf: {  	[dreg:$0x3] =	wrdreg $0x101000  }
0xb0: {  	[dreg:$0x4] =	wrdreg $0x1A1000  }
0xb1: {  	[dreg:$0x5] =	wrdreg $0x9  }
0xb2: {  	_ =	task.clear_ibuf [dreg:s6], $0x6FFFF;
	_ =	strace $0x90000046  }
0xb3: {  	s29 =	simm.s32 $0x9;
	_ =	strace $0x80000048  }
0xb4: {  	_ =	swait.ge [sflag:s29], $0x1  }
0xb5: {  	[sflag:s29] =	ssyncadd.s32 $0xFFFFFFFF  }
0xb6: {  	_ =	strace $0x90000048  }
0xb7: {  	_ =	sfence  }
0xb8: {  	s30 =	sld [smem:$0x0];
	_ =	sdelay $0x2  }
0xb9: {  	s31 =	sshll.u32 s1, $0xD;
	s1 =	sshrl.u32 s1, $0x2  }
0xba: {  	s3 =	sand.u32 $0x4000, s31;
	s1 =	sadd.s32 s1, s30  }
0xbb: {  	s0 =	sor.u32 s3, s0;
	s1 =	sshll.u32 s1, $0x11  }
0xbc: {  	s0 =	sor.u32 s1, s0  }
0xbd: {  	s0 =	sadd.s32 $0x8F2B, s0  }
0xbe: {  	[sflag:s0] =	ssyncadd.remote.s32 $0x1  }
0xbf: {  	_ =	sfence.sel $0xFFFF  }
0xc0: {  	[dreg:$0x0] =	wrdreg $0xFFFFFFFF;
	(pc) =	sbr.abs _section_cstart, $3  }
0xc1: {  	[dreg:$0x1] =	wrdreg $0xFFFFFFFF  }
0xc2: {  	_ =	task.clear_ibuf [dreg:s6], $0x2FFFF;
	_ =	strace $0x9FFFFFFF  }
0xc3: {  	(tm) =	ssettm $0x7FFFFFFF  }
tec
execute0_lowered:
.L_overlay_start_1:
0x0: {  	(tag) =	ssettag $0x1  }
0x1: {  	s0 =	rddreg [dreg:$0x0]  }
0x2: {  	s1 =	rddreg [dreg:$0x1]  }
0x3: {  	s2 =	rddreg [dreg:$0x2]  }
0x4: {  	s4 =	simm.s32 $0x0;
	s20 =	stileid.u32;
	s10 =	srdreg.scid  }
0x5: {  	s28 =	simm.s32 $0x80;
	s29 =	simm.s32 $0x8080;
	[smem:$0x7FF] =	sst s4  }
0x6: {  	s5 =	sadd.s32 $0xA3600, s0;
	s6 =	sadd.s32 $0x9E600, s0;
	s3 =	smul.u32 $0x2800, s20  }
0x7: {  	s7 =	sadd.s32 $0x2200, s0;
	s8 =	sadd.s32 $0xB7600, s0;
	s18 =	sadd.s32 $0xB8A00, s0  }
0x8: {  	s11 =	sand.u32 $0x1, s10;
	s12 =	smul.u32 $0x280, s20;
	s10 =	sadd.s32 $0xB9000, s0  }
0x9: {  	s19 =	smul.u32 $0x28000, s20;
	_ =	strace $0x80000047;
	[dreg:$0x4] =	wrdreg s8  }
0xa: {  	[dreg:$0x5] =	wrdreg s18;
	s8 =	sadd.s32 $0x159000, s0;
	s17 =	sshll.u32 s11, $0x2  }
0xb: {  	s13 =	ssub.s32 $0x2, s11;
	s14 =	smul.u32 $0xA000, s11;
	s24 =	sshllo.u32 s11, $0x2  }
0xc: {  	s26 =	smul.u32 $0x28000, s11;
	p0 =	sne.s32 s11, $0x0;
	s11 =	simm.s32 $0x1  }
0xd: {  	s9 =	sshrl.u32 s3, $0x3;
	s18 =	sor.u32 $0x1, s17;
	s15 =	sshrl.u32 s13, $0x1  }
0xe: {  	s22 =	sor.u32 $0x2, s17;
	s21 =	smul.u32 $0x2800, s24;
	v0 =	vmov s17;
	s17 =	simm.s32 $0xD  }
0xf: {  	v3 =	vmov s24;
	s24 =	simm.s32 $0x7800;
	s9 =	sadd.s32 s9, s0;
	s16 =	smul.u32 $0x2800, s18  }
0x10: {  	s0 =	sshrl.u32 s19, $0x2;
	s19 =	smul.u32 $0x2800, s22;
	s13 =	ssub.s32 s13, s15  }
0x11: {  	s14 =	sadd.s32 s12, s14;
	s15 =	simm.s32 $0x4;
	s0 =	sadd.s32 s0, s1  }
0x12: {  	s14 =	sshll.u32 s14, $0x3;
	[dreg:$0x6] =	wrdreg s0;
	s23 =	sadd.s32 s12, s16  }
0x13: {  	s25 =	sadd.s32 s12, s19;
	s0 =	sadd.s32 s12, s21;
	s14 =	sadd.s32 s8, s14  }
0x14: {  	s19 =	sshll.u32 s20, $0x6;
	s21 =	sadd.s32 $0xB2600, s9;
	s12 =	simm.s32 $0x7  }
0x15: {  	[dreg:$0x7] =	wrdreg s14;
	s30 =	sshll.u32 s23, $0x3;
	s31 =	sshll.u32 s25, $0x3  }
0x16: {  	s0 =	sshll.u32 s0, $0x3;
	[dreg:$0xd] =	wrdreg s21;
	s23 =	sadd.s32 $0xAD600, s9  }
0x17: {  	s25 =	sor.u32 $0x1C0D, s19;
	s21 =	simm.s32 $0xE100;
	[dreg:$0xe] =	wrdreg s23  }
0x18: {  	s14 =	sadd.s32 s8, s30;
	s16 =	sadd.s32 s8, s31;
	[dreg:$0xb] =	wrdreg s25  }
0x19: {  	s0 =	sadd.s32 s8, s0;
	s30 =	smax.u32 s13, $0x1;
	[dreg:$0x8] =	wrdreg s14  }
0x1a: {  	s13 =	simm.s32 $0xC100;
	s23 =	simm.s32 $0xA;
	[dreg:$0x9] =	wrdreg s16  }
0x1b: {  	s8 =	simm.s32 $0x0;
	[dreg:$0xa] =	wrdreg s0;
	s16 =	sadd.s32 s3, s26  }
.Ltmp0:
0x1c: {  	s3 =	sadd.s32 s3, s2;
	s26 =	sadd.s32 $0x1F9000, s9;
	(pc) =	sbr.rel .LBB2_1-.Ltmp0, $4  }
0x1d: {  	[dreg:$0x10] =	wrdreg s30;
	s0 =	simm.s32 $0x8100;
	s20 =	sshll.u32 s16, $0x1  }
0x1e: {  	s9 =	simm.s32 $0xA100;
	[dreg:$0xc] =	wrdreg s3;
	s19 =	sadd.s32 s10, s20  }
0x1f: {  	s14 =	simm.s32 $0x2;
	[dreg:$0xf] =	wrdreg s26;
	s31 =	sadd.s32 $0x100, s19  }
0x20: {  	v1 =	vmov s18;
	v2 =	vmov s22;
	s26 =	simm.s32 $0x3;
	s20 =	simm.s32 $0x8;
	[dreg:$0x11] =	wrdreg s31  }
.LBB2_45:
0x21: {  	s3 =	simm.s32 $0x9  }
0x22: {  	_ =	swait.ge [sflag:s3], $0x2000  }
0x23: {  	[sflag:s3] =	ssyncset.done $0x0  }
0x24: {  	[sflag:s3] =	ssyncadd.s32 $0xFFFFE000  }
0x25: {  	_ =	swait.ge [sflag:s23], $0x2000  }
0x26: {  	[sflag:s23] =	ssyncset.done $0x0  }
0x27: {  	[sflag:s23] =	ssyncadd.s32 $0xFFFFE000  }
0x28: {  	[bflag:$0x0] =	sbarrier.arrive $0xFFFF  }
0x29: {  	s22 =	rddreg [dreg:$0xa]  }
0x2a: {  	s25 =	rddreg [dreg:$0xb]  }
0x2b: {  	s17 =	simm.s32 $0xD;
	s8 =	rddreg [dreg:$0x13]  }
0x2c: {  	[hbm:s22], [sflag:s25] =	dma.local [spmem:s8], $0x1400  }
0x2d: {  	_ =	swait.ge [sflag:s17], $0x1400  }
0x2e: {  	s30 =	rddreg [dreg:$0x12]  }
0x2f: {  	s31 =	rddreg [dreg:$0x10];
	s8 =	sadd.s32 $0x1, s30  }
0x30: {  	p1 =	sne.s32 s8, s31  }
.Ltmp1:
0x31: {  	_ = 	snop;
	(pc) =	sbr.rel @!p1 .LBB2_46-.Ltmp1, $3  }
0x32: {  	_ =	sdelay $0x1  }
0x33: {  	[sflag:s17] =	ssyncset.done $0x0  }
0x34: {  	[sflag:s17] =	ssyncadd.s32 $0xFFFFEC00  }
.LBB2_1:
0x35: {  	[dreg:$0x12] =	wrdreg s8  }
0x36: {  	s3 =	rddreg [dreg:$0x6]  }
0x37: {  	s31 =	rddreg [dreg:$0x4];
	s30 =	sshrl.u32 s3, $0x3  }
0x38: {  	[dreg:$0x13] =	wrdreg s30  }
0x39: {  	[spmem:s30], [sflag:s25] =	dma.local [hbm:s31], $0x1400  }
0x3a: {  	_ =	swait.ge [sflag:s17], $0x1400  }
0x3b: {  	[sflag:s17] =	ssyncset.done $0x0;
	s18 =	rddreg [dreg:$0xc]  }
0x3c: {  	s22 =	rddreg [dreg:$0x5];
	[sflag:s17] =	ssyncadd.s32 $0xFFFFEC00;
	s3 =	sshrl.u32 s18, $0x3  }
0x3d: {  	[spmem:s3], [sflag:s25] =	dma.local [hbm:s22], $0x500  }
0x3e: {  	_ =	swait.ge [sflag:s17], $0x500  }
0x3f: {  	[sflag:s17] =	ssyncset.done $0x0  }
0x40: {  	s25 =	rddreg [dreg:$0xd];
	[sflag:s17] =	ssyncadd.s32 $0xFFFFFB00  }
0x41: {  	[tilespmem:s4], [sflag:$0xD] =	stream.linear.gather [hbm4b:s25+s4], $0x2800, $0x38;
	[tilespmem:$0x1C900] =	vst v63  }
0x42: {  	_ =	swait.ge [sflag:s17], $0x2800  }
0x43: {  	[sflag:s17] =	ssyncset.done $0x0  }
0x44: {  	s31 =	simm.s32 $0x2800;
	s30 =	rddreg [dreg:$0xe];
	[sflag:s17] =	ssyncadd.s32 $0xFFFFD800  }
0x45: {  	[tilespmem:s31], [sflag:$0xD] =	stream.linear.gather [hbm4b:s30+s4], $0x2800, $0x38;
	[tilespmem:$0x1C900] =	vst v63  }
0x46: {  	_ =	swait.ge [sflag:s17], $0x2800  }
0x47: {  	[sflag:s17] =	ssyncset.done $0x0  }
0x48: {  	[sflag:s17] =	ssyncadd.s32 $0xFFFFD800  }
0x49: {  	s17 =	simm.s32 $0x5000;
	[bflag:$0x0] =	sbarrier.arrive $0xFFFF  }
0x4a: {  	[tilespmem:s17], [sflag:$0x1] =	stream.indirect.gather [hbm4b:s5+s28], $0x10, s4, s28, $0xb8;
	[tilespmem:$0x1C900] =	vst v63  }
0x4b: {  	s18 =	simm.s32 $0x6000  }
0x4c: {  	[tilespmem:s18], [sflag:$0x3] =	stream.indirect.gather [hbm4b:s6+s28], $0x10, s31, s28, $0xb8;
	[tilespmem:$0x1C900] =	vst v63  }
0x4d: {  	v4 =	vld [tilespmem:$0x0]  }
0x4e: {  	v5 =	vld [tilespmem:$0x10]  }
0x4f: {  	v6 =	vld [tilespmem:$0x20]  }
0x50: {  	v7 =	vld [tilespmem:$0x30]  }
0x51: {  	v8 =	vld [tilespmem:$0x40]  }
0x52: {  	v9 =	vld [tilespmem:$0x50];
	v4 =	vshll.u32 v4, $0x3  }
0x53: {  	v10 =	vld [tilespmem:$0x60];
	v5 =	vshll.u32 v5, $0x3;
	v4 =	vor.u32 v0, v4  }
0x54: {  	v57 =	vld [tilespmem:$0x70];
	[tilespmem:$0x8000] =	vst v4;
	v4 =	vor.u32 v0, v5;
	v5 =	vshll.u32 v6, $0x3  }
0x55: {  	[tilespmem:$0x8010] =	vst v4;
	v4 =	vor.u32 v0, v5;
	v5 =	vshll.u32 v7, $0x3  }
0x56: {  	[tilespmem:$0x8020] =	vst v4;
	v4 =	vor.u32 v0, v5;
	v5 =	vshll.u32 v8, $0x3  }
0x57: {  	[tilespmem:$0x8030] =	vst v4;
	v4 =	vor.u32 v0, v5;
	v5 =	vshll.u32 v9, $0x3  }
0x58: {  	[tilespmem:$0x8040] =	vst v4;
	v4 =	vor.u32 v0, v5;
	v5 =	vshll.u32 v10, $0x3  }
0x59: {  	[tilespmem:$0x8050] =	vst v4;
	v4 =	vor.u32 v0, v5;
	v5 =	vshll.u32 v57, $0x3  }
0x5a: {  	[tilespmem:$0x8060] =	vst v4;
	v4 =	vor.u32 v0, v5  }
0x5b: {  	s22 =	simm.s32 $0x8000;
	[tilespmem:$0x8070] =	vst v4  }
0x5c: {  	[tilespmem:s0], [sflag:$0x7] =	stream.indirect.gather [hbm4b:s7+s28], $0x40, s22, s28, $0xb8;
	[tilespmem:$0x1C900] =	vst v63  }
0x5d: {  	s25 =	simm.s32 $0x5800  }
0x5e: {  	[tilespmem:s25], [sflag:$0x2] =	stream.indirect.gather [hbm4b:s5+s28], $0x10, s28, s28, $0xb8;
	[tilespmem:$0x1C900] =	vst v63  }
0x5f: {  	s30 =	simm.s32 $0x2880;
	s31 =	simm.s32 $0x6800  }
0x60: {  	[tilespmem:s31], [sflag:$0x4] =	stream.indirect.gather [hbm4b:s6+s28], $0x10, s30, s28, $0xb8;
	[tilespmem:$0x1C900] =	vst v63  }
0x61: {  	v4 =	vld [tilespmem:$0x80]  }
0x62: {  	v5 =	vld [tilespmem:$0x90]  }
0x63: {  	v58 =	vld [tilespmem:$0xA0]  }
0x64: {  	v59 =	vld [tilespmem:$0xB0]  }
0x65: {  	v60 =	vld [tilespmem:$0xC0]  }
0x66: {  	v61 =	vld [tilespmem:$0xD0];
	v4 =	vshll.u32 v4, $0x3  }
0x67: {  	v62 =	vld [tilespmem:$0xE0];
	v5 =	vshll.u32 v5, $0x3;
	v4 =	vor.u32 v0, v4  }
0x68: {  	v63 =	vld [tilespmem:$0xF0];
	[tilespmem:$0x8080] =	vst v4;
	v4 =	vor.u32 v0, v5;
	v5 =	vshll.u32 v58, $0x3  }
0x69: {  	[tilespmem:$0x8090] =	vst v4;
	v4 =	vor.u32 v0, v5;
	v5 =	vshll.u32 v59, $0x3  }
0x6a: {  	[tilespmem:$0x80A0] =	vst v4;
	v4 =	vor.u32 v0, v5;
	v5 =	vshll.u32 v60, $0x3  }
0x6b: {  	[tilespmem:$0x80B0] =	vst v4;
	v4 =	vor.u32 v0, v5;
	v5 =	vshll.u32 v61, $0x3  }
0x6c: {  	[tilespmem:$0x80C0] =	vst v4;
	v4 =	vor.u32 v0, v5;
	v5 =	vshll.u32 v62, $0x3  }
0x6d: {  	[tilespmem:$0x80D0] =	vst v4;
	v4 =	vor.u32 v0, v5;
	v5 =	vshll.u32 v63, $0x3  }
0x6e: {  	[tilespmem:$0x80E0] =	vst v4;
	v4 =	vor.u32 v0, v5  }
0x6f: {  	s8 =	simm.s32 $0x0;
	[tilespmem:$0x80F0] =	vst v4  }
0x70: {  	[tilespmem:s9], [sflag:$0x8] =	stream.indirect.gather [hbm4b:s7+s28], $0x40, s29, s28, $0xb8;
	[tilespmem:$0x1C900] =	vst v63  }
.LBB2_2:
0x71: {  	_ =	swait.ge [sflag:s11], $0x800  }
0x72: {  	[sflag:s11] =	ssyncset.done $0x0  }
0x73: {  	[sflag:s11] =	ssyncadd.s32 $0xFFFFF800  }
0x74: {  	_ =	swait.ge [sflag:s26], $0x800  }
0x75: {  	p1 =	seq.s32 s8, $0x0;
	[sflag:s26] =	ssyncset.done $0x0  }
0x76: {  	s3 =	simm.s32 @!p1 $0x5;
	[sflag:s26] =	ssyncadd.s32 $0xFFFFF800  }
0x77: {  	_ =	swait.ge @!p1 [sflag:s3], $0x800  }
0x78: {  	[sflag:s3] =	ssyncset.done @!p1 $0x0  }
0x79: {  	[sflag:s3] =	ssyncadd.s32 @!p1 $0xFFFFF800;
	s3 =	simm.s32 @!p1 $0xB  }
0x7a: {  	_ =	swait.ge @!p1 [sflag:s3], $0x800  }
0x7b: {  	[sflag:s3] =	ssyncset.done @!p1 $0x0  }
0x7c: {  	[sflag:s3] =	ssyncadd.s32 @!p1 $0xFFFFF800;
	s3 =	simm.s32 @!p1 $0x9  }
0x7d: {  	_ =	swait.ge @!p1 [sflag:s3], $0x2000  }
0x7e: {  	[sflag:s3] =	ssyncset.done @!p1 $0x0  }
0x7f: {  	s17 =	simm.s32 $0x0;
	[sflag:s3] =	ssyncadd.s32 @!p1 $0xFFFFE000  }
0x80: {  	v4 =	vld [tilespmem:s17+$0x5000]  }
0x81: {  	v5 =	vld [tilespmem:s17+$0x6000];
	_ =	sdelay $0x4  }
0x82: {  	v4 =	vadd.f32 v5, v4;
	_ =	sdelay $0x1  }
0x83: {  	s3 =	simm.s32 $0x10;
	v5 =	vmul.f32 $2.000000030e-01, v4  }
0x84: {  	v6 =	vld [tilespmem:s3+$0x5000]  }
0x85: {  	v7 =	vld [tilespmem:s3+$0x6000];
	v4 =	vmax.f32 v4, v5  }
0x86: {  	s25 =	simm.s32 $0x20;
	v4 =	vmul.f32 $1.442695020e+00, v4  }
0x87: {  	v5 =	vld [tilespmem:s25+$0x5000]  }
0x88: {  	(erf) = vpow2.f32 v4;
	v4 =	vld [tilespmem:s25+$0x6000];
	_ =	sdelay $0x1  }
0x89: {  	v6 =	vadd.f32 v7, v6;
	_ =	sdelay $0x1  }
0x8a: {  	v7 =	vmul.f32 $2.000000030e-01, v6  }
0x8b: {  	v8 =	vadd.f32 v4, v5  }
0x8c: {  	v4 =	vmax.f32 v6, v7  }
0x8d: {  	s30 =	simm.s32 $0x30;
	v5 =	vmul.f32 $1.442695020e+00, v4;
	v6 =	vmul.f32 $2.000000030e-01, v8  }
0x8e: {  	v4 =	vld [tilespmem:s30+$0x5000]  }
0x8f: {  	(erf) = vpow2.f32 v5;
	v5 =	vld [tilespmem:s30+$0x6000];
	_ =	sdelay $0x1  }
0x90: {  	s22 =	sshll.u32 s8, $0x8;
	s18 =	simm.s32 $0x100;
	v7 =	vmax.f32 v8, v6;
	v6 =	vpop (erf)  }
.LBB2_3:
0x91: {  	s31 =	sshra.s32 s18, $0x2  }
0x92: {  	v7 =	vmul.f32 $1.442695020e+00, v7;
	[tilespmem:s17+$0x7000] =	vst v6;
	s17 =	smov.u32 s3;
	s3 =	smov.u32 s25;
	p2 =	sne.s32 s18, $0x1FC0  }
.Ltmp2:
0x93: {  	s18 =	sadd.s32 $0x40, s18;
	v6 =	vadd.f32 v5, v4;
	v4 =	vld [tilespmem:s31+$0x5000];
	(pc) =	sbr.rel @p2 .LBB2_3-.Ltmp2, $3  }
0x94: {  	s25 =	smov.u32 s30;
	s30 =	smov.u32 s31;
	v5 =	vld [tilespmem:s31+$0x6000];
	(erf) = vpow2.f32 v7  }
0x95: {  	v7 =	vmul.f32 $2.000000030e-01, v6;
	_ =	sdelay $0x1  }
0x96: {  	v7 =	vmax.f32 v6, v7;
	v6 =	vpop (erf)  }
0x97: {  	_ = 	snop  }
0x98: {  	v4 =	vadd.f32 v5, v4;
	_ =	sdelay $0x1  }
0x99: {  	v5 =	vmul.f32 $2.000000030e-01, v4;
	_ =	sdelay $0x1  }
0x9a: {  	v7 =	vmul.f32 $1.442695020e+00, v7;
	v4 =	vmax.f32 v4, v5  }
0x9b: {  	v4 =	vmul.f32 $1.442695020e+00, v4  }
0x9c: {  	(erf) = vpow2.f32 v7  }
0x9d: {  	(erf) = vpow2.f32 v4;
	_ =	sdelay $0x6  }
0x9e: {  	[tilespmem:s17+$0x7000] =	vst v6;
	v4 =	vpop (erf)  }
0x9f: {  	[tilespmem:s3+$0x7000] =	vst v4;
	v4 =	vpop (erf)  }
0xa0: {  	[tilespmem:s25+$0x7000] =	vst v4;
	s25 =	sand.u32 $0x3FFFFF00, s22;
	v4 =	vpop (erf)  }
0xa1: {  	s31 =	sshll.u32 s8, $0x9;
	s17 =	sadd.s32 $0x2800, s25;
	s25 =	simm.s32 $0x7000;
	[tilespmem:s30+$0x7000] =	vst v4  }
0xa2: {  	[spmem:s2] =	stream.indirect.scatter.add.f32 [tilespmem:s25], [sflag:$0x5], $0x10, s17, s28, $0xb8;
	[tilespmem:$0x1C900] =	vst v63  }
0xa3: {  	s18 =	simm.s32 $0x0;
	s3 =	sadd.s32 s31, s19  }
0xa4: {  	[hbm4b:s3+s18] =	stream.linear.scatter [tilespmem:s25], [sflag:$0xB], $0x800, $0x38;
	[tilespmem:$0x1C900] =	vst v63  }
0xa5: {  	_ =	swait.ge [sflag:s12], $0x2000  }
0xa6: {  	[sflag:s12] =	ssyncset.done $0x0  }
0xa7: {  	s3 =	simm.s32 $0x0;
	[sflag:s12] =	ssyncadd.s32 $0xFFFFE000  }
0xa8: {  	v4 =	vld [tilespmem:s3+$0x8100]  }
0xa9: {  	s30 =	simm.s32 $0x100;
	v5 =	vld [tilespmem:s25+$0x0]  }
.LBB2_5:
0xaa: {  	p2 =	sne.s32 s30, $0x7F00;
	v6 =	vld [tilespmem:s3+$0x8110]  }
0xab: {  	v7 =	vld [tilespmem:s3+$0x8120]  }
0xac: {  	v8 =	vld [tilespmem:s3+$0x8130];
	_ =	sdelay $0x1  }
0xad: {  	v5 =	vperm.xlane v5, v0;
	_ =	sdelay $0x1  }
0xae: {  	v4 =	vmul.f32 v4, v5;
	v6 =	vmul.f32 v6, v5  }
0xaf: {  	v7 =	vmul.f32 v7, v5;
	v5 =	vmul.f32 v8, v5  }
.Ltmp3:
0xb0: {  	[tilespmem:s3+$0xC100] =	vst v4;
	(pc) =	sbr.rel @p2 .LBB2_5-.Ltmp3, $4  }
0xb1: {  	[tilespmem:s3+$0xC110] =	vst v6  }
0xb2: {  	s18 =	sshra.s32 s30, $0x2;
	[tilespmem:s3+$0xC120] =	vst v7  }
0xb3: {  	s25 =	sadd.s32 $0x10, s25;
	v4 =	vld [tilespmem:s18+$0x8100];
	[tilespmem:s3+$0xC130] =	vst v5;
	s3 =	smov.u32 s18  }
0xb4: {  	s30 =	sadd.s32 $0x100, s30;
	v5 =	vld [tilespmem:s25+$0x0]  }
0xb5: {  	_ =	sdelay $0x1  }
0xb6: {  	v6 =	vld [tilespmem:s3+$0x8110]  }
0xb7: {  	v7 =	vld [tilespmem:s3+$0x8120]  }
0xb8: {  	v8 =	vld [tilespmem:s3+$0x8130];
	v5 =	vperm.xlane v5, v0;
	_ =	sdelay $0x1  }
0xb9: {  	v4 =	vmul.f32 v4, v5  }
0xba: {  	v6 =	vmul.f32 v6, v5  }
0xbb: {  	v7 =	vmul.f32 v7, v5;
	[tilespmem:s3+$0xC100] =	vst v4  }
0xbc: {  	v4 =	vmul.f32 v8, v5;
	[tilespmem:s3+$0xC110] =	vst v6  }
0xbd: {  	[tilespmem:s3+$0xC120] =	vst v7  }
0xbe: {  	p2 =	seq.s32 s8, $0x27;
	[tilespmem:s3+$0xC130] =	vst v4  }
0xbf: {  	[spmem:s1] =	stream.indirect.scatter.add.f32 [tilespmem:s13], [sflag:$0x9], $0x40, s17, s28, $0xb8;
	[tilespmem:$0x1C900] =	vst v63  }
0xc0: {  	s18 =	simm.s32 @!p2 $0x5000;
	s3 =	sadd.s32 @!p2 $0x100, s22;
	s17 =	simm.s32 @!p2 $0x80  }
0xc1: {  	[tilespmem:s18], [sflag:$0x1] =	stream.indirect.gather @!p2 [hbm4b:s5+s17], $0x10, s3, s17, $0xb8;
	[tilespmem:$0x1C900] =	vst v63  }
0xc2: {  	s3 =	sadd.s32 @!p2 $0x2900, s22;
	s18 =	simm.s32 @!p2 $0x6000  }
0xc3: {  	[tilespmem:s18], [sflag:$0x3] =	stream.indirect.gather @!p2 [hbm4b:s6+s17], $0x10, s3, s17, $0xb8;
	[tilespmem:$0x1C900] =	vst v63  }
0xc4: {  	v4 =	vld @!p2 [tilespmem:s22+$0x100];
	_ =	sdelay $0x4  }
0xc5: {  	v4 =	vshll.u32 @!p2 v4, $0x3  }
0xc6: {  	v4 =	vor.u32 @!p2 v0, v4  }
0xc7: {  	[tilespmem:$0x8000] =	vst @!p2 v4  }
0xc8: {  	v4 =	vld @!p2 [tilespmem:s22+$0x110];
	_ =	sdelay $0x4  }
0xc9: {  	v4 =	vshll.u32 @!p2 v4, $0x3  }
0xca: {  	v4 =	vor.u32 @!p2 v0, v4  }
0xcb: {  	[tilespmem:$0x8010] =	vst @!p2 v4  }
0xcc: {  	v4 =	vld @!p2 [tilespmem:s22+$0x120];
	_ =	sdelay $0x4  }
0xcd: {  	v4 =	vshll.u32 @!p2 v4, $0x3  }
0xce: {  	v4 =	vor.u32 @!p2 v0, v4  }
0xcf: {  	[tilespmem:$0x8020] =	vst @!p2 v4  }
0xd0: {  	v4 =	vld @!p2 [tilespmem:s22+$0x130];
	_ =	sdelay $0x4  }
0xd1: {  	v4 =	vshll.u32 @!p2 v4, $0x3  }
0xd2: {  	v4 =	vor.u32 @!p2 v0, v4  }
0xd3: {  	[tilespmem:$0x8030] =	vst @!p2 v4  }
0xd4: {  	v4 =	vld @!p2 [tilespmem:s22+$0x140];
	_ =	sdelay $0x4  }
0xd5: {  	v4 =	vshll.u32 @!p2 v4, $0x3  }
0xd6: {  	v4 =	vor.u32 @!p2 v0, v4  }
0xd7: {  	[tilespmem:$0x8040] =	vst @!p2 v4  }
0xd8: {  	v4 =	vld @!p2 [tilespmem:s22+$0x150];
	_ =	sdelay $0x4  }
0xd9: {  	v4 =	vshll.u32 @!p2 v4, $0x3  }
0xda: {  	v4 =	vor.u32 @!p2 v0, v4  }
0xdb: {  	[tilespmem:$0x8050] =	vst @!p2 v4  }
0xdc: {  	v4 =	vld @!p2 [tilespmem:s22+$0x160];
	_ =	sdelay $0x4  }
0xdd: {  	v4 =	vshll.u32 @!p2 v4, $0x3  }
0xde: {  	v4 =	vor.u32 @!p2 v0, v4  }
0xdf: {  	[tilespmem:$0x8060] =	vst @!p2 v4  }
0xe0: {  	v4 =	vld @!p2 [tilespmem:s22+$0x170];
	_ =	sdelay $0x4  }
0xe1: {  	v4 =	vshll.u32 @!p2 v4, $0x3  }
0xe2: {  	v4 =	vor.u32 @!p2 v0, v4  }
0xe3: {  	s3 =	simm.s32 @!p2 $0x8000;
	s18 =	simm.s32 @!p2 $0x8100;
	[tilespmem:$0x8070] =	vst @!p2 v4  }
0xe4: {  	[tilespmem:s18], [sflag:$0x7] =	stream.indirect.gather @!p2 [hbm4b:s7+s17], $0x40, s3, s17, $0xb8;
	[tilespmem:$0x1C900] =	vst v63  }
0xe5: {  	_ =	swait.ge [sflag:s14], $0x800  }
0xe6: {  	[sflag:s14] =	ssyncset.done $0x0  }
0xe7: {  	[sflag:s14] =	ssyncadd.s32 $0xFFFFF800  }
0xe8: {  	_ =	swait.ge [sflag:s15], $0x800  }
0xe9: {  	[sflag:s15] =	ssyncset.done $0x0  }
0xea: {  	s3 =	simm.s32 @!p1 $0x6;
	[sflag:s15] =	ssyncadd.s32 $0xFFFFF800  }
0xeb: {  	_ =	swait.ge @!p1 [sflag:s3], $0x800  }
0xec: {  	[sflag:s3] =	ssyncset.done @!p1 $0x0  }
0xed: {  	[sflag:s3] =	ssyncadd.s32 @!p1 $0xFFFFF800;
	s3 =	simm.s32 @!p1 $0xC  }
0xee: {  	_ =	swait.ge @!p1 [sflag:s3], $0x800  }
0xef: {  	[sflag:s3] =	ssyncset.done @!p1 $0x0  }
0xf0: {  	[sflag:s3] =	ssyncadd.s32 @!p1 $0xFFFFF800;
	s3 =	simm.s32 @!p1 $0xA  }
0xf1: {  	_ =	swait.ge @!p1 [sflag:s3], $0x2000  }
0xf2: {  	[sflag:s3] =	ssyncset.done @!p1 $0x0  }
0xf3: {  	s17 =	simm.s32 $0x0;
	[sflag:s3] =	ssyncadd.s32 @!p1 $0xFFFFE000  }
0xf4: {  	v4 =	vld [tilespmem:s17+$0x5800]  }
0xf5: {  	v5 =	vld [tilespmem:s17+$0x6800];
	_ =	sdelay $0x4  }
0xf6: {  	s3 =	simm.s32 $0x10;
	v4 =	vadd.f32 v5, v4  }
0xf7: {  	v6 =	vld [tilespmem:s3+$0x5800]  }
0xf8: {  	v7 =	vld [tilespmem:s3+$0x6800];
	v5 =	vmul.f32 $2.000000030e-01, v4;
	_ =	sdelay $0x1  }
0xf9: {  	v4 =	vmax.f32 v4, v5  }
0xfa: {  	s30 =	simm.s32 $0x20;
	v4 =	vmul.f32 $1.442695020e+00, v4  }
0xfb: {  	v8 =	vld [tilespmem:s30+$0x6800]  }
0xfc: {  	v5 =	vld [tilespmem:s30+$0x5800];
	(erf) = vpow2.f32 v4;
	v4 =	vadd.f32 v7, v6;
	_ =	sdelay $0x1  }
0xfd: {  	v6 =	vmul.f32 $2.000000030e-01, v4;
	_ =	sdelay $0x1  }
0xfe: {  	v4 =	vmax.f32 v4, v6  }
0xff: {  	s25 =	simm.s32 $0x30;
	v7 =	vadd.f32 v8, v5;
	v6 =	vmul.f32 $1.442695020e+00, v4  }
0x100: {  	v5 =	vld [tilespmem:s25+$0x6800]  }
0x101: {  	v8 =	vmul.f32 $2.000000030e-01, v7;
	v4 =	vld [tilespmem:s25+$0x5800];
	(erf) = vpow2.f32 v6;
	_ =	sdelay $0x1  }
0x102: {  	s18 =	simm.s32 $0x100;
	v7 =	vmax.f32 v7, v8;
	v6 =	vpop (erf)  }
.LBB2_7:
0x103: {  	s31 =	sshra.s32 s18, $0x2  }
0x104: {  	v7 =	vmul.f32 $1.442695020e+00, v7;
	[tilespmem:s17+$0x7800] =	vst v6;
	s17 =	smov.u32 s3;
	s3 =	smov.u32 s30;
	p1 =	sne.s32 s18, $0x1FC0  }
.Ltmp4:
0x105: {  	s18 =	sadd.s32 $0x40, s18;
	v6 =	vadd.f32 v5, v4;
	v4 =	vld [tilespmem:s31+$0x5800];
	(pc) =	sbr.rel @p1 .LBB2_7-.Ltmp4, $3  }
0x106: {  	s30 =	smov.u32 s25;
	s25 =	smov.u32 s31;
	v5 =	vld [tilespmem:s31+$0x6800];
	(erf) = vpow2.f32 v7  }
0x107: {  	v7 =	vmul.f32 $2.000000030e-01, v6;
	_ =	sdelay $0x1  }
0x108: {  	v7 =	vmax.f32 v6, v7;
	v6 =	vpop (erf)  }
0x109: {  	_ = 	snop  }
0x10a: {  	v4 =	vadd.f32 v5, v4;
	_ =	sdelay $0x1  }
0x10b: {  	v5 =	vmul.f32 $2.000000030e-01, v4;
	_ =	sdelay $0x1  }
0x10c: {  	v7 =	vmul.f32 $1.442695020e+00, v7;
	v4 =	vmax.f32 v4, v5  }
0x10d: {  	v4 =	vmul.f32 $1.442695020e+00, v4  }
0x10e: {  	(erf) = vpow2.f32 v7  }
0x10f: {  	(erf) = vpow2.f32 v4;
	_ =	sdelay $0x6  }
0x110: {  	[tilespmem:s17+$0x7800] =	vst v6;
	v4 =	vpop (erf)  }
0x111: {  	s18 =	sadd.s32 s22, s16;
	[tilespmem:s3+$0x7800] =	vst v4;
	v4 =	vpop (erf)  }
0x112: {  	s18 =	sshll.u32 s18, $0x1;
	[tilespmem:s30+$0x7800] =	vst v4;
	v4 =	vpop (erf)  }
0x113: {  	s17 =	sadd.s32 $0x2880, s22;
	s18 =	sadd.s32 s10, s18;
	s3 =	simm.s32 $0x7800;
	[tilespmem:s25+$0x7800] =	vst v4  }
0x114: {  	[spmem:s2] =	stream.indirect.scatter.add.f32 [tilespmem:s3], [sflag:$0x6], $0x10, s17, s28, $0xb8;
	[tilespmem:$0x1C900] =	vst v63  }
0x115: {  	s31 =	simm.s32 $0x0;
	s18 =	sadd.s32 $0x100, s18  }
0x116: {  	[hbm4b:s18+s31] =	stream.linear.scatter [tilespmem:s3], [sflag:$0xC], $0x800, $0x38;
	[tilespmem:$0x1C900] =	vst v63  }
0x117: {  	_ =	swait.ge [sflag:s20], $0x2000  }
0x118: {  	[sflag:s20] =	ssyncset.done $0x0  }
0x119: {  	s30 =	simm.s32 $0x0;
	[sflag:s20] =	ssyncadd.s32 $0xFFFFE000  }
0x11a: {  	v4 =	vld [tilespmem:s30+$0xA100]  }
0x11b: {  	s25 =	simm.s32 $0x100;
	v5 =	vld [tilespmem:s3+$0x0]  }
.LBB2_9:
0x11c: {  	p1 =	sne.s32 s25, $0x7F00;
	v6 =	vld [tilespmem:s30+$0xA110]  }
0x11d: {  	v7 =	vld [tilespmem:s30+$0xA120]  }
0x11e: {  	v8 =	vld [tilespmem:s30+$0xA130];
	_ =	sdelay $0x1  }
0x11f: {  	v5 =	vperm.xlane v5, v0;
	_ =	sdelay $0x1  }
0x120: {  	v4 =	vmul.f32 v4, v5;
	v6 =	vmul.f32 v6, v5  }
0x121: {  	v7 =	vmul.f32 v7, v5;
	v5 =	vmul.f32 v8, v5  }
.Ltmp5:
0x122: {  	[tilespmem:s30+$0xE100] =	vst v4;
	(pc) =	sbr.rel @p1 .LBB2_9-.Ltmp5, $4  }
0x123: {  	[tilespmem:s30+$0xE110] =	vst v6  }
0x124: {  	s18 =	sshra.s32 s25, $0x2;
	[tilespmem:s30+$0xE120] =	vst v7  }
0x125: {  	s3 =	sadd.s32 $0x10, s3;
	v4 =	vld [tilespmem:s18+$0xA100];
	[tilespmem:s30+$0xE130] =	vst v5;
	s30 =	smov.u32 s18  }
0x126: {  	s25 =	sadd.s32 $0x100, s25;
	v5 =	vld [tilespmem:s3+$0x0]  }
0x127: {  	_ =	sdelay $0x1  }
0x128: {  	v6 =	vld [tilespmem:s30+$0xA110]  }
0x129: {  	v7 =	vld [tilespmem:s30+$0xA120]  }
0x12a: {  	v8 =	vld [tilespmem:s30+$0xA130];
	v5 =	vperm.xlane v5, v0;
	_ =	sdelay $0x1  }
0x12b: {  	v4 =	vmul.f32 v4, v5  }
0x12c: {  	v6 =	vmul.f32 v6, v5  }
.Ltmp6:
0x12d: {  	v7 =	vmul.f32 v7, v5;
	[tilespmem:s30+$0xE100] =	vst v4;
	(pc) =	sbr.rel @p2 .LBB2_12-.Ltmp6, $4  }
0x12e: {  	v4 =	vmul.f32 v8, v5;
	[tilespmem:s30+$0xE110] =	vst v6  }
0x12f: {  	[tilespmem:s30+$0xE120] =	vst v7  }
0x130: {  	[tilespmem:s30+$0xE130] =	vst v4  }
0x131: {  	[spmem:s1] =	stream.indirect.scatter.add.f32 [tilespmem:s21], [sflag:$0xA], $0x40, s17, s28, $0xb8;
	[tilespmem:$0x1C900] =	vst v63  }
0x132: {  	s3 =	sadd.s32 $0x180, s22;
	s17 =	simm.s32 $0x5800  }
0x133: {  	[tilespmem:s17], [sflag:$0x2] =	stream.indirect.gather [hbm4b:s5+s28], $0x10, s3, s28, $0xb8;
	[tilespmem:$0x1C900] =	vst v63  }
0x134: {  	s30 =	sadd.s32 $0x2980, s22;
	s31 =	simm.s32 $0x6800  }
0x135: {  	[tilespmem:s31], [sflag:$0x4] =	stream.indirect.gather [hbm4b:s6+s28], $0x10, s30, s28, $0xb8;
	[tilespmem:$0x1C900] =	vst v63  }
0x136: {  	v4 =	vld [tilespmem:s22+$0x180];
	_ =	sdelay $0x4  }
0x137: {  	v4 =	vshll.u32 v4, $0x3  }
0x138: {  	v4 =	vor.u32 v0, v4  }
0x139: {  	[tilespmem:$0x8080] =	vst v4  }
0x13a: {  	v4 =	vld [tilespmem:s22+$0x190];
	_ =	sdelay $0x4  }
0x13b: {  	v4 =	vshll.u32 v4, $0x3  }
0x13c: {  	v4 =	vor.u32 v0, v4  }
0x13d: {  	[tilespmem:$0x8090] =	vst v4  }
0x13e: {  	v4 =	vld [tilespmem:s22+$0x1A0];
	_ =	sdelay $0x4  }
0x13f: {  	v4 =	vshll.u32 v4, $0x3  }
0x140: {  	v4 =	vor.u32 v0, v4  }
0x141: {  	[tilespmem:$0x80A0] =	vst v4  }
0x142: {  	v4 =	vld [tilespmem:s22+$0x1B0];
	_ =	sdelay $0x4  }
0x143: {  	v4 =	vshll.u32 v4, $0x3  }
0x144: {  	v4 =	vor.u32 v0, v4  }
0x145: {  	[tilespmem:$0x80B0] =	vst v4  }
0x146: {  	v4 =	vld [tilespmem:s22+$0x1C0];
	_ =	sdelay $0x4  }
0x147: {  	v4 =	vshll.u32 v4, $0x3  }
0x148: {  	v4 =	vor.u32 v0, v4  }
0x149: {  	[tilespmem:$0x80C0] =	vst v4  }
0x14a: {  	v4 =	vld [tilespmem:s22+$0x1D0];
	_ =	sdelay $0x4  }
0x14b: {  	v4 =	vshll.u32 v4, $0x3  }
0x14c: {  	v4 =	vor.u32 v0, v4  }
0x14d: {  	[tilespmem:$0x80D0] =	vst v4  }
0x14e: {  	v4 =	vld [tilespmem:s22+$0x1E0];
	_ =	sdelay $0x4  }
0x14f: {  	v4 =	vshll.u32 v4, $0x3  }
0x150: {  	v4 =	vor.u32 v0, v4  }
0x151: {  	[tilespmem:$0x80E0] =	vst v4  }
0x152: {  	v4 =	vld [tilespmem:s22+$0x1F0];
	_ =	sdelay $0x3  }
.Ltmp7:
0x153: {  	_ = 	snop;
	(pc) =	sbr.rel .LBB2_2-.Ltmp7, $4  }
0x154: {  	v4 =	vshll.u32 v4, $0x3  }
0x155: {  	v4 =	vor.u32 v0, v4  }
0x156: {  	s8 =	sadd.s32 $0x1, s8;
	[tilespmem:$0x80F0] =	vst v4  }
0x157: {  	[tilespmem:s9], [sflag:$0x8] =	stream.indirect.gather [hbm4b:s7+s28], $0x40, s29, s28, $0xb8;
	[tilespmem:$0x1C900] =	vst v63  }
.LBB2_12:
0x158: {  	s3 =	simm.s32 $0x9  }
0x159: {  	_ =	swait.ge [sflag:s3], $0x2000  }
0x15a: {  	[sflag:s3] =	ssyncset.done $0x0  }
0x15b: {  	[sflag:s3] =	ssyncadd.s32 $0xFFFFE000  }
0x15c: {  	_ =	swait.ge [sflag:s23], $0x2000  }
0x15d: {  	[sflag:s23] =	ssyncset.done $0x0  }
0x15e: {  	s18 =	simm.s32 $0x5;
	[sflag:s23] =	ssyncadd.s32 $0xFFFFE000  }
0x15f: {  	_ =	swait.ge [sflag:s18], $0x800  }
0x160: {  	[sflag:s18] =	ssyncset.done $0x0  }
0x161: {  	s22 =	simm.s32 $0xB;
	[sflag:s18] =	ssyncadd.s32 $0xFFFFF800  }
0x162: {  	_ =	swait.ge [sflag:s22], $0x800  }
0x163: {  	[sflag:s22] =	ssyncset.done $0x0  }
0x164: {  	s25 =	simm.s32 $0x6;
	[sflag:s22] =	ssyncadd.s32 $0xFFFFF800  }
0x165: {  	_ =	swait.ge [sflag:s25], $0x800  }
0x166: {  	[sflag:s25] =	ssyncset.done $0x0  }
0x167: {  	s30 =	simm.s32 $0xC;
	[sflag:s25] =	ssyncadd.s32 $0xFFFFF800  }
0x168: {  	_ =	swait.ge [sflag:s30], $0x800  }
0x169: {  	[sflag:s30] =	ssyncset.done $0x0  }
0x16a: {  	[sflag:s30] =	ssyncadd.s32 $0xFFFFF800  }
0x16b: {  	[bflag:$0x0] =	sbarrier.arrive $0xFFFF  }
0x16c: {  	s31 =	rddreg [dreg:$0x7]  }
0x16d: {  	s8 =	rddreg [dreg:$0xb]  }
0x16e: {  	s18 =	simm.s32 $0xD;
	s22 =	rddreg [dreg:$0x13]  }
0x16f: {  	[hbm:s31], [sflag:s8] =	dma.local [spmem:s22], $0x1400  }
0x170: {  	_ =	swait.ge [sflag:s18], $0x1400  }
0x171: {  	[sflag:s18] =	ssyncset.done $0x0;
	s3 =	rddreg [dreg:$0xc]  }
0x172: {  	s17 =	rddreg [dreg:$0xf];
	[sflag:s18] =	ssyncadd.s32 $0xFFFFEC00;
	s3 =	sshrl.u32 @!p0 s3, $0x3  }
0x173: {  	[hbm:s17], [sflag:s8] =	dma.local @!p0 [spmem:s3], $0x500  }
0x174: {  	s3 =	simm.s32 @!p0 $0xD  }
0x175: {  	_ =	swait.ge @!p0 [sflag:s3], $0x500  }
0x176: {  	[sflag:s3] =	ssyncset.done @!p0 $0x0  }
0x177: {  	s17 =	rddreg [dreg:$0x4];
	[sflag:s3] =	ssyncadd.s32 @!p0 $0xFFFFFB00  }
0x178: {  	[spmem:s22], [sflag:s8] =	dma.local [hbm:s17], $0x1400  }
0x179: {  	_ =	swait.ge [sflag:s18], $0x1400  }
0x17a: {  	[sflag:s18] =	ssyncset.done $0x0  }
0x17b: {  	[sflag:s18] =	ssyncadd.s32 $0xFFFFEC00  }
0x17c: {  	s25 =	simm.s32 $0x7000;
	s8 =	simm.s32 $0x0;
	[bflag:$0x0] =	sbarrier.arrive $0xFFFF  }
0x17d: {  	[tilespmem:s25], [sflag:$0x1] =	stream.linear.gather [hbm4b:s19+s8], $0x800, $0x38;
	[tilespmem:$0x1C900] =	vst v63  }
0x17e: {  	v4 =	vld [tilespmem:$0x0]  }
0x17f: {  	v5 =	vld [tilespmem:$0x10]  }
0x180: {  	v6 =	vld [tilespmem:$0x20]  }
0x181: {  	v7 =	vld [tilespmem:$0x30]  }
0x182: {  	v8 =	vld [tilespmem:$0x40]  }
0x183: {  	v9 =	vld [tilespmem:$0x50];
	v4 =	vshll.u32 v4, $0x3  }
0x184: {  	v10 =	vld [tilespmem:$0x60];
	v5 =	vshll.u32 v5, $0x3;
	v4 =	vor.u32 v1, v4  }
0x185: {  	v57 =	vld [tilespmem:$0x70];
	[tilespmem:$0x8000] =	vst v4;
	v4 =	vor.u32 v1, v5;
	v5 =	vshll.u32 v6, $0x3  }
0x186: {  	[tilespmem:$0x8010] =	vst v4;
	v4 =	vor.u32 v1, v5;
	v5 =	vshll.u32 v7, $0x3  }
0x187: {  	[tilespmem:$0x8020] =	vst v4;
	v4 =	vor.u32 v1, v5;
	v5 =	vshll.u32 v8, $0x3  }
0x188: {  	[tilespmem:$0x8030] =	vst v4;
	v4 =	vor.u32 v1, v5;
	v5 =	vshll.u32 v9, $0x3  }
0x189: {  	[tilespmem:$0x8040] =	vst v4;
	v4 =	vor.u32 v1, v5;
	v5 =	vshll.u32 v10, $0x3  }
0x18a: {  	[tilespmem:$0x8050] =	vst v4;
	v4 =	vor.u32 v1, v5;
	v5 =	vshll.u32 v57, $0x3  }
0x18b: {  	[tilespmem:$0x8060] =	vst v4;
	v4 =	vor.u32 v1, v5  }
0x18c: {  	s30 =	simm.s32 $0x8000;
	[tilespmem:$0x8070] =	vst v4  }
0x18d: {  	[tilespmem:s0], [sflag:$0x7] =	stream.indirect.gather [hbm4b:s7+s28], $0x40, s30, s28, $0xb8;
	[tilespmem:$0x1C900] =	vst v63  }
0x18e: {  	s31 =	rddreg [dreg:$0x11]  }
0x18f: {  	[tilespmem:s24], [sflag:$0x2] =	stream.linear.gather [hbm4b:s31+s8], $0x800, $0x38;
	[tilespmem:$0x1C900] =	vst v63  }
0x190: {  	v4 =	vld [tilespmem:$0x80]  }
0x191: {  	v5 =	vld [tilespmem:$0x90]  }
0x192: {  	v58 =	vld [tilespmem:$0xA0]  }
0x193: {  	v59 =	vld [tilespmem:$0xB0]  }
0x194: {  	v60 =	vld [tilespmem:$0xC0]  }
0x195: {  	v61 =	vld [tilespmem:$0xD0];
	v4 =	vshll.u32 v4, $0x3  }
0x196: {  	v62 =	vld [tilespmem:$0xE0];
	v5 =	vshll.u32 v5, $0x3;
	v4 =	vor.u32 v1, v4  }
0x197: {  	v63 =	vld [tilespmem:$0xF0];
	[tilespmem:$0x8080] =	vst v4;
	v4 =	vor.u32 v1, v5;
	v5 =	vshll.u32 v58, $0x3  }
0x198: {  	[tilespmem:$0x8090] =	vst v4;
	v4 =	vor.u32 v1, v5;
	v5 =	vshll.u32 v59, $0x3  }
0x199: {  	[tilespmem:$0x80A0] =	vst v4;
	v4 =	vor.u32 v1, v5;
	v5 =	vshll.u32 v60, $0x3  }
0x19a: {  	[tilespmem:$0x80B0] =	vst v4;
	v4 =	vor.u32 v1, v5;
	v5 =	vshll.u32 v61, $0x3  }
0x19b: {  	[tilespmem:$0x80C0] =	vst v4;
	v4 =	vor.u32 v1, v5;
	v5 =	vshll.u32 v62, $0x3  }
0x19c: {  	[tilespmem:$0x80D0] =	vst v4;
	v4 =	vor.u32 v1, v5;
	v5 =	vshll.u32 v63, $0x3  }
0x19d: {  	[tilespmem:$0x80E0] =	vst v4;
	v4 =	vor.u32 v1, v5  }
0x19e: {  	[tilespmem:$0x80F0] =	vst v4  }
0x19f: {  	[tilespmem:s9], [sflag:$0x8] =	stream.indirect.gather [hbm4b:s7+s28], $0x40, s29, s28, $0xb8;
	[tilespmem:$0x1C900] =	vst v63  }
.LBB2_13:
0x1a0: {  	_ =	swait.ge [sflag:s11], $0x800  }
0x1a1: {  	p1 =	seq.s32 s8, $0x0;
	[sflag:s11] =	ssyncset.done $0x0  }
0x1a2: {  	s3 =	simm.s32 @!p1 $0x9;
	[sflag:s11] =	ssyncadd.s32 $0xFFFFF800  }
0x1a3: {  	_ =	swait.ge @!p1 [sflag:s3], $0x2000  }
0x1a4: {  	[sflag:s3] =	ssyncset.done @!p1 $0x0  }
0x1a5: {  	[sflag:s3] =	ssyncadd.s32 @!p1 $0xFFFFE000  }
0x1a6: {  	_ =	swait.ge [sflag:s12], $0x2000  }
0x1a7: {  	[sflag:s12] =	ssyncset.done $0x0  }
0x1a8: {  	s3 =	simm.s32 $0x0;
	[sflag:s12] =	ssyncadd.s32 $0xFFFFE000  }
0x1a9: {  	s17 =	simm.s32 $0x7000;
	v4 =	vld [tilespmem:s3+$0x8100]  }
0x1aa: {  	s22 =	sshll.u32 s8, $0x8;
	s25 =	simm.s32 $0x100;
	v5 =	vld [tilespmem:s17+$0x0]  }
.LBB2_14:
0x1ab: {  	p2 =	sne.s32 s25, $0x7F00;
	v6 =	vld [tilespmem:s3+$0x8110]  }
0x1ac: {  	v7 =	vld [tilespmem:s3+$0x8120]  }
0x1ad: {  	v8 =	vld [tilespmem:s3+$0x8130];
	_ =	sdelay $0x1  }
0x1ae: {  	v5 =	vperm.xlane v5, v1;
	_ =	sdelay $0x1  }
0x1af: {  	v4 =	vmul.f32 v4, v5;
	v6 =	vmul.f32 v6, v5  }
0x1b0: {  	v7 =	vmul.f32 v7, v5;
	v5 =	vmul.f32 v8, v5  }
.Ltmp8:
0x1b1: {  	[tilespmem:s3+$0xC100] =	vst v4;
	(pc) =	sbr.rel @p2 .LBB2_14-.Ltmp8, $4  }
0x1b2: {  	[tilespmem:s3+$0xC110] =	vst v6  }
0x1b3: {  	s18 =	sshra.s32 s25, $0x2;
	[tilespmem:s3+$0xC120] =	vst v7  }
0x1b4: {  	s17 =	sadd.s32 $0x10, s17;
	v4 =	vld [tilespmem:s18+$0x8100];
	[tilespmem:s3+$0xC130] =	vst v5;
	s3 =	smov.u32 s18  }
0x1b5: {  	s25 =	sadd.s32 $0x100, s25;
	v5 =	vld [tilespmem:s17+$0x0]  }
0x1b6: {  	_ =	sdelay $0x1  }
0x1b7: {  	v6 =	vld [tilespmem:s3+$0x8110]  }
0x1b8: {  	v7 =	vld [tilespmem:s3+$0x8120]  }
0x1b9: {  	v8 =	vld [tilespmem:s3+$0x8130];
	v5 =	vperm.xlane v5, v1;
	_ =	sdelay $0x1  }
0x1ba: {  	v4 =	vmul.f32 v4, v5  }
0x1bb: {  	p2 =	sne.s32 s8, $0x27;
	v6 =	vmul.f32 v6, v5  }
.Ltmp9:
0x1bc: {  	v7 =	vmul.f32 v7, v5;
	[tilespmem:s3+$0xC100] =	vst v4;
	(pc) =	sbr.rel @p2 .LBB2_17-.Ltmp9, $4  }
0x1bd: {  	v4 =	vmul.f32 v8, v5;
	[tilespmem:s3+$0xC110] =	vst v6  }
0x1be: {  	s17 =	sand.u32 $0x3FFFFF00, s22;
	[tilespmem:s3+$0xC120] =	vst v7  }
0x1bf: {  	s31 =	sadd.s32 $0x2800, s17;
	[tilespmem:s3+$0xC130] =	vst v4  }
0x1c0: {  	[spmem:s1] =	stream.indirect.scatter.add.f32 [tilespmem:s13], [sflag:$0x9], $0x40, s31, s28, $0xb8;
	[tilespmem:$0x1C900] =	vst v63  }
.Ltmp10:
0x1c1: {  	(pc) =	sbr.rel .LBB2_18-.Ltmp10, $4  }
0x1c2: {  	_ = 	snop  }
0x1c3: {  	_ =	swait.ge [sflag:s14], $0x800  }
0x1c4: {  	[sflag:s14] =	ssyncset.done $0x0  }
0x1c5: {  	[sflag:s14] =	ssyncadd.s32 $0xFFFFF800  }
.LBB2_17:
0x1c6: {  	s3 =	sadd.s32 $0x100, s22  }
0x1c7: {  	s3 =	sadd.s32 s16, s3  }
0x1c8: {  	s3 =	sshll.u32 s3, $0x1  }
0x1c9: {  	s18 =	simm.s32 $0x7000;
	s3 =	sadd.s32 s10, s3  }
0x1ca: {  	[tilespmem:s18], [sflag:$0x1] =	stream.linear.gather [hbm4b:s3+s4], $0x800, $0x38;
	[tilespmem:$0x1C900] =	vst v63  }
0x1cb: {  	v4 =	vld [tilespmem:s22+$0x100];
	_ =	sdelay $0x4  }
0x1cc: {  	v4 =	vshll.u32 v4, $0x3  }
0x1cd: {  	v4 =	vor.u32 v1, v4  }
0x1ce: {  	[tilespmem:$0x8000] =	vst v4  }
0x1cf: {  	v4 =	vld [tilespmem:s22+$0x110];
	_ =	sdelay $0x4  }
0x1d0: {  	v4 =	vshll.u32 v4, $0x3  }
0x1d1: {  	v4 =	vor.u32 v1, v4  }
0x1d2: {  	[tilespmem:$0x8010] =	vst v4  }
0x1d3: {  	v4 =	vld [tilespmem:s22+$0x120];
	_ =	sdelay $0x4  }
0x1d4: {  	v4 =	vshll.u32 v4, $0x3  }
0x1d5: {  	v4 =	vor.u32 v1, v4  }
0x1d6: {  	[tilespmem:$0x8020] =	vst v4  }
0x1d7: {  	v4 =	vld [tilespmem:s22+$0x130];
	_ =	sdelay $0x4  }
0x1d8: {  	v4 =	vshll.u32 v4, $0x3  }
0x1d9: {  	v4 =	vor.u32 v1, v4  }
0x1da: {  	[tilespmem:$0x8030] =	vst v4  }
0x1db: {  	v4 =	vld [tilespmem:s22+$0x140];
	_ =	sdelay $0x4  }
0x1dc: {  	v4 =	vshll.u32 v4, $0x3  }
0x1dd: {  	v4 =	vor.u32 v1, v4  }
0x1de: {  	[tilespmem:$0x8040] =	vst v4  }
0x1df: {  	v4 =	vld [tilespmem:s22+$0x150];
	_ =	sdelay $0x4  }
0x1e0: {  	v4 =	vshll.u32 v4, $0x3  }
0x1e1: {  	v4 =	vor.u32 v1, v4  }
0x1e2: {  	[tilespmem:$0x8050] =	vst v4  }
0x1e3: {  	v4 =	vld [tilespmem:s22+$0x160];
	_ =	sdelay $0x4  }
0x1e4: {  	v4 =	vshll.u32 v4, $0x3  }
0x1e5: {  	v4 =	vor.u32 v1, v4  }
0x1e6: {  	[tilespmem:$0x8060] =	vst v4  }
0x1e7: {  	v4 =	vld [tilespmem:s22+$0x170];
	_ =	sdelay $0x4  }
0x1e8: {  	v4 =	vshll.u32 v4, $0x3  }
0x1e9: {  	v4 =	vor.u32 v1, v4  }
.Ltmp11:
0x1ea: {  	s31 =	simm.s32 $0x8000;
	[tilespmem:$0x8070] =	vst v4;
	(pc) =	sbr.rel @p1 .LBB2_19-.Ltmp11, $4  }
0x1eb: {  	[tilespmem:s0], [sflag:$0x7] =	stream.indirect.gather [hbm4b:s7+s28], $0x40, s31, s28, $0xb8;
	[tilespmem:$0x1C900] =	vst v63  }
0x1ec: {  	_ =	swait.ge [sflag:s14], $0x800  }
0x1ed: {  	[sflag:s14] =	ssyncset.done $0x0  }
0x1ee: {  	[sflag:s14] =	ssyncadd.s32 $0xFFFFF800  }
.LBB2_18:
0x1ef: {  	_ =	swait.ge [sflag:s23], $0x2000  }
0x1f0: {  	[sflag:s23] =	ssyncset.done $0x0  }
0x1f1: {  	[sflag:s23] =	ssyncadd.s32 $0xFFFFE000  }
.LBB2_19:
0x1f2: {  	_ =	swait.ge [sflag:s20], $0x2000  }
0x1f3: {  	[sflag:s20] =	ssyncset.done $0x0  }
0x1f4: {  	s3 =	simm.s32 $0x0;
	[sflag:s20] =	ssyncadd.s32 $0xFFFFE000  }
0x1f5: {  	s25 =	simm.s32 $0x7800;
	v4 =	vld [tilespmem:s3+$0xA100]  }
0x1f6: {  	s30 =	simm.s32 $0x100;
	v5 =	vld [tilespmem:s25+$0x0]  }
.LBB2_20:
0x1f7: {  	p1 =	sne.s32 s30, $0x7F00;
	v6 =	vld [tilespmem:s3+$0xA110]  }
0x1f8: {  	v7 =	vld [tilespmem:s3+$0xA120]  }
0x1f9: {  	v8 =	vld [tilespmem:s3+$0xA130];
	_ =	sdelay $0x1  }
0x1fa: {  	v5 =	vperm.xlane v5, v1;
	_ =	sdelay $0x1  }
0x1fb: {  	v4 =	vmul.f32 v4, v5;
	v6 =	vmul.f32 v6, v5  }
0x1fc: {  	v7 =	vmul.f32 v7, v5;
	v5 =	vmul.f32 v8, v5  }
.Ltmp12:
0x1fd: {  	[tilespmem:s3+$0xE100] =	vst v4;
	(pc) =	sbr.rel @p1 .LBB2_20-.Ltmp12, $4  }
0x1fe: {  	[tilespmem:s3+$0xE110] =	vst v6  }
0x1ff: {  	s18 =	sshra.s32 s30, $0x2;
	[tilespmem:s3+$0xE120] =	vst v7  }
0x200: {  	s25 =	sadd.s32 $0x10, s25;
	v4 =	vld [tilespmem:s18+$0xA100];
	[tilespmem:s3+$0xE130] =	vst v5;
	s3 =	smov.u32 s18  }
0x201: {  	s30 =	sadd.s32 $0x100, s30;
	v5 =	vld [tilespmem:s25+$0x0]  }
0x202: {  	_ =	sdelay $0x1  }
0x203: {  	v6 =	vld [tilespmem:s3+$0xA110]  }
0x204: {  	v7 =	vld [tilespmem:s3+$0xA120]  }
0x205: {  	v8 =	vld [tilespmem:s3+$0xA130];
	v5 =	vperm.xlane v5, v1;
	_ =	sdelay $0x1  }
0x206: {  	v4 =	vmul.f32 v4, v5  }
0x207: {  	p1 =	seq.s32 s8, $0x27;
	v6 =	vmul.f32 v6, v5  }
.Ltmp13:
0x208: {  	v7 =	vmul.f32 v7, v5;
	[tilespmem:s3+$0xE100] =	vst v4;
	(pc) =	sbr.rel @p1 .LBB2_23-.Ltmp13, $4  }
0x209: {  	v4 =	vmul.f32 v8, v5;
	[tilespmem:s3+$0xE110] =	vst v6  }
0x20a: {  	[tilespmem:s3+$0xE120] =	vst v7  }
0x20b: {  	s31 =	sadd.s32 $0x2880, s17;
	[tilespmem:s3+$0xE130] =	vst v4  }
0x20c: {  	[spmem:s1] =	stream.indirect.scatter.add.f32 [tilespmem:s21], [sflag:$0xA], $0x40, s31, s28, $0xb8;
	[tilespmem:$0x1C900] =	vst v63  }
0x20d: {  	s3 =	sadd.s32 $0x180, s22  }
0x20e: {  	s3 =	sadd.s32 s16, s3  }
0x20f: {  	s3 =	sshll.u32 s3, $0x1  }
0x210: {  	s3 =	sadd.s32 s10, s3  }
0x211: {  	[tilespmem:s24], [sflag:$0x2] =	stream.linear.gather [hbm4b:s3+s4], $0x800, $0x38;
	[tilespmem:$0x1C900] =	vst v63  }
0x212: {  	v4 =	vld [tilespmem:s22+$0x180];
	_ =	sdelay $0x4  }
0x213: {  	v4 =	vshll.u32 v4, $0x3  }
0x214: {  	v4 =	vor.u32 v1, v4  }
0x215: {  	[tilespmem:$0x8080] =	vst v4  }
0x216: {  	v4 =	vld [tilespmem:s22+$0x190];
	_ =	sdelay $0x4  }
0x217: {  	v4 =	vshll.u32 v4, $0x3  }
0x218: {  	v4 =	vor.u32 v1, v4  }
0x219: {  	[tilespmem:$0x8090] =	vst v4  }
0x21a: {  	v4 =	vld [tilespmem:s22+$0x1A0];
	_ =	sdelay $0x4  }
0x21b: {  	v4 =	vshll.u32 v4, $0x3  }
0x21c: {  	v4 =	vor.u32 v1, v4  }
0x21d: {  	[tilespmem:$0x80A0] =	vst v4  }
0x21e: {  	v4 =	vld [tilespmem:s22+$0x1B0];
	_ =	sdelay $0x4  }
0x21f: {  	v4 =	vshll.u32 v4, $0x3  }
0x220: {  	v4 =	vor.u32 v1, v4  }
0x221: {  	[tilespmem:$0x80B0] =	vst v4  }
0x222: {  	v4 =	vld [tilespmem:s22+$0x1C0];
	_ =	sdelay $0x4  }
0x223: {  	v4 =	vshll.u32 v4, $0x3  }
0x224: {  	v4 =	vor.u32 v1, v4  }
0x225: {  	[tilespmem:$0x80C0] =	vst v4  }
0x226: {  	v4 =	vld [tilespmem:s22+$0x1D0];
	_ =	sdelay $0x4  }
0x227: {  	v4 =	vshll.u32 v4, $0x3  }
0x228: {  	v4 =	vor.u32 v1, v4  }
0x229: {  	[tilespmem:$0x80D0] =	vst v4  }
0x22a: {  	v4 =	vld [tilespmem:s22+$0x1E0];
	_ =	sdelay $0x4  }
0x22b: {  	v4 =	vshll.u32 v4, $0x3  }
0x22c: {  	v4 =	vor.u32 v1, v4  }
0x22d: {  	[tilespmem:$0x80E0] =	vst v4  }
0x22e: {  	v4 =	vld [tilespmem:s22+$0x1F0];
	_ =	sdelay $0x3  }
.Ltmp14:
0x22f: {  	_ = 	snop;
	(pc) =	sbr.rel .LBB2_13-.Ltmp14, $4  }
0x230: {  	v4 =	vshll.u32 v4, $0x3  }
0x231: {  	v4 =	vor.u32 v1, v4  }
0x232: {  	s8 =	sadd.s32 $0x1, s8;
	[tilespmem:$0x80F0] =	vst v4  }
0x233: {  	[tilespmem:s9], [sflag:$0x8] =	stream.indirect.gather [hbm4b:s7+s28], $0x40, s29, s28, $0xb8;
	[tilespmem:$0x1C900] =	vst v63  }
.LBB2_23:
0x234: {  	s3 =	simm.s32 $0x9  }
0x235: {  	_ =	swait.ge [sflag:s3], $0x2000  }
0x236: {  	[sflag:s3] =	ssyncset.done $0x0  }
0x237: {  	[sflag:s3] =	ssyncadd.s32 $0xFFFFE000  }
0x238: {  	_ =	swait.ge [sflag:s23], $0x2000  }
0x239: {  	[sflag:s23] =	ssyncset.done $0x0  }
0x23a: {  	[sflag:s23] =	ssyncadd.s32 $0xFFFFE000  }
0x23b: {  	[bflag:$0x0] =	sbarrier.arrive $0xFFFF  }
0x23c: {  	s17 =	rddreg [dreg:$0x8]  }
0x23d: {  	s8 =	rddreg [dreg:$0xb]  }
0x23e: {  	s18 =	rddreg [dreg:$0x13]  }
0x23f: {  	[hbm:s17], [sflag:s8] =	dma.local [spmem:s18], $0x1400  }
0x240: {  	s17 =	simm.s32 $0xD  }
0x241: {  	_ =	swait.ge [sflag:s17], $0x1400  }
0x242: {  	[sflag:s17] =	ssyncset.done $0x0  }
0x243: {  	s22 =	rddreg [dreg:$0x4];
	[sflag:s17] =	ssyncadd.s32 $0xFFFFEC00  }
0x244: {  	[spmem:s18], [sflag:s8] =	dma.local [hbm:s22], $0x1400  }
0x245: {  	_ =	swait.ge [sflag:s17], $0x1400  }
0x246: {  	[sflag:s17] =	ssyncset.done $0x0  }
0x247: {  	[sflag:s17] =	ssyncadd.s32 $0xFFFFEC00  }
0x248: {  	s25 =	simm.s32 $0x7000;
	s8 =	simm.s32 $0x0;
	[bflag:$0x0] =	sbarrier.arrive $0xFFFF  }
0x249: {  	[tilespmem:s25], [sflag:$0x1] =	stream.linear.gather [hbm4b:s19+s8], $0x800, $0x38;
	[tilespmem:$0x1C900] =	vst v63  }
0x24a: {  	v4 =	vld [tilespmem:$0x0]  }
0x24b: {  	v5 =	vld [tilespmem:$0x10]  }
0x24c: {  	v6 =	vld [tilespmem:$0x20]  }
0x24d: {  	v7 =	vld [tilespmem:$0x30]  }
0x24e: {  	v8 =	vld [tilespmem:$0x40]  }
0x24f: {  	v9 =	vld [tilespmem:$0x50];
	v4 =	vshll.u32 v4, $0x3  }
0x250: {  	v10 =	vld [tilespmem:$0x60];
	v5 =	vshll.u32 v5, $0x3;
	v4 =	vor.u32 v2, v4  }
0x251: {  	v57 =	vld [tilespmem:$0x70];
	[tilespmem:$0x8000] =	vst v4;
	v4 =	vor.u32 v2, v5;
	v5 =	vshll.u32 v6, $0x3  }
0x252: {  	[tilespmem:$0x8010] =	vst v4;
	v4 =	vor.u32 v2, v5;
	v5 =	vshll.u32 v7, $0x3  }
0x253: {  	[tilespmem:$0x8020] =	vst v4;
	v4 =	vor.u32 v2, v5;
	v5 =	vshll.u32 v8, $0x3  }
0x254: {  	[tilespmem:$0x8030] =	vst v4;
	v4 =	vor.u32 v2, v5;
	v5 =	vshll.u32 v9, $0x3  }
0x255: {  	[tilespmem:$0x8040] =	vst v4;
	v4 =	vor.u32 v2, v5;
	v5 =	vshll.u32 v10, $0x3  }
0x256: {  	[tilespmem:$0x8050] =	vst v4;
	v4 =	vor.u32 v2, v5;
	v5 =	vshll.u32 v57, $0x3  }
0x257: {  	[tilespmem:$0x8060] =	vst v4;
	v4 =	vor.u32 v2, v5  }
0x258: {  	s30 =	simm.s32 $0x8000;
	[tilespmem:$0x8070] =	vst v4  }
0x259: {  	[tilespmem:s0], [sflag:$0x7] =	stream.indirect.gather [hbm4b:s7+s28], $0x40, s30, s28, $0xb8;
	[tilespmem:$0x1C900] =	vst v63  }
0x25a: {  	s31 =	rddreg [dreg:$0x11]  }
0x25b: {  	[tilespmem:s24], [sflag:$0x2] =	stream.linear.gather [hbm4b:s31+s8], $0x800, $0x38;
	[tilespmem:$0x1C900] =	vst v63  }
0x25c: {  	v4 =	vld [tilespmem:$0x80]  }
0x25d: {  	v5 =	vld [tilespmem:$0x90]  }
0x25e: {  	v58 =	vld [tilespmem:$0xA0]  }
0x25f: {  	v59 =	vld [tilespmem:$0xB0]  }
0x260: {  	v60 =	vld [tilespmem:$0xC0]  }
0x261: {  	v61 =	vld [tilespmem:$0xD0];
	v4 =	vshll.u32 v4, $0x3  }
0x262: {  	v62 =	vld [tilespmem:$0xE0];
	v5 =	vshll.u32 v5, $0x3;
	v4 =	vor.u32 v2, v4  }
0x263: {  	v63 =	vld [tilespmem:$0xF0];
	[tilespmem:$0x8080] =	vst v4;
	v4 =	vor.u32 v2, v5;
	v5 =	vshll.u32 v58, $0x3  }
0x264: {  	[tilespmem:$0x8090] =	vst v4;
	v4 =	vor.u32 v2, v5;
	v5 =	vshll.u32 v59, $0x3  }
0x265: {  	[tilespmem:$0x80A0] =	vst v4;
	v4 =	vor.u32 v2, v5;
	v5 =	vshll.u32 v60, $0x3  }
0x266: {  	[tilespmem:$0x80B0] =	vst v4;
	v4 =	vor.u32 v2, v5;
	v5 =	vshll.u32 v61, $0x3  }
0x267: {  	[tilespmem:$0x80C0] =	vst v4;
	v4 =	vor.u32 v2, v5;
	v5 =	vshll.u32 v62, $0x3  }
0x268: {  	[tilespmem:$0x80D0] =	vst v4;
	v4 =	vor.u32 v2, v5;
	v5 =	vshll.u32 v63, $0x3  }
0x269: {  	[tilespmem:$0x80E0] =	vst v4;
	v4 =	vor.u32 v2, v5  }
0x26a: {  	[tilespmem:$0x80F0] =	vst v4  }
0x26b: {  	[tilespmem:s9], [sflag:$0x8] =	stream.indirect.gather [hbm4b:s7+s28], $0x40, s29, s28, $0xb8;
	[tilespmem:$0x1C900] =	vst v63  }
.LBB2_24:
0x26c: {  	_ =	swait.ge [sflag:s11], $0x800  }
0x26d: {  	p1 =	seq.s32 s8, $0x0;
	[sflag:s11] =	ssyncset.done $0x0  }
0x26e: {  	s3 =	simm.s32 @!p1 $0x9;
	[sflag:s11] =	ssyncadd.s32 $0xFFFFF800  }
0x26f: {  	_ =	swait.ge @!p1 [sflag:s3], $0x2000  }
0x270: {  	[sflag:s3] =	ssyncset.done @!p1 $0x0  }
0x271: {  	[sflag:s3] =	ssyncadd.s32 @!p1 $0xFFFFE000  }
0x272: {  	_ =	swait.ge [sflag:s12], $0x2000  }
0x273: {  	[sflag:s12] =	ssyncset.done $0x0  }
0x274: {  	s3 =	simm.s32 $0x0;
	[sflag:s12] =	ssyncadd.s32 $0xFFFFE000  }
0x275: {  	s17 =	simm.s32 $0x7000;
	v4 =	vld [tilespmem:s3+$0x8100]  }
0x276: {  	s22 =	sshll.u32 s8, $0x8;
	s25 =	simm.s32 $0x100;
	v5 =	vld [tilespmem:s17+$0x0]  }
.LBB2_25:
0x277: {  	p2 =	sne.s32 s25, $0x7F00;
	v6 =	vld [tilespmem:s3+$0x8110]  }
0x278: {  	v7 =	vld [tilespmem:s3+$0x8120]  }
0x279: {  	v8 =	vld [tilespmem:s3+$0x8130];
	_ =	sdelay $0x1  }
0x27a: {  	v5 =	vperm.xlane v5, v2;
	_ =	sdelay $0x1  }
0x27b: {  	v4 =	vmul.f32 v4, v5;
	v6 =	vmul.f32 v6, v5  }
0x27c: {  	v7 =	vmul.f32 v7, v5;
	v5 =	vmul.f32 v8, v5  }
.Ltmp15:
0x27d: {  	[tilespmem:s3+$0xC100] =	vst v4;
	(pc) =	sbr.rel @p2 .LBB2_25-.Ltmp15, $4  }
0x27e: {  	[tilespmem:s3+$0xC110] =	vst v6  }
0x27f: {  	s18 =	sshra.s32 s25, $0x2;
	[tilespmem:s3+$0xC120] =	vst v7  }
0x280: {  	s17 =	sadd.s32 $0x10, s17;
	v4 =	vld [tilespmem:s18+$0x8100];
	[tilespmem:s3+$0xC130] =	vst v5;
	s3 =	smov.u32 s18  }
0x281: {  	s25 =	sadd.s32 $0x100, s25;
	v5 =	vld [tilespmem:s17+$0x0]  }
0x282: {  	_ =	sdelay $0x1  }
0x283: {  	v6 =	vld [tilespmem:s3+$0x8110]  }
0x284: {  	v7 =	vld [tilespmem:s3+$0x8120]  }
0x285: {  	v8 =	vld [tilespmem:s3+$0x8130];
	v5 =	vperm.xlane v5, v2;
	_ =	sdelay $0x1  }
0x286: {  	v4 =	vmul.f32 v4, v5  }
0x287: {  	p2 =	sne.s32 s8, $0x27;
	v6 =	vmul.f32 v6, v5  }
.Ltmp16:
0x288: {  	v7 =	vmul.f32 v7, v5;
	[tilespmem:s3+$0xC100] =	vst v4;
	(pc) =	sbr.rel @p2 .LBB2_28-.Ltmp16, $4  }
0x289: {  	v4 =	vmul.f32 v8, v5;
	[tilespmem:s3+$0xC110] =	vst v6  }
0x28a: {  	s17 =	sand.u32 $0x3FFFFF00, s22;
	[tilespmem:s3+$0xC120] =	vst v7  }
0x28b: {  	s31 =	sadd.s32 $0x2800, s17;
	[tilespmem:s3+$0xC130] =	vst v4  }
0x28c: {  	[spmem:s1] =	stream.indirect.scatter.add.f32 [tilespmem:s13], [sflag:$0x9], $0x40, s31, s28, $0xb8;
	[tilespmem:$0x1C900] =	vst v63  }
.Ltmp17:
0x28d: {  	(pc) =	sbr.rel .LBB2_29-.Ltmp17, $4  }
0x28e: {  	_ = 	snop  }
0x28f: {  	_ =	swait.ge [sflag:s14], $0x800  }
0x290: {  	[sflag:s14] =	ssyncset.done $0x0  }
0x291: {  	[sflag:s14] =	ssyncadd.s32 $0xFFFFF800  }
.LBB2_28:
0x292: {  	s3 =	sadd.s32 $0x100, s22  }
0x293: {  	s3 =	sadd.s32 s16, s3  }
0x294: {  	s3 =	sshll.u32 s3, $0x1  }
0x295: {  	s18 =	simm.s32 $0x7000;
	s3 =	sadd.s32 s10, s3  }
0x296: {  	[tilespmem:s18], [sflag:$0x1] =	stream.linear.gather [hbm4b:s3+s4], $0x800, $0x38;
	[tilespmem:$0x1C900] =	vst v63  }
0x297: {  	v4 =	vld [tilespmem:s22+$0x100];
	_ =	sdelay $0x4  }
0x298: {  	v4 =	vshll.u32 v4, $0x3  }
0x299: {  	v4 =	vor.u32 v2, v4  }
0x29a: {  	[tilespmem:$0x8000] =	vst v4  }
0x29b: {  	v4 =	vld [tilespmem:s22+$0x110];
	_ =	sdelay $0x4  }
0x29c: {  	v4 =	vshll.u32 v4, $0x3  }
0x29d: {  	v4 =	vor.u32 v2, v4  }
0x29e: {  	[tilespmem:$0x8010] =	vst v4  }
0x29f: {  	v4 =	vld [tilespmem:s22+$0x120];
	_ =	sdelay $0x4  }
0x2a0: {  	v4 =	vshll.u32 v4, $0x3  }
0x2a1: {  	v4 =	vor.u32 v2, v4  }
0x2a2: {  	[tilespmem:$0x8020] =	vst v4  }
0x2a3: {  	v4 =	vld [tilespmem:s22+$0x130];
	_ =	sdelay $0x4  }
0x2a4: {  	v4 =	vshll.u32 v4, $0x3  }
0x2a5: {  	v4 =	vor.u32 v2, v4  }
0x2a6: {  	[tilespmem:$0x8030] =	vst v4  }
0x2a7: {  	v4 =	vld [tilespmem:s22+$0x140];
	_ =	sdelay $0x4  }
0x2a8: {  	v4 =	vshll.u32 v4, $0x3  }
0x2a9: {  	v4 =	vor.u32 v2, v4  }
0x2aa: {  	[tilespmem:$0x8040] =	vst v4  }
0x2ab: {  	v4 =	vld [tilespmem:s22+$0x150];
	_ =	sdelay $0x4  }
0x2ac: {  	v4 =	vshll.u32 v4, $0x3  }
0x2ad: {  	v4 =	vor.u32 v2, v4  }
0x2ae: {  	[tilespmem:$0x8050] =	vst v4  }
0x2af: {  	v4 =	vld [tilespmem:s22+$0x160];
	_ =	sdelay $0x4  }
0x2b0: {  	v4 =	vshll.u32 v4, $0x3  }
0x2b1: {  	v4 =	vor.u32 v2, v4  }
0x2b2: {  	[tilespmem:$0x8060] =	vst v4  }
0x2b3: {  	v4 =	vld [tilespmem:s22+$0x170];
	_ =	sdelay $0x4  }
0x2b4: {  	v4 =	vshll.u32 v4, $0x3  }
0x2b5: {  	v4 =	vor.u32 v2, v4  }
.Ltmp18:
0x2b6: {  	s31 =	simm.s32 $0x8000;
	[tilespmem:$0x8070] =	vst v4;
	(pc) =	sbr.rel @p1 .LBB2_30-.Ltmp18, $4  }
0x2b7: {  	[tilespmem:s0], [sflag:$0x7] =	stream.indirect.gather [hbm4b:s7+s28], $0x40, s31, s28, $0xb8;
	[tilespmem:$0x1C900] =	vst v63  }
0x2b8: {  	_ =	swait.ge [sflag:s14], $0x800  }
0x2b9: {  	[sflag:s14] =	ssyncset.done $0x0  }
0x2ba: {  	[sflag:s14] =	ssyncadd.s32 $0xFFFFF800  }
.LBB2_29:
0x2bb: {  	_ =	swait.ge [sflag:s23], $0x2000  }
0x2bc: {  	[sflag:s23] =	ssyncset.done $0x0  }
0x2bd: {  	[sflag:s23] =	ssyncadd.s32 $0xFFFFE000  }
.LBB2_30:
0x2be: {  	_ =	swait.ge [sflag:s20], $0x2000  }
0x2bf: {  	[sflag:s20] =	ssyncset.done $0x0  }
0x2c0: {  	s3 =	simm.s32 $0x0;
	[sflag:s20] =	ssyncadd.s32 $0xFFFFE000  }
0x2c1: {  	s25 =	simm.s32 $0x7800;
	v4 =	vld [tilespmem:s3+$0xA100]  }
0x2c2: {  	s30 =	simm.s32 $0x100;
	v5 =	vld [tilespmem:s25+$0x0]  }
.LBB2_31:
0x2c3: {  	p1 =	sne.s32 s30, $0x7F00;
	v6 =	vld [tilespmem:s3+$0xA110]  }
0x2c4: {  	v7 =	vld [tilespmem:s3+$0xA120]  }
0x2c5: {  	v8 =	vld [tilespmem:s3+$0xA130];
	_ =	sdelay $0x1  }
0x2c6: {  	v5 =	vperm.xlane v5, v2;
	_ =	sdelay $0x1  }
0x2c7: {  	v4 =	vmul.f32 v4, v5;
	v6 =	vmul.f32 v6, v5  }
0x2c8: {  	v7 =	vmul.f32 v7, v5;
	v5 =	vmul.f32 v8, v5  }
.Ltmp19:
0x2c9: {  	[tilespmem:s3+$0xE100] =	vst v4;
	(pc) =	sbr.rel @p1 .LBB2_31-.Ltmp19, $4  }
0x2ca: {  	[tilespmem:s3+$0xE110] =	vst v6  }
0x2cb: {  	s18 =	sshra.s32 s30, $0x2;
	[tilespmem:s3+$0xE120] =	vst v7  }
0x2cc: {  	s25 =	sadd.s32 $0x10, s25;
	v4 =	vld [tilespmem:s18+$0xA100];
	[tilespmem:s3+$0xE130] =	vst v5;
	s3 =	smov.u32 s18  }
0x2cd: {  	s30 =	sadd.s32 $0x100, s30;
	v5 =	vld [tilespmem:s25+$0x0]  }
0x2ce: {  	_ =	sdelay $0x1  }
0x2cf: {  	v6 =	vld [tilespmem:s3+$0xA110]  }
0x2d0: {  	v7 =	vld [tilespmem:s3+$0xA120]  }
0x2d1: {  	v8 =	vld [tilespmem:s3+$0xA130];
	v5 =	vperm.xlane v5, v2;
	_ =	sdelay $0x1  }
0x2d2: {  	v4 =	vmul.f32 v4, v5  }
0x2d3: {  	p1 =	seq.s32 s8, $0x27;
	v6 =	vmul.f32 v6, v5  }
.Ltmp20:
0x2d4: {  	v7 =	vmul.f32 v7, v5;
	[tilespmem:s3+$0xE100] =	vst v4;
	(pc) =	sbr.rel @p1 .LBB2_34-.Ltmp20, $4  }
0x2d5: {  	v4 =	vmul.f32 v8, v5;
	[tilespmem:s3+$0xE110] =	vst v6  }
0x2d6: {  	[tilespmem:s3+$0xE120] =	vst v7  }
0x2d7: {  	s31 =	sadd.s32 $0x2880, s17;
	[tilespmem:s3+$0xE130] =	vst v4  }
0x2d8: {  	[spmem:s1] =	stream.indirect.scatter.add.f32 [tilespmem:s21], [sflag:$0xA], $0x40, s31, s28, $0xb8;
	[tilespmem:$0x1C900] =	vst v63  }
0x2d9: {  	s3 =	sadd.s32 $0x180, s22  }
0x2da: {  	s3 =	sadd.s32 s16, s3  }
0x2db: {  	s3 =	sshll.u32 s3, $0x1  }
0x2dc: {  	s3 =	sadd.s32 s10, s3  }
0x2dd: {  	[tilespmem:s24], [sflag:$0x2] =	stream.linear.gather [hbm4b:s3+s4], $0x800, $0x38;
	[tilespmem:$0x1C900] =	vst v63  }
0x2de: {  	v4 =	vld [tilespmem:s22+$0x180];
	_ =	sdelay $0x4  }
0x2df: {  	v4 =	vshll.u32 v4, $0x3  }
0x2e0: {  	v4 =	vor.u32 v2, v4  }
0x2e1: {  	[tilespmem:$0x8080] =	vst v4  }
0x2e2: {  	v4 =	vld [tilespmem:s22+$0x190];
	_ =	sdelay $0x4  }
0x2e3: {  	v4 =	vshll.u32 v4, $0x3  }
0x2e4: {  	v4 =	vor.u32 v2, v4  }
0x2e5: {  	[tilespmem:$0x8090] =	vst v4  }
0x2e6: {  	v4 =	vld [tilespmem:s22+$0x1A0];
	_ =	sdelay $0x4  }
0x2e7: {  	v4 =	vshll.u32 v4, $0x3  }
0x2e8: {  	v4 =	vor.u32 v2, v4  }
0x2e9: {  	[tilespmem:$0x80A0] =	vst v4  }
0x2ea: {  	v4 =	vld [tilespmem:s22+$0x1B0];
	_ =	sdelay $0x4  }
0x2eb: {  	v4 =	vshll.u32 v4, $0x3  }
0x2ec: {  	v4 =	vor.u32 v2, v4  }
0x2ed: {  	[tilespmem:$0x80B0] =	vst v4  }
0x2ee: {  	v4 =	vld [tilespmem:s22+$0x1C0];
	_ =	sdelay $0x4  }
0x2ef: {  	v4 =	vshll.u32 v4, $0x3  }
0x2f0: {  	v4 =	vor.u32 v2, v4  }
0x2f1: {  	[tilespmem:$0x80C0] =	vst v4  }
0x2f2: {  	v4 =	vld [tilespmem:s22+$0x1D0];
	_ =	sdelay $0x4  }
0x2f3: {  	v4 =	vshll.u32 v4, $0x3  }
0x2f4: {  	v4 =	vor.u32 v2, v4  }
0x2f5: {  	[tilespmem:$0x80D0] =	vst v4  }
0x2f6: {  	v4 =	vld [tilespmem:s22+$0x1E0];
	_ =	sdelay $0x4  }
0x2f7: {  	v4 =	vshll.u32 v4, $0x3  }
0x2f8: {  	v4 =	vor.u32 v2, v4  }
0x2f9: {  	[tilespmem:$0x80E0] =	vst v4  }
0x2fa: {  	v4 =	vld [tilespmem:s22+$0x1F0];
	_ =	sdelay $0x3  }
.Ltmp21:
0x2fb: {  	_ = 	snop;
	(pc) =	sbr.rel .LBB2_24-.Ltmp21, $4  }
0x2fc: {  	v4 =	vshll.u32 v4, $0x3  }
0x2fd: {  	v4 =	vor.u32 v2, v4  }
0x2fe: {  	s8 =	sadd.s32 $0x1, s8;
	[tilespmem:$0x80F0] =	vst v4  }
0x2ff: {  	[tilespmem:s9], [sflag:$0x8] =	stream.indirect.gather [hbm4b:s7+s28], $0x40, s29, s28, $0xb8;
	[tilespmem:$0x1C900] =	vst v63  }
.LBB2_34:
0x300: {  	s3 =	simm.s32 $0x9  }
0x301: {  	_ =	swait.ge [sflag:s3], $0x2000  }
0x302: {  	[sflag:s3] =	ssyncset.done $0x0  }
0x303: {  	[sflag:s3] =	ssyncadd.s32 $0xFFFFE000  }
0x304: {  	_ =	swait.ge [sflag:s23], $0x2000  }
0x305: {  	[sflag:s23] =	ssyncset.done $0x0  }
0x306: {  	[sflag:s23] =	ssyncadd.s32 $0xFFFFE000  }
0x307: {  	[bflag:$0x0] =	sbarrier.arrive $0xFFFF  }
0x308: {  	s17 =	rddreg [dreg:$0x9]  }
0x309: {  	s8 =	rddreg [dreg:$0xb]  }
0x30a: {  	s18 =	rddreg [dreg:$0x13]  }
0x30b: {  	[hbm:s17], [sflag:s8] =	dma.local [spmem:s18], $0x1400  }
0x30c: {  	s17 =	simm.s32 $0xD  }
0x30d: {  	_ =	swait.ge [sflag:s17], $0x1400  }
0x30e: {  	[sflag:s17] =	ssyncset.done $0x0  }
0x30f: {  	s22 =	rddreg [dreg:$0x4];
	[sflag:s17] =	ssyncadd.s32 $0xFFFFEC00  }
0x310: {  	[spmem:s18], [sflag:s8] =	dma.local [hbm:s22], $0x1400  }
0x311: {  	_ =	swait.ge [sflag:s17], $0x1400  }
0x312: {  	[sflag:s17] =	ssyncset.done $0x0  }
0x313: {  	[sflag:s17] =	ssyncadd.s32 $0xFFFFEC00  }
0x314: {  	s25 =	simm.s32 $0x7000;
	s8 =	simm.s32 $0x0;
	[bflag:$0x0] =	sbarrier.arrive $0xFFFF  }
0x315: {  	[tilespmem:s25], [sflag:$0x1] =	stream.linear.gather [hbm4b:s19+s8], $0x800, $0x38;
	[tilespmem:$0x1C900] =	vst v63  }
0x316: {  	v4 =	vld [tilespmem:$0x0]  }
0x317: {  	v5 =	vld [tilespmem:$0x10]  }
0x318: {  	v6 =	vld [tilespmem:$0x20]  }
0x319: {  	v7 =	vld [tilespmem:$0x30]  }
0x31a: {  	v8 =	vld [tilespmem:$0x40]  }
0x31b: {  	v9 =	vld [tilespmem:$0x50];
	v4 =	vshll.u32 v4, $0x3  }
0x31c: {  	v10 =	vld [tilespmem:$0x60];
	v5 =	vshll.u32 v5, $0x3;
	v4 =	vor.u32 v3, v4  }
0x31d: {  	v57 =	vld [tilespmem:$0x70];
	[tilespmem:$0x8000] =	vst v4;
	v4 =	vor.u32 v3, v5;
	v5 =	vshll.u32 v6, $0x3  }
0x31e: {  	[tilespmem:$0x8010] =	vst v4;
	v4 =	vor.u32 v3, v5;
	v5 =	vshll.u32 v7, $0x3  }
0x31f: {  	[tilespmem:$0x8020] =	vst v4;
	v4 =	vor.u32 v3, v5;
	v5 =	vshll.u32 v8, $0x3  }
0x320: {  	[tilespmem:$0x8030] =	vst v4;
	v4 =	vor.u32 v3, v5;
	v5 =	vshll.u32 v9, $0x3  }
0x321: {  	[tilespmem:$0x8040] =	vst v4;
	v4 =	vor.u32 v3, v5;
	v5 =	vshll.u32 v10, $0x3  }
0x322: {  	[tilespmem:$0x8050] =	vst v4;
	v4 =	vor.u32 v3, v5;
	v5 =	vshll.u32 v57, $0x3  }
0x323: {  	[tilespmem:$0x8060] =	vst v4;
	v4 =	vor.u32 v3, v5  }
0x324: {  	s30 =	simm.s32 $0x8000;
	[tilespmem:$0x8070] =	vst v4  }
0x325: {  	[tilespmem:s0], [sflag:$0x7] =	stream.indirect.gather [hbm4b:s7+s28], $0x40, s30, s28, $0xb8;
	[tilespmem:$0x1C900] =	vst v63  }
0x326: {  	s31 =	rddreg [dreg:$0x11]  }
0x327: {  	[tilespmem:s24], [sflag:$0x2] =	stream.linear.gather [hbm4b:s31+s8], $0x800, $0x38;
	[tilespmem:$0x1C900] =	vst v63  }
0x328: {  	v4 =	vld [tilespmem:$0x80]  }
0x329: {  	v5 =	vld [tilespmem:$0x90]  }
0x32a: {  	v58 =	vld [tilespmem:$0xA0]  }
0x32b: {  	v59 =	vld [tilespmem:$0xB0]  }
0x32c: {  	v60 =	vld [tilespmem:$0xC0]  }
0x32d: {  	v61 =	vld [tilespmem:$0xD0];
	v4 =	vshll.u32 v4, $0x3  }
0x32e: {  	v62 =	vld [tilespmem:$0xE0];
	v5 =	vshll.u32 v5, $0x3;
	v4 =	vor.u32 v3, v4  }
0x32f: {  	v63 =	vld [tilespmem:$0xF0];
	[tilespmem:$0x8080] =	vst v4;
	v4 =	vor.u32 v3, v5;
	v5 =	vshll.u32 v58, $0x3  }
0x330: {  	[tilespmem:$0x8090] =	vst v4;
	v4 =	vor.u32 v3, v5;
	v5 =	vshll.u32 v59, $0x3  }
0x331: {  	[tilespmem:$0x80A0] =	vst v4;
	v4 =	vor.u32 v3, v5;
	v5 =	vshll.u32 v60, $0x3  }
0x332: {  	[tilespmem:$0x80B0] =	vst v4;
	v4 =	vor.u32 v3, v5;
	v5 =	vshll.u32 v61, $0x3  }
0x333: {  	[tilespmem:$0x80C0] =	vst v4;
	v4 =	vor.u32 v3, v5;
	v5 =	vshll.u32 v62, $0x3  }
0x334: {  	[tilespmem:$0x80D0] =	vst v4;
	v4 =	vor.u32 v3, v5;
	v5 =	vshll.u32 v63, $0x3  }
0x335: {  	[tilespmem:$0x80E0] =	vst v4;
	v4 =	vor.u32 v3, v5  }
0x336: {  	[tilespmem:$0x80F0] =	vst v4  }
0x337: {  	[tilespmem:s9], [sflag:$0x8] =	stream.indirect.gather [hbm4b:s7+s28], $0x40, s29, s28, $0xb8;
	[tilespmem:$0x1C900] =	vst v63  }
.LBB2_35:
0x338: {  	_ =	swait.ge [sflag:s11], $0x800  }
0x339: {  	p1 =	seq.s32 s8, $0x0;
	[sflag:s11] =	ssyncset.done $0x0  }
0x33a: {  	s3 =	simm.s32 @!p1 $0x9;
	[sflag:s11] =	ssyncadd.s32 $0xFFFFF800  }
0x33b: {  	_ =	swait.ge @!p1 [sflag:s3], $0x2000  }
0x33c: {  	[sflag:s3] =	ssyncset.done @!p1 $0x0  }
0x33d: {  	[sflag:s3] =	ssyncadd.s32 @!p1 $0xFFFFE000  }
0x33e: {  	_ =	swait.ge [sflag:s12], $0x2000  }
0x33f: {  	[sflag:s12] =	ssyncset.done $0x0  }
0x340: {  	s3 =	simm.s32 $0x0;
	[sflag:s12] =	ssyncadd.s32 $0xFFFFE000  }
0x341: {  	s17 =	simm.s32 $0x7000;
	v4 =	vld [tilespmem:s3+$0x8100]  }
0x342: {  	s22 =	sshll.u32 s8, $0x8;
	s25 =	simm.s32 $0x100;
	v5 =	vld [tilespmem:s17+$0x0]  }
.LBB2_36:
0x343: {  	p2 =	sne.s32 s25, $0x7F00;
	v6 =	vld [tilespmem:s3+$0x8110]  }
0x344: {  	v7 =	vld [tilespmem:s3+$0x8120]  }
0x345: {  	v8 =	vld [tilespmem:s3+$0x8130];
	_ =	sdelay $0x1  }
0x346: {  	v5 =	vperm.xlane v5, v3;
	_ =	sdelay $0x1  }
0x347: {  	v4 =	vmul.f32 v4, v5;
	v6 =	vmul.f32 v6, v5  }
0x348: {  	v7 =	vmul.f32 v7, v5;
	v5 =	vmul.f32 v8, v5  }
.Ltmp22:
0x349: {  	[tilespmem:s3+$0xC100] =	vst v4;
	(pc) =	sbr.rel @p2 .LBB2_36-.Ltmp22, $4  }
0x34a: {  	[tilespmem:s3+$0xC110] =	vst v6  }
0x34b: {  	s18 =	sshra.s32 s25, $0x2;
	[tilespmem:s3+$0xC120] =	vst v7  }
0x34c: {  	s17 =	sadd.s32 $0x10, s17;
	v4 =	vld [tilespmem:s18+$0x8100];
	[tilespmem:s3+$0xC130] =	vst v5;
	s3 =	smov.u32 s18  }
0x34d: {  	s25 =	sadd.s32 $0x100, s25;
	v5 =	vld [tilespmem:s17+$0x0]  }
0x34e: {  	_ =	sdelay $0x1  }
0x34f: {  	v6 =	vld [tilespmem:s3+$0x8110]  }
0x350: {  	v7 =	vld [tilespmem:s3+$0x8120]  }
0x351: {  	v8 =	vld [tilespmem:s3+$0x8130];
	v5 =	vperm.xlane v5, v3;
	_ =	sdelay $0x1  }
0x352: {  	v4 =	vmul.f32 v4, v5  }
0x353: {  	p2 =	sne.s32 s8, $0x27;
	v6 =	vmul.f32 v6, v5  }
.Ltmp23:
0x354: {  	v7 =	vmul.f32 v7, v5;
	[tilespmem:s3+$0xC100] =	vst v4;
	(pc) =	sbr.rel @p2 .LBB2_39-.Ltmp23, $4  }
0x355: {  	v4 =	vmul.f32 v8, v5;
	[tilespmem:s3+$0xC110] =	vst v6  }
0x356: {  	s17 =	sand.u32 $0x3FFFFF00, s22;
	[tilespmem:s3+$0xC120] =	vst v7  }
0x357: {  	s31 =	sadd.s32 $0x2800, s17;
	[tilespmem:s3+$0xC130] =	vst v4  }
0x358: {  	[spmem:s1] =	stream.indirect.scatter.add.f32 [tilespmem:s13], [sflag:$0x9], $0x40, s31, s28, $0xb8;
	[tilespmem:$0x1C900] =	vst v63  }
.Ltmp24:
0x359: {  	(pc) =	sbr.rel .LBB2_40-.Ltmp24, $4  }
0x35a: {  	_ = 	snop  }
0x35b: {  	_ =	swait.ge [sflag:s14], $0x800  }
0x35c: {  	[sflag:s14] =	ssyncset.done $0x0  }
0x35d: {  	[sflag:s14] =	ssyncadd.s32 $0xFFFFF800  }
.LBB2_39:
0x35e: {  	s3 =	sadd.s32 $0x100, s22  }
0x35f: {  	s3 =	sadd.s32 s16, s3  }
0x360: {  	s3 =	sshll.u32 s3, $0x1  }
0x361: {  	s18 =	simm.s32 $0x7000;
	s3 =	sadd.s32 s10, s3  }
0x362: {  	[tilespmem:s18], [sflag:$0x1] =	stream.linear.gather [hbm4b:s3+s4], $0x800, $0x38;
	[tilespmem:$0x1C900] =	vst v63  }
0x363: {  	v4 =	vld [tilespmem:s22+$0x100];
	_ =	sdelay $0x4  }
0x364: {  	v4 =	vshll.u32 v4, $0x3  }
0x365: {  	v4 =	vor.u32 v3, v4  }
0x366: {  	[tilespmem:$0x8000] =	vst v4  }
0x367: {  	v4 =	vld [tilespmem:s22+$0x110];
	_ =	sdelay $0x4  }
0x368: {  	v4 =	vshll.u32 v4, $0x3  }
0x369: {  	v4 =	vor.u32 v3, v4  }
0x36a: {  	[tilespmem:$0x8010] =	vst v4  }
0x36b: {  	v4 =	vld [tilespmem:s22+$0x120];
	_ =	sdelay $0x4  }
0x36c: {  	v4 =	vshll.u32 v4, $0x3  }
0x36d: {  	v4 =	vor.u32 v3, v4  }
0x36e: {  	[tilespmem:$0x8020] =	vst v4  }
0x36f: {  	v4 =	vld [tilespmem:s22+$0x130];
	_ =	sdelay $0x4  }
0x370: {  	v4 =	vshll.u32 v4, $0x3  }
0x371: {  	v4 =	vor.u32 v3, v4  }
0x372: {  	[tilespmem:$0x8030] =	vst v4  }
0x373: {  	v4 =	vld [tilespmem:s22+$0x140];
	_ =	sdelay $0x4  }
0x374: {  	v4 =	vshll.u32 v4, $0x3  }
0x375: {  	v4 =	vor.u32 v3, v4  }
0x376: {  	[tilespmem:$0x8040] =	vst v4  }
0x377: {  	v4 =	vld [tilespmem:s22+$0x150];
	_ =	sdelay $0x4  }
0x378: {  	v4 =	vshll.u32 v4, $0x3  }
0x379: {  	v4 =	vor.u32 v3, v4  }
0x37a: {  	[tilespmem:$0x8050] =	vst v4  }
0x37b: {  	v4 =	vld [tilespmem:s22+$0x160];
	_ =	sdelay $0x4  }
0x37c: {  	v4 =	vshll.u32 v4, $0x3  }
0x37d: {  	v4 =	vor.u32 v3, v4  }
0x37e: {  	[tilespmem:$0x8060] =	vst v4  }
0x37f: {  	v4 =	vld [tilespmem:s22+$0x170];
	_ =	sdelay $0x4  }
0x380: {  	v4 =	vshll.u32 v4, $0x3  }
0x381: {  	v4 =	vor.u32 v3, v4  }
.Ltmp25:
0x382: {  	s31 =	simm.s32 $0x8000;
	[tilespmem:$0x8070] =	vst v4;
	(pc) =	sbr.rel @p1 .LBB2_41-.Ltmp25, $4  }
0x383: {  	[tilespmem:s0], [sflag:$0x7] =	stream.indirect.gather [hbm4b:s7+s28], $0x40, s31, s28, $0xb8;
	[tilespmem:$0x1C900] =	vst v63  }
0x384: {  	_ =	swait.ge [sflag:s14], $0x800  }
0x385: {  	[sflag:s14] =	ssyncset.done $0x0  }
0x386: {  	[sflag:s14] =	ssyncadd.s32 $0xFFFFF800  }
.LBB2_40:
0x387: {  	_ =	swait.ge [sflag:s23], $0x2000  }
0x388: {  	[sflag:s23] =	ssyncset.done $0x0  }
0x389: {  	[sflag:s23] =	ssyncadd.s32 $0xFFFFE000  }
.LBB2_41:
0x38a: {  	_ =	swait.ge [sflag:s20], $0x2000  }
0x38b: {  	[sflag:s20] =	ssyncset.done $0x0  }
0x38c: {  	s3 =	simm.s32 $0x0;
	[sflag:s20] =	ssyncadd.s32 $0xFFFFE000  }
0x38d: {  	s25 =	simm.s32 $0x7800;
	v4 =	vld [tilespmem:s3+$0xA100]  }
0x38e: {  	s30 =	simm.s32 $0x100;
	v5 =	vld [tilespmem:s25+$0x0]  }
.LBB2_42:
0x38f: {  	p1 =	sne.s32 s30, $0x7F00;
	v6 =	vld [tilespmem:s3+$0xA110]  }
0x390: {  	v7 =	vld [tilespmem:s3+$0xA120]  }
0x391: {  	v8 =	vld [tilespmem:s3+$0xA130];
	_ =	sdelay $0x1  }
0x392: {  	v5 =	vperm.xlane v5, v3;
	_ =	sdelay $0x1  }
0x393: {  	v4 =	vmul.f32 v4, v5;
	v6 =	vmul.f32 v6, v5  }
0x394: {  	v7 =	vmul.f32 v7, v5;
	v5 =	vmul.f32 v8, v5  }
.Ltmp26:
0x395: {  	[tilespmem:s3+$0xE100] =	vst v4;
	(pc) =	sbr.rel @p1 .LBB2_42-.Ltmp26, $4  }
0x396: {  	[tilespmem:s3+$0xE110] =	vst v6  }
0x397: {  	s18 =	sshra.s32 s30, $0x2;
	[tilespmem:s3+$0xE120] =	vst v7  }
0x398: {  	s25 =	sadd.s32 $0x10, s25;
	v4 =	vld [tilespmem:s18+$0xA100];
	[tilespmem:s3+$0xE130] =	vst v5;
	s3 =	smov.u32 s18  }
0x399: {  	s30 =	sadd.s32 $0x100, s30;
	v5 =	vld [tilespmem:s25+$0x0]  }
0x39a: {  	_ =	sdelay $0x1  }
0x39b: {  	v6 =	vld [tilespmem:s3+$0xA110]  }
0x39c: {  	v7 =	vld [tilespmem:s3+$0xA120]  }
0x39d: {  	v8 =	vld [tilespmem:s3+$0xA130];
	v5 =	vperm.xlane v5, v3;
	_ =	sdelay $0x1  }
0x39e: {  	v4 =	vmul.f32 v4, v5  }
0x39f: {  	p1 =	seq.s32 s8, $0x27;
	v6 =	vmul.f32 v6, v5  }
.Ltmp27:
0x3a0: {  	v7 =	vmul.f32 v7, v5;
	[tilespmem:s3+$0xE100] =	vst v4;
	(pc) =	sbr.rel @p1 .LBB2_45-.Ltmp27, $4  }
0x3a1: {  	v4 =	vmul.f32 v8, v5;
	[tilespmem:s3+$0xE110] =	vst v6  }
0x3a2: {  	[tilespmem:s3+$0xE120] =	vst v7  }
0x3a3: {  	s31 =	sadd.s32 $0x2880, s17;
	[tilespmem:s3+$0xE130] =	vst v4  }
0x3a4: {  	[spmem:s1] =	stream.indirect.scatter.add.f32 [tilespmem:s21], [sflag:$0xA], $0x40, s31, s28, $0xb8;
	[tilespmem:$0x1C900] =	vst v63  }
0x3a5: {  	s3 =	sadd.s32 $0x180, s22  }
0x3a6: {  	s3 =	sadd.s32 s16, s3  }
0x3a7: {  	s3 =	sshll.u32 s3, $0x1  }
0x3a8: {  	s3 =	sadd.s32 s10, s3  }
0x3a9: {  	[tilespmem:s24], [sflag:$0x2] =	stream.linear.gather [hbm4b:s3+s4], $0x800, $0x38;
	[tilespmem:$0x1C900] =	vst v63  }
0x3aa: {  	v4 =	vld [tilespmem:s22+$0x180];
	_ =	sdelay $0x4  }
0x3ab: {  	v4 =	vshll.u32 v4, $0x3  }
0x3ac: {  	v4 =	vor.u32 v3, v4  }
0x3ad: {  	[tilespmem:$0x8080] =	vst v4  }
0x3ae: {  	v4 =	vld [tilespmem:s22+$0x190];
	_ =	sdelay $0x4  }
0x3af: {  	v4 =	vshll.u32 v4, $0x3  }
0x3b0: {  	v4 =	vor.u32 v3, v4  }
0x3b1: {  	[tilespmem:$0x8090] =	vst v4  }
0x3b2: {  	v4 =	vld [tilespmem:s22+$0x1A0];
	_ =	sdelay $0x4  }
0x3b3: {  	v4 =	vshll.u32 v4, $0x3  }
0x3b4: {  	v4 =	vor.u32 v3, v4  }
0x3b5: {  	[tilespmem:$0x80A0] =	vst v4  }
0x3b6: {  	v4 =	vld [tilespmem:s22+$0x1B0];
	_ =	sdelay $0x4  }
0x3b7: {  	v4 =	vshll.u32 v4, $0x3  }
0x3b8: {  	v4 =	vor.u32 v3, v4  }
0x3b9: {  	[tilespmem:$0x80B0] =	vst v4  }
0x3ba: {  	v4 =	vld [tilespmem:s22+$0x1C0];
	_ =	sdelay $0x4  }
0x3bb: {  	v4 =	vshll.u32 v4, $0x3  }
0x3bc: {  	v4 =	vor.u32 v3, v4  }
0x3bd: {  	[tilespmem:$0x80C0] =	vst v4  }
0x3be: {  	v4 =	vld [tilespmem:s22+$0x1D0];
	_ =	sdelay $0x4  }
0x3bf: {  	v4 =	vshll.u32 v4, $0x3  }
0x3c0: {  	v4 =	vor.u32 v3, v4  }
0x3c1: {  	[tilespmem:$0x80D0] =	vst v4  }
0x3c2: {  	v4 =	vld [tilespmem:s22+$0x1E0];
	_ =	sdelay $0x4  }
0x3c3: {  	v4 =	vshll.u32 v4, $0x3  }
0x3c4: {  	v4 =	vor.u32 v3, v4  }
0x3c5: {  	[tilespmem:$0x80E0] =	vst v4  }
0x3c6: {  	v4 =	vld [tilespmem:s22+$0x1F0];
	_ =	sdelay $0x3  }
.Ltmp28:
0x3c7: {  	_ = 	snop;
	(pc) =	sbr.rel .LBB2_35-.Ltmp28, $4  }
0x3c8: {  	v4 =	vshll.u32 v4, $0x3  }
0x3c9: {  	v4 =	vor.u32 v3, v4  }
0x3ca: {  	s8 =	sadd.s32 $0x1, s8;
	[tilespmem:$0x80F0] =	vst v4  }
0x3cb: {  	[tilespmem:s9], [sflag:$0x8] =	stream.indirect.gather [hbm4b:s7+s28], $0x40, s29, s28, $0xb8;
	[tilespmem:$0x1C900] =	vst v63  }
.LBB2_46:
0x3cc: {  	_ =	sfence.sel $0x180000  }
0x3cd: {  	[bflag:$0x0] =	sbarrier.arrive $0xFFFF  }
0x3ce: {  	_ =	strace $0x90000047  }
0x3cf: {  	s0 =	stileid.u32;
	[bflag:$0x2] =	sbarrier.arrive $0xFFFF  }
0x3d0: {  	p0 =	sne.s32 s0, $0x0;
	s0 =	rddreg [dreg:$0x3]  }
0x3d1: {  	s0 =	sadd.s32 @!p0 $0x100000, s0  }
0x3d2: {  	[sflag:s0] =	ssyncadd.tile.s32 @!p0 $0x1;
	_ =	shalt  }
.Lfunc_end2:
_tile_overlayer_lowered:
.L_overlay_start_2:
0x3d3: {  	(tag) =	ssettag $0x2  }
0x3d4: {  	s0 =	rddreg [dreg:$0x0];
	s2 =	stileid.u32  }
0x3d5: {  	s1 =	rddreg [dreg:$0x1];
	p0 =	sne.s32 s2, $0x0  }
0x3d6: {  	s3 =	rddreg [dreg:$0x2];
	[bflag:$0x3] =	sbarrier.arrive $0xFFFF;
	s2 =	simm.s32 @!p0 $0x1C0D  }
0x3d7: {  	[timem:s3], [sflag:s2] =	dma.local @!p0 [hbm:s0], s1  }
0x3d8: {  	s0 =	simm.s32 @!p0 $0xD  }
0x3d9: {  	_ =	swait.ge @!p0 [sflag:s0], s1  }
0x3da: {  	s1 =	ssub.s32 @!p0 $0x0, s1;
	[sflag:s0] =	ssyncset.done @!p0 $0x0  }
0x3db: {  	[sflag:s0] =	ssyncadd.s32 @!p0 s1  }
0x3dc: {  	[bflag:$0x3] =	sbarrier.arrive $0xFFFF  }
0x3dd: {  	_ =	shalt  }

</sc_bundles>
